<compile_context>
chip_gen: v7x
topology: tpu7x:2x2x1
jax: 0.10.2.dev20260603
libtpu: 0.0.44.dev20260713+nightly
codegen_flags: <defaults>
</compile_context>

<pallas_src>
import functools

import jax
import jax.numpy as jnp
from jax import lax
from jax.experimental import pallas as pl
from jax.experimental.pallas import tpu as pltpu
from jax.experimental.pallas import tpu_sc as plsc

NBINS_X = 1000
MAX_Y_TOKENS = 201
EMBED_DIM = 64
MAX_LEN = 200
B = 4096
T = 200
N = B * T

LANES = 16
BBLK = 128
NBH = B // BBLK
NTT = T // 8
OUT_ROWS = T * (EMBED_DIM // 8) * NBH


def _make_kernel():
    info = plsc.get_sparse_core_info()
    nc, ns = info.num_cores, info.num_subcores
    nw = nc * ns
    assert nw == NBH

    mesh = plsc.VectorSubcoreMesh(core_axis_name="c", subcore_axis_name="s")

    f32 = jnp.float32
    i32 = jnp.int32

    @functools.partial(
        pl.kernel,
        mesh=mesh,
        out_type=jax.ShapeDtypeStruct((OUT_ROWS, 1024), f32),
        compiler_params=pltpu.CompilerParams(use_tc_tiling_on_sc=False,
                                             needs_layout_passes=False),
        scratch_types=[
            pltpu.VMEM((NBINS_X * EMBED_DIM,), f32),
            pltpu.VMEM((MAX_Y_TOKENS * EMBED_DIM,), f32),
            pltpu.VMEM((MAX_LEN * EMBED_DIM,), f32),
            pltpu.VMEM((BBLK,), i32), pltpu.VMEM((BBLK,), i32),
            pltpu.VMEM((BBLK,), i32), pltpu.VMEM((BBLK,), i32),
            pltpu.VMEM((8 * 1024,), f32), pltpu.VMEM((8 * 1024,), f32),
            pltpu.SemaphoreType.DMA, pltpu.SemaphoreType.DMA,
            pltpu.SemaphoreType.DMA, pltpu.SemaphoreType.DMA,
        ],
    )
    def k(x_tok, y_tok, x_table, y_table, pos_table, out,
          xv, yv, pv, xt_a, xt_b, yt_a, yt_b, acc_a, acc_b,
          st_a, st_b, so_a, so_b):
        w = lax.axis_index("s") * nc + lax.axis_index("c")

        xt = (xt_a, xt_b)
        yt = (yt_a, yt_b)
        acc = (acc_a, acc_b)
        st = (st_a, st_b)
        so = (so_a, so_b)

        pltpu.sync_copy(x_table, xv)
        pltpu.sync_copy(y_table, yv)
        pltpu.sync_copy(pos_table, pv)

        def tok_off(t):
            return ((t // 8) * NBH + w) * 1024 + (t % 8) * BBLK

        def start_tok(t, p):
            off = tok_off(t)
            pltpu.async_copy(x_tok.at[pl.ds(off, BBLK)], xt[p], st[p])
            pltpu.async_copy(y_tok.at[pl.ds(off, BBLK)], yt[p], st[p])

        def wait_tok(p):
            pltpu.make_async_copy(x_tok.at[pl.ds(0, BBLK)], xt[p], st[p]).wait()
            pltpu.make_async_copy(y_tok.at[pl.ds(0, BBLK)], yt[p], st[p]).wait()

        def start_out(t, p):
            for dh in range(8):
                row = (t * 8 + dh) * NBH + w
                pltpu.async_copy(acc[p].at[pl.ds(dh * 1024, 1024)],
                                 out.at[row], so[p])

        def wait_out(p):
            for _ in range(8):
                pltpu.make_async_copy(acc[p].at[pl.ds(0, 1024)],
                                      out.at[0], so[p]).wait()

        def body(t, p, first):
            if not first:
                wait_tok(p)
            xtoks = [xt[p][pl.ds(l * LANES, LANES)] for l in range(8)]
            ytoks = [yt[p][pl.ds(l * LANES, LANES)] for l in range(8)]
            start_tok(jnp.minimum(t + 2, T - 1), p)
            if not first:
                wait_out(p)
            ap = acc[p]
            prow = [pv[pl.ds(t * EMBED_DIM + j * LANES, LANES)]
                    for j in range(4)]

            for dh in range(4):
                def dstep(dl, c, dh=dh):
                    d = dh * LANES + dl
                    dbx = jnp.full((LANES,), d * NBINS_X, i32)
                    dby = jnp.full((LANES,), d * MAX_Y_TOKENS, i32)
                    dspl = jnp.full((LANES,), dl, i32)
                    ps = prow[dh].at[dspl].get(mode="promise_in_bounds")
                    gx = [plsc.load_gather(xv, [xtoks[l] + dbx])
                          for l in range(8)]
                    gy = [plsc.load_gather(yv, [ytoks[l] + dby])
                          for l in range(8)]
                    ss = [(gx[l] + gy[l]) + ps for l in range(8)]
                    for l in range(8):
                        ap[pl.ds(d * BBLK + l * LANES, LANES)] = ss[l]
                    return c

                lax.fori_loop(0, LANES, dstep, 0)
            start_out(t, p)

        pltpu.sync_copy(x_tok.at[pl.ds(tok_off(0), BBLK)], xt_a)
        pltpu.sync_copy(y_tok.at[pl.ds(tok_off(0), BBLK)], yt_a)
        pltpu.sync_copy(x_tok.at[pl.ds(tok_off(1), BBLK)], xt_b)
        pltpu.sync_copy(y_tok.at[pl.ds(tok_off(1), BBLK)], yt_b)
        body(jnp.int32(0), 0, True)
        body(jnp.int32(1), 1, True)

        def pair(tp, carry):
            body(2 * tp, 0, False)
            body(2 * tp + 1, 1, False)
            return carry

        lax.fori_loop(1, T // 2, pair, 0)

        wait_out(0)
        wait_out(1)
        wait_tok(0)
        wait_tok(1)

    return k


_sc_kernel = _make_kernel()


def kernel(x_tokens, y_tokens, x_table, y_table, pos_table):
    def phys(tok):
        return (tok.astype(jnp.int32)
                .reshape(NBH, BBLK, NTT, 8)
                .transpose(2, 0, 3, 1)
                .reshape(N))

    raw = _sc_kernel(phys(x_tokens), phys(y_tokens),
                     x_table.T.reshape(-1), y_table.T.reshape(-1),
                     pos_table.reshape(-1))
    return (raw.reshape(T, 8, NBH, 8, BBLK)
            .transpose(2, 4, 0, 1, 3)
            .reshape(B, T, EMBED_DIM))

# --- scband reference (transcript-rebuilt; emitter-appended) ---
"""Pipeline reference for scband-keypoint-embedding-34935263985933 (READ-ONLY COPY).

The authoritative reference and input builder live on the scoring server;
editing this copy changes nothing except your own understanding.
"""

import jax, jax.numpy as jnp
import numpy as np

NBINS_X = 1000
MAX_Y_TOKENS = 201
EMBED_DIM = 64
MAX_LEN = 200
B = 4096
T = 200

def setup_inputs(seed: int = 0) -> dict:
    key = jax.random.key(seed)
    k1, k2, k3, k4, k5 = jax.random.split(key, 5)
    x_tokens = jax.random.randint(k1, (B, T), 0, NBINS_X, dtype=jnp.int64 if jax.config.jax_enable_x64 else jnp.int32)
    y_tokens = jax.random.randint(k2, (B, T), 0, MAX_Y_TOKENS, dtype=jnp.int64 if jax.config.jax_enable_x64 else jnp.int32)
    x_table = jax.random.normal(k3, (NBINS_X, EMBED_DIM), dtype=jnp.float32)
    y_table = jax.random.normal(k4, (MAX_Y_TOKENS, EMBED_DIM), dtype=jnp.float32)
    pos_table = jax.random.normal(k5, (MAX_LEN, EMBED_DIM), dtype=jnp.float32)
    return {"x_tokens": x_tokens, "y_tokens": y_tokens, "x_table": x_table, "y_table": y_table, "pos_table": pos_table}

def reference(x_tokens, y_tokens, x_table, y_table, pos_table):
    batch_size, seq_len = x_tokens.shape
    pos_ids = jnp.broadcast_to(jnp.arange(seq_len)[None, :], (batch_size, seq_len))
    x_emb = jnp.take(x_table, x_tokens, axis=0)
    y_emb = jnp.take(y_table, y_tokens, axis=0)
    pos_emb = jnp.take(pos_table, pos_ids, axis=0)
    return x_emb + y_emb + pos_emb

if __name__ == "__main__":
    import jax
    _d = setup_inputs()
    print(jax.jit(kernel)(*tuple(_d.values())))

</pallas_src>

<mosaic_0001>
#map = affine_map<(d0, d1) -> (0)>
#map1 = affine_map<(d0, d1) -> (0, 0)>
module attributes {stable_mosaic.version = 14 : i64} {
  func.func @k(%arg0: i32, %arg1: i32, %arg2: memref<819200xi32, #tpu.memory_space<hbm>>, %arg3: memref<819200xi32, #tpu.memory_space<hbm>>, %arg4: memref<64000xf32, #tpu.memory_space<hbm>>, %arg5: memref<12864xf32, #tpu.memory_space<hbm>>, %arg6: memref<12800xf32, #tpu.memory_space<hbm>>, %arg7: memref<51200x1024xf32, #tpu.memory_space<hbm>>, %arg8: memref<64000xf32, #tpu.memory_space<vmem>>, %arg9: memref<12864xf32, #tpu.memory_space<vmem>>, %arg10: memref<12800xf32, #tpu.memory_space<vmem>>, %arg11: memref<128xi32, #tpu.memory_space<vmem>>, %arg12: memref<128xi32, #tpu.memory_space<vmem>>, %arg13: memref<128xi32, #tpu.memory_space<vmem>>, %arg14: memref<128xi32, #tpu.memory_space<vmem>>, %arg15: memref<8192xf32, #tpu.memory_space<vmem>>, %arg16: memref<8192xf32, #tpu.memory_space<vmem>>, %arg17: memref<!tpu.dma_semaphore, #tpu.memory_space<semaphore_mem>>, %arg18: memref<!tpu.dma_semaphore, #tpu.memory_space<semaphore_mem>>, %arg19: memref<!tpu.dma_semaphore, #tpu.memory_space<semaphore_mem>>, %arg20: memref<!tpu.dma_semaphore, #tpu.memory_space<semaphore_mem>>) attributes {dimension_semantics = [#tpu.dimension_semantics<core_parallel>, #tpu.dimension_semantics<subcore_parallel>], iteration_bounds = array<i64: 2, 16>, scalar_prefetch = 0 : i64, scratch_operands = 13 : i64, tpu.core_type = #tpu.core_type<sc_vector_subcore>, window_params = [{transform_indices = #map}, {transform_indices = #map}, {transform_indices = #map}, {transform_indices = #map}, {transform_indices = #map}, {transform_indices = #map1}]} {
    %mul3A = arith.constant 2 : i32
    %mul3A_0 = arith.muli %arg1, %mul3A : i32
    %add3A = arith.addi %mul3A_0, %arg0 : i32
    "tpu.region"() ({
      %run_scoped3A = tpu.sem_alloc : memref<!tpu.dma_semaphore, #tpu.memory_space<semaphore_mem>>
      tpu.enqueue_dma source(%arg4 : memref<64000xf32, #tpu.memory_space<hbm>>) target(%arg8 : memref<64000xf32, #tpu.memory_space<vmem>>) target_semaphore(%run_scoped3A : memref<!tpu.dma_semaphore, #tpu.memory_space<semaphore_mem>>)
      tpu.wait_dma2 semaphore(%run_scoped3A : memref<!tpu.dma_semaphore, #tpu.memory_space<semaphore_mem>>) src(%arg4 : memref<64000xf32, #tpu.memory_space<hbm>>) dst(%arg8 : memref<64000xf32, #tpu.memory_space<vmem>>)
      tpu.yield
    }) : () -> ()
    "tpu.region"() ({
      %run_scoped3A = tpu.sem_alloc : memref<!tpu.dma_semaphore, #tpu.memory_space<semaphore_mem>>
      tpu.enqueue_dma source(%arg5 : memref<12864xf32, #tpu.memory_space<hbm>>) target(%arg9 : memref<12864xf32, #tpu.memory_space<vmem>>) target_semaphore(%run_scoped3A : memref<!tpu.dma_semaphore, #tpu.memory_space<semaphore_mem>>)
      tpu.wait_dma2 semaphore(%run_scoped3A : memref<!tpu.dma_semaphore, #tpu.memory_space<semaphore_mem>>) src(%arg5 : memref<12864xf32, #tpu.memory_space<hbm>>) dst(%arg9 : memref<12864xf32, #tpu.memory_space<vmem>>)
      tpu.yield
    }) : () -> ()
    "tpu.region"() ({
      %run_scoped3A = tpu.sem_alloc : memref<!tpu.dma_semaphore, #tpu.memory_space<semaphore_mem>>
      tpu.enqueue_dma source(%arg6 : memref<12800xf32, #tpu.memory_space<hbm>>) target(%arg10 : memref<12800xf32, #tpu.memory_space<vmem>>) target_semaphore(%run_scoped3A : memref<!tpu.dma_semaphore, #tpu.memory_space<semaphore_mem>>)
      tpu.wait_dma2 semaphore(%run_scoped3A : memref<!tpu.dma_semaphore, #tpu.memory_space<semaphore_mem>>) src(%arg6 : memref<12800xf32, #tpu.memory_space<hbm>>) dst(%arg10 : memref<12800xf32, #tpu.memory_space<vmem>>)
      tpu.yield
    }) : () -> ()
    %add3A_1 = arith.constant 0 : i32
    %add3A_2 = arith.addi %add3A_1, %add3A : i32
    %mul3A_3 = arith.constant 1024 : i32
    %mul3A_4 = arith.muli %add3A_2, %mul3A_3 : i32
    %add3A_5 = arith.constant 0 : i32
    %add3A_6 = arith.addi %mul3A_4, %add3A_5 : i32
    "tpu.region"() ({
      %run_scoped3A = tpu.sem_alloc : memref<!tpu.dma_semaphore, #tpu.memory_space<semaphore_mem>>
      %dma_start3A_778 = tpu.memref_slice %arg2[%add3A_6] : memref<819200xi32, #tpu.memory_space<hbm>> -> memref<128xi32, #tpu.memory_space<hbm>>
      %dma_start3A_779 = tpu.memref_slice %arg2[%add3A_6] : memref<819200xi32, #tpu.memory_space<hbm>> -> memref<128xi32, #tpu.memory_space<hbm>>
      tpu.enqueue_dma source(%dma_start3A_779 : memref<128xi32, #tpu.memory_space<hbm>>) target(%arg11 : memref<128xi32, #tpu.memory_space<vmem>>) target_semaphore(%run_scoped3A : memref<!tpu.dma_semaphore, #tpu.memory_space<semaphore_mem>>)
      %dma_wait3A_780 = tpu.memref_slice %arg2[%add3A_6] : memref<819200xi32, #tpu.memory_space<hbm>> -> memref<128xi32, #tpu.memory_space<hbm>>
      %dma_wait3A_781 = tpu.memref_slice %arg2[%add3A_6] : memref<819200xi32, #tpu.memory_space<hbm>> -> memref<128xi32, #tpu.memory_space<hbm>>
      tpu.wait_dma2 semaphore(%run_scoped3A : memref<!tpu.dma_semaphore, #tpu.memory_space<semaphore_mem>>) src(%dma_wait3A_781 : memref<128xi32, #tpu.memory_space<hbm>>) dst(%arg11 : memref<128xi32, #tpu.memory_space<vmem>>)
      tpu.yield
    }) : () -> ()
    %add3A_7 = arith.constant 0 : i32
    %add3A_8 = arith.addi %add3A_7, %add3A : i32
    %mul3A_9 = arith.constant 1024 : i32
    %mul3A_10 = arith.muli %add3A_8, %mul3A_9 : i32
    %add3A_11 = arith.constant 0 : i32
    %add3A_12 = arith.addi %mul3A_10, %add3A_11 : i32
    "tpu.region"() ({
      %run_scoped3A = tpu.sem_alloc : memref<!tpu.dma_semaphore, #tpu.memory_space<semaphore_mem>>
      %dma_start3A_778 = tpu.memref_slice %arg3[%add3A_12] : memref<819200xi32, #tpu.memory_space<hbm>> -> memref<128xi32, #tpu.memory_space<hbm>>
      %dma_start3A_779 = tpu.memref_slice %arg3[%add3A_12] : memref<819200xi32, #tpu.memory_space<hbm>> -> memref<128xi32, #tpu.memory_space<hbm>>
      tpu.enqueue_dma source(%dma_start3A_779 : memref<128xi32, #tpu.memory_space<hbm>>) target(%arg13 : memref<128xi32, #tpu.memory_space<vmem>>) target_semaphore(%run_scoped3A : memref<!tpu.dma_semaphore, #tpu.memory_space<semaphore_mem>>)
      %dma_wait3A_780 = tpu.memref_slice %arg3[%add3A_12] : memref<819200xi32, #tpu.memory_space<hbm>> -> memref<128xi32, #tpu.memory_space<hbm>>
      %dma_wait3A_781 = tpu.memref_slice %arg3[%add3A_12] : memref<819200xi32, #tpu.memory_space<hbm>> -> memref<128xi32, #tpu.memory_space<hbm>>
      tpu.wait_dma2 semaphore(%run_scoped3A : memref<!tpu.dma_semaphore, #tpu.memory_space<semaphore_mem>>) src(%dma_wait3A_781 : memref<128xi32, #tpu.memory_space<hbm>>) dst(%arg13 : memref<128xi32, #tpu.memory_space<vmem>>)
      tpu.yield
    }) : () -> ()
    %add3A_13 = arith.constant 0 : i32
    %add3A_14 = arith.addi %add3A_13, %add3A : i32
    %mul3A_15 = arith.constant 1024 : i32
    %mul3A_16 = arith.muli %add3A_14, %mul3A_15 : i32
    %add3A_17 = arith.constant 128 : i32
    %add3A_18 = arith.addi %mul3A_16, %add3A_17 : i32
    "tpu.region"() ({
      %run_scoped3A = tpu.sem_alloc : memref<!tpu.dma_semaphore, #tpu.memory_space<semaphore_mem>>
      %dma_start3A_778 = tpu.memref_slice %arg2[%add3A_18] : memref<819200xi32, #tpu.memory_space<hbm>> -> memref<128xi32, #tpu.memory_space<hbm>>
      %dma_start3A_779 = tpu.memref_slice %arg2[%add3A_18] : memref<819200xi32, #tpu.memory_space<hbm>> -> memref<128xi32, #tpu.memory_space<hbm>>
      tpu.enqueue_dma source(%dma_start3A_779 : memref<128xi32, #tpu.memory_space<hbm>>) target(%arg12 : memref<128xi32, #tpu.memory_space<vmem>>) target_semaphore(%run_scoped3A : memref<!tpu.dma_semaphore, #tpu.memory_space<semaphore_mem>>)
      %dma_wait3A_780 = tpu.memref_slice %arg2[%add3A_18] : memref<819200xi32, #tpu.memory_space<hbm>> -> memref<128xi32, #tpu.memory_space<hbm>>
      %dma_wait3A_781 = tpu.memref_slice %arg2[%add3A_18] : memref<819200xi32, #tpu.memory_space<hbm>> -> memref<128xi32, #tpu.memory_space<hbm>>
      tpu.wait_dma2 semaphore(%run_scoped3A : memref<!tpu.dma_semaphore, #tpu.memory_space<semaphore_mem>>) src(%dma_wait3A_781 : memref<128xi32, #tpu.memory_space<hbm>>) dst(%arg12 : memref<128xi32, #tpu.memory_space<vmem>>)
      tpu.yield
    }) : () -> ()
    %add3A_19 = arith.constant 0 : i32
    %add3A_20 = arith.addi %add3A_19, %add3A : i32
    %mul3A_21 = arith.constant 1024 : i32
    %mul3A_22 = arith.muli %add3A_20, %mul3A_21 : i32
    %add3A_23 = arith.constant 128 : i32
    %add3A_24 = arith.addi %mul3A_22, %add3A_23 : i32
    "tpu.region"() ({
      %run_scoped3A = tpu.sem_alloc : memref<!tpu.dma_semaphore, #tpu.memory_space<semaphore_mem>>
      %dma_start3A_778 = tpu.memref_slice %arg3[%add3A_24] : memref<819200xi32, #tpu.memory_space<hbm>> -> memref<128xi32, #tpu.memory_space<hbm>>
      %dma_start3A_779 = tpu.memref_slice %arg3[%add3A_24] : memref<819200xi32, #tpu.memory_space<hbm>> -> memref<128xi32, #tpu.memory_space<hbm>>
      tpu.enqueue_dma source(%dma_start3A_779 : memref<128xi32, #tpu.memory_space<hbm>>) target(%arg14 : memref<128xi32, #tpu.memory_space<vmem>>) target_semaphore(%run_scoped3A : memref<!tpu.dma_semaphore, #tpu.memory_space<semaphore_mem>>)
      %dma_wait3A_780 = tpu.memref_slice %arg3[%add3A_24] : memref<819200xi32, #tpu.memory_space<hbm>> -> memref<128xi32, #tpu.memory_space<hbm>>
      %dma_wait3A_781 = tpu.memref_slice %arg3[%add3A_24] : memref<819200xi32, #tpu.memory_space<hbm>> -> memref<128xi32, #tpu.memory_space<hbm>>
      tpu.wait_dma2 semaphore(%run_scoped3A : memref<!tpu.dma_semaphore, #tpu.memory_space<semaphore_mem>>) src(%dma_wait3A_781 : memref<128xi32, #tpu.memory_space<hbm>>) dst(%arg14 : memref<128xi32, #tpu.memory_space<vmem>>)
      tpu.yield
    }) : () -> ()
    %get3A = arith.constant 0 : index
    %get3A_25 = tpu.vector_load %arg11[%get3A] {strides = array<i32>} : memref<128xi32, #tpu.memory_space<vmem>>, vector<16xi32>,
    %get3A_26 = arith.constant 16 : index
    %get3A_27 = tpu.vector_load %arg11[%get3A_26] {strides = array<i32>} : memref<128xi32, #tpu.memory_space<vmem>>, vector<16xi32>,
    %get3A_28 = arith.constant 32 : index
    %get3A_29 = tpu.vector_load %arg11[%get3A_28] {strides = array<i32>} : memref<128xi32, #tpu.memory_space<vmem>>, vector<16xi32>,
    %get3A_30 = arith.constant 48 : index
    %get3A_31 = tpu.vector_load %arg11[%get3A_30] {strides = array<i32>} : memref<128xi32, #tpu.memory_space<vmem>>, vector<16xi32>,
    %get3A_32 = arith.constant 64 : index
    %get3A_33 = tpu.vector_load %arg11[%get3A_32] {strides = array<i32>} : memref<128xi32, #tpu.memory_space<vmem>>, vector<16xi32>,
    %get3A_34 = arith.constant 80 : index
    %get3A_35 = tpu.vector_load %arg11[%get3A_34] {strides = array<i32>} : memref<128xi32, #tpu.memory_space<vmem>>, vector<16xi32>,
    %get3A_36 = arith.constant 96 : index
    %get3A_37 = tpu.vector_load %arg11[%get3A_36] {strides = array<i32>} : memref<128xi32, #tpu.memory_space<vmem>>, vector<16xi32>,
    %get3A_38 = arith.constant 112 : index
    %get3A_39 = tpu.vector_load %arg11[%get3A_38] {strides = array<i32>} : memref<128xi32, #tpu.memory_space<vmem>>, vector<16xi32>,
    %get3A_40 = arith.constant 0 : index
    %get3A_41 = tpu.vector_load %arg13[%get3A_40] {strides = array<i32>} : memref<128xi32, #tpu.memory_space<vmem>>, vector<16xi32>,
    %get3A_42 = arith.constant 16 : index
    %get3A_43 = tpu.vector_load %arg13[%get3A_42] {strides = array<i32>} : memref<128xi32, #tpu.memory_space<vmem>>, vector<16xi32>,
    %get3A_44 = arith.constant 32 : index
    %get3A_45 = tpu.vector_load %arg13[%get3A_44] {strides = array<i32>} : memref<128xi32, #tpu.memory_space<vmem>>, vector<16xi32>,
    %get3A_46 = arith.constant 48 : index
    %get3A_47 = tpu.vector_load %arg13[%get3A_46] {strides = array<i32>} : memref<128xi32, #tpu.memory_space<vmem>>, vector<16xi32>,
    %get3A_48 = arith.constant 64 : index
    %get3A_49 = tpu.vector_load %arg13[%get3A_48] {strides = array<i32>} : memref<128xi32, #tpu.memory_space<vmem>>, vector<16xi32>,
    %get3A_50 = arith.constant 80 : index
    %get3A_51 = tpu.vector_load %arg13[%get3A_50] {strides = array<i32>} : memref<128xi32, #tpu.memory_space<vmem>>, vector<16xi32>,
    %get3A_52 = arith.constant 96 : index
    %get3A_53 = tpu.vector_load %arg13[%get3A_52] {strides = array<i32>} : memref<128xi32, #tpu.memory_space<vmem>>, vector<16xi32>,
    %get3A_54 = arith.constant 112 : index
    %get3A_55 = tpu.vector_load %arg13[%get3A_54] {strides = array<i32>} : memref<128xi32, #tpu.memory_space<vmem>>, vector<16xi32>,
    %add3A_56 = arith.constant 0 : i32
    %add3A_57 = arith.constant 2 : i32
    %add3A_58 = arith.addi %add3A_56, %add3A_57 : i32
    %min3A = arith.constant 199 : i32
    %min3A_59 = arith.minsi %add3A_58, %min3A : i32
    %jit3A = arith.constant 8 : i32
    %div3A = arith.divsi %min3A_59, %jit3A : i32
    %sign3A = arith.constant 0 : i32
    %sign3A_60 = arith.cmpi sgt, %min3A_59, %sign3A : i32
    %sign3A_61 = arith.extui %sign3A_60 : i1 to i32
    %sign3A_62 = arith.constant 0 : i32
    %sign3A_63 = arith.cmpi slt, %min3A_59, %sign3A_62 : i32
    %sign3A_64 = arith.extui %sign3A_63 : i1 to i32
    %sign3A_65 = arith.subi %sign3A_61, %sign3A_64 : i32
    %sign3A_66 = arith.constant 0 : i32
    %sign3A_67 = arith.cmpi sgt, %jit3A, %sign3A_66 : i32
    %sign3A_68 = arith.extui %sign3A_67 : i1 to i32
    %sign3A_69 = arith.constant 0 : i32
    %sign3A_70 = arith.cmpi slt, %jit3A, %sign3A_69 : i32
    %sign3A_71 = arith.extui %sign3A_70 : i1 to i32
    %sign3A_72 = arith.subi %sign3A_68, %sign3A_71 : i32
    %ne3A = arith.cmpi ne, %sign3A_65, %sign3A_72 : i32
    %rem3A = arith.remsi %min3A_59, %jit3A : i32
    %ne3A_73 = arith.constant 0 : i32
    %ne3A_74 = arith.cmpi ne, %rem3A, %ne3A_73 : i32
    %and3A = arith.andi %ne3A, %ne3A_74 : i1
    %sub3A = arith.constant 1 : i32
    %sub3A_75 = arith.subi %div3A, %sub3A : i32
    %select_n3A = arith.select %and3A, %sub3A_75, %div3A : i32
    %mul3A_76 = arith.constant 32 : i32
    %mul3A_77 = arith.muli %select_n3A, %mul3A_76 : i32
    %add3A_78 = arith.addi %mul3A_77, %add3A : i32
    %mul3A_79 = arith.constant 1024 : i32
    %mul3A_80 = arith.muli %add3A_78, %mul3A_79 : i32
    %jit3A_81 = arith.constant 8 : i32
    %eq3A = arith.constant 0 : i32
    %eq3A_82 = arith.cmpi eq, %jit3A_81, %eq3A : i32
    %jit3A_83 = arith.constant 1 : i32
    %select_n3A_84 = arith.select %eq3A_82, %jit3A_83, %jit3A_81 : i32
    %rem3A_85 = arith.remsi %min3A_59, %select_n3A_84 : i32
    %ne3A_86 = arith.constant 0 : i32
    %ne3A_87 = arith.cmpi ne, %rem3A_85, %ne3A_86 : i32
    %lt3A = arith.constant 0 : i32
    %lt3A_88 = arith.cmpi slt, %rem3A_85, %lt3A : i32
    %lt3A_89 = arith.constant 0 : i32
    %lt3A_90 = arith.cmpi slt, %select_n3A_84, %lt3A_89 : i32
    %ne3A_91 = arith.xori %lt3A_88, %lt3A_90 : i1
    %and3A_92 = arith.andi %ne3A_91, %ne3A_87 : i1
    %add3A_93 = arith.addi %rem3A_85, %select_n3A_84 : i32
    %select_n3A_94 = arith.select %and3A_92, %add3A_93, %rem3A_85 : i32
    %mul3A_95 = arith.constant 128 : i32
    %mul3A_96 = arith.muli %select_n3A_94, %mul3A_95 : i32
    %add3A_97 = arith.addi %mul3A_80, %mul3A_96 : i32
    %dma_start3A = tpu.memref_slice %arg2[%add3A_97] : memref<819200xi32, #tpu.memory_space<hbm>> -> memref<128xi32, #tpu.memory_space<hbm>>
    %dma_start3A_98 = tpu.memref_slice %arg2[%add3A_97] : memref<819200xi32, #tpu.memory_space<hbm>> -> memref<128xi32, #tpu.memory_space<hbm>>
    tpu.enqueue_dma source(%dma_start3A_98 : memref<128xi32, #tpu.memory_space<hbm>>) target(%arg11 : memref<128xi32, #tpu.memory_space<vmem>>) target_semaphore(%arg17 : memref<!tpu.dma_semaphore, #tpu.memory_space<semaphore_mem>>)
    %dma_start3A_99 = tpu.memref_slice %arg3[%add3A_97] : memref<819200xi32, #tpu.memory_space<hbm>> -> memref<128xi32, #tpu.memory_space<hbm>>
    %dma_start3A_100 = tpu.memref_slice %arg3[%add3A_97] : memref<819200xi32, #tpu.memory_space<hbm>> -> memref<128xi32, #tpu.memory_space<hbm>>
    tpu.enqueue_dma source(%dma_start3A_100 : memref<128xi32, #tpu.memory_space<hbm>>) target(%arg13 : memref<128xi32, #tpu.memory_space<vmem>>) target_semaphore(%arg17 : memref<!tpu.dma_semaphore, #tpu.memory_space<semaphore_mem>>)
    %mul3A_101 = arith.constant 0 : i32
    %mul3A_102 = arith.constant 64 : i32
    %mul3A_103 = arith.muli %mul3A_101, %mul3A_102 : i32
    %add3A_104 = arith.constant 0 : i32
    %add3A_105 = arith.addi %mul3A_103, %add3A_104 : i32
    %get3A_106 = arith.index_cast %add3A_105 : i32 to index
    %get3A_107 = tpu.vector_load %arg10[%get3A_106] {strides = array<i32>} : memref<12800xf32, #tpu.memory_space<vmem>>, vector<16xf32>,
    %mul3A_108 = arith.constant 0 : i32
    %mul3A_109 = arith.constant 64 : i32
    %mul3A_110 = arith.muli %mul3A_108, %mul3A_109 : i32
    %add3A_111 = arith.constant 16 : i32
    %add3A_112 = arith.addi %mul3A_110, %add3A_111 : i32
    %get3A_113 = arith.index_cast %add3A_112 : i32 to index
    %get3A_114 = tpu.vector_load %arg10[%get3A_113] {strides = array<i32>} : memref<12800xf32, #tpu.memory_space<vmem>>, vector<16xf32>,
    %mul3A_115 = arith.constant 0 : i32
    %mul3A_116 = arith.constant 64 : i32
    %mul3A_117 = arith.muli %mul3A_115, %mul3A_116 : i32
    %add3A_118 = arith.constant 32 : i32
    %add3A_119 = arith.addi %mul3A_117, %add3A_118 : i32
    %get3A_120 = arith.index_cast %add3A_119 : i32 to index
    %get3A_121 = tpu.vector_load %arg10[%get3A_120] {strides = array<i32>} : memref<12800xf32, #tpu.memory_space<vmem>>, vector<16xf32>,
    %mul3A_122 = arith.constant 0 : i32
    %mul3A_123 = arith.constant 64 : i32
    %mul3A_124 = arith.muli %mul3A_122, %mul3A_123 : i32
    %add3A_125 = arith.constant 48 : i32
    %add3A_126 = arith.addi %mul3A_124, %add3A_125 : i32
    %get3A_127 = arith.index_cast %add3A_126 : i32 to index
    %get3A_128 = tpu.vector_load %arg10[%get3A_127] {strides = array<i32>} : memref<12800xf32, #tpu.memory_space<vmem>>, vector<16xf32>,
    %scan3A = arith.constant 0 : i32
    %scan3A_129 = arith.constant 0 : i32
    %scan3A_130 = arith.constant 16 : i32
    %scan3A_131 = arith.addi %scan3A_129, %scan3A_130 : i32
    %scan3A_132 = arith.constant 1 : i32
    scf.for %scan3A_778 = %scan3A_129 to %scan3A_131 step %scan3A_132  : i32 {
      %add3A_779 = arith.constant 0 : i32
      %add3A_780 = arith.addi %add3A_779, %scan3A_778 : i32
      %mul3A_781 = arith.constant 1000 : i32
      %mul3A_782 = arith.muli %add3A_780, %mul3A_781 : i32
      %broadcast_in_dim3A = vector.broadcast %mul3A_782 : i32 to vector<16xi32>
      %mul3A_783 = arith.constant 201 : i32
      %mul3A_784 = arith.muli %add3A_780, %mul3A_783 : i32
      %broadcast_in_dim3A_785 = vector.broadcast %mul3A_784 : i32 to vector<16xi32>
      %broadcast_in_dim3A_786 = vector.broadcast %scan3A_778 : i32 to vector<16xi32>
      %lt3A_787 = arith.constant 0 : i32
      %lt3A_788 = vector.broadcast %lt3A_787 : i32 to vector<16xi32>
      %lt3A_789 = arith.cmpi slt, %broadcast_in_dim3A_786, %lt3A_788 : vector<16xi32>
      %add3A_790 = arith.constant 16 : i32
      %add3A_791 = vector.broadcast %add3A_790 : i32 to vector<16xi32>
      %add3A_792 = arith.addi %broadcast_in_dim3A_786, %add3A_791 : vector<16xi32>
      %select_n3A_793 = arith.select %lt3A_789, %add3A_792, %broadcast_in_dim3A_786 : vector<16xi1>, vector<16xi32>
      %broadcast_in_dim3A_794 = vector.shape_cast %select_n3A_793 : vector<16xi32> to vector<16x1xi32>
      %gather3A = vector.shape_cast %broadcast_in_dim3A_794 : vector<16x1xi32> to vector<16xi32>
      %gather3A_795 = tpu.dynamic_gather %get3A_107[%gather3A] in [0] : vector<16xf32>, vector<16xi32> -> vector<16xf32>
      %add3A_796 = arith.addi %get3A_25, %broadcast_in_dim3A : vector<16xi32>
      %gather3A_797 = tpu.vector_load_idx %arg8[%add3A_796] : memref<64000xf32, #tpu.memory_space<vmem>>[vector<16xi32>], vector<16xf32>,
      %add3A_798 = arith.addi %get3A_27, %broadcast_in_dim3A : vector<16xi32>
      %gather3A_799 = tpu.vector_load_idx %arg8[%add3A_798] : memref<64000xf32, #tpu.memory_space<vmem>>[vector<16xi32>], vector<16xf32>,
      %add3A_800 = arith.addi %get3A_29, %broadcast_in_dim3A : vector<16xi32>
      %gather3A_801 = tpu.vector_load_idx %arg8[%add3A_800] : memref<64000xf32, #tpu.memory_space<vmem>>[vector<16xi32>], vector<16xf32>,
      %add3A_802 = arith.addi %get3A_31, %broadcast_in_dim3A : vector<16xi32>
      %gather3A_803 = tpu.vector_load_idx %arg8[%add3A_802] : memref<64000xf32, #tpu.memory_space<vmem>>[vector<16xi32>], vector<16xf32>,
      %add3A_804 = arith.addi %get3A_33, %broadcast_in_dim3A : vector<16xi32>
      %gather3A_805 = tpu.vector_load_idx %arg8[%add3A_804] : memref<64000xf32, #tpu.memory_space<vmem>>[vector<16xi32>], vector<16xf32>,
      %add3A_806 = arith.addi %get3A_35, %broadcast_in_dim3A : vector<16xi32>
      %gather3A_807 = tpu.vector_load_idx %arg8[%add3A_806] : memref<64000xf32, #tpu.memory_space<vmem>>[vector<16xi32>], vector<16xf32>,
      %add3A_808 = arith.addi %get3A_37, %broadcast_in_dim3A : vector<16xi32>
      %gather3A_809 = tpu.vector_load_idx %arg8[%add3A_808] : memref<64000xf32, #tpu.memory_space<vmem>>[vector<16xi32>], vector<16xf32>,
      %add3A_810 = arith.addi %get3A_39, %broadcast_in_dim3A : vector<16xi32>
      %gather3A_811 = tpu.vector_load_idx %arg8[%add3A_810] : memref<64000xf32, #tpu.memory_space<vmem>>[vector<16xi32>], vector<16xf32>,
      %add3A_812 = arith.addi %get3A_41, %broadcast_in_dim3A_785 : vector<16xi32>
      %gather3A_813 = tpu.vector_load_idx %arg9[%add3A_812] : memref<12864xf32, #tpu.memory_space<vmem>>[vector<16xi32>], vector<16xf32>,
      %add3A_814 = arith.addi %get3A_43, %broadcast_in_dim3A_785 : vector<16xi32>
      %gather3A_815 = tpu.vector_load_idx %arg9[%add3A_814] : memref<12864xf32, #tpu.memory_space<vmem>>[vector<16xi32>], vector<16xf32>,
      %add3A_816 = arith.addi %get3A_45, %broadcast_in_dim3A_785 : vector<16xi32>
      %gather3A_817 = tpu.vector_load_idx %arg9[%add3A_816] : memref<12864xf32, #tpu.memory_space<vmem>>[vector<16xi32>], vector<16xf32>,
      %add3A_818 = arith.addi %get3A_47, %broadcast_in_dim3A_785 : vector<16xi32>
      %gather3A_819 = tpu.vector_load_idx %arg9[%add3A_818] : memref<12864xf32, #tpu.memory_space<vmem>>[vector<16xi32>], vector<16xf32>,
      %add3A_820 = arith.addi %get3A_49, %broadcast_in_dim3A_785 : vector<16xi32>
      %gather3A_821 = tpu.vector_load_idx %arg9[%add3A_820] : memref<12864xf32, #tpu.memory_space<vmem>>[vector<16xi32>], vector<16xf32>,
      %add3A_822 = arith.addi %get3A_51, %broadcast_in_dim3A_785 : vector<16xi32>
      %gather3A_823 = tpu.vector_load_idx %arg9[%add3A_822] : memref<12864xf32, #tpu.memory_space<vmem>>[vector<16xi32>], vector<16xf32>,
      %add3A_824 = arith.addi %get3A_53, %broadcast_in_dim3A_785 : vector<16xi32>
      %gather3A_825 = tpu.vector_load_idx %arg9[%add3A_824] : memref<12864xf32, #tpu.memory_space<vmem>>[vector<16xi32>], vector<16xf32>,
      %add3A_826 = arith.addi %get3A_55, %broadcast_in_dim3A_785 : vector<16xi32>
      %gather3A_827 = tpu.vector_load_idx %arg9[%add3A_826] : memref<12864xf32, #tpu.memory_space<vmem>>[vector<16xi32>], vector<16xf32>,
      %add3A_828 = arith.addf %gather3A_797, %gather3A_813 : vector<16xf32>
      %add3A_829 = arith.addf %add3A_828, %gather3A_795 : vector<16xf32>
      %add3A_830 = arith.addf %gather3A_799, %gather3A_815 : vector<16xf32>
      %add3A_831 = arith.addf %add3A_830, %gather3A_795 : vector<16xf32>
      %add3A_832 = arith.addf %gather3A_801, %gather3A_817 : vector<16xf32>
      %add3A_833 = arith.addf %add3A_832, %gather3A_795 : vector<16xf32>
      %add3A_834 = arith.addf %gather3A_803, %gather3A_819 : vector<16xf32>
      %add3A_835 = arith.addf %add3A_834, %gather3A_795 : vector<16xf32>
      %add3A_836 = arith.addf %gather3A_805, %gather3A_821 : vector<16xf32>
      %add3A_837 = arith.addf %add3A_836, %gather3A_795 : vector<16xf32>
      %add3A_838 = arith.addf %gather3A_807, %gather3A_823 : vector<16xf32>
      %add3A_839 = arith.addf %add3A_838, %gather3A_795 : vector<16xf32>
      %add3A_840 = arith.addf %gather3A_809, %gather3A_825 : vector<16xf32>
      %add3A_841 = arith.addf %add3A_840, %gather3A_795 : vector<16xf32>
      %add3A_842 = arith.addf %gather3A_811, %gather3A_827 : vector<16xf32>
      %add3A_843 = arith.addf %add3A_842, %gather3A_795 : vector<16xf32>
      %mul3A_844 = arith.constant 128 : i32
      %mul3A_845 = arith.muli %add3A_780, %mul3A_844 : i32
      %add3A_846 = arith.constant 0 : i32
      %add3A_847 = arith.addi %mul3A_845, %add3A_846 : i32
      %swap3A = arith.index_cast %add3A_847 : i32 to index
      %swap3A_848 = tpu.vector_load %arg15[%swap3A] {strides = array<i32>} : memref<8192xf32, #tpu.memory_space<vmem>>, vector<16xf32>,
      tpu.vector_store %arg15[%swap3A], %add3A_829 {strides = array<i32>} : memref<8192xf32, #tpu.memory_space<vmem>>, vector<16xf32>,
      %mul3A_849 = arith.constant 128 : i32
      %mul3A_850 = arith.muli %add3A_780, %mul3A_849 : i32
      %add3A_851 = arith.constant 16 : i32
      %add3A_852 = arith.addi %mul3A_850, %add3A_851 : i32
      %swap3A_853 = arith.index_cast %add3A_852 : i32 to index
      %swap3A_854 = tpu.vector_load %arg15[%swap3A_853] {strides = array<i32>} : memref<8192xf32, #tpu.memory_space<vmem>>, vector<16xf32>,
      tpu.vector_store %arg15[%swap3A_853], %add3A_831 {strides = array<i32>} : memref<8192xf32, #tpu.memory_space<vmem>>, vector<16xf32>,
      %mul3A_855 = arith.constant 128 : i32
      %mul3A_856 = arith.muli %add3A_780, %mul3A_855 : i32
      %add3A_857 = arith.constant 32 : i32
      %add3A_858 = arith.addi %mul3A_856, %add3A_857 : i32
      %swap3A_859 = arith.index_cast %add3A_858 : i32 to index
      %swap3A_860 = tpu.vector_load %arg15[%swap3A_859] {strides = array<i32>} : memref<8192xf32, #tpu.memory_space<vmem>>, vector<16xf32>,
      tpu.vector_store %arg15[%swap3A_859], %add3A_833 {strides = array<i32>} : memref<8192xf32, #tpu.memory_space<vmem>>, vector<16xf32>,
      %mul3A_861 = arith.constant 128 : i32
      %mul3A_862 = arith.muli %add3A_780, %mul3A_861 : i32
      %add3A_863 = arith.constant 48 : i32
      %add3A_864 = arith.addi %mul3A_862, %add3A_863 : i32
      %swap3A_865 = arith.index_cast %add3A_864 : i32 to index
      %swap3A_866 = tpu.vector_load %arg15[%swap3A_865] {strides = array<i32>} : memref<8192xf32, #tpu.memory_space<vmem>>, vector<16xf32>,
      tpu.vector_store %arg15[%swap3A_865], %add3A_835 {strides = array<i32>} : memref<8192xf32, #tpu.memory_space<vmem>>, vector<16xf32>,
      %mul3A_867 = arith.constant 128 : i32
      %mul3A_868 = arith.muli %add3A_780, %mul3A_867 : i32
      %add3A_869 = arith.constant 64 : i32
      %add3A_870 = arith.addi %mul3A_868, %add3A_869 : i32
      %swap3A_871 = arith.index_cast %add3A_870 : i32 to index
      %swap3A_872 = tpu.vector_load %arg15[%swap3A_871] {strides = array<i32>} : memref<8192xf32, #tpu.memory_space<vmem>>, vector<16xf32>,
      tpu.vector_store %arg15[%swap3A_871], %add3A_837 {strides = array<i32>} : memref<8192xf32, #tpu.memory_space<vmem>>, vector<16xf32>,
      %mul3A_873 = arith.constant 128 : i32
      %mul3A_874 = arith.muli %add3A_780, %mul3A_873 : i32
      %add3A_875 = arith.constant 80 : i32
      %add3A_876 = arith.addi %mul3A_874, %add3A_875 : i32
      %swap3A_877 = arith.index_cast %add3A_876 : i32 to index
      %swap3A_878 = tpu.vector_load %arg15[%swap3A_877] {strides = array<i32>} : memref<8192xf32, #tpu.memory_space<vmem>>, vector<16xf32>,
      tpu.vector_store %arg15[%swap3A_877], %add3A_839 {strides = array<i32>} : memref<8192xf32, #tpu.memory_space<vmem>>, vector<16xf32>,
      %mul3A_879 = arith.constant 128 : i32
      %mul3A_880 = arith.muli %add3A_780, %mul3A_879 : i32
      %add3A_881 = arith.constant 96 : i32
      %add3A_882 = arith.addi %mul3A_880, %add3A_881 : i32
      %swap3A_883 = arith.index_cast %add3A_882 : i32 to index
      %swap3A_884 = tpu.vector_load %arg15[%swap3A_883] {strides = array<i32>} : memref<8192xf32, #tpu.memory_space<vmem>>, vector<16xf32>,
      tpu.vector_store %arg15[%swap3A_883], %add3A_841 {strides = array<i32>} : memref<8192xf32, #tpu.memory_space<vmem>>, vector<16xf32>,
      %mul3A_885 = arith.constant 128 : i32
      %mul3A_886 = arith.muli %add3A_780, %mul3A_885 : i32
      %add3A_887 = arith.constant 112 : i32
      %add3A_888 = arith.addi %mul3A_886, %add3A_887 : i32
      %swap3A_889 = arith.index_cast %add3A_888 : i32 to index
      %swap3A_890 = tpu.vector_load %arg15[%swap3A_889] {strides = array<i32>} : memref<8192xf32, #tpu.memory_space<vmem>>, vector<16xf32>,
      tpu.vector_store %arg15[%swap3A_889], %add3A_843 {strides = array<i32>} : memref<8192xf32, #tpu.memory_space<vmem>>, vector<16xf32>,
    }
    %scan3A_133 = arith.constant 16 : i32
    %scan3A_134 = arith.constant 0 : i32
    %scan3A_135 = arith.constant 0 : i32
    %scan3A_136 = arith.constant 16 : i32
    %scan3A_137 = arith.addi %scan3A_135, %scan3A_136 : i32
    %scan3A_138 = arith.constant 1 : i32
    scf.for %scan3A_778 = %scan3A_135 to %scan3A_137 step %scan3A_138  : i32 {
      %add3A_779 = arith.constant 16 : i32
      %add3A_780 = arith.addi %add3A_779, %scan3A_778 : i32
      %mul3A_781 = arith.constant 1000 : i32
      %mul3A_782 = arith.muli %add3A_780, %mul3A_781 : i32
      %broadcast_in_dim3A = vector.broadcast %mul3A_782 : i32 to vector<16xi32>
      %mul3A_783 = arith.constant 201 : i32
      %mul3A_784 = arith.muli %add3A_780, %mul3A_783 : i32
      %broadcast_in_dim3A_785 = vector.broadcast %mul3A_784 : i32 to vector<16xi32>
      %broadcast_in_dim3A_786 = vector.broadcast %scan3A_778 : i32 to vector<16xi32>
      %lt3A_787 = arith.constant 0 : i32
      %lt3A_788 = vector.broadcast %lt3A_787 : i32 to vector<16xi32>
      %lt3A_789 = arith.cmpi slt, %broadcast_in_dim3A_786, %lt3A_788 : vector<16xi32>
      %add3A_790 = arith.constant 16 : i32
      %add3A_791 = vector.broadcast %add3A_790 : i32 to vector<16xi32>
      %add3A_792 = arith.addi %broadcast_in_dim3A_786, %add3A_791 : vector<16xi32>
      %select_n3A_793 = arith.select %lt3A_789, %add3A_792, %broadcast_in_dim3A_786 : vector<16xi1>, vector<16xi32>
      %broadcast_in_dim3A_794 = vector.shape_cast %select_n3A_793 : vector<16xi32> to vector<16x1xi32>
      %gather3A = vector.shape_cast %broadcast_in_dim3A_794 : vector<16x1xi32> to vector<16xi32>
      %gather3A_795 = tpu.dynamic_gather %get3A_114[%gather3A] in [0] : vector<16xf32>, vector<16xi32> -> vector<16xf32>
      %add3A_796 = arith.addi %get3A_25, %broadcast_in_dim3A : vector<16xi32>
      %gather3A_797 = tpu.vector_load_idx %arg8[%add3A_796] : memref<64000xf32, #tpu.memory_space<vmem>>[vector<16xi32>], vector<16xf32>,
      %add3A_798 = arith.addi %get3A_27, %broadcast_in_dim3A : vector<16xi32>
      %gather3A_799 = tpu.vector_load_idx %arg8[%add3A_798] : memref<64000xf32, #tpu.memory_space<vmem>>[vector<16xi32>], vector<16xf32>,
      %add3A_800 = arith.addi %get3A_29, %broadcast_in_dim3A : vector<16xi32>
      %gather3A_801 = tpu.vector_load_idx %arg8[%add3A_800] : memref<64000xf32, #tpu.memory_space<vmem>>[vector<16xi32>], vector<16xf32>,
      %add3A_802 = arith.addi %get3A_31, %broadcast_in_dim3A : vector<16xi32>
      %gather3A_803 = tpu.vector_load_idx %arg8[%add3A_802] : memref<64000xf32, #tpu.memory_space<vmem>>[vector<16xi32>], vector<16xf32>,
      %add3A_804 = arith.addi %get3A_33, %broadcast_in_dim3A : vector<16xi32>
      %gather3A_805 = tpu.vector_load_idx %arg8[%add3A_804] : memref<64000xf32, #tpu.memory_space<vmem>>[vector<16xi32>], vector<16xf32>,
      %add3A_806 = arith.addi %get3A_35, %broadcast_in_dim3A : vector<16xi32>
      %gather3A_807 = tpu.vector_load_idx %arg8[%add3A_806] : memref<64000xf32, #tpu.memory_space<vmem>>[vector<16xi32>], vector<16xf32>,
      %add3A_808 = arith.addi %get3A_37, %broadcast_in_dim3A : vector<16xi32>
      %gather3A_809 = tpu.vector_load_idx %arg8[%add3A_808] : memref<64000xf32, #tpu.memory_space<vmem>>[vector<16xi32>], vector<16xf32>,
      %add3A_810 = arith.addi %get3A_39, %broadcast_in_dim3A : vector<16xi32>
      %gather3A_811 = tpu.vector_load_idx %arg8[%add3A_810] : memref<64000xf32, #tpu.memory_space<vmem>>[vector<16xi32>], vector<16xf32>,
      %add3A_812 = arith.addi %get3A_41, %broadcast_in_dim3A_785 : vector<16xi32>
      %gather3A_813 = tpu.vector_load_idx %arg9[%add3A_812] : memref<12864xf32, #tpu.memory_space<vmem>>[vector<16xi32>], vector<16xf32>,
      %add3A_814 = arith.addi %get3A_43, %broadcast_in_dim3A_785 : vector<16xi32>
      %gather3A_815 = tpu.vector_load_idx %arg9[%add3A_814] : memref<12864xf32, #tpu.memory_space<vmem>>[vector<16xi32>], vector<16xf32>,
      %add3A_816 = arith.addi %get3A_45, %broadcast_in_dim3A_785 : vector<16xi32>
      %gather3A_817 = tpu.vector_load_idx %arg9[%add3A_816] : memref<12864xf32, #tpu.memory_space<vmem>>[vector<16xi32>], vector<16xf32>,
      %add3A_818 = arith.addi %get3A_47, %broadcast_in_dim3A_785 : vector<16xi32>
      %gather3A_819 = tpu.vector_load_idx %arg9[%add3A_818] : memref<12864xf32, #tpu.memory_space<vmem>>[vector<16xi32>], vector<16xf32>,
      %add3A_820 = arith.addi %get3A_49, %broadcast_in_dim3A_785 : vector<16xi32>
      %gather3A_821 = tpu.vector_load_idx %arg9[%add3A_820] : memref<12864xf32, #tpu.memory_space<vmem>>[vector<16xi32>], vector<16xf32>,
      %add3A_822 = arith.addi %get3A_51, %broadcast_in_dim3A_785 : vector<16xi32>
      %gather3A_823 = tpu.vector_load_idx %arg9[%add3A_822] : memref<12864xf32, #tpu.memory_space<vmem>>[vector<16xi32>], vector<16xf32>,
      %add3A_824 = arith.addi %get3A_53, %broadcast_in_dim3A_785 : vector<16xi32>
      %gather3A_825 = tpu.vector_load_idx %arg9[%add3A_824] : memref<12864xf32, #tpu.memory_space<vmem>>[vector<16xi32>], vector<16xf32>,
      %add3A_826 = arith.addi %get3A_55, %broadcast_in_dim3A_785 : vector<16xi32>
      %gather3A_827 = tpu.vector_load_idx %arg9[%add3A_826] : memref<12864xf32, #tpu.memory_space<vmem>>[vector<16xi32>], vector<16xf32>,
      %add3A_828 = arith.addf %gather3A_797, %gather3A_813 : vector<16xf32>
      %add3A_829 = arith.addf %add3A_828, %gather3A_795 : vector<16xf32>
      %add3A_830 = arith.addf %gather3A_799, %gather3A_815 : vector<16xf32>
      %add3A_831 = arith.addf %add3A_830, %gather3A_795 : vector<16xf32>
      %add3A_832 = arith.addf %gather3A_801, %gather3A_817 : vector<16xf32>
      %add3A_833 = arith.addf %add3A_832, %gather3A_795 : vector<16xf32>
      %add3A_834 = arith.addf %gather3A_803, %gather3A_819 : vector<16xf32>
      %add3A_835 = arith.addf %add3A_834, %gather3A_795 : vector<16xf32>
      %add3A_836 = arith.addf %gather3A_805, %gather3A_821 : vector<16xf32>
      %add3A_837 = arith.addf %add3A_836, %gather3A_795 : vector<16xf32>
      %add3A_838 = arith.addf %gather3A_807, %gather3A_823 : vector<16xf32>
      %add3A_839 = arith.addf %add3A_838, %gather3A_795 : vector<16xf32>
      %add3A_840 = arith.addf %gather3A_809, %gather3A_825 : vector<16xf32>
      %add3A_841 = arith.addf %add3A_840, %gather3A_795 : vector<16xf32>
      %add3A_842 = arith.addf %gather3A_811, %gather3A_827 : vector<16xf32>
      %add3A_843 = arith.addf %add3A_842, %gather3A_795 : vector<16xf32>
      %mul3A_844 = arith.constant 128 : i32
      %mul3A_845 = arith.muli %add3A_780, %mul3A_844 : i32
      %add3A_846 = arith.constant 0 : i32
      %add3A_847 = arith.addi %mul3A_845, %add3A_846 : i32
      %swap3A = arith.index_cast %add3A_847 : i32 to index
      %swap3A_848 = tpu.vector_load %arg15[%swap3A] {strides = array<i32>} : memref<8192xf32, #tpu.memory_space<vmem>>, vector<16xf32>,
      tpu.vector_store %arg15[%swap3A], %add3A_829 {strides = array<i32>} : memref<8192xf32, #tpu.memory_space<vmem>>, vector<16xf32>,
      %mul3A_849 = arith.constant 128 : i32
      %mul3A_850 = arith.muli %add3A_780, %mul3A_849 : i32
      %add3A_851 = arith.constant 16 : i32
      %add3A_852 = arith.addi %mul3A_850, %add3A_851 : i32
      %swap3A_853 = arith.index_cast %add3A_852 : i32 to index
      %swap3A_854 = tpu.vector_load %arg15[%swap3A_853] {strides = array<i32>} : memref<8192xf32, #tpu.memory_space<vmem>>, vector<16xf32>,
      tpu.vector_store %arg15[%swap3A_853], %add3A_831 {strides = array<i32>} : memref<8192xf32, #tpu.memory_space<vmem>>, vector<16xf32>,
      %mul3A_855 = arith.constant 128 : i32
      %mul3A_856 = arith.muli %add3A_780, %mul3A_855 : i32
      %add3A_857 = arith.constant 32 : i32
      %add3A_858 = arith.addi %mul3A_856, %add3A_857 : i32
      %swap3A_859 = arith.index_cast %add3A_858 : i32 to index
      %swap3A_860 = tpu.vector_load %arg15[%swap3A_859] {strides = array<i32>} : memref<8192xf32, #tpu.memory_space<vmem>>, vector<16xf32>,
      tpu.vector_store %arg15[%swap3A_859], %add3A_833 {strides = array<i32>} : memref<8192xf32, #tpu.memory_space<vmem>>, vector<16xf32>,
      %mul3A_861 = arith.constant 128 : i32
      %mul3A_862 = arith.muli %add3A_780, %mul3A_861 : i32
      %add3A_863 = arith.constant 48 : i32
      %add3A_864 = arith.addi %mul3A_862, %add3A_863 : i32
      %swap3A_865 = arith.index_cast %add3A_864 : i32 to index
      %swap3A_866 = tpu.vector_load %arg15[%swap3A_865] {strides = array<i32>} : memref<8192xf32, #tpu.memory_space<vmem>>, vector<16xf32>,
      tpu.vector_store %arg15[%swap3A_865], %add3A_835 {strides = array<i32>} : memref<8192xf32, #tpu.memory_space<vmem>>, vector<16xf32>,
      %mul3A_867 = arith.constant 128 : i32
      %mul3A_868 = arith.muli %add3A_780, %mul3A_867 : i32
      %add3A_869 = arith.constant 64 : i32
      %add3A_870 = arith.addi %mul3A_868, %add3A_869 : i32
      %swap3A_871 = arith.index_cast %add3A_870 : i32 to index
      %swap3A_872 = tpu.vector_load %arg15[%swap3A_871] {strides = array<i32>} : memref<8192xf32, #tpu.memory_space<vmem>>, vector<16xf32>,
      tpu.vector_store %arg15[%swap3A_871], %add3A_837 {strides = array<i32>} : memref<8192xf32, #tpu.memory_space<vmem>>, vector<16xf32>,
      %mul3A_873 = arith.constant 128 : i32
      %mul3A_874 = arith.muli %add3A_780, %mul3A_873 : i32
      %add3A_875 = arith.constant 80 : i32
      %add3A_876 = arith.addi %mul3A_874, %add3A_875 : i32
      %swap3A_877 = arith.index_cast %add3A_876 : i32 to index
      %swap3A_878 = tpu.vector_load %arg15[%swap3A_877] {strides = array<i32>} : memref<8192xf32, #tpu.memory_space<vmem>>, vector<16xf32>,
      tpu.vector_store %arg15[%swap3A_877], %add3A_839 {strides = array<i32>} : memref<8192xf32, #tpu.memory_space<vmem>>, vector<16xf32>,
      %mul3A_879 = arith.constant 128 : i32
      %mul3A_880 = arith.muli %add3A_780, %mul3A_879 : i32
      %add3A_881 = arith.constant 96 : i32
      %add3A_882 = arith.addi %mul3A_880, %add3A_881 : i32
      %swap3A_883 = arith.index_cast %add3A_882 : i32 to index
      %swap3A_884 = tpu.vector_load %arg15[%swap3A_883] {strides = array<i32>} : memref<8192xf32, #tpu.memory_space<vmem>>, vector<16xf32>,
      tpu.vector_store %arg15[%swap3A_883], %add3A_841 {strides = array<i32>} : memref<8192xf32, #tpu.memory_space<vmem>>, vector<16xf32>,
      %mul3A_885 = arith.constant 128 : i32
      %mul3A_886 = arith.muli %add3A_780, %mul3A_885 : i32
      %add3A_887 = arith.constant 112 : i32
      %add3A_888 = arith.addi %mul3A_886, %add3A_887 : i32
      %swap3A_889 = arith.index_cast %add3A_888 : i32 to index
      %swap3A_890 = tpu.vector_load %arg15[%swap3A_889] {strides = array<i32>} : memref<8192xf32, #tpu.memory_space<vmem>>, vector<16xf32>,
      tpu.vector_store %arg15[%swap3A_889], %add3A_843 {strides = array<i32>} : memref<8192xf32, #tpu.memory_space<vmem>>, vector<16xf32>,
    }
    %scan3A_139 = arith.constant 16 : i32
    %scan3A_140 = arith.constant 0 : i32
    %scan3A_141 = arith.constant 0 : i32
    %scan3A_142 = arith.constant 16 : i32
    %scan3A_143 = arith.addi %scan3A_141, %scan3A_142 : i32
    %scan3A_144 = arith.constant 1 : i32
    scf.for %scan3A_778 = %scan3A_141 to %scan3A_143 step %scan3A_144  : i32 {
      %add3A_779 = arith.constant 32 : i32
      %add3A_780 = arith.addi %add3A_779, %scan3A_778 : i32
      %mul3A_781 = arith.constant 1000 : i32
      %mul3A_782 = arith.muli %add3A_780, %mul3A_781 : i32
      %broadcast_in_dim3A = vector.broadcast %mul3A_782 : i32 to vector<16xi32>
      %mul3A_783 = arith.constant 201 : i32
      %mul3A_784 = arith.muli %add3A_780, %mul3A_783 : i32
      %broadcast_in_dim3A_785 = vector.broadcast %mul3A_784 : i32 to vector<16xi32>
      %broadcast_in_dim3A_786 = vector.broadcast %scan3A_778 : i32 to vector<16xi32>
      %lt3A_787 = arith.constant 0 : i32
      %lt3A_788 = vector.broadcast %lt3A_787 : i32 to vector<16xi32>
      %lt3A_789 = arith.cmpi slt, %broadcast_in_dim3A_786, %lt3A_788 : vector<16xi32>
      %add3A_790 = arith.constant 16 : i32
      %add3A_791 = vector.broadcast %add3A_790 : i32 to vector<16xi32>
      %add3A_792 = arith.addi %broadcast_in_dim3A_786, %add3A_791 : vector<16xi32>
      %select_n3A_793 = arith.select %lt3A_789, %add3A_792, %broadcast_in_dim3A_786 : vector<16xi1>, vector<16xi32>
      %broadcast_in_dim3A_794 = vector.shape_cast %select_n3A_793 : vector<16xi32> to vector<16x1xi32>
      %gather3A = vector.shape_cast %broadcast_in_dim3A_794 : vector<16x1xi32> to vector<16xi32>
      %gather3A_795 = tpu.dynamic_gather %get3A_121[%gather3A] in [0] : vector<16xf32>, vector<16xi32> -> vector<16xf32>
      %add3A_796 = arith.addi %get3A_25, %broadcast_in_dim3A : vector<16xi32>
      %gather3A_797 = tpu.vector_load_idx %arg8[%add3A_796] : memref<64000xf32, #tpu.memory_space<vmem>>[vector<16xi32>], vector<16xf32>,
      %add3A_798 = arith.addi %get3A_27, %broadcast_in_dim3A : vector<16xi32>
      %gather3A_799 = tpu.vector_load_idx %arg8[%add3A_798] : memref<64000xf32, #tpu.memory_space<vmem>>[vector<16xi32>], vector<16xf32>,
      %add3A_800 = arith.addi %get3A_29, %broadcast_in_dim3A : vector<16xi32>
      %gather3A_801 = tpu.vector_load_idx %arg8[%add3A_800] : memref<64000xf32, #tpu.memory_space<vmem>>[vector<16xi32>], vector<16xf32>,
      %add3A_802 = arith.addi %get3A_31, %broadcast_in_dim3A : vector<16xi32>
      %gather3A_803 = tpu.vector_load_idx %arg8[%add3A_802] : memref<64000xf32, #tpu.memory_space<vmem>>[vector<16xi32>], vector<16xf32>,
      %add3A_804 = arith.addi %get3A_33, %broadcast_in_dim3A : vector<16xi32>
      %gather3A_805 = tpu.vector_load_idx %arg8[%add3A_804] : memref<64000xf32, #tpu.memory_space<vmem>>[vector<16xi32>], vector<16xf32>,
      %add3A_806 = arith.addi %get3A_35, %broadcast_in_dim3A : vector<16xi32>
      %gather3A_807 = tpu.vector_load_idx %arg8[%add3A_806] : memref<64000xf32, #tpu.memory_space<vmem>>[vector<16xi32>], vector<16xf32>,
      %add3A_808 = arith.addi %get3A_37, %broadcast_in_dim3A : vector<16xi32>
      %gather3A_809 = tpu.vector_load_idx %arg8[%add3A_808] : memref<64000xf32, #tpu.memory_space<vmem>>[vector<16xi32>], vector<16xf32>,
      %add3A_810 = arith.addi %get3A_39, %broadcast_in_dim3A : vector<16xi32>
      %gather3A_811 = tpu.vector_load_idx %arg8[%add3A_810] : memref<64000xf32, #tpu.memory_space<vmem>>[vector<16xi32>], vector<16xf32>,
      %add3A_812 = arith.addi %get3A_41, %broadcast_in_dim3A_785 : vector<16xi32>
      %gather3A_813 = tpu.vector_load_idx %arg9[%add3A_812] : memref<12864xf32, #tpu.memory_space<vmem>>[vector<16xi32>], vector<16xf32>,
      %add3A_814 = arith.addi %get3A_43, %broadcast_in_dim3A_785 : vector<16xi32>
      %gather3A_815 = tpu.vector_load_idx %arg9[%add3A_814] : memref<12864xf32, #tpu.memory_space<vmem>>[vector<16xi32>], vector<16xf32>,
      %add3A_816 = arith.addi %get3A_45, %broadcast_in_dim3A_785 : vector<16xi32>
      %gather3A_817 = tpu.vector_load_idx %arg9[%add3A_816] : memref<12864xf32, #tpu.memory_space<vmem>>[vector<16xi32>], vector<16xf32>,
      %add3A_818 = arith.addi %get3A_47, %broadcast_in_dim3A_785 : vector<16xi32>
      %gather3A_819 = tpu.vector_load_idx %arg9[%add3A_818] : memref<12864xf32, #tpu.memory_space<vmem>>[vector<16xi32>], vector<16xf32>,
      %add3A_820 = arith.addi %get3A_49, %broadcast_in_dim3A_785 : vector<16xi32>
      %gather3A_821 = tpu.vector_load_idx %arg9[%add3A_820] : memref<12864xf32, #tpu.memory_space<vmem>>[vector<16xi32>], vector<16xf32>,
      %add3A_822 = arith.addi %get3A_51, %broadcast_in_dim3A_785 : vector<16xi32>
      %gather3A_823 = tpu.vector_load_idx %arg9[%add3A_822] : memref<12864xf32, #tpu.memory_space<vmem>>[vector<16xi32>], vector<16xf32>,
      %add3A_824 = arith.addi %get3A_53, %broadcast_in_dim3A_785 : vector<16xi32>
      %gather3A_825 = tpu.vector_load_idx %arg9[%add3A_824] : memref<12864xf32, #tpu.memory_space<vmem>>[vector<16xi32>], vector<16xf32>,
      %add3A_826 = arith.addi %get3A_55, %broadcast_in_dim3A_785 : vector<16xi32>
      %gather3A_827 = tpu.vector_load_idx %arg9[%add3A_826] : memref<12864xf32, #tpu.memory_space<vmem>>[vector<16xi32>], vector<16xf32>,
      %add3A_828 = arith.addf %gather3A_797, %gather3A_813 : vector<16xf32>
      %add3A_829 = arith.addf %add3A_828, %gather3A_795 : vector<16xf32>
      %add3A_830 = arith.addf %gather3A_799, %gather3A_815 : vector<16xf32>
      %add3A_831 = arith.addf %add3A_830, %gather3A_795 : vector<16xf32>
      %add3A_832 = arith.addf %gather3A_801, %gather3A_817 : vector<16xf32>
      %add3A_833 = arith.addf %add3A_832, %gather3A_795 : vector<16xf32>
      %add3A_834 = arith.addf %gather3A_803, %gather3A_819 : vector<16xf32>
      %add3A_835 = arith.addf %add3A_834, %gather3A_795 : vector<16xf32>
      %add3A_836 = arith.addf %gather3A_805, %gather3A_821 : vector<16xf32>
      %add3A_837 = arith.addf %add3A_836, %gather3A_795 : vector<16xf32>
      %add3A_838 = arith.addf %gather3A_807, %gather3A_823 : vector<16xf32>
      %add3A_839 = arith.addf %add3A_838, %gather3A_795 : vector<16xf32>
      %add3A_840 = arith.addf %gather3A_809, %gather3A_825 : vector<16xf32>
      %add3A_841 = arith.addf %add3A_840, %gather3A_795 : vector<16xf32>
      %add3A_842 = arith.addf %gather3A_811, %gather3A_827 : vector<16xf32>
      %add3A_843 = arith.addf %add3A_842, %gather3A_795 : vector<16xf32>
      %mul3A_844 = arith.constant 128 : i32
      %mul3A_845 = arith.muli %add3A_780, %mul3A_844 : i32
      %add3A_846 = arith.constant 0 : i32
      %add3A_847 = arith.addi %mul3A_845, %add3A_846 : i32
      %swap3A = arith.index_cast %add3A_847 : i32 to index
      %swap3A_848 = tpu.vector_load %arg15[%swap3A] {strides = array<i32>} : memref<8192xf32, #tpu.memory_space<vmem>>, vector<16xf32>,
      tpu.vector_store %arg15[%swap3A], %add3A_829 {strides = array<i32>} : memref<8192xf32, #tpu.memory_space<vmem>>, vector<16xf32>,
      %mul3A_849 = arith.constant 128 : i32
      %mul3A_850 = arith.muli %add3A_780, %mul3A_849 : i32
      %add3A_851 = arith.constant 16 : i32
      %add3A_852 = arith.addi %mul3A_850, %add3A_851 : i32
      %swap3A_853 = arith.index_cast %add3A_852 : i32 to index
      %swap3A_854 = tpu.vector_load %arg15[%swap3A_853] {strides = array<i32>} : memref<8192xf32, #tpu.memory_space<vmem>>, vector<16xf32>,
      tpu.vector_store %arg15[%swap3A_853], %add3A_831 {strides = array<i32>} : memref<8192xf32, #tpu.memory_space<vmem>>, vector<16xf32>,
      %mul3A_855 = arith.constant 128 : i32
      %mul3A_856 = arith.muli %add3A_780, %mul3A_855 : i32
      %add3A_857 = arith.constant 32 : i32
      %add3A_858 = arith.addi %mul3A_856, %add3A_857 : i32
      %swap3A_859 = arith.index_cast %add3A_858 : i32 to index
      %swap3A_860 = tpu.vector_load %arg15[%swap3A_859] {strides = array<i32>} : memref<8192xf32, #tpu.memory_space<vmem>>, vector<16xf32>,
      tpu.vector_store %arg15[%swap3A_859], %add3A_833 {strides = array<i32>} : memref<8192xf32, #tpu.memory_space<vmem>>, vector<16xf32>,
      %mul3A_861 = arith.constant 128 : i32
      %mul3A_862 = arith.muli %add3A_780, %mul3A_861 : i32
      %add3A_863 = arith.constant 48 : i32
      %add3A_864 = arith.addi %mul3A_862, %add3A_863 : i32
      %swap3A_865 = arith.index_cast %add3A_864 : i32 to index
      %swap3A_866 = tpu.vector_load %arg15[%swap3A_865] {strides = array<i32>} : memref<8192xf32, #tpu.memory_space<vmem>>, vector<16xf32>,
      tpu.vector_store %arg15[%swap3A_865], %add3A_835 {strides = array<i32>} : memref<8192xf32, #tpu.memory_space<vmem>>, vector<16xf32>,
      %mul3A_867 = arith.constant 128 : i32
      %mul3A_868 = arith.muli %add3A_780, %mul3A_867 : i32
      %add3A_869 = arith.constant 64 : i32
      %add3A_870 = arith.addi %mul3A_868, %add3A_869 : i32
      %swap3A_871 = arith.index_cast %add3A_870 : i32 to index
      %swap3A_872 = tpu.vector_load %arg15[%swap3A_871] {strides = array<i32>} : memref<8192xf32, #tpu.memory_space<vmem>>, vector<16xf32>,
      tpu.vector_store %arg15[%swap3A_871], %add3A_837 {strides = array<i32>} : memref<8192xf32, #tpu.memory_space<vmem>>, vector<16xf32>,
      %mul3A_873 = arith.constant 128 : i32
      %mul3A_874 = arith.muli %add3A_780, %mul3A_873 : i32
      %add3A_875 = arith.constant 80 : i32
      %add3A_876 = arith.addi %mul3A_874, %add3A_875 : i32
      %swap3A_877 = arith.index_cast %add3A_876 : i32 to index
      %swap3A_878 = tpu.vector_load %arg15[%swap3A_877] {strides = array<i32>} : memref<8192xf32, #tpu.memory_space<vmem>>, vector<16xf32>,
      tpu.vector_store %arg15[%swap3A_877], %add3A_839 {strides = array<i32>} : memref<8192xf32, #tpu.memory_space<vmem>>, vector<16xf32>,
      %mul3A_879 = arith.constant 128 : i32
      %mul3A_880 = arith.muli %add3A_780, %mul3A_879 : i32
      %add3A_881 = arith.constant 96 : i32
      %add3A_882 = arith.addi %mul3A_880, %add3A_881 : i32
      %swap3A_883 = arith.index_cast %add3A_882 : i32 to index
      %swap3A_884 = tpu.vector_load %arg15[%swap3A_883] {strides = array<i32>} : memref<8192xf32, #tpu.memory_space<vmem>>, vector<16xf32>,
      tpu.vector_store %arg15[%swap3A_883], %add3A_841 {strides = array<i32>} : memref<8192xf32, #tpu.memory_space<vmem>>, vector<16xf32>,
      %mul3A_885 = arith.constant 128 : i32
      %mul3A_886 = arith.muli %add3A_780, %mul3A_885 : i32
      %add3A_887 = arith.constant 112 : i32
      %add3A_888 = arith.addi %mul3A_886, %add3A_887 : i32
      %swap3A_889 = arith.index_cast %add3A_888 : i32 to index
      %swap3A_890 = tpu.vector_load %arg15[%swap3A_889] {strides = array<i32>} : memref<8192xf32, #tpu.memory_space<vmem>>, vector<16xf32>,
      tpu.vector_store %arg15[%swap3A_889], %add3A_843 {strides = array<i32>} : memref<8192xf32, #tpu.memory_space<vmem>>, vector<16xf32>,
    }
    %scan3A_145 = arith.constant 16 : i32
    %scan3A_146 = arith.constant 0 : i32
    %scan3A_147 = arith.constant 0 : i32
    %scan3A_148 = arith.constant 16 : i32
    %scan3A_149 = arith.addi %scan3A_147, %scan3A_148 : i32
    %scan3A_150 = arith.constant 1 : i32
    scf.for %scan3A_778 = %scan3A_147 to %scan3A_149 step %scan3A_150  : i32 {
      %add3A_779 = arith.constant 48 : i32
      %add3A_780 = arith.addi %add3A_779, %scan3A_778 : i32
      %mul3A_781 = arith.constant 1000 : i32
      %mul3A_782 = arith.muli %add3A_780, %mul3A_781 : i32
      %broadcast_in_dim3A = vector.broadcast %mul3A_782 : i32 to vector<16xi32>
      %mul3A_783 = arith.constant 201 : i32
      %mul3A_784 = arith.muli %add3A_780, %mul3A_783 : i32
      %broadcast_in_dim3A_785 = vector.broadcast %mul3A_784 : i32 to vector<16xi32>
      %broadcast_in_dim3A_786 = vector.broadcast %scan3A_778 : i32 to vector<16xi32>
      %lt3A_787 = arith.constant 0 : i32
      %lt3A_788 = vector.broadcast %lt3A_787 : i32 to vector<16xi32>
      %lt3A_789 = arith.cmpi slt, %broadcast_in_dim3A_786, %lt3A_788 : vector<16xi32>
      %add3A_790 = arith.constant 16 : i32
      %add3A_791 = vector.broadcast %add3A_790 : i32 to vector<16xi32>
      %add3A_792 = arith.addi %broadcast_in_dim3A_786, %add3A_791 : vector<16xi32>
      %select_n3A_793 = arith.select %lt3A_789, %add3A_792, %broadcast_in_dim3A_786 : vector<16xi1>, vector<16xi32>
      %broadcast_in_dim3A_794 = vector.shape_cast %select_n3A_793 : vector<16xi32> to vector<16x1xi32>
      %gather3A = vector.shape_cast %broadcast_in_dim3A_794 : vector<16x1xi32> to vector<16xi32>
      %gather3A_795 = tpu.dynamic_gather %get3A_128[%gather3A] in [0] : vector<16xf32>, vector<16xi32> -> vector<16xf32>
      %add3A_796 = arith.addi %get3A_25, %broadcast_in_dim3A : vector<16xi32>
      %gather3A_797 = tpu.vector_load_idx %arg8[%add3A_796] : memref<64000xf32, #tpu.memory_space<vmem>>[vector<16xi32>], vector<16xf32>,
      %add3A_798 = arith.addi %get3A_27, %broadcast_in_dim3A : vector<16xi32>
      %gather3A_799 = tpu.vector_load_idx %arg8[%add3A_798] : memref<64000xf32, #tpu.memory_space<vmem>>[vector<16xi32>], vector<16xf32>,
      %add3A_800 = arith.addi %get3A_29, %broadcast_in_dim3A : vector<16xi32>
      %gather3A_801 = tpu.vector_load_idx %arg8[%add3A_800] : memref<64000xf32, #tpu.memory_space<vmem>>[vector<16xi32>], vector<16xf32>,
      %add3A_802 = arith.addi %get3A_31, %broadcast_in_dim3A : vector<16xi32>
      %gather3A_803 = tpu.vector_load_idx %arg8[%add3A_802] : memref<64000xf32, #tpu.memory_space<vmem>>[vector<16xi32>], vector<16xf32>,
      %add3A_804 = arith.addi %get3A_33, %broadcast_in_dim3A : vector<16xi32>
      %gather3A_805 = tpu.vector_load_idx %arg8[%add3A_804] : memref<64000xf32, #tpu.memory_space<vmem>>[vector<16xi32>], vector<16xf32>,
      %add3A_806 = arith.addi %get3A_35, %broadcast_in_dim3A : vector<16xi32>
      %gather3A_807 = tpu.vector_load_idx %arg8[%add3A_806] : memref<64000xf32, #tpu.memory_space<vmem>>[vector<16xi32>], vector<16xf32>,
      %add3A_808 = arith.addi %get3A_37, %broadcast_in_dim3A : vector<16xi32>
      %gather3A_809 = tpu.vector_load_idx %arg8[%add3A_808] : memref<64000xf32, #tpu.memory_space<vmem>>[vector<16xi32>], vector<16xf32>,
      %add3A_810 = arith.addi %get3A_39, %broadcast_in_dim3A : vector<16xi32>
      %gather3A_811 = tpu.vector_load_idx %arg8[%add3A_810] : memref<64000xf32, #tpu.memory_space<vmem>>[vector<16xi32>], vector<16xf32>,
      %add3A_812 = arith.addi %get3A_41, %broadcast_in_dim3A_785 : vector<16xi32>
      %gather3A_813 = tpu.vector_load_idx %arg9[%add3A_812] : memref<12864xf32, #tpu.memory_space<vmem>>[vector<16xi32>], vector<16xf32>,
      %add3A_814 = arith.addi %get3A_43, %broadcast_in_dim3A_785 : vector<16xi32>
      %gather3A_815 = tpu.vector_load_idx %arg9[%add3A_814] : memref<12864xf32, #tpu.memory_space<vmem>>[vector<16xi32>], vector<16xf32>,
      %add3A_816 = arith.addi %get3A_45, %broadcast_in_dim3A_785 : vector<16xi32>
      %gather3A_817 = tpu.vector_load_idx %arg9[%add3A_816] : memref<12864xf32, #tpu.memory_space<vmem>>[vector<16xi32>], vector<16xf32>,
      %add3A_818 = arith.addi %get3A_47, %broadcast_in_dim3A_785 : vector<16xi32>
      %gather3A_819 = tpu.vector_load_idx %arg9[%add3A_818] : memref<12864xf32, #tpu.memory_space<vmem>>[vector<16xi32>], vector<16xf32>,
      %add3A_820 = arith.addi %get3A_49, %broadcast_in_dim3A_785 : vector<16xi32>
      %gather3A_821 = tpu.vector_load_idx %arg9[%add3A_820] : memref<12864xf32, #tpu.memory_space<vmem>>[vector<16xi32>], vector<16xf32>,
      %add3A_822 = arith.addi %get3A_51, %broadcast_in_dim3A_785 : vector<16xi32>
      %gather3A_823 = tpu.vector_load_idx %arg9[%add3A_822] : memref<12864xf32, #tpu.memory_space<vmem>>[vector<16xi32>], vector<16xf32>,
      %add3A_824 = arith.addi %get3A_53, %broadcast_in_dim3A_785 : vector<16xi32>
      %gather3A_825 = tpu.vector_load_idx %arg9[%add3A_824] : memref<12864xf32, #tpu.memory_space<vmem>>[vector<16xi32>], vector<16xf32>,
      %add3A_826 = arith.addi %get3A_55, %broadcast_in_dim3A_785 : vector<16xi32>
      %gather3A_827 = tpu.vector_load_idx %arg9[%add3A_826] : memref<12864xf32, #tpu.memory_space<vmem>>[vector<16xi32>], vector<16xf32>,
      %add3A_828 = arith.addf %gather3A_797, %gather3A_813 : vector<16xf32>
      %add3A_829 = arith.addf %add3A_828, %gather3A_795 : vector<16xf32>
      %add3A_830 = arith.addf %gather3A_799, %gather3A_815 : vector<16xf32>
      %add3A_831 = arith.addf %add3A_830, %gather3A_795 : vector<16xf32>
      %add3A_832 = arith.addf %gather3A_801, %gather3A_817 : vector<16xf32>
      %add3A_833 = arith.addf %add3A_832, %gather3A_795 : vector<16xf32>
      %add3A_834 = arith.addf %gather3A_803, %gather3A_819 : vector<16xf32>
      %add3A_835 = arith.addf %add3A_834, %gather3A_795 : vector<16xf32>
      %add3A_836 = arith.addf %gather3A_805, %gather3A_821 : vector<16xf32>
      %add3A_837 = arith.addf %add3A_836, %gather3A_795 : vector<16xf32>
      %add3A_838 = arith.addf %gather3A_807, %gather3A_823 : vector<16xf32>
      %add3A_839 = arith.addf %add3A_838, %gather3A_795 : vector<16xf32>
      %add3A_840 = arith.addf %gather3A_809, %gather3A_825 : vector<16xf32>
      %add3A_841 = arith.addf %add3A_840, %gather3A_795 : vector<16xf32>
      %add3A_842 = arith.addf %gather3A_811, %gather3A_827 : vector<16xf32>
      %add3A_843 = arith.addf %add3A_842, %gather3A_795 : vector<16xf32>
      %mul3A_844 = arith.constant 128 : i32
      %mul3A_845 = arith.muli %add3A_780, %mul3A_844 : i32
      %add3A_846 = arith.constant 0 : i32
      %add3A_847 = arith.addi %mul3A_845, %add3A_846 : i32
      %swap3A = arith.index_cast %add3A_847 : i32 to index
      %swap3A_848 = tpu.vector_load %arg15[%swap3A] {strides = array<i32>} : memref<8192xf32, #tpu.memory_space<vmem>>, vector<16xf32>,
      tpu.vector_store %arg15[%swap3A], %add3A_829 {strides = array<i32>} : memref<8192xf32, #tpu.memory_space<vmem>>, vector<16xf32>,
      %mul3A_849 = arith.constant 128 : i32
      %mul3A_850 = arith.muli %add3A_780, %mul3A_849 : i32
      %add3A_851 = arith.constant 16 : i32
      %add3A_852 = arith.addi %mul3A_850, %add3A_851 : i32
      %swap3A_853 = arith.index_cast %add3A_852 : i32 to index
      %swap3A_854 = tpu.vector_load %arg15[%swap3A_853] {strides = array<i32>} : memref<8192xf32, #tpu.memory_space<vmem>>, vector<16xf32>,
      tpu.vector_store %arg15[%swap3A_853], %add3A_831 {strides = array<i32>} : memref<8192xf32, #tpu.memory_space<vmem>>, vector<16xf32>,
      %mul3A_855 = arith.constant 128 : i32
      %mul3A_856 = arith.muli %add3A_780, %mul3A_855 : i32
      %add3A_857 = arith.constant 32 : i32
      %add3A_858 = arith.addi %mul3A_856, %add3A_857 : i32
      %swap3A_859 = arith.index_cast %add3A_858 : i32 to index
      %swap3A_860 = tpu.vector_load %arg15[%swap3A_859] {strides = array<i32>} : memref<8192xf32, #tpu.memory_space<vmem>>, vector<16xf32>,
      tpu.vector_store %arg15[%swap3A_859], %add3A_833 {strides = array<i32>} : memref<8192xf32, #tpu.memory_space<vmem>>, vector<16xf32>,
      %mul3A_861 = arith.constant 128 : i32
      %mul3A_862 = arith.muli %add3A_780, %mul3A_861 : i32
      %add3A_863 = arith.constant 48 : i32
      %add3A_864 = arith.addi %mul3A_862, %add3A_863 : i32
      %swap3A_865 = arith.index_cast %add3A_864 : i32 to index
      %swap3A_866 = tpu.vector_load %arg15[%swap3A_865] {strides = array<i32>} : memref<8192xf32, #tpu.memory_space<vmem>>, vector<16xf32>,
      tpu.vector_store %arg15[%swap3A_865], %add3A_835 {strides = array<i32>} : memref<8192xf32, #tpu.memory_space<vmem>>, vector<16xf32>,
      %mul3A_867 = arith.constant 128 : i32
      %mul3A_868 = arith.muli %add3A_780, %mul3A_867 : i32
      %add3A_869 = arith.constant 64 : i32
      %add3A_870 = arith.addi %mul3A_868, %add3A_869 : i32
      %swap3A_871 = arith.index_cast %add3A_870 : i32 to index
      %swap3A_872 = tpu.vector_load %arg15[%swap3A_871] {strides = array<i32>} : memref<8192xf32, #tpu.memory_space<vmem>>, vector<16xf32>,
      tpu.vector_store %arg15[%swap3A_871], %add3A_837 {strides = array<i32>} : memref<8192xf32, #tpu.memory_space<vmem>>, vector<16xf32>,
      %mul3A_873 = arith.constant 128 : i32
      %mul3A_874 = arith.muli %add3A_780, %mul3A_873 : i32
      %add3A_875 = arith.constant 80 : i32
      %add3A_876 = arith.addi %mul3A_874, %add3A_875 : i32
      %swap3A_877 = arith.index_cast %add3A_876 : i32 to index
      %swap3A_878 = tpu.vector_load %arg15[%swap3A_877] {strides = array<i32>} : memref<8192xf32, #tpu.memory_space<vmem>>, vector<16xf32>,
      tpu.vector_store %arg15[%swap3A_877], %add3A_839 {strides = array<i32>} : memref<8192xf32, #tpu.memory_space<vmem>>, vector<16xf32>,
      %mul3A_879 = arith.constant 128 : i32
      %mul3A_880 = arith.muli %add3A_780, %mul3A_879 : i32
      %add3A_881 = arith.constant 96 : i32
      %add3A_882 = arith.addi %mul3A_880, %add3A_881 : i32
      %swap3A_883 = arith.index_cast %add3A_882 : i32 to index
      %swap3A_884 = tpu.vector_load %arg15[%swap3A_883] {strides = array<i32>} : memref<8192xf32, #tpu.memory_space<vmem>>, vector<16xf32>,
      tpu.vector_store %arg15[%swap3A_883], %add3A_841 {strides = array<i32>} : memref<8192xf32, #tpu.memory_space<vmem>>, vector<16xf32>,
      %mul3A_885 = arith.constant 128 : i32
      %mul3A_886 = arith.muli %add3A_780, %mul3A_885 : i32
      %add3A_887 = arith.constant 112 : i32
      %add3A_888 = arith.addi %mul3A_886, %add3A_887 : i32
      %swap3A_889 = arith.index_cast %add3A_888 : i32 to index
      %swap3A_890 = tpu.vector_load %arg15[%swap3A_889] {strides = array<i32>} : memref<8192xf32, #tpu.memory_space<vmem>>, vector<16xf32>,
      tpu.vector_store %arg15[%swap3A_889], %add3A_843 {strides = array<i32>} : memref<8192xf32, #tpu.memory_space<vmem>>, vector<16xf32>,
    }
    %scan3A_151 = arith.constant 16 : i32
    %mul3A_152 = arith.constant 0 : i32
    %mul3A_153 = arith.constant 8 : i32
    %mul3A_154 = arith.muli %mul3A_152, %mul3A_153 : i32
    %add3A_155 = arith.constant 0 : i32
    %add3A_156 = arith.addi %mul3A_154, %add3A_155 : i32
    %mul3A_157 = arith.constant 32 : i32
    %mul3A_158 = arith.muli %add3A_156, %mul3A_157 : i32
    %add3A_159 = arith.addi %mul3A_158, %add3A : i32
    %dma_start3A_160 = arith.constant 0 : i32
    %dma_start3A_161 = tpu.memref_slice %arg15[%dma_start3A_160] : memref<8192xf32, #tpu.memory_space<vmem>> -> memref<1024xf32, #tpu.memory_space<vmem>>
    %dma_start3A_162 = arith.constant 0 : i32
    %dma_start3A_163 = tpu.memref_slice %arg7[%add3A_159, %dma_start3A_162] : memref<51200x1024xf32, #tpu.memory_space<hbm>> -> memref<1x1024xf32, #tpu.memory_space<hbm>>
    %dma_start3A_164 = tpu.memref_squeeze %dma_start3A_163 : memref<1x1024xf32, #tpu.memory_space<hbm>> -> memref<1024xf32, #tpu.memory_space<hbm>>
    %dma_start3A_165 = arith.constant 0 : i32
    %dma_start3A_166 = tpu.memref_slice %arg7[%add3A_159, %dma_start3A_165] : memref<51200x1024xf32, #tpu.memory_space<hbm>> -> memref<1x1024xf32, #tpu.memory_space<hbm>>
    %dma_start3A_167 = tpu.memref_squeeze %dma_start3A_166 : memref<1x1024xf32, #tpu.memory_space<hbm>> -> memref<1024xf32, #tpu.memory_space<hbm>>
    %dma_start3A_168 = arith.constant 0 : i32
    %dma_start3A_169 = tpu.memref_slice %arg15[%dma_start3A_168] : memref<8192xf32, #tpu.memory_space<vmem>> -> memref<1024xf32, #tpu.memory_space<vmem>>
    tpu.enqueue_dma source(%dma_start3A_169 : memref<1024xf32, #tpu.memory_space<vmem>>) target(%dma_start3A_167 : memref<1024xf32, #tpu.memory_space<hbm>>) target_semaphore(%arg19 : memref<!tpu.dma_semaphore, #tpu.memory_space<semaphore_mem>>)
    %mul3A_170 = arith.constant 0 : i32
    %mul3A_171 = arith.constant 8 : i32
    %mul3A_172 = arith.muli %mul3A_170, %mul3A_171 : i32
    %add3A_173 = arith.constant 1 : i32
    %add3A_174 = arith.addi %mul3A_172, %add3A_173 : i32
    %mul3A_175 = arith.constant 32 : i32
    %mul3A_176 = arith.muli %add3A_174, %mul3A_175 : i32
    %add3A_177 = arith.addi %mul3A_176, %add3A : i32
    %dma_start3A_178 = arith.constant 1024 : i32
    %dma_start3A_179 = tpu.memref_slice %arg15[%dma_start3A_178] : memref<8192xf32, #tpu.memory_space<vmem>> -> memref<1024xf32, #tpu.memory_space<vmem>>
    %dma_start3A_180 = arith.constant 0 : i32
    %dma_start3A_181 = tpu.memref_slice %arg7[%add3A_177, %dma_start3A_180] : memref<51200x1024xf32, #tpu.memory_space<hbm>> -> memref<1x1024xf32, #tpu.memory_space<hbm>>
    %dma_start3A_182 = tpu.memref_squeeze %dma_start3A_181 : memref<1x1024xf32, #tpu.memory_space<hbm>> -> memref<1024xf32, #tpu.memory_space<hbm>>
    %dma_start3A_183 = arith.constant 0 : i32
    %dma_start3A_184 = tpu.memref_slice %arg7[%add3A_177, %dma_start3A_183] : memref<51200x1024xf32, #tpu.memory_space<hbm>> -> memref<1x1024xf32, #tpu.memory_space<hbm>>
    %dma_start3A_185 = tpu.memref_squeeze %dma_start3A_184 : memref<1x1024xf32, #tpu.memory_space<hbm>> -> memref<1024xf32, #tpu.memory_space<hbm>>
    %dma_start3A_186 = arith.constant 1024 : i32
    %dma_start3A_187 = tpu.memref_slice %arg15[%dma_start3A_186] : memref<8192xf32, #tpu.memory_space<vmem>> -> memref<1024xf32, #tpu.memory_space<vmem>>
    tpu.enqueue_dma source(%dma_start3A_187 : memref<1024xf32, #tpu.memory_space<vmem>>) target(%dma_start3A_185 : memref<1024xf32, #tpu.memory_space<hbm>>) target_semaphore(%arg19 : memref<!tpu.dma_semaphore, #tpu.memory_space<semaphore_mem>>)
    %mul3A_188 = arith.constant 0 : i32
    %mul3A_189 = arith.constant 8 : i32
    %mul3A_190 = arith.muli %mul3A_188, %mul3A_189 : i32
    %add3A_191 = arith.constant 2 : i32
    %add3A_192 = arith.addi %mul3A_190, %add3A_191 : i32
    %mul3A_193 = arith.constant 32 : i32
    %mul3A_194 = arith.muli %add3A_192, %mul3A_193 : i32
    %add3A_195 = arith.addi %mul3A_194, %add3A : i32
    %dma_start3A_196 = arith.constant 2048 : i32
    %dma_start3A_197 = tpu.memref_slice %arg15[%dma_start3A_196] : memref<8192xf32, #tpu.memory_space<vmem>> -> memref<1024xf32, #tpu.memory_space<vmem>>
    %dma_start3A_198 = arith.constant 0 : i32
    %dma_start3A_199 = tpu.memref_slice %arg7[%add3A_195, %dma_start3A_198] : memref<51200x1024xf32, #tpu.memory_space<hbm>> -> memref<1x1024xf32, #tpu.memory_space<hbm>>
    %dma_start3A_200 = tpu.memref_squeeze %dma_start3A_199 : memref<1x1024xf32, #tpu.memory_space<hbm>> -> memref<1024xf32, #tpu.memory_space<hbm>>
    %dma_start3A_201 = arith.constant 0 : i32
    %dma_start3A_202 = tpu.memref_slice %arg7[%add3A_195, %dma_start3A_201] : memref<51200x1024xf32, #tpu.memory_space<hbm>> -> memref<1x1024xf32, #tpu.memory_space<hbm>>
    %dma_start3A_203 = tpu.memref_squeeze %dma_start3A_202 : memref<1x1024xf32, #tpu.memory_space<hbm>> -> memref<1024xf32, #tpu.memory_space<hbm>>
    %dma_start3A_204 = arith.constant 2048 : i32
    %dma_start3A_205 = tpu.memref_slice %arg15[%dma_start3A_204] : memref<8192xf32, #tpu.memory_space<vmem>> -> memref<1024xf32, #tpu.memory_space<vmem>>
    tpu.enqueue_dma source(%dma_start3A_205 : memref<1024xf32, #tpu.memory_space<vmem>>) target(%dma_start3A_203 : memref<1024xf32, #tpu.memory_space<hbm>>) target_semaphore(%arg19 : memref<!tpu.dma_semaphore, #tpu.memory_space<semaphore_mem>>)
    %mul3A_206 = arith.constant 0 : i32
    %mul3A_207 = arith.constant 8 : i32
    %mul3A_208 = arith.muli %mul3A_206, %mul3A_207 : i32
    %add3A_209 = arith.constant 3 : i32
    %add3A_210 = arith.addi %mul3A_208, %add3A_209 : i32
    %mul3A_211 = arith.constant 32 : i32
    %mul3A_212 = arith.muli %add3A_210, %mul3A_211 : i32
    %add3A_213 = arith.addi %mul3A_212, %add3A : i32
    %dma_start3A_214 = arith.constant 3072 : i32
    %dma_start3A_215 = tpu.memref_slice %arg15[%dma_start3A_214] : memref<8192xf32, #tpu.memory_space<vmem>> -> memref<1024xf32, #tpu.memory_space<vmem>>
    %dma_start3A_216 = arith.constant 0 : i32
    %dma_start3A_217 = tpu.memref_slice %arg7[%add3A_213, %dma_start3A_216] : memref<51200x1024xf32, #tpu.memory_space<hbm>> -> memref<1x1024xf32, #tpu.memory_space<hbm>>
    %dma_start3A_218 = tpu.memref_squeeze %dma_start3A_217 : memref<1x1024xf32, #tpu.memory_space<hbm>> -> memref<1024xf32, #tpu.memory_space<hbm>>
    %dma_start3A_219 = arith.constant 0 : i32
    %dma_start3A_220 = tpu.memref_slice %arg7[%add3A_213, %dma_start3A_219] : memref<51200x1024xf32, #tpu.memory_space<hbm>> -> memref<1x1024xf32, #tpu.memory_space<hbm>>
    %dma_start3A_221 = tpu.memref_squeeze %dma_start3A_220 : memref<1x1024xf32, #tpu.memory_space<hbm>> -> memref<1024xf32, #tpu.memory_space<hbm>>
    %dma_start3A_222 = arith.constant 3072 : i32
    %dma_start3A_223 = tpu.memref_slice %arg15[%dma_start3A_222] : memref<8192xf32, #tpu.memory_space<vmem>> -> memref<1024xf32, #tpu.memory_space<vmem>>
    tpu.enqueue_dma source(%dma_start3A_223 : memref<1024xf32, #tpu.memory_space<vmem>>) target(%dma_start3A_221 : memref<1024xf32, #tpu.memory_space<hbm>>) target_semaphore(%arg19 : memref<!tpu.dma_semaphore, #tpu.memory_space<semaphore_mem>>)
    %mul3A_224 = arith.constant 0 : i32
    %mul3A_225 = arith.constant 8 : i32
    %mul3A_226 = arith.muli %mul3A_224, %mul3A_225 : i32
    %add3A_227 = arith.constant 4 : i32
    %add3A_228 = arith.addi %mul3A_226, %add3A_227 : i32
    %mul3A_229 = arith.constant 32 : i32
    %mul3A_230 = arith.muli %add3A_228, %mul3A_229 : i32
    %add3A_231 = arith.addi %mul3A_230, %add3A : i32
    %dma_start3A_232 = arith.constant 4096 : i32
    %dma_start3A_233 = tpu.memref_slice %arg15[%dma_start3A_232] : memref<8192xf32, #tpu.memory_space<vmem>> -> memref<1024xf32, #tpu.memory_space<vmem>>
    %dma_start3A_234 = arith.constant 0 : i32
    %dma_start3A_235 = tpu.memref_slice %arg7[%add3A_231, %dma_start3A_234] : memref<51200x1024xf32, #tpu.memory_space<hbm>> -> memref<1x1024xf32, #tpu.memory_space<hbm>>
    %dma_start3A_236 = tpu.memref_squeeze %dma_start3A_235 : memref<1x1024xf32, #tpu.memory_space<hbm>> -> memref<1024xf32, #tpu.memory_space<hbm>>
    %dma_start3A_237 = arith.constant 0 : i32
    %dma_start3A_238 = tpu.memref_slice %arg7[%add3A_231, %dma_start3A_237] : memref<51200x1024xf32, #tpu.memory_space<hbm>> -> memref<1x1024xf32, #tpu.memory_space<hbm>>
    %dma_start3A_239 = tpu.memref_squeeze %dma_start3A_238 : memref<1x1024xf32, #tpu.memory_space<hbm>> -> memref<1024xf32, #tpu.memory_space<hbm>>
    %dma_start3A_240 = arith.constant 4096 : i32
    %dma_start3A_241 = tpu.memref_slice %arg15[%dma_start3A_240] : memref<8192xf32, #tpu.memory_space<vmem>> -> memref<1024xf32, #tpu.memory_space<vmem>>
    tpu.enqueue_dma source(%dma_start3A_241 : memref<1024xf32, #tpu.memory_space<vmem>>) target(%dma_start3A_239 : memref<1024xf32, #tpu.memory_space<hbm>>) target_semaphore(%arg19 : memref<!tpu.dma_semaphore, #tpu.memory_space<semaphore_mem>>)
    %mul3A_242 = arith.constant 0 : i32
    %mul3A_243 = arith.constant 8 : i32
    %mul3A_244 = arith.muli %mul3A_242, %mul3A_243 : i32
    %add3A_245 = arith.constant 5 : i32
    %add3A_246 = arith.addi %mul3A_244, %add3A_245 : i32
    %mul3A_247 = arith.constant 32 : i32
    %mul3A_248 = arith.muli %add3A_246, %mul3A_247 : i32
    %add3A_249 = arith.addi %mul3A_248, %add3A : i32
    %dma_start3A_250 = arith.constant 5120 : i32
    %dma_start3A_251 = tpu.memref_slice %arg15[%dma_start3A_250] : memref<8192xf32, #tpu.memory_space<vmem>> -> memref<1024xf32, #tpu.memory_space<vmem>>
    %dma_start3A_252 = arith.constant 0 : i32
    %dma_start3A_253 = tpu.memref_slice %arg7[%add3A_249, %dma_start3A_252] : memref<51200x1024xf32, #tpu.memory_space<hbm>> -> memref<1x1024xf32, #tpu.memory_space<hbm>>
    %dma_start3A_254 = tpu.memref_squeeze %dma_start3A_253 : memref<1x1024xf32, #tpu.memory_space<hbm>> -> memref<1024xf32, #tpu.memory_space<hbm>>
    %dma_start3A_255 = arith.constant 0 : i32
    %dma_start3A_256 = tpu.memref_slice %arg7[%add3A_249, %dma_start3A_255] : memref<51200x1024xf32, #tpu.memory_space<hbm>> -> memref<1x1024xf32, #tpu.memory_space<hbm>>
    %dma_start3A_257 = tpu.memref_squeeze %dma_start3A_256 : memref<1x1024xf32, #tpu.memory_space<hbm>> -> memref<1024xf32, #tpu.memory_space<hbm>>
    %dma_start3A_258 = arith.constant 5120 : i32
    %dma_start3A_259 = tpu.memref_slice %arg15[%dma_start3A_258] : memref<8192xf32, #tpu.memory_space<vmem>> -> memref<1024xf32, #tpu.memory_space<vmem>>
    tpu.enqueue_dma source(%dma_start3A_259 : memref<1024xf32, #tpu.memory_space<vmem>>) target(%dma_start3A_257 : memref<1024xf32, #tpu.memory_space<hbm>>) target_semaphore(%arg19 : memref<!tpu.dma_semaphore, #tpu.memory_space<semaphore_mem>>)
    %mul3A_260 = arith.constant 0 : i32
    %mul3A_261 = arith.constant 8 : i32
    %mul3A_262 = arith.muli %mul3A_260, %mul3A_261 : i32
    %add3A_263 = arith.constant 6 : i32
    %add3A_264 = arith.addi %mul3A_262, %add3A_263 : i32
    %mul3A_265 = arith.constant 32 : i32
    %mul3A_266 = arith.muli %add3A_264, %mul3A_265 : i32
    %add3A_267 = arith.addi %mul3A_266, %add3A : i32
    %dma_start3A_268 = arith.constant 6144 : i32
    %dma_start3A_269 = tpu.memref_slice %arg15[%dma_start3A_268] : memref<8192xf32, #tpu.memory_space<vmem>> -> memref<1024xf32, #tpu.memory_space<vmem>>
    %dma_start3A_270 = arith.constant 0 : i32
    %dma_start3A_271 = tpu.memref_slice %arg7[%add3A_267, %dma_start3A_270] : memref<51200x1024xf32, #tpu.memory_space<hbm>> -> memref<1x1024xf32, #tpu.memory_space<hbm>>
    %dma_start3A_272 = tpu.memref_squeeze %dma_start3A_271 : memref<1x1024xf32, #tpu.memory_space<hbm>> -> memref<1024xf32, #tpu.memory_space<hbm>>
    %dma_start3A_273 = arith.constant 0 : i32
    %dma_start3A_274 = tpu.memref_slice %arg7[%add3A_267, %dma_start3A_273] : memref<51200x1024xf32, #tpu.memory_space<hbm>> -> memref<1x1024xf32, #tpu.memory_space<hbm>>
    %dma_start3A_275 = tpu.memref_squeeze %dma_start3A_274 : memref<1x1024xf32, #tpu.memory_space<hbm>> -> memref<1024xf32, #tpu.memory_space<hbm>>
    %dma_start3A_276 = arith.constant 6144 : i32
    %dma_start3A_277 = tpu.memref_slice %arg15[%dma_start3A_276] : memref<8192xf32, #tpu.memory_space<vmem>> -> memref<1024xf32, #tpu.memory_space<vmem>>
    tpu.enqueue_dma source(%dma_start3A_277 : memref<1024xf32, #tpu.memory_space<vmem>>) target(%dma_start3A_275 : memref<1024xf32, #tpu.memory_space<hbm>>) target_semaphore(%arg19 : memref<!tpu.dma_semaphore, #tpu.memory_space<semaphore_mem>>)
    %mul3A_278 = arith.constant 0 : i32
    %mul3A_279 = arith.constant 8 : i32
    %mul3A_280 = arith.muli %mul3A_278, %mul3A_279 : i32
    %add3A_281 = arith.constant 7 : i32
    %add3A_282 = arith.addi %mul3A_280, %add3A_281 : i32
    %mul3A_283 = arith.constant 32 : i32
    %mul3A_284 = arith.muli %add3A_282, %mul3A_283 : i32
    %add3A_285 = arith.addi %mul3A_284, %add3A : i32
    %dma_start3A_286 = arith.constant 7168 : i32
    %dma_start3A_287 = tpu.memref_slice %arg15[%dma_start3A_286] : memref<8192xf32, #tpu.memory_space<vmem>> -> memref<1024xf32, #tpu.memory_space<vmem>>
    %dma_start3A_288 = arith.constant 0 : i32
    %dma_start3A_289 = tpu.memref_slice %arg7[%add3A_285, %dma_start3A_288] : memref<51200x1024xf32, #tpu.memory_space<hbm>> -> memref<1x1024xf32, #tpu.memory_space<hbm>>
    %dma_start3A_290 = tpu.memref_squeeze %dma_start3A_289 : memref<1x1024xf32, #tpu.memory_space<hbm>> -> memref<1024xf32, #tpu.memory_space<hbm>>
    %dma_start3A_291 = arith.constant 0 : i32
    %dma_start3A_292 = tpu.memref_slice %arg7[%add3A_285, %dma_start3A_291] : memref<51200x1024xf32, #tpu.memory_space<hbm>> -> memref<1x1024xf32, #tpu.memory_space<hbm>>
    %dma_start3A_293 = tpu.memref_squeeze %dma_start3A_292 : memref<1x1024xf32, #tpu.memory_space<hbm>> -> memref<1024xf32, #tpu.memory_space<hbm>>
    %dma_start3A_294 = arith.constant 7168 : i32
    %dma_start3A_295 = tpu.memref_slice %arg15[%dma_start3A_294] : memref<8192xf32, #tpu.memory_space<vmem>> -> memref<1024xf32, #tpu.memory_space<vmem>>
    tpu.enqueue_dma source(%dma_start3A_295 : memref<1024xf32, #tpu.memory_space<vmem>>) target(%dma_start3A_293 : memref<1024xf32, #tpu.memory_space<hbm>>) target_semaphore(%arg19 : memref<!tpu.dma_semaphore, #tpu.memory_space<semaphore_mem>>)
    %get3A_296 = arith.constant 0 : index
    %get3A_297 = tpu.vector_load %arg12[%get3A_296] {strides = array<i32>} : memref<128xi32, #tpu.memory_space<vmem>>, vector<16xi32>,
    %get3A_298 = arith.constant 16 : index
    %get3A_299 = tpu.vector_load %arg12[%get3A_298] {strides = array<i32>} : memref<128xi32, #tpu.memory_space<vmem>>, vector<16xi32>,
    %get3A_300 = arith.constant 32 : index
    %get3A_301 = tpu.vector_load %arg12[%get3A_300] {strides = array<i32>} : memref<128xi32, #tpu.memory_space<vmem>>, vector<16xi32>,
    %get3A_302 = arith.constant 48 : index
    %get3A_303 = tpu.vector_load %arg12[%get3A_302] {strides = array<i32>} : memref<128xi32, #tpu.memory_space<vmem>>, vector<16xi32>,
    %get3A_304 = arith.constant 64 : index
    %get3A_305 = tpu.vector_load %arg12[%get3A_304] {strides = array<i32>} : memref<128xi32, #tpu.memory_space<vmem>>, vector<16xi32>,
    %get3A_306 = arith.constant 80 : index
    %get3A_307 = tpu.vector_load %arg12[%get3A_306] {strides = array<i32>} : memref<128xi32, #tpu.memory_space<vmem>>, vector<16xi32>,
    %get3A_308 = arith.constant 96 : index
    %get3A_309 = tpu.vector_load %arg12[%get3A_308] {strides = array<i32>} : memref<128xi32, #tpu.memory_space<vmem>>, vector<16xi32>,
    %get3A_310 = arith.constant 112 : index
    %get3A_311 = tpu.vector_load %arg12[%get3A_310] {strides = array<i32>} : memref<128xi32, #tpu.memory_space<vmem>>, vector<16xi32>,
    %get3A_312 = arith.constant 0 : index
    %get3A_313 = tpu.vector_load %arg14[%get3A_312] {strides = array<i32>} : memref<128xi32, #tpu.memory_space<vmem>>, vector<16xi32>,
    %get3A_314 = arith.constant 16 : index
    %get3A_315 = tpu.vector_load %arg14[%get3A_314] {strides = array<i32>} : memref<128xi32, #tpu.memory_space<vmem>>, vector<16xi32>,
    %get3A_316 = arith.constant 32 : index
    %get3A_317 = tpu.vector_load %arg14[%get3A_316] {strides = array<i32>} : memref<128xi32, #tpu.memory_space<vmem>>, vector<16xi32>,
    %get3A_318 = arith.constant 48 : index
    %get3A_319 = tpu.vector_load %arg14[%get3A_318] {strides = array<i32>} : memref<128xi32, #tpu.memory_space<vmem>>, vector<16xi32>,
    %get3A_320 = arith.constant 64 : index
    %get3A_321 = tpu.vector_load %arg14[%get3A_320] {strides = array<i32>} : memref<128xi32, #tpu.memory_space<vmem>>, vector<16xi32>,
    %get3A_322 = arith.constant 80 : index
    %get3A_323 = tpu.vector_load %arg14[%get3A_322] {strides = array<i32>} : memref<128xi32, #tpu.memory_space<vmem>>, vector<16xi32>,
    %get3A_324 = arith.constant 96 : index
    %get3A_325 = tpu.vector_load %arg14[%get3A_324] {strides = array<i32>} : memref<128xi32, #tpu.memory_space<vmem>>, vector<16xi32>,
    %get3A_326 = arith.constant 112 : index
    %get3A_327 = tpu.vector_load %arg14[%get3A_326] {strides = array<i32>} : memref<128xi32, #tpu.memory_space<vmem>>, vector<16xi32>,
    %add3A_328 = arith.constant 1 : i32
    %add3A_329 = arith.constant 2 : i32
    %add3A_330 = arith.addi %add3A_328, %add3A_329 : i32
    %min3A_331 = arith.constant 199 : i32
    %min3A_332 = arith.minsi %add3A_330, %min3A_331 : i32
    %jit3A_333 = arith.constant 8 : i32
    %div3A_334 = arith.divsi %min3A_332, %jit3A_333 : i32
    %sign3A_335 = arith.constant 0 : i32
    %sign3A_336 = arith.cmpi sgt, %min3A_332, %sign3A_335 : i32
    %sign3A_337 = arith.extui %sign3A_336 : i1 to i32
    %sign3A_338 = arith.constant 0 : i32
    %sign3A_339 = arith.cmpi slt, %min3A_332, %sign3A_338 : i32
    %sign3A_340 = arith.extui %sign3A_339 : i1 to i32
    %sign3A_341 = arith.subi %sign3A_337, %sign3A_340 : i32
    %sign3A_342 = arith.constant 0 : i32
    %sign3A_343 = arith.cmpi sgt, %jit3A_333, %sign3A_342 : i32
    %sign3A_344 = arith.extui %sign3A_343 : i1 to i32
    %sign3A_345 = arith.constant 0 : i32
    %sign3A_346 = arith.cmpi slt, %jit3A_333, %sign3A_345 : i32
    %sign3A_347 = arith.extui %sign3A_346 : i1 to i32
    %sign3A_348 = arith.subi %sign3A_344, %sign3A_347 : i32
    %ne3A_349 = arith.cmpi ne, %sign3A_341, %sign3A_348 : i32
    %rem3A_350 = arith.remsi %min3A_332, %jit3A_333 : i32
    %ne3A_351 = arith.constant 0 : i32
    %ne3A_352 = arith.cmpi ne, %rem3A_350, %ne3A_351 : i32
    %and3A_353 = arith.andi %ne3A_349, %ne3A_352 : i1
    %sub3A_354 = arith.constant 1 : i32
    %sub3A_355 = arith.subi %div3A_334, %sub3A_354 : i32
    %select_n3A_356 = arith.select %and3A_353, %sub3A_355, %div3A_334 : i32
    %mul3A_357 = arith.constant 32 : i32
    %mul3A_358 = arith.muli %select_n3A_356, %mul3A_357 : i32
    %add3A_359 = arith.addi %mul3A_358, %add3A : i32
    %mul3A_360 = arith.constant 1024 : i32
    %mul3A_361 = arith.muli %add3A_359, %mul3A_360 : i32
    %jit3A_362 = arith.constant 8 : i32
    %eq3A_363 = arith.constant 0 : i32
    %eq3A_364 = arith.cmpi eq, %jit3A_362, %eq3A_363 : i32
    %jit3A_365 = arith.constant 1 : i32
    %select_n3A_366 = arith.select %eq3A_364, %jit3A_365, %jit3A_362 : i32
    %rem3A_367 = arith.remsi %min3A_332, %select_n3A_366 : i32
    %ne3A_368 = arith.constant 0 : i32
    %ne3A_369 = arith.cmpi ne, %rem3A_367, %ne3A_368 : i32
    %lt3A_370 = arith.constant 0 : i32
    %lt3A_371 = arith.cmpi slt, %rem3A_367, %lt3A_370 : i32
    %lt3A_372 = arith.constant 0 : i32
    %lt3A_373 = arith.cmpi slt, %select_n3A_366, %lt3A_372 : i32
    %ne3A_374 = arith.xori %lt3A_371, %lt3A_373 : i1
    %and3A_375 = arith.andi %ne3A_374, %ne3A_369 : i1
    %add3A_376 = arith.addi %rem3A_367, %select_n3A_366 : i32
    %select_n3A_377 = arith.select %and3A_375, %add3A_376, %rem3A_367 : i32
    %mul3A_378 = arith.constant 128 : i32
    %mul3A_379 = arith.muli %select_n3A_377, %mul3A_378 : i32
    %add3A_380 = arith.addi %mul3A_361, %mul3A_379 : i32
    %dma_start3A_381 = tpu.memref_slice %arg2[%add3A_380] : memref<819200xi32, #tpu.memory_space<hbm>> -> memref<128xi32, #tpu.memory_space<hbm>>
    %dma_start3A_382 = tpu.memref_slice %arg2[%add3A_380] : memref<819200xi32, #tpu.memory_space<hbm>> -> memref<128xi32, #tpu.memory_space<hbm>>
    tpu.enqueue_dma source(%dma_start3A_382 : memref<128xi32, #tpu.memory_space<hbm>>) target(%arg12 : memref<128xi32, #tpu.memory_space<vmem>>) target_semaphore(%arg18 : memref<!tpu.dma_semaphore, #tpu.memory_space<semaphore_mem>>)
    %dma_start3A_383 = tpu.memref_slice %arg3[%add3A_380] : memref<819200xi32, #tpu.memory_space<hbm>> -> memref<128xi32, #tpu.memory_space<hbm>>
    %dma_start3A_384 = tpu.memref_slice %arg3[%add3A_380] : memref<819200xi32, #tpu.memory_space<hbm>> -> memref<128xi32, #tpu.memory_space<hbm>>
    tpu.enqueue_dma source(%dma_start3A_384 : memref<128xi32, #tpu.memory_space<hbm>>) target(%arg14 : memref<128xi32, #tpu.memory_space<vmem>>) target_semaphore(%arg18 : memref<!tpu.dma_semaphore, #tpu.memory_space<semaphore_mem>>)
    %mul3A_385 = arith.constant 1 : i32
    %mul3A_386 = arith.constant 64 : i32
    %mul3A_387 = arith.muli %mul3A_385, %mul3A_386 : i32
    %add3A_388 = arith.constant 0 : i32
    %add3A_389 = arith.addi %mul3A_387, %add3A_388 : i32
    %get3A_390 = arith.index_cast %add3A_389 : i32 to index
    %get3A_391 = tpu.vector_load %arg10[%get3A_390] {strides = array<i32>} : memref<12800xf32, #tpu.memory_space<vmem>>, vector<16xf32>,
    %mul3A_392 = arith.constant 1 : i32
    %mul3A_393 = arith.constant 64 : i32
    %mul3A_394 = arith.muli %mul3A_392, %mul3A_393 : i32
    %add3A_395 = arith.constant 16 : i32
    %add3A_396 = arith.addi %mul3A_394, %add3A_395 : i32
    %get3A_397 = arith.index_cast %add3A_396 : i32 to index
    %get3A_398 = tpu.vector_load %arg10[%get3A_397] {strides = array<i32>} : memref<12800xf32, #tpu.memory_space<vmem>>, vector<16xf32>,
    %mul3A_399 = arith.constant 1 : i32
    %mul3A_400 = arith.constant 64 : i32
    %mul3A_401 = arith.muli %mul3A_399, %mul3A_400 : i32
    %add3A_402 = arith.constant 32 : i32
    %add3A_403 = arith.addi %mul3A_401, %add3A_402 : i32
    %get3A_404 = arith.index_cast %add3A_403 : i32 to index
    %get3A_405 = tpu.vector_load %arg10[%get3A_404] {strides = array<i32>} : memref<12800xf32, #tpu.memory_space<vmem>>, vector<16xf32>,
    %mul3A_406 = arith.constant 1 : i32
    %mul3A_407 = arith.constant 64 : i32
    %mul3A_408 = arith.muli %mul3A_406, %mul3A_407 : i32
    %add3A_409 = arith.constant 48 : i32
    %add3A_410 = arith.addi %mul3A_408, %add3A_409 : i32
    %get3A_411 = arith.index_cast %add3A_410 : i32 to index
    %get3A_412 = tpu.vector_load %arg10[%get3A_411] {strides = array<i32>} : memref<12800xf32, #tpu.memory_space<vmem>>, vector<16xf32>,
    %scan3A_413 = arith.constant 0 : i32
    %scan3A_414 = arith.constant 0 : i32
    %scan3A_415 = arith.constant 16 : i32
    %scan3A_416 = arith.addi %scan3A_414, %scan3A_415 : i32
    %scan3A_417 = arith.constant 1 : i32
    scf.for %scan3A_778 = %scan3A_414 to %scan3A_416 step %scan3A_417  : i32 {
      %add3A_779 = arith.constant 0 : i32
      %add3A_780 = arith.addi %add3A_779, %scan3A_778 : i32
      %mul3A_781 = arith.constant 1000 : i32
      %mul3A_782 = arith.muli %add3A_780, %mul3A_781 : i32
      %broadcast_in_dim3A = vector.broadcast %mul3A_782 : i32 to vector<16xi32>
      %mul3A_783 = arith.constant 201 : i32
      %mul3A_784 = arith.muli %add3A_780, %mul3A_783 : i32
      %broadcast_in_dim3A_785 = vector.broadcast %mul3A_784 : i32 to vector<16xi32>
      %broadcast_in_dim3A_786 = vector.broadcast %scan3A_778 : i32 to vector<16xi32>
      %lt3A_787 = arith.constant 0 : i32
      %lt3A_788 = vector.broadcast %lt3A_787 : i32 to vector<16xi32>
      %lt3A_789 = arith.cmpi slt, %broadcast_in_dim3A_786, %lt3A_788 : vector<16xi32>
      %add3A_790 = arith.constant 16 : i32
      %add3A_791 = vector.broadcast %add3A_790 : i32 to vector<16xi32>
      %add3A_792 = arith.addi %broadcast_in_dim3A_786, %add3A_791 : vector<16xi32>
      %select_n3A_793 = arith.select %lt3A_789, %add3A_792, %broadcast_in_dim3A_786 : vector<16xi1>, vector<16xi32>
      %broadcast_in_dim3A_794 = vector.shape_cast %select_n3A_793 : vector<16xi32> to vector<16x1xi32>
      %gather3A = vector.shape_cast %broadcast_in_dim3A_794 : vector<16x1xi32> to vector<16xi32>
      %gather3A_795 = tpu.dynamic_gather %get3A_391[%gather3A] in [0] : vector<16xf32>, vector<16xi32> -> vector<16xf32>
      %add3A_796 = arith.addi %get3A_297, %broadcast_in_dim3A : vector<16xi32>
      %gather3A_797 = tpu.vector_load_idx %arg8[%add3A_796] : memref<64000xf32, #tpu.memory_space<vmem>>[vector<16xi32>], vector<16xf32>,
      %add3A_798 = arith.addi %get3A_299, %broadcast_in_dim3A : vector<16xi32>
      %gather3A_799 = tpu.vector_load_idx %arg8[%add3A_798] : memref<64000xf32, #tpu.memory_space<vmem>>[vector<16xi32>], vector<16xf32>,
      %add3A_800 = arith.addi %get3A_301, %broadcast_in_dim3A : vector<16xi32>
      %gather3A_801 = tpu.vector_load_idx %arg8[%add3A_800] : memref<64000xf32, #tpu.memory_space<vmem>>[vector<16xi32>], vector<16xf32>,
      %add3A_802 = arith.addi %get3A_303, %broadcast_in_dim3A : vector<16xi32>
      %gather3A_803 = tpu.vector_load_idx %arg8[%add3A_802] : memref<64000xf32, #tpu.memory_space<vmem>>[vector<16xi32>], vector<16xf32>,
      %add3A_804 = arith.addi %get3A_305, %broadcast_in_dim3A : vector<16xi32>
      %gather3A_805 = tpu.vector_load_idx %arg8[%add3A_804] : memref<64000xf32, #tpu.memory_space<vmem>>[vector<16xi32>], vector<16xf32>,
      %add3A_806 = arith.addi %get3A_307, %broadcast_in_dim3A : vector<16xi32>
      %gather3A_807 = tpu.vector_load_idx %arg8[%add3A_806] : memref<64000xf32, #tpu.memory_space<vmem>>[vector<16xi32>], vector<16xf32>,
      %add3A_808 = arith.addi %get3A_309, %broadcast_in_dim3A : vector<16xi32>
      %gather3A_809 = tpu.vector_load_idx %arg8[%add3A_808] : memref<64000xf32, #tpu.memory_space<vmem>>[vector<16xi32>], vector<16xf32>,
      %add3A_810 = arith.addi %get3A_311, %broadcast_in_dim3A : vector<16xi32>
      %gather3A_811 = tpu.vector_load_idx %arg8[%add3A_810] : memref<64000xf32, #tpu.memory_space<vmem>>[vector<16xi32>], vector<16xf32>,
      %add3A_812 = arith.addi %get3A_313, %broadcast_in_dim3A_785 : vector<16xi32>
      %gather3A_813 = tpu.vector_load_idx %arg9[%add3A_812] : memref<12864xf32, #tpu.memory_space<vmem>>[vector<16xi32>], vector<16xf32>,
      %add3A_814 = arith.addi %get3A_315, %broadcast_in_dim3A_785 : vector<16xi32>
      %gather3A_815 = tpu.vector_load_idx %arg9[%add3A_814] : memref<12864xf32, #tpu.memory_space<vmem>>[vector<16xi32>], vector<16xf32>,
      %add3A_816 = arith.addi %get3A_317, %broadcast_in_dim3A_785 : vector<16xi32>
      %gather3A_817 = tpu.vector_load_idx %arg9[%add3A_816] : memref<12864xf32, #tpu.memory_space<vmem>>[vector<16xi32>], vector<16xf32>,
      %add3A_818 = arith.addi %get3A_319, %broadcast_in_dim3A_785 : vector<16xi32>
      %gather3A_819 = tpu.vector_load_idx %arg9[%add3A_818] : memref<12864xf32, #tpu.memory_space<vmem>>[vector<16xi32>], vector<16xf32>,
      %add3A_820 = arith.addi %get3A_321, %broadcast_in_dim3A_785 : vector<16xi32>
      %gather3A_821 = tpu.vector_load_idx %arg9[%add3A_820] : memref<12864xf32, #tpu.memory_space<vmem>>[vector<16xi32>], vector<16xf32>,
      %add3A_822 = arith.addi %get3A_323, %broadcast_in_dim3A_785 : vector<16xi32>
      %gather3A_823 = tpu.vector_load_idx %arg9[%add3A_822] : memref<12864xf32, #tpu.memory_space<vmem>>[vector<16xi32>], vector<16xf32>,
      %add3A_824 = arith.addi %get3A_325, %broadcast_in_dim3A_785 : vector<16xi32>
      %gather3A_825 = tpu.vector_load_idx %arg9[%add3A_824] : memref<12864xf32, #tpu.memory_space<vmem>>[vector<16xi32>], vector<16xf32>,
      %add3A_826 = arith.addi %get3A_327, %broadcast_in_dim3A_785 : vector<16xi32>
      %gather3A_827 = tpu.vector_load_idx %arg9[%add3A_826] : memref<12864xf32, #tpu.memory_space<vmem>>[vector<16xi32>], vector<16xf32>,
      %add3A_828 = arith.addf %gather3A_797, %gather3A_813 : vector<16xf32>
      %add3A_829 = arith.addf %add3A_828, %gather3A_795 : vector<16xf32>
      %add3A_830 = arith.addf %gather3A_799, %gather3A_815 : vector<16xf32>
      %add3A_831 = arith.addf %add3A_830, %gather3A_795 : vector<16xf32>
      %add3A_832 = arith.addf %gather3A_801, %gather3A_817 : vector<16xf32>
      %add3A_833 = arith.addf %add3A_832, %gather3A_795 : vector<16xf32>
      %add3A_834 = arith.addf %gather3A_803, %gather3A_819 : vector<16xf32>
      %add3A_835 = arith.addf %add3A_834, %gather3A_795 : vector<16xf32>
      %add3A_836 = arith.addf %gather3A_805, %gather3A_821 : vector<16xf32>
      %add3A_837 = arith.addf %add3A_836, %gather3A_795 : vector<16xf32>
      %add3A_838 = arith.addf %gather3A_807, %gather3A_823 : vector<16xf32>
      %add3A_839 = arith.addf %add3A_838, %gather3A_795 : vector<16xf32>
      %add3A_840 = arith.addf %gather3A_809, %gather3A_825 : vector<16xf32>
      %add3A_841 = arith.addf %add3A_840, %gather3A_795 : vector<16xf32>
      %add3A_842 = arith.addf %gather3A_811, %gather3A_827 : vector<16xf32>
      %add3A_843 = arith.addf %add3A_842, %gather3A_795 : vector<16xf32>
      %mul3A_844 = arith.constant 128 : i32
      %mul3A_845 = arith.muli %add3A_780, %mul3A_844 : i32
      %add3A_846 = arith.constant 0 : i32
      %add3A_847 = arith.addi %mul3A_845, %add3A_846 : i32
      %swap3A = arith.index_cast %add3A_847 : i32 to index
      %swap3A_848 = tpu.vector_load %arg16[%swap3A] {strides = array<i32>} : memref<8192xf32, #tpu.memory_space<vmem>>, vector<16xf32>,
      tpu.vector_store %arg16[%swap3A], %add3A_829 {strides = array<i32>} : memref<8192xf32, #tpu.memory_space<vmem>>, vector<16xf32>,
      %mul3A_849 = arith.constant 128 : i32
      %mul3A_850 = arith.muli %add3A_780, %mul3A_849 : i32
      %add3A_851 = arith.constant 16 : i32
      %add3A_852 = arith.addi %mul3A_850, %add3A_851 : i32
      %swap3A_853 = arith.index_cast %add3A_852 : i32 to index
      %swap3A_854 = tpu.vector_load %arg16[%swap3A_853] {strides = array<i32>} : memref<8192xf32, #tpu.memory_space<vmem>>, vector<16xf32>,
      tpu.vector_store %arg16[%swap3A_853], %add3A_831 {strides = array<i32>} : memref<8192xf32, #tpu.memory_space<vmem>>, vector<16xf32>,
      %mul3A_855 = arith.constant 128 : i32
      %mul3A_856 = arith.muli %add3A_780, %mul3A_855 : i32
      %add3A_857 = arith.constant 32 : i32
      %add3A_858 = arith.addi %mul3A_856, %add3A_857 : i32
      %swap3A_859 = arith.index_cast %add3A_858 : i32 to index
      %swap3A_860 = tpu.vector_load %arg16[%swap3A_859] {strides = array<i32>} : memref<8192xf32, #tpu.memory_space<vmem>>, vector<16xf32>,
      tpu.vector_store %arg16[%swap3A_859], %add3A_833 {strides = array<i32>} : memref<8192xf32, #tpu.memory_space<vmem>>, vector<16xf32>,
      %mul3A_861 = arith.constant 128 : i32
      %mul3A_862 = arith.muli %add3A_780, %mul3A_861 : i32
      %add3A_863 = arith.constant 48 : i32
      %add3A_864 = arith.addi %mul3A_862, %add3A_863 : i32
      %swap3A_865 = arith.index_cast %add3A_864 : i32 to index
      %swap3A_866 = tpu.vector_load %arg16[%swap3A_865] {strides = array<i32>} : memref<8192xf32, #tpu.memory_space<vmem>>, vector<16xf32>,
      tpu.vector_store %arg16[%swap3A_865], %add3A_835 {strides = array<i32>} : memref<8192xf32, #tpu.memory_space<vmem>>, vector<16xf32>,
      %mul3A_867 = arith.constant 128 : i32
      %mul3A_868 = arith.muli %add3A_780, %mul3A_867 : i32
      %add3A_869 = arith.constant 64 : i32
      %add3A_870 = arith.addi %mul3A_868, %add3A_869 : i32
      %swap3A_871 = arith.index_cast %add3A_870 : i32 to index
      %swap3A_872 = tpu.vector_load %arg16[%swap3A_871] {strides = array<i32>} : memref<8192xf32, #tpu.memory_space<vmem>>, vector<16xf32>,
      tpu.vector_store %arg16[%swap3A_871], %add3A_837 {strides = array<i32>} : memref<8192xf32, #tpu.memory_space<vmem>>, vector<16xf32>,
      %mul3A_873 = arith.constant 128 : i32
      %mul3A_874 = arith.muli %add3A_780, %mul3A_873 : i32
      %add3A_875 = arith.constant 80 : i32
      %add3A_876 = arith.addi %mul3A_874, %add3A_875 : i32
      %swap3A_877 = arith.index_cast %add3A_876 : i32 to index
      %swap3A_878 = tpu.vector_load %arg16[%swap3A_877] {strides = array<i32>} : memref<8192xf32, #tpu.memory_space<vmem>>, vector<16xf32>,
      tpu.vector_store %arg16[%swap3A_877], %add3A_839 {strides = array<i32>} : memref<8192xf32, #tpu.memory_space<vmem>>, vector<16xf32>,
      %mul3A_879 = arith.constant 128 : i32
      %mul3A_880 = arith.muli %add3A_780, %mul3A_879 : i32
      %add3A_881 = arith.constant 96 : i32
      %add3A_882 = arith.addi %mul3A_880, %add3A_881 : i32
      %swap3A_883 = arith.index_cast %add3A_882 : i32 to index
      %swap3A_884 = tpu.vector_load %arg16[%swap3A_883] {strides = array<i32>} : memref<8192xf32, #tpu.memory_space<vmem>>, vector<16xf32>,
      tpu.vector_store %arg16[%swap3A_883], %add3A_841 {strides = array<i32>} : memref<8192xf32, #tpu.memory_space<vmem>>, vector<16xf32>,
      %mul3A_885 = arith.constant 128 : i32
      %mul3A_886 = arith.muli %add3A_780, %mul3A_885 : i32
      %add3A_887 = arith.constant 112 : i32
      %add3A_888 = arith.addi %mul3A_886, %add3A_887 : i32
      %swap3A_889 = arith.index_cast %add3A_888 : i32 to index
      %swap3A_890 = tpu.vector_load %arg16[%swap3A_889] {strides = array<i32>} : memref<8192xf32, #tpu.memory_space<vmem>>, vector<16xf32>,
      tpu.vector_store %arg16[%swap3A_889], %add3A_843 {strides = array<i32>} : memref<8192xf32, #tpu.memory_space<vmem>>, vector<16xf32>,
    }
    %scan3A_418 = arith.constant 16 : i32
    %scan3A_419 = arith.constant 0 : i32
    %scan3A_420 = arith.constant 0 : i32
    %scan3A_421 = arith.constant 16 : i32
    %scan3A_422 = arith.addi %scan3A_420, %scan3A_421 : i32
    %scan3A_423 = arith.constant 1 : i32
    scf.for %scan3A_778 = %scan3A_420 to %scan3A_422 step %scan3A_423  : i32 {
      %add3A_779 = arith.constant 16 : i32
      %add3A_780 = arith.addi %add3A_779, %scan3A_778 : i32
      %mul3A_781 = arith.constant 1000 : i32
      %mul3A_782 = arith.muli %add3A_780, %mul3A_781 : i32
      %broadcast_in_dim3A = vector.broadcast %mul3A_782 : i32 to vector<16xi32>
      %mul3A_783 = arith.constant 201 : i32
      %mul3A_784 = arith.muli %add3A_780, %mul3A_783 : i32
      %broadcast_in_dim3A_785 = vector.broadcast %mul3A_784 : i32 to vector<16xi32>
      %broadcast_in_dim3A_786 = vector.broadcast %scan3A_778 : i32 to vector<16xi32>
      %lt3A_787 = arith.constant 0 : i32
      %lt3A_788 = vector.broadcast %lt3A_787 : i32 to vector<16xi32>
      %lt3A_789 = arith.cmpi slt, %broadcast_in_dim3A_786, %lt3A_788 : vector<16xi32>
      %add3A_790 = arith.constant 16 : i32
      %add3A_791 = vector.broadcast %add3A_790 : i32 to vector<16xi32>
      %add3A_792 = arith.addi %broadcast_in_dim3A_786, %add3A_791 : vector<16xi32>
      %select_n3A_793 = arith.select %lt3A_789, %add3A_792, %broadcast_in_dim3A_786 : vector<16xi1>, vector<16xi32>
      %broadcast_in_dim3A_794 = vector.shape_cast %select_n3A_793 : vector<16xi32> to vector<16x1xi32>
      %gather3A = vector.shape_cast %broadcast_in_dim3A_794 : vector<16x1xi32> to vector<16xi32>
      %gather3A_795 = tpu.dynamic_gather %get3A_398[%gather3A] in [0] : vector<16xf32>, vector<16xi32> -> vector<16xf32>
      %add3A_796 = arith.addi %get3A_297, %broadcast_in_dim3A : vector<16xi32>
      %gather3A_797 = tpu.vector_load_idx %arg8[%add3A_796] : memref<64000xf32, #tpu.memory_space<vmem>>[vector<16xi32>], vector<16xf32>,
      %add3A_798 = arith.addi %get3A_299, %broadcast_in_dim3A : vector<16xi32>
      %gather3A_799 = tpu.vector_load_idx %arg8[%add3A_798] : memref<64000xf32, #tpu.memory_space<vmem>>[vector<16xi32>], vector<16xf32>,
      %add3A_800 = arith.addi %get3A_301, %broadcast_in_dim3A : vector<16xi32>
      %gather3A_801 = tpu.vector_load_idx %arg8[%add3A_800] : memref<64000xf32, #tpu.memory_space<vmem>>[vector<16xi32>], vector<16xf32>,
      %add3A_802 = arith.addi %get3A_303, %broadcast_in_dim3A : vector<16xi32>
      %gather3A_803 = tpu.vector_load_idx %arg8[%add3A_802] : memref<64000xf32, #tpu.memory_space<vmem>>[vector<16xi32>], vector<16xf32>,
      %add3A_804 = arith.addi %get3A_305, %broadcast_in_dim3A : vector<16xi32>
      %gather3A_805 = tpu.vector_load_idx %arg8[%add3A_804] : memref<64000xf32, #tpu.memory_space<vmem>>[vector<16xi32>], vector<16xf32>,
      %add3A_806 = arith.addi %get3A_307, %broadcast_in_dim3A : vector<16xi32>
      %gather3A_807 = tpu.vector_load_idx %arg8[%add3A_806] : memref<64000xf32, #tpu.memory_space<vmem>>[vector<16xi32>], vector<16xf32>,
      %add3A_808 = arith.addi %get3A_309, %broadcast_in_dim3A : vector<16xi32>
      %gather3A_809 = tpu.vector_load_idx %arg8[%add3A_808] : memref<64000xf32, #tpu.memory_space<vmem>>[vector<16xi32>], vector<16xf32>,
      %add3A_810 = arith.addi %get3A_311, %broadcast_in_dim3A : vector<16xi32>
      %gather3A_811 = tpu.vector_load_idx %arg8[%add3A_810] : memref<64000xf32, #tpu.memory_space<vmem>>[vector<16xi32>], vector<16xf32>,
      %add3A_812 = arith.addi %get3A_313, %broadcast_in_dim3A_785 : vector<16xi32>
      %gather3A_813 = tpu.vector_load_idx %arg9[%add3A_812] : memref<12864xf32, #tpu.memory_space<vmem>>[vector<16xi32>], vector<16xf32>,
      %add3A_814 = arith.addi %get3A_315, %broadcast_in_dim3A_785 : vector<16xi32>
      %gather3A_815 = tpu.vector_load_idx %arg9[%add3A_814] : memref<12864xf32, #tpu.memory_space<vmem>>[vector<16xi32>], vector<16xf32>,
      %add3A_816 = arith.addi %get3A_317, %broadcast_in_dim3A_785 : vector<16xi32>
      %gather3A_817 = tpu.vector_load_idx %arg9[%add3A_816] : memref<12864xf32, #tpu.memory_space<vmem>>[vector<16xi32>], vector<16xf32>,
      %add3A_818 = arith.addi %get3A_319, %broadcast_in_dim3A_785 : vector<16xi32>
      %gather3A_819 = tpu.vector_load_idx %arg9[%add3A_818] : memref<12864xf32, #tpu.memory_space<vmem>>[vector<16xi32>], vector<16xf32>,
      %add3A_820 = arith.addi %get3A_321, %broadcast_in_dim3A_785 : vector<16xi32>
      %gather3A_821 = tpu.vector_load_idx %arg9[%add3A_820] : memref<12864xf32, #tpu.memory_space<vmem>>[vector<16xi32>], vector<16xf32>,
      %add3A_822 = arith.addi %get3A_323, %broadcast_in_dim3A_785 : vector<16xi32>
      %gather3A_823 = tpu.vector_load_idx %arg9[%add3A_822] : memref<12864xf32, #tpu.memory_space<vmem>>[vector<16xi32>], vector<16xf32>,
      %add3A_824 = arith.addi %get3A_325, %broadcast_in_dim3A_785 : vector<16xi32>
      %gather3A_825 = tpu.vector_load_idx %arg9[%add3A_824] : memref<12864xf32, #tpu.memory_space<vmem>>[vector<16xi32>], vector<16xf32>,
      %add3A_826 = arith.addi %get3A_327, %broadcast_in_dim3A_785 : vector<16xi32>
      %gather3A_827 = tpu.vector_load_idx %arg9[%add3A_826] : memref<12864xf32, #tpu.memory_space<vmem>>[vector<16xi32>], vector<16xf32>,
      %add3A_828 = arith.addf %gather3A_797, %gather3A_813 : vector<16xf32>
      %add3A_829 = arith.addf %add3A_828, %gather3A_795 : vector<16xf32>
      %add3A_830 = arith.addf %gather3A_799, %gather3A_815 : vector<16xf32>
      %add3A_831 = arith.addf %add3A_830, %gather3A_795 : vector<16xf32>
      %add3A_832 = arith.addf %gather3A_801, %gather3A_817 : vector<16xf32>
      %add3A_833 = arith.addf %add3A_832, %gather3A_795 : vector<16xf32>
      %add3A_834 = arith.addf %gather3A_803, %gather3A_819 : vector<16xf32>
      %add3A_835 = arith.addf %add3A_834, %gather3A_795 : vector<16xf32>
      %add3A_836 = arith.addf %gather3A_805, %gather3A_821 : vector<16xf32>
      %add3A_837 = arith.addf %add3A_836, %gather3A_795 : vector<16xf32>
      %add3A_838 = arith.addf %gather3A_807, %gather3A_823 : vector<16xf32>
      %add3A_839 = arith.addf %add3A_838, %gather3A_795 : vector<16xf32>
      %add3A_840 = arith.addf %gather3A_809, %gather3A_825 : vector<16xf32>
      %add3A_841 = arith.addf %add3A_840, %gather3A_795 : vector<16xf32>
      %add3A_842 = arith.addf %gather3A_811, %gather3A_827 : vector<16xf32>
      %add3A_843 = arith.addf %add3A_842, %gather3A_795 : vector<16xf32>
      %mul3A_844 = arith.constant 128 : i32
      %mul3A_845 = arith.muli %add3A_780, %mul3A_844 : i32
      %add3A_846 = arith.constant 0 : i32
      %add3A_847 = arith.addi %mul3A_845, %add3A_846 : i32
      %swap3A = arith.index_cast %add3A_847 : i32 to index
      %swap3A_848 = tpu.vector_load %arg16[%swap3A] {strides = array<i32>} : memref<8192xf32, #tpu.memory_space<vmem>>, vector<16xf32>,
      tpu.vector_store %arg16[%swap3A], %add3A_829 {strides = array<i32>} : memref<8192xf32, #tpu.memory_space<vmem>>, vector<16xf32>,
      %mul3A_849 = arith.constant 128 : i32
      %mul3A_850 = arith.muli %add3A_780, %mul3A_849 : i32
      %add3A_851 = arith.constant 16 : i32
      %add3A_852 = arith.addi %mul3A_850, %add3A_851 : i32
      %swap3A_853 = arith.index_cast %add3A_852 : i32 to index
      %swap3A_854 = tpu.vector_load %arg16[%swap3A_853] {strides = array<i32>} : memref<8192xf32, #tpu.memory_space<vmem>>, vector<16xf32>,
      tpu.vector_store %arg16[%swap3A_853], %add3A_831 {strides = array<i32>} : memref<8192xf32, #tpu.memory_space<vmem>>, vector<16xf32>,
      %mul3A_855 = arith.constant 128 : i32
      %mul3A_856 = arith.muli %add3A_780, %mul3A_855 : i32
      %add3A_857 = arith.constant 32 : i32
      %add3A_858 = arith.addi %mul3A_856, %add3A_857 : i32
      %swap3A_859 = arith.index_cast %add3A_858 : i32 to index
      %swap3A_860 = tpu.vector_load %arg16[%swap3A_859] {strides = array<i32>} : memref<8192xf32, #tpu.memory_space<vmem>>, vector<16xf32>,
      tpu.vector_store %arg16[%swap3A_859], %add3A_833 {strides = array<i32>} : memref<8192xf32, #tpu.memory_space<vmem>>, vector<16xf32>,
      %mul3A_861 = arith.constant 128 : i32
      %mul3A_862 = arith.muli %add3A_780, %mul3A_861 : i32
      %add3A_863 = arith.constant 48 : i32
      %add3A_864 = arith.addi %mul3A_862, %add3A_863 : i32
      %swap3A_865 = arith.index_cast %add3A_864 : i32 to index
      %swap3A_866 = tpu.vector_load %arg16[%swap3A_865] {strides = array<i32>} : memref<8192xf32, #tpu.memory_space<vmem>>, vector<16xf32>,
      tpu.vector_store %arg16[%swap3A_865], %add3A_835 {strides = array<i32>} : memref<8192xf32, #tpu.memory_space<vmem>>, vector<16xf32>,
      %mul3A_867 = arith.constant 128 : i32
      %mul3A_868 = arith.muli %add3A_780, %mul3A_867 : i32
      %add3A_869 = arith.constant 64 : i32
      %add3A_870 = arith.addi %mul3A_868, %add3A_869 : i32
      %swap3A_871 = arith.index_cast %add3A_870 : i32 to index
      %swap3A_872 = tpu.vector_load %arg16[%swap3A_871] {strides = array<i32>} : memref<8192xf32, #tpu.memory_space<vmem>>, vector<16xf32>,
      tpu.vector_store %arg16[%swap3A_871], %add3A_837 {strides = array<i32>} : memref<8192xf32, #tpu.memory_space<vmem>>, vector<16xf32>,
      %mul3A_873 = arith.constant 128 : i32
      %mul3A_874 = arith.muli %add3A_780, %mul3A_873 : i32
      %add3A_875 = arith.constant 80 : i32
      %add3A_876 = arith.addi %mul3A_874, %add3A_875 : i32
      %swap3A_877 = arith.index_cast %add3A_876 : i32 to index
      %swap3A_878 = tpu.vector_load %arg16[%swap3A_877] {strides = array<i32>} : memref<8192xf32, #tpu.memory_space<vmem>>, vector<16xf32>,
      tpu.vector_store %arg16[%swap3A_877], %add3A_839 {strides = array<i32>} : memref<8192xf32, #tpu.memory_space<vmem>>, vector<16xf32>,
      %mul3A_879 = arith.constant 128 : i32
      %mul3A_880 = arith.muli %add3A_780, %mul3A_879 : i32
      %add3A_881 = arith.constant 96 : i32
      %add3A_882 = arith.addi %mul3A_880, %add3A_881 : i32
      %swap3A_883 = arith.index_cast %add3A_882 : i32 to index
      %swap3A_884 = tpu.vector_load %arg16[%swap3A_883] {strides = array<i32>} : memref<8192xf32, #tpu.memory_space<vmem>>, vector<16xf32>,
      tpu.vector_store %arg16[%swap3A_883], %add3A_841 {strides = array<i32>} : memref<8192xf32, #tpu.memory_space<vmem>>, vector<16xf32>,
      %mul3A_885 = arith.constant 128 : i32
      %mul3A_886 = arith.muli %add3A_780, %mul3A_885 : i32
      %add3A_887 = arith.constant 112 : i32
      %add3A_888 = arith.addi %mul3A_886, %add3A_887 : i32
      %swap3A_889 = arith.index_cast %add3A_888 : i32 to index
      %swap3A_890 = tpu.vector_load %arg16[%swap3A_889] {strides = array<i32>} : memref<8192xf32, #tpu.memory_space<vmem>>, vector<16xf32>,
      tpu.vector_store %arg16[%swap3A_889], %add3A_843 {strides = array<i32>} : memref<8192xf32, #tpu.memory_space<vmem>>, vector<16xf32>,
    }
    %scan3A_424 = arith.constant 16 : i32
    %scan3A_425 = arith.constant 0 : i32
    %scan3A_426 = arith.constant 0 : i32
    %scan3A_427 = arith.constant 16 : i32
    %scan3A_428 = arith.addi %scan3A_426, %scan3A_427 : i32
    %scan3A_429 = arith.constant 1 : i32
    scf.for %scan3A_778 = %scan3A_426 to %scan3A_428 step %scan3A_429  : i32 {
      %add3A_779 = arith.constant 32 : i32
      %add3A_780 = arith.addi %add3A_779, %scan3A_778 : i32
      %mul3A_781 = arith.constant 1000 : i32
      %mul3A_782 = arith.muli %add3A_780, %mul3A_781 : i32
      %broadcast_in_dim3A = vector.broadcast %mul3A_782 : i32 to vector<16xi32>
      %mul3A_783 = arith.constant 201 : i32
      %mul3A_784 = arith.muli %add3A_780, %mul3A_783 : i32
      %broadcast_in_dim3A_785 = vector.broadcast %mul3A_784 : i32 to vector<16xi32>
      %broadcast_in_dim3A_786 = vector.broadcast %scan3A_778 : i32 to vector<16xi32>
      %lt3A_787 = arith.constant 0 : i32
      %lt3A_788 = vector.broadcast %lt3A_787 : i32 to vector<16xi32>
      %lt3A_789 = arith.cmpi slt, %broadcast_in_dim3A_786, %lt3A_788 : vector<16xi32>
      %add3A_790 = arith.constant 16 : i32
      %add3A_791 = vector.broadcast %add3A_790 : i32 to vector<16xi32>
      %add3A_792 = arith.addi %broadcast_in_dim3A_786, %add3A_791 : vector<16xi32>
      %select_n3A_793 = arith.select %lt3A_789, %add3A_792, %broadcast_in_dim3A_786 : vector<16xi1>, vector<16xi32>
      %broadcast_in_dim3A_794 = vector.shape_cast %select_n3A_793 : vector<16xi32> to vector<16x1xi32>
      %gather3A = vector.shape_cast %broadcast_in_dim3A_794 : vector<16x1xi32> to vector<16xi32>
      %gather3A_795 = tpu.dynamic_gather %get3A_405[%gather3A] in [0] : vector<16xf32>, vector<16xi32> -> vector<16xf32>
      %add3A_796 = arith.addi %get3A_297, %broadcast_in_dim3A : vector<16xi32>
      %gather3A_797 = tpu.vector_load_idx %arg8[%add3A_796] : memref<64000xf32, #tpu.memory_space<vmem>>[vector<16xi32>], vector<16xf32>,
      %add3A_798 = arith.addi %get3A_299, %broadcast_in_dim3A : vector<16xi32>
      %gather3A_799 = tpu.vector_load_idx %arg8[%add3A_798] : memref<64000xf32, #tpu.memory_space<vmem>>[vector<16xi32>], vector<16xf32>,
      %add3A_800 = arith.addi %get3A_301, %broadcast_in_dim3A : vector<16xi32>
      %gather3A_801 = tpu.vector_load_idx %arg8[%add3A_800] : memref<64000xf32, #tpu.memory_space<vmem>>[vector<16xi32>], vector<16xf32>,
      %add3A_802 = arith.addi %get3A_303, %broadcast_in_dim3A : vector<16xi32>
      %gather3A_803 = tpu.vector_load_idx %arg8[%add3A_802] : memref<64000xf32, #tpu.memory_space<vmem>>[vector<16xi32>], vector<16xf32>,
      %add3A_804 = arith.addi %get3A_305, %broadcast_in_dim3A : vector<16xi32>
      %gather3A_805 = tpu.vector_load_idx %arg8[%add3A_804] : memref<64000xf32, #tpu.memory_space<vmem>>[vector<16xi32>], vector<16xf32>,
      %add3A_806 = arith.addi %get3A_307, %broadcast_in_dim3A : vector<16xi32>
      %gather3A_807 = tpu.vector_load_idx %arg8[%add3A_806] : memref<64000xf32, #tpu.memory_space<vmem>>[vector<16xi32>], vector<16xf32>,
      %add3A_808 = arith.addi %get3A_309, %broadcast_in_dim3A : vector<16xi32>
      %gather3A_809 = tpu.vector_load_idx %arg8[%add3A_808] : memref<64000xf32, #tpu.memory_space<vmem>>[vector<16xi32>], vector<16xf32>,
      %add3A_810 = arith.addi %get3A_311, %broadcast_in_dim3A : vector<16xi32>
      %gather3A_811 = tpu.vector_load_idx %arg8[%add3A_810] : memref<64000xf32, #tpu.memory_space<vmem>>[vector<16xi32>], vector<16xf32>,
      %add3A_812 = arith.addi %get3A_313, %broadcast_in_dim3A_785 : vector<16xi32>
      %gather3A_813 = tpu.vector_load_idx %arg9[%add3A_812] : memref<12864xf32, #tpu.memory_space<vmem>>[vector<16xi32>], vector<16xf32>,
      %add3A_814 = arith.addi %get3A_315, %broadcast_in_dim3A_785 : vector<16xi32>
      %gather3A_815 = tpu.vector_load_idx %arg9[%add3A_814] : memref<12864xf32, #tpu.memory_space<vmem>>[vector<16xi32>], vector<16xf32>,
      %add3A_816 = arith.addi %get3A_317, %broadcast_in_dim3A_785 : vector<16xi32>
      %gather3A_817 = tpu.vector_load_idx %arg9[%add3A_816] : memref<12864xf32, #tpu.memory_space<vmem>>[vector<16xi32>], vector<16xf32>,
      %add3A_818 = arith.addi %get3A_319, %broadcast_in_dim3A_785 : vector<16xi32>
      %gather3A_819 = tpu.vector_load_idx %arg9[%add3A_818] : memref<12864xf32, #tpu.memory_space<vmem>>[vector<16xi32>], vector<16xf32>,
      %add3A_820 = arith.addi %get3A_321, %broadcast_in_dim3A_785 : vector<16xi32>
      %gather3A_821 = tpu.vector_load_idx %arg9[%add3A_820] : memref<12864xf32, #tpu.memory_space<vmem>>[vector<16xi32>], vector<16xf32>,
      %add3A_822 = arith.addi %get3A_323, %broadcast_in_dim3A_785 : vector<16xi32>
      %gather3A_823 = tpu.vector_load_idx %arg9[%add3A_822] : memref<12864xf32, #tpu.memory_space<vmem>>[vector<16xi32>], vector<16xf32>,
      %add3A_824 = arith.addi %get3A_325, %broadcast_in_dim3A_785 : vector<16xi32>
      %gather3A_825 = tpu.vector_load_idx %arg9[%add3A_824] : memref<12864xf32, #tpu.memory_space<vmem>>[vector<16xi32>], vector<16xf32>,
      %add3A_826 = arith.addi %get3A_327, %broadcast_in_dim3A_785 : vector<16xi32>
      %gather3A_827 = tpu.vector_load_idx %arg9[%add3A_826] : memref<12864xf32, #tpu.memory_space<vmem>>[vector<16xi32>], vector<16xf32>,
      %add3A_828 = arith.addf %gather3A_797, %gather3A_813 : vector<16xf32>
      %add3A_829 = arith.addf %add3A_828, %gather3A_795 : vector<16xf32>
      %add3A_830 = arith.addf %gather3A_799, %gather3A_815 : vector<16xf32>
      %add3A_831 = arith.addf %add3A_830, %gather3A_795 : vector<16xf32>
      %add3A_832 = arith.addf %gather3A_801, %gather3A_817 : vector<16xf32>
      %add3A_833 = arith.addf %add3A_832, %gather3A_795 : vector<16xf32>
      %add3A_834 = arith.addf %gather3A_803, %gather3A_819 : vector<16xf32>
      %add3A_835 = arith.addf %add3A_834, %gather3A_795 : vector<16xf32>
      %add3A_836 = arith.addf %gather3A_805, %gather3A_821 : vector<16xf32>
      %add3A_837 = arith.addf %add3A_836, %gather3A_795 : vector<16xf32>
      %add3A_838 = arith.addf %gather3A_807, %gather3A_823 : vector<16xf32>
      %add3A_839 = arith.addf %add3A_838, %gather3A_795 : vector<16xf32>
      %add3A_840 = arith.addf %gather3A_809, %gather3A_825 : vector<16xf32>
      %add3A_841 = arith.addf %add3A_840, %gather3A_795 : vector<16xf32>
      %add3A_842 = arith.addf %gather3A_811, %gather3A_827 : vector<16xf32>
      %add3A_843 = arith.addf %add3A_842, %gather3A_795 : vector<16xf32>
      %mul3A_844 = arith.constant 128 : i32
      %mul3A_845 = arith.muli %add3A_780, %mul3A_844 : i32
      %add3A_846 = arith.constant 0 : i32
      %add3A_847 = arith.addi %mul3A_845, %add3A_846 : i32
      %swap3A = arith.index_cast %add3A_847 : i32 to index
      %swap3A_848 = tpu.vector_load %arg16[%swap3A] {strides = array<i32>} : memref<8192xf32, #tpu.memory_space<vmem>>, vector<16xf32>,
      tpu.vector_store %arg16[%swap3A], %add3A_829 {strides = array<i32>} : memref<8192xf32, #tpu.memory_space<vmem>>, vector<16xf32>,
      %mul3A_849 = arith.constant 128 : i32
      %mul3A_850 = arith.muli %add3A_780, %mul3A_849 : i32
      %add3A_851 = arith.constant 16 : i32
      %add3A_852 = arith.addi %mul3A_850, %add3A_851 : i32
      %swap3A_853 = arith.index_cast %add3A_852 : i32 to index
      %swap3A_854 = tpu.vector_load %arg16[%swap3A_853] {strides = array<i32>} : memref<8192xf32, #tpu.memory_space<vmem>>, vector<16xf32>,
      tpu.vector_store %arg16[%swap3A_853], %add3A_831 {strides = array<i32>} : memref<8192xf32, #tpu.memory_space<vmem>>, vector<16xf32>,
      %mul3A_855 = arith.constant 128 : i32
      %mul3A_856 = arith.muli %add3A_780, %mul3A_855 : i32
      %add3A_857 = arith.constant 32 : i32
      %add3A_858 = arith.addi %mul3A_856, %add3A_857 : i32
      %swap3A_859 = arith.index_cast %add3A_858 : i32 to index
      %swap3A_860 = tpu.vector_load %arg16[%swap3A_859] {strides = array<i32>} : memref<8192xf32, #tpu.memory_space<vmem>>, vector<16xf32>,
      tpu.vector_store %arg16[%swap3A_859], %add3A_833 {strides = array<i32>} : memref<8192xf32, #tpu.memory_space<vmem>>, vector<16xf32>,
      %mul3A_861 = arith.constant 128 : i32
      %mul3A_862 = arith.muli %add3A_780, %mul3A_861 : i32
      %add3A_863 = arith.constant 48 : i32
      %add3A_864 = arith.addi %mul3A_862, %add3A_863 : i32
      %swap3A_865 = arith.index_cast %add3A_864 : i32 to index
      %swap3A_866 = tpu.vector_load %arg16[%swap3A_865] {strides = array<i32>} : memref<8192xf32, #tpu.memory_space<vmem>>, vector<16xf32>,
      tpu.vector_store %arg16[%swap3A_865], %add3A_835 {strides = array<i32>} : memref<8192xf32, #tpu.memory_space<vmem>>, vector<16xf32>,
      %mul3A_867 = arith.constant 128 : i32
      %mul3A_868 = arith.muli %add3A_780, %mul3A_867 : i32
      %add3A_869 = arith.constant 64 : i32
      %add3A_870 = arith.addi %mul3A_868, %add3A_869 : i32
      %swap3A_871 = arith.index_cast %add3A_870 : i32 to index
      %swap3A_872 = tpu.vector_load %arg16[%swap3A_871] {strides = array<i32>} : memref<8192xf32, #tpu.memory_space<vmem>>, vector<16xf32>,
      tpu.vector_store %arg16[%swap3A_871], %add3A_837 {strides = array<i32>} : memref<8192xf32, #tpu.memory_space<vmem>>, vector<16xf32>,
      %mul3A_873 = arith.constant 128 : i32
      %mul3A_874 = arith.muli %add3A_780, %mul3A_873 : i32
      %add3A_875 = arith.constant 80 : i32
      %add3A_876 = arith.addi %mul3A_874, %add3A_875 : i32
      %swap3A_877 = arith.index_cast %add3A_876 : i32 to index
      %swap3A_878 = tpu.vector_load %arg16[%swap3A_877] {strides = array<i32>} : memref<8192xf32, #tpu.memory_space<vmem>>, vector<16xf32>,
      tpu.vector_store %arg16[%swap3A_877], %add3A_839 {strides = array<i32>} : memref<8192xf32, #tpu.memory_space<vmem>>, vector<16xf32>,
      %mul3A_879 = arith.constant 128 : i32
      %mul3A_880 = arith.muli %add3A_780, %mul3A_879 : i32
      %add3A_881 = arith.constant 96 : i32
      %add3A_882 = arith.addi %mul3A_880, %add3A_881 : i32
      %swap3A_883 = arith.index_cast %add3A_882 : i32 to index
      %swap3A_884 = tpu.vector_load %arg16[%swap3A_883] {strides = array<i32>} : memref<8192xf32, #tpu.memory_space<vmem>>, vector<16xf32>,
      tpu.vector_store %arg16[%swap3A_883], %add3A_841 {strides = array<i32>} : memref<8192xf32, #tpu.memory_space<vmem>>, vector<16xf32>,
      %mul3A_885 = arith.constant 128 : i32
      %mul3A_886 = arith.muli %add3A_780, %mul3A_885 : i32
      %add3A_887 = arith.constant 112 : i32
      %add3A_888 = arith.addi %mul3A_886, %add3A_887 : i32
      %swap3A_889 = arith.index_cast %add3A_888 : i32 to index
      %swap3A_890 = tpu.vector_load %arg16[%swap3A_889] {strides = array<i32>} : memref<8192xf32, #tpu.memory_space<vmem>>, vector<16xf32>,
      tpu.vector_store %arg16[%swap3A_889], %add3A_843 {strides = array<i32>} : memref<8192xf32, #tpu.memory_space<vmem>>, vector<16xf32>,
    }
    %scan3A_430 = arith.constant 16 : i32
    %scan3A_431 = arith.constant 0 : i32
    %scan3A_432 = arith.constant 0 : i32
    %scan3A_433 = arith.constant 16 : i32
    %scan3A_434 = arith.addi %scan3A_432, %scan3A_433 : i32
    %scan3A_435 = arith.constant 1 : i32
    scf.for %scan3A_778 = %scan3A_432 to %scan3A_434 step %scan3A_435  : i32 {
      %add3A_779 = arith.constant 48 : i32
      %add3A_780 = arith.addi %add3A_779, %scan3A_778 : i32
      %mul3A_781 = arith.constant 1000 : i32
      %mul3A_782 = arith.muli %add3A_780, %mul3A_781 : i32
      %broadcast_in_dim3A = vector.broadcast %mul3A_782 : i32 to vector<16xi32>
      %mul3A_783 = arith.constant 201 : i32
      %mul3A_784 = arith.muli %add3A_780, %mul3A_783 : i32
      %broadcast_in_dim3A_785 = vector.broadcast %mul3A_784 : i32 to vector<16xi32>
      %broadcast_in_dim3A_786 = vector.broadcast %scan3A_778 : i32 to vector<16xi32>
      %lt3A_787 = arith.constant 0 : i32
      %lt3A_788 = vector.broadcast %lt3A_787 : i32 to vector<16xi32>
      %lt3A_789 = arith.cmpi slt, %broadcast_in_dim3A_786, %lt3A_788 : vector<16xi32>
      %add3A_790 = arith.constant 16 : i32
      %add3A_791 = vector.broadcast %add3A_790 : i32 to vector<16xi32>
      %add3A_792 = arith.addi %broadcast_in_dim3A_786, %add3A_791 : vector<16xi32>
      %select_n3A_793 = arith.select %lt3A_789, %add3A_792, %broadcast_in_dim3A_786 : vector<16xi1>, vector<16xi32>
      %broadcast_in_dim3A_794 = vector.shape_cast %select_n3A_793 : vector<16xi32> to vector<16x1xi32>
      %gather3A = vector.shape_cast %broadcast_in_dim3A_794 : vector<16x1xi32> to vector<16xi32>
      %gather3A_795 = tpu.dynamic_gather %get3A_412[%gather3A] in [0] : vector<16xf32>, vector<16xi32> -> vector<16xf32>
      %add3A_796 = arith.addi %get3A_297, %broadcast_in_dim3A : vector<16xi32>
      %gather3A_797 = tpu.vector_load_idx %arg8[%add3A_796] : memref<64000xf32, #tpu.memory_space<vmem>>[vector<16xi32>], vector<16xf32>,
      %add3A_798 = arith.addi %get3A_299, %broadcast_in_dim3A : vector<16xi32>
      %gather3A_799 = tpu.vector_load_idx %arg8[%add3A_798] : memref<64000xf32, #tpu.memory_space<vmem>>[vector<16xi32>], vector<16xf32>,
      %add3A_800 = arith.addi %get3A_301, %broadcast_in_dim3A : vector<16xi32>
      %gather3A_801 = tpu.vector_load_idx %arg8[%add3A_800] : memref<64000xf32, #tpu.memory_space<vmem>>[vector<16xi32>], vector<16xf32>,
      %add3A_802 = arith.addi %get3A_303, %broadcast_in_dim3A : vector<16xi32>
      %gather3A_803 = tpu.vector_load_idx %arg8[%add3A_802] : memref<64000xf32, #tpu.memory_space<vmem>>[vector<16xi32>], vector<16xf32>,
      %add3A_804 = arith.addi %get3A_305, %broadcast_in_dim3A : vector<16xi32>
      %gather3A_805 = tpu.vector_load_idx %arg8[%add3A_804] : memref<64000xf32, #tpu.memory_space<vmem>>[vector<16xi32>], vector<16xf32>,
      %add3A_806 = arith.addi %get3A_307, %broadcast_in_dim3A : vector<16xi32>
      %gather3A_807 = tpu.vector_load_idx %arg8[%add3A_806] : memref<64000xf32, #tpu.memory_space<vmem>>[vector<16xi32>], vector<16xf32>,
      %add3A_808 = arith.addi %get3A_309, %broadcast_in_dim3A : vector<16xi32>
      %gather3A_809 = tpu.vector_load_idx %arg8[%add3A_808] : memref<64000xf32, #tpu.memory_space<vmem>>[vector<16xi32>], vector<16xf32>,
      %add3A_810 = arith.addi %get3A_311, %broadcast_in_dim3A : vector<16xi32>
      %gather3A_811 = tpu.vector_load_idx %arg8[%add3A_810] : memref<64000xf32, #tpu.memory_space<vmem>>[vector<16xi32>], vector<16xf32>,
      %add3A_812 = arith.addi %get3A_313, %broadcast_in_dim3A_785 : vector<16xi32>
      %gather3A_813 = tpu.vector_load_idx %arg9[%add3A_812] : memref<12864xf32, #tpu.memory_space<vmem>>[vector<16xi32>], vector<16xf32>,
      %add3A_814 = arith.addi %get3A_315, %broadcast_in_dim3A_785 : vector<16xi32>
      %gather3A_815 = tpu.vector_load_idx %arg9[%add3A_814] : memref<12864xf32, #tpu.memory_space<vmem>>[vector<16xi32>], vector<16xf32>,
      %add3A_816 = arith.addi %get3A_317, %broadcast_in_dim3A_785 : vector<16xi32>
      %gather3A_817 = tpu.vector_load_idx %arg9[%add3A_816] : memref<12864xf32, #tpu.memory_space<vmem>>[vector<16xi32>], vector<16xf32>,
      %add3A_818 = arith.addi %get3A_319, %broadcast_in_dim3A_785 : vector<16xi32>
      %gather3A_819 = tpu.vector_load_idx %arg9[%add3A_818] : memref<12864xf32, #tpu.memory_space<vmem>>[vector<16xi32>], vector<16xf32>,
      %add3A_820 = arith.addi %get3A_321, %broadcast_in_dim3A_785 : vector<16xi32>
      %gather3A_821 = tpu.vector_load_idx %arg9[%add3A_820] : memref<12864xf32, #tpu.memory_space<vmem>>[vector<16xi32>], vector<16xf32>,
      %add3A_822 = arith.addi %get3A_323, %broadcast_in_dim3A_785 : vector<16xi32>
      %gather3A_823 = tpu.vector_load_idx %arg9[%add3A_822] : memref<12864xf32, #tpu.memory_space<vmem>>[vector<16xi32>], vector<16xf32>,
      %add3A_824 = arith.addi %get3A_325, %broadcast_in_dim3A_785 : vector<16xi32>
      %gather3A_825 = tpu.vector_load_idx %arg9[%add3A_824] : memref<12864xf32, #tpu.memory_space<vmem>>[vector<16xi32>], vector<16xf32>,
      %add3A_826 = arith.addi %get3A_327, %broadcast_in_dim3A_785 : vector<16xi32>
      %gather3A_827 = tpu.vector_load_idx %arg9[%add3A_826] : memref<12864xf32, #tpu.memory_space<vmem>>[vector<16xi32>], vector<16xf32>,
      %add3A_828 = arith.addf %gather3A_797, %gather3A_813 : vector<16xf32>
      %add3A_829 = arith.addf %add3A_828, %gather3A_795 : vector<16xf32>
      %add3A_830 = arith.addf %gather3A_799, %gather3A_815 : vector<16xf32>
      %add3A_831 = arith.addf %add3A_830, %gather3A_795 : vector<16xf32>
      %add3A_832 = arith.addf %gather3A_801, %gather3A_817 : vector<16xf32>
      %add3A_833 = arith.addf %add3A_832, %gather3A_795 : vector<16xf32>
      %add3A_834 = arith.addf %gather3A_803, %gather3A_819 : vector<16xf32>
      %add3A_835 = arith.addf %add3A_834, %gather3A_795 : vector<16xf32>
      %add3A_836 = arith.addf %gather3A_805, %gather3A_821 : vector<16xf32>
      %add3A_837 = arith.addf %add3A_836, %gather3A_795 : vector<16xf32>
      %add3A_838 = arith.addf %gather3A_807, %gather3A_823 : vector<16xf32>
      %add3A_839 = arith.addf %add3A_838, %gather3A_795 : vector<16xf32>
      %add3A_840 = arith.addf %gather3A_809, %gather3A_825 : vector<16xf32>
      %add3A_841 = arith.addf %add3A_840, %gather3A_795 : vector<16xf32>
      %add3A_842 = arith.addf %gather3A_811, %gather3A_827 : vector<16xf32>
      %add3A_843 = arith.addf %add3A_842, %gather3A_795 : vector<16xf32>
      %mul3A_844 = arith.constant 128 : i32
      %mul3A_845 = arith.muli %add3A_780, %mul3A_844 : i32
      %add3A_846 = arith.constant 0 : i32
      %add3A_847 = arith.addi %mul3A_845, %add3A_846 : i32
      %swap3A = arith.index_cast %add3A_847 : i32 to index
      %swap3A_848 = tpu.vector_load %arg16[%swap3A] {strides = array<i32>} : memref<8192xf32, #tpu.memory_space<vmem>>, vector<16xf32>,
      tpu.vector_store %arg16[%swap3A], %add3A_829 {strides = array<i32>} : memref<8192xf32, #tpu.memory_space<vmem>>, vector<16xf32>,
      %mul3A_849 = arith.constant 128 : i32
      %mul3A_850 = arith.muli %add3A_780, %mul3A_849 : i32
      %add3A_851 = arith.constant 16 : i32
      %add3A_852 = arith.addi %mul3A_850, %add3A_851 : i32
      %swap3A_853 = arith.index_cast %add3A_852 : i32 to index
      %swap3A_854 = tpu.vector_load %arg16[%swap3A_853] {strides = array<i32>} : memref<8192xf32, #tpu.memory_space<vmem>>, vector<16xf32>,
      tpu.vector_store %arg16[%swap3A_853], %add3A_831 {strides = array<i32>} : memref<8192xf32, #tpu.memory_space<vmem>>, vector<16xf32>,
      %mul3A_855 = arith.constant 128 : i32
      %mul3A_856 = arith.muli %add3A_780, %mul3A_855 : i32
      %add3A_857 = arith.constant 32 : i32
      %add3A_858 = arith.addi %mul3A_856, %add3A_857 : i32
      %swap3A_859 = arith.index_cast %add3A_858 : i32 to index
      %swap3A_860 = tpu.vector_load %arg16[%swap3A_859] {strides = array<i32>} : memref<8192xf32, #tpu.memory_space<vmem>>, vector<16xf32>,
      tpu.vector_store %arg16[%swap3A_859], %add3A_833 {strides = array<i32>} : memref<8192xf32, #tpu.memory_space<vmem>>, vector<16xf32>,
      %mul3A_861 = arith.constant 128 : i32
      %mul3A_862 = arith.muli %add3A_780, %mul3A_861 : i32
      %add3A_863 = arith.constant 48 : i32
      %add3A_864 = arith.addi %mul3A_862, %add3A_863 : i32
      %swap3A_865 = arith.index_cast %add3A_864 : i32 to index
      %swap3A_866 = tpu.vector_load %arg16[%swap3A_865] {strides = array<i32>} : memref<8192xf32, #tpu.memory_space<vmem>>, vector<16xf32>,
      tpu.vector_store %arg16[%swap3A_865], %add3A_835 {strides = array<i32>} : memref<8192xf32, #tpu.memory_space<vmem>>, vector<16xf32>,
      %mul3A_867 = arith.constant 128 : i32
      %mul3A_868 = arith.muli %add3A_780, %mul3A_867 : i32
      %add3A_869 = arith.constant 64 : i32
      %add3A_870 = arith.addi %mul3A_868, %add3A_869 : i32
      %swap3A_871 = arith.index_cast %add3A_870 : i32 to index
      %swap3A_872 = tpu.vector_load %arg16[%swap3A_871] {strides = array<i32>} : memref<8192xf32, #tpu.memory_space<vmem>>, vector<16xf32>,
      tpu.vector_store %arg16[%swap3A_871], %add3A_837 {strides = array<i32>} : memref<8192xf32, #tpu.memory_space<vmem>>, vector<16xf32>,
      %mul3A_873 = arith.constant 128 : i32
      %mul3A_874 = arith.muli %add3A_780, %mul3A_873 : i32
      %add3A_875 = arith.constant 80 : i32
      %add3A_876 = arith.addi %mul3A_874, %add3A_875 : i32
      %swap3A_877 = arith.index_cast %add3A_876 : i32 to index
      %swap3A_878 = tpu.vector_load %arg16[%swap3A_877] {strides = array<i32>} : memref<8192xf32, #tpu.memory_space<vmem>>, vector<16xf32>,
      tpu.vector_store %arg16[%swap3A_877], %add3A_839 {strides = array<i32>} : memref<8192xf32, #tpu.memory_space<vmem>>, vector<16xf32>,
      %mul3A_879 = arith.constant 128 : i32
      %mul3A_880 = arith.muli %add3A_780, %mul3A_879 : i32
      %add3A_881 = arith.constant 96 : i32
      %add3A_882 = arith.addi %mul3A_880, %add3A_881 : i32
      %swap3A_883 = arith.index_cast %add3A_882 : i32 to index
      %swap3A_884 = tpu.vector_load %arg16[%swap3A_883] {strides = array<i32>} : memref<8192xf32, #tpu.memory_space<vmem>>, vector<16xf32>,
      tpu.vector_store %arg16[%swap3A_883], %add3A_841 {strides = array<i32>} : memref<8192xf32, #tpu.memory_space<vmem>>, vector<16xf32>,
      %mul3A_885 = arith.constant 128 : i32
      %mul3A_886 = arith.muli %add3A_780, %mul3A_885 : i32
      %add3A_887 = arith.constant 112 : i32
      %add3A_888 = arith.addi %mul3A_886, %add3A_887 : i32
      %swap3A_889 = arith.index_cast %add3A_888 : i32 to index
      %swap3A_890 = tpu.vector_load %arg16[%swap3A_889] {strides = array<i32>} : memref<8192xf32, #tpu.memory_space<vmem>>, vector<16xf32>,
      tpu.vector_store %arg16[%swap3A_889], %add3A_843 {strides = array<i32>} : memref<8192xf32, #tpu.memory_space<vmem>>, vector<16xf32>,
    }
    %scan3A_436 = arith.constant 16 : i32
    %mul3A_437 = arith.constant 1 : i32
    %mul3A_438 = arith.constant 8 : i32
    %mul3A_439 = arith.muli %mul3A_437, %mul3A_438 : i32
    %add3A_440 = arith.constant 0 : i32
    %add3A_441 = arith.addi %mul3A_439, %add3A_440 : i32
    %mul3A_442 = arith.constant 32 : i32
    %mul3A_443 = arith.muli %add3A_441, %mul3A_442 : i32
    %add3A_444 = arith.addi %mul3A_443, %add3A : i32
    %dma_start3A_445 = arith.constant 0 : i32
    %dma_start3A_446 = tpu.memref_slice %arg16[%dma_start3A_445] : memref<8192xf32, #tpu.memory_space<vmem>> -> memref<1024xf32, #tpu.memory_space<vmem>>
    %dma_start3A_447 = arith.constant 0 : i32
    %dma_start3A_448 = tpu.memref_slice %arg7[%add3A_444, %dma_start3A_447] : memref<51200x1024xf32, #tpu.memory_space<hbm>> -> memref<1x1024xf32, #tpu.memory_space<hbm>>
    %dma_start3A_449 = tpu.memref_squeeze %dma_start3A_448 : memref<1x1024xf32, #tpu.memory_space<hbm>> -> memref<1024xf32, #tpu.memory_space<hbm>>
    %dma_start3A_450 = arith.constant 0 : i32
    %dma_start3A_451 = tpu.memref_slice %arg7[%add3A_444, %dma_start3A_450] : memref<51200x1024xf32, #tpu.memory_space<hbm>> -> memref<1x1024xf32, #tpu.memory_space<hbm>>
    %dma_start3A_452 = tpu.memref_squeeze %dma_start3A_451 : memref<1x1024xf32, #tpu.memory_space<hbm>> -> memref<1024xf32, #tpu.memory_space<hbm>>
    %dma_start3A_453 = arith.constant 0 : i32
    %dma_start3A_454 = tpu.memref_slice %arg16[%dma_start3A_453] : memref<8192xf32, #tpu.memory_space<vmem>> -> memref<1024xf32, #tpu.memory_space<vmem>>
    tpu.enqueue_dma source(%dma_start3A_454 : memref<1024xf32, #tpu.memory_space<vmem>>) target(%dma_start3A_452 : memref<1024xf32, #tpu.memory_space<hbm>>) target_semaphore(%arg20 : memref<!tpu.dma_semaphore, #tpu.memory_space<semaphore_mem>>)
    %mul3A_455 = arith.constant 1 : i32
    %mul3A_456 = arith.constant 8 : i32
    %mul3A_457 = arith.muli %mul3A_455, %mul3A_456 : i32
    %add3A_458 = arith.constant 1 : i32
    %add3A_459 = arith.addi %mul3A_457, %add3A_458 : i32
    %mul3A_460 = arith.constant 32 : i32
    %mul3A_461 = arith.muli %add3A_459, %mul3A_460 : i32
    %add3A_462 = arith.addi %mul3A_461, %add3A : i32
    %dma_start3A_463 = arith.constant 1024 : i32
    %dma_start3A_464 = tpu.memref_slice %arg16[%dma_start3A_463] : memref<8192xf32, #tpu.memory_space<vmem>> -> memref<1024xf32, #tpu.memory_space<vmem>>
    %dma_start3A_465 = arith.constant 0 : i32
    %dma_start3A_466 = tpu.memref_slice %arg7[%add3A_462, %dma_start3A_465] : memref<51200x1024xf32, #tpu.memory_space<hbm>> -> memref<1x1024xf32, #tpu.memory_space<hbm>>
    %dma_start3A_467 = tpu.memref_squeeze %dma_start3A_466 : memref<1x1024xf32, #tpu.memory_space<hbm>> -> memref<1024xf32, #tpu.memory_space<hbm>>
    %dma_start3A_468 = arith.constant 0 : i32
    %dma_start3A_469 = tpu.memref_slice %arg7[%add3A_462, %dma_start3A_468] : memref<51200x1024xf32, #tpu.memory_space<hbm>> -> memref<1x1024xf32, #tpu.memory_space<hbm>>
    %dma_start3A_470 = tpu.memref_squeeze %dma_start3A_469 : memref<1x1024xf32, #tpu.memory_space<hbm>> -> memref<1024xf32, #tpu.memory_space<hbm>>
    %dma_start3A_471 = arith.constant 1024 : i32
    %dma_start3A_472 = tpu.memref_slice %arg16[%dma_start3A_471] : memref<8192xf32, #tpu.memory_space<vmem>> -> memref<1024xf32, #tpu.memory_space<vmem>>
    tpu.enqueue_dma source(%dma_start3A_472 : memref<1024xf32, #tpu.memory_space<vmem>>) target(%dma_start3A_470 : memref<1024xf32, #tpu.memory_space<hbm>>) target_semaphore(%arg20 : memref<!tpu.dma_semaphore, #tpu.memory_space<semaphore_mem>>)
    %mul3A_473 = arith.constant 1 : i32
    %mul3A_474 = arith.constant 8 : i32
    %mul3A_475 = arith.muli %mul3A_473, %mul3A_474 : i32
    %add3A_476 = arith.constant 2 : i32
    %add3A_477 = arith.addi %mul3A_475, %add3A_476 : i32
    %mul3A_478 = arith.constant 32 : i32
    %mul3A_479 = arith.muli %add3A_477, %mul3A_478 : i32
    %add3A_480 = arith.addi %mul3A_479, %add3A : i32
    %dma_start3A_481 = arith.constant 2048 : i32
    %dma_start3A_482 = tpu.memref_slice %arg16[%dma_start3A_481] : memref<8192xf32, #tpu.memory_space<vmem>> -> memref<1024xf32, #tpu.memory_space<vmem>>
    %dma_start3A_483 = arith.constant 0 : i32
    %dma_start3A_484 = tpu.memref_slice %arg7[%add3A_480, %dma_start3A_483] : memref<51200x1024xf32, #tpu.memory_space<hbm>> -> memref<1x1024xf32, #tpu.memory_space<hbm>>
    %dma_start3A_485 = tpu.memref_squeeze %dma_start3A_484 : memref<1x1024xf32, #tpu.memory_space<hbm>> -> memref<1024xf32, #tpu.memory_space<hbm>>
    %dma_start3A_486 = arith.constant 0 : i32
    %dma_start3A_487 = tpu.memref_slice %arg7[%add3A_480, %dma_start3A_486] : memref<51200x1024xf32, #tpu.memory_space<hbm>> -> memref<1x1024xf32, #tpu.memory_space<hbm>>
    %dma_start3A_488 = tpu.memref_squeeze %dma_start3A_487 : memref<1x1024xf32, #tpu.memory_space<hbm>> -> memref<1024xf32, #tpu.memory_space<hbm>>
    %dma_start3A_489 = arith.constant 2048 : i32
    %dma_start3A_490 = tpu.memref_slice %arg16[%dma_start3A_489] : memref<8192xf32, #tpu.memory_space<vmem>> -> memref<1024xf32, #tpu.memory_space<vmem>>
    tpu.enqueue_dma source(%dma_start3A_490 : memref<1024xf32, #tpu.memory_space<vmem>>) target(%dma_start3A_488 : memref<1024xf32, #tpu.memory_space<hbm>>) target_semaphore(%arg20 : memref<!tpu.dma_semaphore, #tpu.memory_space<semaphore_mem>>)
    %mul3A_491 = arith.constant 1 : i32
    %mul3A_492 = arith.constant 8 : i32
    %mul3A_493 = arith.muli %mul3A_491, %mul3A_492 : i32
    %add3A_494 = arith.constant 3 : i32
    %add3A_495 = arith.addi %mul3A_493, %add3A_494 : i32
    %mul3A_496 = arith.constant 32 : i32
    %mul3A_497 = arith.muli %add3A_495, %mul3A_496 : i32
    %add3A_498 = arith.addi %mul3A_497, %add3A : i32
    %dma_start3A_499 = arith.constant 3072 : i32
    %dma_start3A_500 = tpu.memref_slice %arg16[%dma_start3A_499] : memref<8192xf32, #tpu.memory_space<vmem>> -> memref<1024xf32, #tpu.memory_space<vmem>>
    %dma_start3A_501 = arith.constant 0 : i32
    %dma_start3A_502 = tpu.memref_slice %arg7[%add3A_498, %dma_start3A_501] : memref<51200x1024xf32, #tpu.memory_space<hbm>> -> memref<1x1024xf32, #tpu.memory_space<hbm>>
    %dma_start3A_503 = tpu.memref_squeeze %dma_start3A_502 : memref<1x1024xf32, #tpu.memory_space<hbm>> -> memref<1024xf32, #tpu.memory_space<hbm>>
    %dma_start3A_504 = arith.constant 0 : i32
    %dma_start3A_505 = tpu.memref_slice %arg7[%add3A_498, %dma_start3A_504] : memref<51200x1024xf32, #tpu.memory_space<hbm>> -> memref<1x1024xf32, #tpu.memory_space<hbm>>
    %dma_start3A_506 = tpu.memref_squeeze %dma_start3A_505 : memref<1x1024xf32, #tpu.memory_space<hbm>> -> memref<1024xf32, #tpu.memory_space<hbm>>
    %dma_start3A_507 = arith.constant 3072 : i32
    %dma_start3A_508 = tpu.memref_slice %arg16[%dma_start3A_507] : memref<8192xf32, #tpu.memory_space<vmem>> -> memref<1024xf32, #tpu.memory_space<vmem>>
    tpu.enqueue_dma source(%dma_start3A_508 : memref<1024xf32, #tpu.memory_space<vmem>>) target(%dma_start3A_506 : memref<1024xf32, #tpu.memory_space<hbm>>) target_semaphore(%arg20 : memref<!tpu.dma_semaphore, #tpu.memory_space<semaphore_mem>>)
    %mul3A_509 = arith.constant 1 : i32
    %mul3A_510 = arith.constant 8 : i32
    %mul3A_511 = arith.muli %mul3A_509, %mul3A_510 : i32
    %add3A_512 = arith.constant 4 : i32
    %add3A_513 = arith.addi %mul3A_511, %add3A_512 : i32
    %mul3A_514 = arith.constant 32 : i32
    %mul3A_515 = arith.muli %add3A_513, %mul3A_514 : i32
    %add3A_516 = arith.addi %mul3A_515, %add3A : i32
    %dma_start3A_517 = arith.constant 4096 : i32
    %dma_start3A_518 = tpu.memref_slice %arg16[%dma_start3A_517] : memref<8192xf32, #tpu.memory_space<vmem>> -> memref<1024xf32, #tpu.memory_space<vmem>>
    %dma_start3A_519 = arith.constant 0 : i32
    %dma_start3A_520 = tpu.memref_slice %arg7[%add3A_516, %dma_start3A_519] : memref<51200x1024xf32, #tpu.memory_space<hbm>> -> memref<1x1024xf32, #tpu.memory_space<hbm>>
    %dma_start3A_521 = tpu.memref_squeeze %dma_start3A_520 : memref<1x1024xf32, #tpu.memory_space<hbm>> -> memref<1024xf32, #tpu.memory_space<hbm>>
    %dma_start3A_522 = arith.constant 0 : i32
    %dma_start3A_523 = tpu.memref_slice %arg7[%add3A_516, %dma_start3A_522] : memref<51200x1024xf32, #tpu.memory_space<hbm>> -> memref<1x1024xf32, #tpu.memory_space<hbm>>
    %dma_start3A_524 = tpu.memref_squeeze %dma_start3A_523 : memref<1x1024xf32, #tpu.memory_space<hbm>> -> memref<1024xf32, #tpu.memory_space<hbm>>
    %dma_start3A_525 = arith.constant 4096 : i32
    %dma_start3A_526 = tpu.memref_slice %arg16[%dma_start3A_525] : memref<8192xf32, #tpu.memory_space<vmem>> -> memref<1024xf32, #tpu.memory_space<vmem>>
    tpu.enqueue_dma source(%dma_start3A_526 : memref<1024xf32, #tpu.memory_space<vmem>>) target(%dma_start3A_524 : memref<1024xf32, #tpu.memory_space<hbm>>) target_semaphore(%arg20 : memref<!tpu.dma_semaphore, #tpu.memory_space<semaphore_mem>>)
    %mul3A_527 = arith.constant 1 : i32
    %mul3A_528 = arith.constant 8 : i32
    %mul3A_529 = arith.muli %mul3A_527, %mul3A_528 : i32
    %add3A_530 = arith.constant 5 : i32
    %add3A_531 = arith.addi %mul3A_529, %add3A_530 : i32
    %mul3A_532 = arith.constant 32 : i32
    %mul3A_533 = arith.muli %add3A_531, %mul3A_532 : i32
    %add3A_534 = arith.addi %mul3A_533, %add3A : i32
    %dma_start3A_535 = arith.constant 5120 : i32
    %dma_start3A_536 = tpu.memref_slice %arg16[%dma_start3A_535] : memref<8192xf32, #tpu.memory_space<vmem>> -> memref<1024xf32, #tpu.memory_space<vmem>>
    %dma_start3A_537 = arith.constant 0 : i32
    %dma_start3A_538 = tpu.memref_slice %arg7[%add3A_534, %dma_start3A_537] : memref<51200x1024xf32, #tpu.memory_space<hbm>> -> memref<1x1024xf32, #tpu.memory_space<hbm>>
    %dma_start3A_539 = tpu.memref_squeeze %dma_start3A_538 : memref<1x1024xf32, #tpu.memory_space<hbm>> -> memref<1024xf32, #tpu.memory_space<hbm>>
    %dma_start3A_540 = arith.constant 0 : i32
    %dma_start3A_541 = tpu.memref_slice %arg7[%add3A_534, %dma_start3A_540] : memref<51200x1024xf32, #tpu.memory_space<hbm>> -> memref<1x1024xf32, #tpu.memory_space<hbm>>
    %dma_start3A_542 = tpu.memref_squeeze %dma_start3A_541 : memref<1x1024xf32, #tpu.memory_space<hbm>> -> memref<1024xf32, #tpu.memory_space<hbm>>
    %dma_start3A_543 = arith.constant 5120 : i32
    %dma_start3A_544 = tpu.memref_slice %arg16[%dma_start3A_543] : memref<8192xf32, #tpu.memory_space<vmem>> -> memref<1024xf32, #tpu.memory_space<vmem>>
    tpu.enqueue_dma source(%dma_start3A_544 : memref<1024xf32, #tpu.memory_space<vmem>>) target(%dma_start3A_542 : memref<1024xf32, #tpu.memory_space<hbm>>) target_semaphore(%arg20 : memref<!tpu.dma_semaphore, #tpu.memory_space<semaphore_mem>>)
    %mul3A_545 = arith.constant 1 : i32
    %mul3A_546 = arith.constant 8 : i32
    %mul3A_547 = arith.muli %mul3A_545, %mul3A_546 : i32
    %add3A_548 = arith.constant 6 : i32
    %add3A_549 = arith.addi %mul3A_547, %add3A_548 : i32
    %mul3A_550 = arith.constant 32 : i32
    %mul3A_551 = arith.muli %add3A_549, %mul3A_550 : i32
    %add3A_552 = arith.addi %mul3A_551, %add3A : i32
    %dma_start3A_553 = arith.constant 6144 : i32
    %dma_start3A_554 = tpu.memref_slice %arg16[%dma_start3A_553] : memref<8192xf32, #tpu.memory_space<vmem>> -> memref<1024xf32, #tpu.memory_space<vmem>>
    %dma_start3A_555 = arith.constant 0 : i32
    %dma_start3A_556 = tpu.memref_slice %arg7[%add3A_552, %dma_start3A_555] : memref<51200x1024xf32, #tpu.memory_space<hbm>> -> memref<1x1024xf32, #tpu.memory_space<hbm>>
    %dma_start3A_557 = tpu.memref_squeeze %dma_start3A_556 : memref<1x1024xf32, #tpu.memory_space<hbm>> -> memref<1024xf32, #tpu.memory_space<hbm>>
    %dma_start3A_558 = arith.constant 0 : i32
    %dma_start3A_559 = tpu.memref_slice %arg7[%add3A_552, %dma_start3A_558] : memref<51200x1024xf32, #tpu.memory_space<hbm>> -> memref<1x1024xf32, #tpu.memory_space<hbm>>
    %dma_start3A_560 = tpu.memref_squeeze %dma_start3A_559 : memref<1x1024xf32, #tpu.memory_space<hbm>> -> memref<1024xf32, #tpu.memory_space<hbm>>
    %dma_start3A_561 = arith.constant 6144 : i32
    %dma_start3A_562 = tpu.memref_slice %arg16[%dma_start3A_561] : memref<8192xf32, #tpu.memory_space<vmem>> -> memref<1024xf32, #tpu.memory_space<vmem>>
    tpu.enqueue_dma source(%dma_start3A_562 : memref<1024xf32, #tpu.memory_space<vmem>>) target(%dma_start3A_560 : memref<1024xf32, #tpu.memory_space<hbm>>) target_semaphore(%arg20 : memref<!tpu.dma_semaphore, #tpu.memory_space<semaphore_mem>>)
    %mul3A_563 = arith.constant 1 : i32
    %mul3A_564 = arith.constant 8 : i32
    %mul3A_565 = arith.muli %mul3A_563, %mul3A_564 : i32
    %add3A_566 = arith.constant 7 : i32
    %add3A_567 = arith.addi %mul3A_565, %add3A_566 : i32
    %mul3A_568 = arith.constant 32 : i32
    %mul3A_569 = arith.muli %add3A_567, %mul3A_568 : i32
    %add3A_570 = arith.addi %mul3A_569, %add3A : i32
    %dma_start3A_571 = arith.constant 7168 : i32
    %dma_start3A_572 = tpu.memref_slice %arg16[%dma_start3A_571] : memref<8192xf32, #tpu.memory_space<vmem>> -> memref<1024xf32, #tpu.memory_space<vmem>>
    %dma_start3A_573 = arith.constant 0 : i32
    %dma_start3A_574 = tpu.memref_slice %arg7[%add3A_570, %dma_start3A_573] : memref<51200x1024xf32, #tpu.memory_space<hbm>> -> memref<1x1024xf32, #tpu.memory_space<hbm>>
    %dma_start3A_575 = tpu.memref_squeeze %dma_start3A_574 : memref<1x1024xf32, #tpu.memory_space<hbm>> -> memref<1024xf32, #tpu.memory_space<hbm>>
    %dma_start3A_576 = arith.constant 0 : i32
    %dma_start3A_577 = tpu.memref_slice %arg7[%add3A_570, %dma_start3A_576] : memref<51200x1024xf32, #tpu.memory_space<hbm>> -> memref<1x1024xf32, #tpu.memory_space<hbm>>
    %dma_start3A_578 = tpu.memref_squeeze %dma_start3A_577 : memref<1x1024xf32, #tpu.memory_space<hbm>> -> memref<1024xf32, #tpu.memory_space<hbm>>
    %dma_start3A_579 = arith.constant 7168 : i32
    %dma_start3A_580 = tpu.memref_slice %arg16[%dma_start3A_579] : memref<8192xf32, #tpu.memory_space<vmem>> -> memref<1024xf32, #tpu.memory_space<vmem>>
    tpu.enqueue_dma source(%dma_start3A_580 : memref<1024xf32, #tpu.memory_space<vmem>>) target(%dma_start3A_578 : memref<1024xf32, #tpu.memory_space<hbm>>) target_semaphore(%arg20 : memref<!tpu.dma_semaphore, #tpu.memory_space<semaphore_mem>>)
    %scan3A_581 = arith.constant 0 : i32
    %scan3A_582 = arith.constant 1 : i32
    %scan3A_583 = arith.constant 99 : i32
    %scan3A_584 = arith.addi %scan3A_582, %scan3A_583 : i32
    %scan3A_585 = arith.constant 1 : i32
    scf.for %scan3A_778 = %scan3A_582 to %scan3A_584 step %scan3A_585  : i32 {
      %mul3A_779 = arith.constant 2 : i32
      %mul3A_780 = arith.muli %mul3A_779, %scan3A_778 : i32
      %dma_wait3A_781 = arith.constant 0 : i32
      %dma_wait3A_782 = tpu.memref_slice %arg2[%dma_wait3A_781] : memref<819200xi32, #tpu.memory_space<hbm>> -> memref<128xi32, #tpu.memory_space<hbm>>
      %dma_wait3A_783 = arith.constant 0 : i32
      %dma_wait3A_784 = tpu.memref_slice %arg2[%dma_wait3A_783] : memref<819200xi32, #tpu.memory_space<hbm>> -> memref<128xi32, #tpu.memory_space<hbm>>
      tpu.wait_dma2 semaphore(%arg17 : memref<!tpu.dma_semaphore, #tpu.memory_space<semaphore_mem>>) src(%dma_wait3A_784 : memref<128xi32, #tpu.memory_space<hbm>>) dst(%arg11 : memref<128xi32, #tpu.memory_space<vmem>>)
      %dma_wait3A_785 = arith.constant 0 : i32
      %dma_wait3A_786 = tpu.memref_slice %arg3[%dma_wait3A_785] : memref<819200xi32, #tpu.memory_space<hbm>> -> memref<128xi32, #tpu.memory_space<hbm>>
      %dma_wait3A_787 = arith.constant 0 : i32
      %dma_wait3A_788 = tpu.memref_slice %arg3[%dma_wait3A_787] : memref<819200xi32, #tpu.memory_space<hbm>> -> memref<128xi32, #tpu.memory_space<hbm>>
      tpu.wait_dma2 semaphore(%arg17 : memref<!tpu.dma_semaphore, #tpu.memory_space<semaphore_mem>>) src(%dma_wait3A_788 : memref<128xi32, #tpu.memory_space<hbm>>) dst(%arg13 : memref<128xi32, #tpu.memory_space<vmem>>)
      %get3A_789 = arith.constant 0 : index
      %get3A_790 = tpu.vector_load %arg11[%get3A_789] {strides = array<i32>} : memref<128xi32, #tpu.memory_space<vmem>>, vector<16xi32>,
      %get3A_791 = arith.constant 16 : index
      %get3A_792 = tpu.vector_load %arg11[%get3A_791] {strides = array<i32>} : memref<128xi32, #tpu.memory_space<vmem>>, vector<16xi32>,
      %get3A_793 = arith.constant 32 : index
      %get3A_794 = tpu.vector_load %arg11[%get3A_793] {strides = array<i32>} : memref<128xi32, #tpu.memory_space<vmem>>, vector<16xi32>,
      %get3A_795 = arith.constant 48 : index
      %get3A_796 = tpu.vector_load %arg11[%get3A_795] {strides = array<i32>} : memref<128xi32, #tpu.memory_space<vmem>>, vector<16xi32>,
      %get3A_797 = arith.constant 64 : index
      %get3A_798 = tpu.vector_load %arg11[%get3A_797] {strides = array<i32>} : memref<128xi32, #tpu.memory_space<vmem>>, vector<16xi32>,
      %get3A_799 = arith.constant 80 : index
      %get3A_800 = tpu.vector_load %arg11[%get3A_799] {strides = array<i32>} : memref<128xi32, #tpu.memory_space<vmem>>, vector<16xi32>,
      %get3A_801 = arith.constant 96 : index
      %get3A_802 = tpu.vector_load %arg11[%get3A_801] {strides = array<i32>} : memref<128xi32, #tpu.memory_space<vmem>>, vector<16xi32>,
      %get3A_803 = arith.constant 112 : index
      %get3A_804 = tpu.vector_load %arg11[%get3A_803] {strides = array<i32>} : memref<128xi32, #tpu.memory_space<vmem>>, vector<16xi32>,
      %get3A_805 = arith.constant 0 : index
      %get3A_806 = tpu.vector_load %arg13[%get3A_805] {strides = array<i32>} : memref<128xi32, #tpu.memory_space<vmem>>, vector<16xi32>,
      %get3A_807 = arith.constant 16 : index
      %get3A_808 = tpu.vector_load %arg13[%get3A_807] {strides = array<i32>} : memref<128xi32, #tpu.memory_space<vmem>>, vector<16xi32>,
      %get3A_809 = arith.constant 32 : index
      %get3A_810 = tpu.vector_load %arg13[%get3A_809] {strides = array<i32>} : memref<128xi32, #tpu.memory_space<vmem>>, vector<16xi32>,
      %get3A_811 = arith.constant 48 : index
      %get3A_812 = tpu.vector_load %arg13[%get3A_811] {strides = array<i32>} : memref<128xi32, #tpu.memory_space<vmem>>, vector<16xi32>,
      %get3A_813 = arith.constant 64 : index
      %get3A_814 = tpu.vector_load %arg13[%get3A_813] {strides = array<i32>} : memref<128xi32, #tpu.memory_space<vmem>>, vector<16xi32>,
      %get3A_815 = arith.constant 80 : index
      %get3A_816 = tpu.vector_load %arg13[%get3A_815] {strides = array<i32>} : memref<128xi32, #tpu.memory_space<vmem>>, vector<16xi32>,
      %get3A_817 = arith.constant 96 : index
      %get3A_818 = tpu.vector_load %arg13[%get3A_817] {strides = array<i32>} : memref<128xi32, #tpu.memory_space<vmem>>, vector<16xi32>,
      %get3A_819 = arith.constant 112 : index
      %get3A_820 = tpu.vector_load %arg13[%get3A_819] {strides = array<i32>} : memref<128xi32, #tpu.memory_space<vmem>>, vector<16xi32>,
      %add3A_821 = arith.constant 2 : i32
      %add3A_822 = arith.addi %mul3A_780, %add3A_821 : i32
      %min3A_823 = arith.constant 199 : i32
      %min3A_824 = arith.minsi %add3A_822, %min3A_823 : i32
      %jit3A_825 = arith.constant 8 : i32
      %div3A_826 = arith.divsi %min3A_824, %jit3A_825 : i32
      %sign3A_827 = arith.constant 0 : i32
      %sign3A_828 = arith.cmpi sgt, %min3A_824, %sign3A_827 : i32
      %sign3A_829 = arith.extui %sign3A_828 : i1 to i32
      %sign3A_830 = arith.constant 0 : i32
      %sign3A_831 = arith.cmpi slt, %min3A_824, %sign3A_830 : i32
      %sign3A_832 = arith.extui %sign3A_831 : i1 to i32
      %sign3A_833 = arith.subi %sign3A_829, %sign3A_832 : i32
      %sign3A_834 = arith.constant 0 : i32
      %sign3A_835 = arith.cmpi sgt, %jit3A_825, %sign3A_834 : i32
      %sign3A_836 = arith.extui %sign3A_835 : i1 to i32
      %sign3A_837 = arith.constant 0 : i32
      %sign3A_838 = arith.cmpi slt, %jit3A_825, %sign3A_837 : i32
      %sign3A_839 = arith.extui %sign3A_838 : i1 to i32
      %sign3A_840 = arith.subi %sign3A_836, %sign3A_839 : i32
      %ne3A_841 = arith.cmpi ne, %sign3A_833, %sign3A_840 : i32
      %rem3A_842 = arith.remsi %min3A_824, %jit3A_825 : i32
      %ne3A_843 = arith.constant 0 : i32
      %ne3A_844 = arith.cmpi ne, %rem3A_842, %ne3A_843 : i32
      %and3A_845 = arith.andi %ne3A_841, %ne3A_844 : i1
      %sub3A_846 = arith.constant 1 : i32
      %sub3A_847 = arith.subi %div3A_826, %sub3A_846 : i32
      %select_n3A_848 = arith.select %and3A_845, %sub3A_847, %div3A_826 : i32
      %mul3A_849 = arith.constant 32 : i32
      %mul3A_850 = arith.muli %select_n3A_848, %mul3A_849 : i32
      %add3A_851 = arith.addi %mul3A_850, %add3A : i32
      %mul3A_852 = arith.constant 1024 : i32
      %mul3A_853 = arith.muli %add3A_851, %mul3A_852 : i32
      %jit3A_854 = arith.constant 8 : i32
      %eq3A_855 = arith.constant 0 : i32
      %eq3A_856 = arith.cmpi eq, %jit3A_854, %eq3A_855 : i32
      %jit3A_857 = arith.constant 1 : i32
      %select_n3A_858 = arith.select %eq3A_856, %jit3A_857, %jit3A_854 : i32
      %rem3A_859 = arith.remsi %min3A_824, %select_n3A_858 : i32
      %ne3A_860 = arith.constant 0 : i32
      %ne3A_861 = arith.cmpi ne, %rem3A_859, %ne3A_860 : i32
      %lt3A_862 = arith.constant 0 : i32
      %lt3A_863 = arith.cmpi slt, %rem3A_859, %lt3A_862 : i32
      %lt3A_864 = arith.constant 0 : i32
      %lt3A_865 = arith.cmpi slt, %select_n3A_858, %lt3A_864 : i32
      %ne3A_866 = arith.xori %lt3A_863, %lt3A_865 : i1
      %and3A_867 = arith.andi %ne3A_866, %ne3A_861 : i1
      %add3A_868 = arith.addi %rem3A_859, %select_n3A_858 : i32
      %select_n3A_869 = arith.select %and3A_867, %add3A_868, %rem3A_859 : i32
      %mul3A_870 = arith.constant 128 : i32
      %mul3A_871 = arith.muli %select_n3A_869, %mul3A_870 : i32
      %add3A_872 = arith.addi %mul3A_853, %mul3A_871 : i32
      %dma_start3A_873 = tpu.memref_slice %arg2[%add3A_872] : memref<819200xi32, #tpu.memory_space<hbm>> -> memref<128xi32, #tpu.memory_space<hbm>>
      %dma_start3A_874 = tpu.memref_slice %arg2[%add3A_872] : memref<819200xi32, #tpu.memory_space<hbm>> -> memref<128xi32, #tpu.memory_space<hbm>>
      tpu.enqueue_dma source(%dma_start3A_874 : memref<128xi32, #tpu.memory_space<hbm>>) target(%arg11 : memref<128xi32, #tpu.memory_space<vmem>>) target_semaphore(%arg17 : memref<!tpu.dma_semaphore, #tpu.memory_space<semaphore_mem>>)
      %dma_start3A_875 = tpu.memref_slice %arg3[%add3A_872] : memref<819200xi32, #tpu.memory_space<hbm>> -> memref<128xi32, #tpu.memory_space<hbm>>
      %dma_start3A_876 = tpu.memref_slice %arg3[%add3A_872] : memref<819200xi32, #tpu.memory_space<hbm>> -> memref<128xi32, #tpu.memory_space<hbm>>
      tpu.enqueue_dma source(%dma_start3A_876 : memref<128xi32, #tpu.memory_space<hbm>>) target(%arg13 : memref<128xi32, #tpu.memory_space<vmem>>) target_semaphore(%arg17 : memref<!tpu.dma_semaphore, #tpu.memory_space<semaphore_mem>>)
      %dma_wait3A_877 = arith.constant 0 : i32
      %dma_wait3A_878 = arith.constant 0 : i32
      %dma_wait3A_879 = tpu.memref_slice %arg15[%dma_wait3A_878] : memref<8192xf32, #tpu.memory_space<vmem>> -> memref<1024xf32, #tpu.memory_space<vmem>>
      %dma_wait3A_880 = arith.constant 0 : i32
      %dma_wait3A_881 = tpu.memref_slice %arg7[%dma_wait3A_877, %dma_wait3A_880] : memref<51200x1024xf32, #tpu.memory_space<hbm>> -> memref<1x1024xf32, #tpu.memory_space<hbm>>
      %dma_wait3A_882 = tpu.memref_squeeze %dma_wait3A_881 : memref<1x1024xf32, #tpu.memory_space<hbm>> -> memref<1024xf32, #tpu.memory_space<hbm>>
      %dma_wait3A_883 = arith.constant 0 : i32
      %dma_wait3A_884 = tpu.memref_slice %arg7[%dma_wait3A_877, %dma_wait3A_883] : memref<51200x1024xf32, #tpu.memory_space<hbm>> -> memref<1x1024xf32, #tpu.memory_space<hbm>>
      %dma_wait3A_885 = tpu.memref_squeeze %dma_wait3A_884 : memref<1x1024xf32, #tpu.memory_space<hbm>> -> memref<1024xf32, #tpu.memory_space<hbm>>
      %dma_wait3A_886 = arith.constant 0 : i32
      %dma_wait3A_887 = tpu.memref_slice %arg15[%dma_wait3A_886] : memref<8192xf32, #tpu.memory_space<vmem>> -> memref<1024xf32, #tpu.memory_space<vmem>>
      tpu.wait_dma2 semaphore(%arg19 : memref<!tpu.dma_semaphore, #tpu.memory_space<semaphore_mem>>) src(%dma_wait3A_887 : memref<1024xf32, #tpu.memory_space<vmem>>) dst(%dma_wait3A_885 : memref<1024xf32, #tpu.memory_space<hbm>>)
      %dma_wait3A_888 = arith.constant 0 : i32
      %dma_wait3A_889 = arith.constant 0 : i32
      %dma_wait3A_890 = tpu.memref_slice %arg15[%dma_wait3A_889] : memref<8192xf32, #tpu.memory_space<vmem>> -> memref<1024xf32, #tpu.memory_space<vmem>>
      %dma_wait3A_891 = arith.constant 0 : i32
      %dma_wait3A_892 = tpu.memref_slice %arg7[%dma_wait3A_888, %dma_wait3A_891] : memref<51200x1024xf32, #tpu.memory_space<hbm>> -> memref<1x1024xf32, #tpu.memory_space<hbm>>
      %dma_wait3A_893 = tpu.memref_squeeze %dma_wait3A_892 : memref<1x1024xf32, #tpu.memory_space<hbm>> -> memref<1024xf32, #tpu.memory_space<hbm>>
      %dma_wait3A_894 = arith.constant 0 : i32
      %dma_wait3A_895 = tpu.memref_slice %arg7[%dma_wait3A_888, %dma_wait3A_894] : memref<51200x1024xf32, #tpu.memory_space<hbm>> -> memref<1x1024xf32, #tpu.memory_space<hbm>>
      %dma_wait3A_896 = tpu.memref_squeeze %dma_wait3A_895 : memref<1x1024xf32, #tpu.memory_space<hbm>> -> memref<1024xf32, #tpu.memory_space<hbm>>
      %dma_wait3A_897 = arith.constant 0 : i32
      %dma_wait3A_898 = tpu.memref_slice %arg15[%dma_wait3A_897] : memref<8192xf32, #tpu.memory_space<vmem>> -> memref<1024xf32, #tpu.memory_space<vmem>>
      tpu.wait_dma2 semaphore(%arg19 : memref<!tpu.dma_semaphore, #tpu.memory_space<semaphore_mem>>) src(%dma_wait3A_898 : memref<1024xf32, #tpu.memory_space<vmem>>) dst(%dma_wait3A_896 : memref<1024xf32, #tpu.memory_space<hbm>>)
      %dma_wait3A_899 = arith.constant 0 : i32
      %dma_wait3A_900 = arith.constant 0 : i32
      %dma_wait3A_901 = tpu.memref_slice %arg15[%dma_wait3A_900] : memref<8192xf32, #tpu.memory_space<vmem>> -> memref<1024xf32, #tpu.memory_space<vmem>>
      %dma_wait3A_902 = arith.constant 0 : i32
      %dma_wait3A_903 = tpu.memref_slice %arg7[%dma_wait3A_899, %dma_wait3A_902] : memref<51200x1024xf32, #tpu.memory_space<hbm>> -> memref<1x1024xf32, #tpu.memory_space<hbm>>
      %dma_wait3A_904 = tpu.memref_squeeze %dma_wait3A_903 : memref<1x1024xf32, #tpu.memory_space<hbm>> -> memref<1024xf32, #tpu.memory_space<hbm>>
      %dma_wait3A_905 = arith.constant 0 : i32
      %dma_wait3A_906 = tpu.memref_slice %arg7[%dma_wait3A_899, %dma_wait3A_905] : memref<51200x1024xf32, #tpu.memory_space<hbm>> -> memref<1x1024xf32, #tpu.memory_space<hbm>>
      %dma_wait3A_907 = tpu.memref_squeeze %dma_wait3A_906 : memref<1x1024xf32, #tpu.memory_space<hbm>> -> memref<1024xf32, #tpu.memory_space<hbm>>
      %dma_wait3A_908 = arith.constant 0 : i32
      %dma_wait3A_909 = tpu.memref_slice %arg15[%dma_wait3A_908] : memref<8192xf32, #tpu.memory_space<vmem>> -> memref<1024xf32, #tpu.memory_space<vmem>>
      tpu.wait_dma2 semaphore(%arg19 : memref<!tpu.dma_semaphore, #tpu.memory_space<semaphore_mem>>) src(%dma_wait3A_909 : memref<1024xf32, #tpu.memory_space<vmem>>) dst(%dma_wait3A_907 : memref<1024xf32, #tpu.memory_space<hbm>>)
      %dma_wait3A_910 = arith.constant 0 : i32
      %dma_wait3A_911 = arith.constant 0 : i32
      %dma_wait3A_912 = tpu.memref_slice %arg15[%dma_wait3A_911] : memref<8192xf32, #tpu.memory_space<vmem>> -> memref<1024xf32, #tpu.memory_space<vmem>>
      %dma_wait3A_913 = arith.constant 0 : i32
      %dma_wait3A_914 = tpu.memref_slice %arg7[%dma_wait3A_910, %dma_wait3A_913] : memref<51200x1024xf32, #tpu.memory_space<hbm>> -> memref<1x1024xf32, #tpu.memory_space<hbm>>
      %dma_wait3A_915 = tpu.memref_squeeze %dma_wait3A_914 : memref<1x1024xf32, #tpu.memory_space<hbm>> -> memref<1024xf32, #tpu.memory_space<hbm>>
      %dma_wait3A_916 = arith.constant 0 : i32
      %dma_wait3A_917 = tpu.memref_slice %arg7[%dma_wait3A_910, %dma_wait3A_916] : memref<51200x1024xf32, #tpu.memory_space<hbm>> -> memref<1x1024xf32, #tpu.memory_space<hbm>>
      %dma_wait3A_918 = tpu.memref_squeeze %dma_wait3A_917 : memref<1x1024xf32, #tpu.memory_space<hbm>> -> memref<1024xf32, #tpu.memory_space<hbm>>
      %dma_wait3A_919 = arith.constant 0 : i32
      %dma_wait3A_920 = tpu.memref_slice %arg15[%dma_wait3A_919] : memref<8192xf32, #tpu.memory_space<vmem>> -> memref<1024xf32, #tpu.memory_space<vmem>>
      tpu.wait_dma2 semaphore(%arg19 : memref<!tpu.dma_semaphore, #tpu.memory_space<semaphore_mem>>) src(%dma_wait3A_920 : memref<1024xf32, #tpu.memory_space<vmem>>) dst(%dma_wait3A_918 : memref<1024xf32, #tpu.memory_space<hbm>>)
      %dma_wait3A_921 = arith.constant 0 : i32
      %dma_wait3A_922 = arith.constant 0 : i32
      %dma_wait3A_923 = tpu.memref_slice %arg15[%dma_wait3A_922] : memref<8192xf32, #tpu.memory_space<vmem>> -> memref<1024xf32, #tpu.memory_space<vmem>>
      %dma_wait3A_924 = arith.constant 0 : i32
      %dma_wait3A_925 = tpu.memref_slice %arg7[%dma_wait3A_921, %dma_wait3A_924] : memref<51200x1024xf32, #tpu.memory_space<hbm>> -> memref<1x1024xf32, #tpu.memory_space<hbm>>
      %dma_wait3A_926 = tpu.memref_squeeze %dma_wait3A_925 : memref<1x1024xf32, #tpu.memory_space<hbm>> -> memref<1024xf32, #tpu.memory_space<hbm>>
      %dma_wait3A_927 = arith.constant 0 : i32
      %dma_wait3A_928 = tpu.memref_slice %arg7[%dma_wait3A_921, %dma_wait3A_927] : memref<51200x1024xf32, #tpu.memory_space<hbm>> -> memref<1x1024xf32, #tpu.memory_space<hbm>>
      %dma_wait3A_929 = tpu.memref_squeeze %dma_wait3A_928 : memref<1x1024xf32, #tpu.memory_space<hbm>> -> memref<1024xf32, #tpu.memory_space<hbm>>
      %dma_wait3A_930 = arith.constant 0 : i32
      %dma_wait3A_931 = tpu.memref_slice %arg15[%dma_wait3A_930] : memref<8192xf32, #tpu.memory_space<vmem>> -> memref<1024xf32, #tpu.memory_space<vmem>>
      tpu.wait_dma2 semaphore(%arg19 : memref<!tpu.dma_semaphore, #tpu.memory_space<semaphore_mem>>) src(%dma_wait3A_931 : memref<1024xf32, #tpu.memory_space<vmem>>) dst(%dma_wait3A_929 : memref<1024xf32, #tpu.memory_space<hbm>>)
      %dma_wait3A_932 = arith.constant 0 : i32
      %dma_wait3A_933 = arith.constant 0 : i32
      %dma_wait3A_934 = tpu.memref_slice %arg15[%dma_wait3A_933] : memref<8192xf32, #tpu.memory_space<vmem>> -> memref<1024xf32, #tpu.memory_space<vmem>>
      %dma_wait3A_935 = arith.constant 0 : i32
      %dma_wait3A_936 = tpu.memref_slice %arg7[%dma_wait3A_932, %dma_wait3A_935] : memref<51200x1024xf32, #tpu.memory_space<hbm>> -> memref<1x1024xf32, #tpu.memory_space<hbm>>
      %dma_wait3A_937 = tpu.memref_squeeze %dma_wait3A_936 : memref<1x1024xf32, #tpu.memory_space<hbm>> -> memref<1024xf32, #tpu.memory_space<hbm>>
      %dma_wait3A_938 = arith.constant 0 : i32
      %dma_wait3A_939 = tpu.memref_slice %arg7[%dma_wait3A_932, %dma_wait3A_938] : memref<51200x1024xf32, #tpu.memory_space<hbm>> -> memref<1x1024xf32, #tpu.memory_space<hbm>>
      %dma_wait3A_940 = tpu.memref_squeeze %dma_wait3A_939 : memref<1x1024xf32, #tpu.memory_space<hbm>> -> memref<1024xf32, #tpu.memory_space<hbm>>
      %dma_wait3A_941 = arith.constant 0 : i32
      %dma_wait3A_942 = tpu.memref_slice %arg15[%dma_wait3A_941] : memref<8192xf32, #tpu.memory_space<vmem>> -> memref<1024xf32, #tpu.memory_space<vmem>>
      tpu.wait_dma2 semaphore(%arg19 : memref<!tpu.dma_semaphore, #tpu.memory_space<semaphore_mem>>) src(%dma_wait3A_942 : memref<1024xf32, #tpu.memory_space<vmem>>) dst(%dma_wait3A_940 : memref<1024xf32, #tpu.memory_space<hbm>>)
      %dma_wait3A_943 = arith.constant 0 : i32
      %dma_wait3A_944 = arith.constant 0 : i32
      %dma_wait3A_945 = tpu.memref_slice %arg15[%dma_wait3A_944] : memref<8192xf32, #tpu.memory_space<vmem>> -> memref<1024xf32, #tpu.memory_space<vmem>>
      %dma_wait3A_946 = arith.constant 0 : i32
      %dma_wait3A_947 = tpu.memref_slice %arg7[%dma_wait3A_943, %dma_wait3A_946] : memref<51200x1024xf32, #tpu.memory_space<hbm>> -> memref<1x1024xf32, #tpu.memory_space<hbm>>
      %dma_wait3A_948 = tpu.memref_squeeze %dma_wait3A_947 : memref<1x1024xf32, #tpu.memory_space<hbm>> -> memref<1024xf32, #tpu.memory_space<hbm>>
      %dma_wait3A_949 = arith.constant 0 : i32
      %dma_wait3A_950 = tpu.memref_slice %arg7[%dma_wait3A_943, %dma_wait3A_949] : memref<51200x1024xf32, #tpu.memory_space<hbm>> -> memref<1x1024xf32, #tpu.memory_space<hbm>>
      %dma_wait3A_951 = tpu.memref_squeeze %dma_wait3A_950 : memref<1x1024xf32, #tpu.memory_space<hbm>> -> memref<1024xf32, #tpu.memory_space<hbm>>
      %dma_wait3A_952 = arith.constant 0 : i32
      %dma_wait3A_953 = tpu.memref_slice %arg15[%dma_wait3A_952] : memref<8192xf32, #tpu.memory_space<vmem>> -> memref<1024xf32, #tpu.memory_space<vmem>>
      tpu.wait_dma2 semaphore(%arg19 : memref<!tpu.dma_semaphore, #tpu.memory_space<semaphore_mem>>) src(%dma_wait3A_953 : memref<1024xf32, #tpu.memory_space<vmem>>) dst(%dma_wait3A_951 : memref<1024xf32, #tpu.memory_space<hbm>>)
      %dma_wait3A_954 = arith.constant 0 : i32
      %dma_wait3A_955 = arith.constant 0 : i32
      %dma_wait3A_956 = tpu.memref_slice %arg15[%dma_wait3A_955] : memref<8192xf32, #tpu.memory_space<vmem>> -> memref<1024xf32, #tpu.memory_space<vmem>>
      %dma_wait3A_957 = arith.constant 0 : i32
      %dma_wait3A_958 = tpu.memref_slice %arg7[%dma_wait3A_954, %dma_wait3A_957] : memref<51200x1024xf32, #tpu.memory_space<hbm>> -> memref<1x1024xf32, #tpu.memory_space<hbm>>
      %dma_wait3A_959 = tpu.memref_squeeze %dma_wait3A_958 : memref<1x1024xf32, #tpu.memory_space<hbm>> -> memref<1024xf32, #tpu.memory_space<hbm>>
      %dma_wait3A_960 = arith.constant 0 : i32
      %dma_wait3A_961 = tpu.memref_slice %arg7[%dma_wait3A_954, %dma_wait3A_960] : memref<51200x1024xf32, #tpu.memory_space<hbm>> -> memref<1x1024xf32, #tpu.memory_space<hbm>>
      %dma_wait3A_962 = tpu.memref_squeeze %dma_wait3A_961 : memref<1x1024xf32, #tpu.memory_space<hbm>> -> memref<1024xf32, #tpu.memory_space<hbm>>
      %dma_wait3A_963 = arith.constant 0 : i32
      %dma_wait3A_964 = tpu.memref_slice %arg15[%dma_wait3A_963] : memref<8192xf32, #tpu.memory_space<vmem>> -> memref<1024xf32, #tpu.memory_space<vmem>>
      tpu.wait_dma2 semaphore(%arg19 : memref<!tpu.dma_semaphore, #tpu.memory_space<semaphore_mem>>) src(%dma_wait3A_964 : memref<1024xf32, #tpu.memory_space<vmem>>) dst(%dma_wait3A_962 : memref<1024xf32, #tpu.memory_space<hbm>>)
      %mul3A_965 = arith.constant 64 : i32
      %mul3A_966 = arith.muli %mul3A_780, %mul3A_965 : i32
      %add3A_967 = arith.constant 0 : i32
      %add3A_968 = arith.addi %mul3A_966, %add3A_967 : i32
      %get3A_969 = arith.index_cast %add3A_968 : i32 to index
      %get3A_970 = tpu.vector_load %arg10[%get3A_969] {strides = array<i32>} : memref<12800xf32, #tpu.memory_space<vmem>>, vector<16xf32>,
      %mul3A_971 = arith.constant 64 : i32
      %mul3A_972 = arith.muli %mul3A_780, %mul3A_971 : i32
      %add3A_973 = arith.constant 16 : i32
      %add3A_974 = arith.addi %mul3A_972, %add3A_973 : i32
      %get3A_975 = arith.index_cast %add3A_974 : i32 to index
      %get3A_976 = tpu.vector_load %arg10[%get3A_975] {strides = array<i32>} : memref<12800xf32, #tpu.memory_space<vmem>>, vector<16xf32>,
      %mul3A_977 = arith.constant 64 : i32
      %mul3A_978 = arith.muli %mul3A_780, %mul3A_977 : i32
      %add3A_979 = arith.constant 32 : i32
      %add3A_980 = arith.addi %mul3A_978, %add3A_979 : i32
      %get3A_981 = arith.index_cast %add3A_980 : i32 to index
      %get3A_982 = tpu.vector_load %arg10[%get3A_981] {strides = array<i32>} : memref<12800xf32, #tpu.memory_space<vmem>>, vector<16xf32>,
      %mul3A_983 = arith.constant 64 : i32
      %mul3A_984 = arith.muli %mul3A_780, %mul3A_983 : i32
      %add3A_985 = arith.constant 48 : i32
      %add3A_986 = arith.addi %mul3A_984, %add3A_985 : i32
      %get3A_987 = arith.index_cast %add3A_986 : i32 to index
      %get3A_988 = tpu.vector_load %arg10[%get3A_987] {strides = array<i32>} : memref<12800xf32, #tpu.memory_space<vmem>>, vector<16xf32>,
      %scan3A_989 = arith.constant 0 : i32
      %scan3A_990 = arith.constant 0 : i32
      %scan3A_991 = arith.constant 16 : i32
      %scan3A_992 = arith.addi %scan3A_990, %scan3A_991 : i32
      %scan3A_993 = arith.constant 1 : i32
      scf.for %scan3A_1521 = %scan3A_990 to %scan3A_992 step %scan3A_993  : i32 {
        %add3A_1522 = arith.constant 0 : i32
        %add3A_1523 = arith.addi %add3A_1522, %scan3A_1521 : i32
        %mul3A_1524 = arith.constant 1000 : i32
        %mul3A_1525 = arith.muli %add3A_1523, %mul3A_1524 : i32
        %broadcast_in_dim3A = vector.broadcast %mul3A_1525 : i32 to vector<16xi32>
        %mul3A_1526 = arith.constant 201 : i32
        %mul3A_1527 = arith.muli %add3A_1523, %mul3A_1526 : i32
        %broadcast_in_dim3A_1528 = vector.broadcast %mul3A_1527 : i32 to vector<16xi32>
        %broadcast_in_dim3A_1529 = vector.broadcast %scan3A_1521 : i32 to vector<16xi32>
        %lt3A_1530 = arith.constant 0 : i32
        %lt3A_1531 = vector.broadcast %lt3A_1530 : i32 to vector<16xi32>
        %lt3A_1532 = arith.cmpi slt, %broadcast_in_dim3A_1529, %lt3A_1531 : vector<16xi32>
        %add3A_1533 = arith.constant 16 : i32
        %add3A_1534 = vector.broadcast %add3A_1533 : i32 to vector<16xi32>
        %add3A_1535 = arith.addi %broadcast_in_dim3A_1529, %add3A_1534 : vector<16xi32>
        %select_n3A_1536 = arith.select %lt3A_1532, %add3A_1535, %broadcast_in_dim3A_1529 : vector<16xi1>, vector<16xi32>
        %broadcast_in_dim3A_1537 = vector.shape_cast %select_n3A_1536 : vector<16xi32> to vector<16x1xi32>
        %gather3A = vector.shape_cast %broadcast_in_dim3A_1537 : vector<16x1xi32> to vector<16xi32>
        %gather3A_1538 = tpu.dynamic_gather %get3A_970[%gather3A] in [0] : vector<16xf32>, vector<16xi32> -> vector<16xf32>
        %add3A_1539 = arith.addi %get3A_790, %broadcast_in_dim3A : vector<16xi32>
        %gather3A_1540 = tpu.vector_load_idx %arg8[%add3A_1539] : memref<64000xf32, #tpu.memory_space<vmem>>[vector<16xi32>], vector<16xf32>,
        %add3A_1541 = arith.addi %get3A_792, %broadcast_in_dim3A : vector<16xi32>
        %gather3A_1542 = tpu.vector_load_idx %arg8[%add3A_1541] : memref<64000xf32, #tpu.memory_space<vmem>>[vector<16xi32>], vector<16xf32>,
        %add3A_1543 = arith.addi %get3A_794, %broadcast_in_dim3A : vector<16xi32>
        %gather3A_1544 = tpu.vector_load_idx %arg8[%add3A_1543] : memref<64000xf32, #tpu.memory_space<vmem>>[vector<16xi32>], vector<16xf32>,
        %add3A_1545 = arith.addi %get3A_796, %broadcast_in_dim3A : vector<16xi32>
        %gather3A_1546 = tpu.vector_load_idx %arg8[%add3A_1545] : memref<64000xf32, #tpu.memory_space<vmem>>[vector<16xi32>], vector<16xf32>,
        %add3A_1547 = arith.addi %get3A_798, %broadcast_in_dim3A : vector<16xi32>
        %gather3A_1548 = tpu.vector_load_idx %arg8[%add3A_1547] : memref<64000xf32, #tpu.memory_space<vmem>>[vector<16xi32>], vector<16xf32>,
        %add3A_1549 = arith.addi %get3A_800, %broadcast_in_dim3A : vector<16xi32>
        %gather3A_1550 = tpu.vector_load_idx %arg8[%add3A_1549] : memref<64000xf32, #tpu.memory_space<vmem>>[vector<16xi32>], vector<16xf32>,
        %add3A_1551 = arith.addi %get3A_802, %broadcast_in_dim3A : vector<16xi32>
        %gather3A_1552 = tpu.vector_load_idx %arg8[%add3A_1551] : memref<64000xf32, #tpu.memory_space<vmem>>[vector<16xi32>], vector<16xf32>,
        %add3A_1553 = arith.addi %get3A_804, %broadcast_in_dim3A : vector<16xi32>
        %gather3A_1554 = tpu.vector_load_idx %arg8[%add3A_1553] : memref<64000xf32, #tpu.memory_space<vmem>>[vector<16xi32>], vector<16xf32>,
        %add3A_1555 = arith.addi %get3A_806, %broadcast_in_dim3A_1528 : vector<16xi32>
        %gather3A_1556 = tpu.vector_load_idx %arg9[%add3A_1555] : memref<12864xf32, #tpu.memory_space<vmem>>[vector<16xi32>], vector<16xf32>,
        %add3A_1557 = arith.addi %get3A_808, %broadcast_in_dim3A_1528 : vector<16xi32>
        %gather3A_1558 = tpu.vector_load_idx %arg9[%add3A_1557] : memref<12864xf32, #tpu.memory_space<vmem>>[vector<16xi32>], vector<16xf32>,
        %add3A_1559 = arith.addi %get3A_810, %broadcast_in_dim3A_1528 : vector<16xi32>
        %gather3A_1560 = tpu.vector_load_idx %arg9[%add3A_1559] : memref<12864xf32, #tpu.memory_space<vmem>>[vector<16xi32>], vector<16xf32>,
        %add3A_1561 = arith.addi %get3A_812, %broadcast_in_dim3A_1528 : vector<16xi32>
        %gather3A_1562 = tpu.vector_load_idx %arg9[%add3A_1561] : memref<12864xf32, #tpu.memory_space<vmem>>[vector<16xi32>], vector<16xf32>,
        %add3A_1563 = arith.addi %get3A_814, %broadcast_in_dim3A_1528 : vector<16xi32>
        %gather3A_1564 = tpu.vector_load_idx %arg9[%add3A_1563] : memref<12864xf32, #tpu.memory_space<vmem>>[vector<16xi32>], vector<16xf32>,
        %add3A_1565 = arith.addi %get3A_816, %broadcast_in_dim3A_1528 : vector<16xi32>
        %gather3A_1566 = tpu.vector_load_idx %arg9[%add3A_1565] : memref<12864xf32, #tpu.memory_space<vmem>>[vector<16xi32>], vector<16xf32>,
        %add3A_1567 = arith.addi %get3A_818, %broadcast_in_dim3A_1528 : vector<16xi32>
        %gather3A_1568 = tpu.vector_load_idx %arg9[%add3A_1567] : memref<12864xf32, #tpu.memory_space<vmem>>[vector<16xi32>], vector<16xf32>,
        %add3A_1569 = arith.addi %get3A_820, %broadcast_in_dim3A_1528 : vector<16xi32>
        %gather3A_1570 = tpu.vector_load_idx %arg9[%add3A_1569] : memref<12864xf32, #tpu.memory_space<vmem>>[vector<16xi32>], vector<16xf32>,
        %add3A_1571 = arith.addf %gather3A_1540, %gather3A_1556 : vector<16xf32>
        %add3A_1572 = arith.addf %add3A_1571, %gather3A_1538 : vector<16xf32>
        %add3A_1573 = arith.addf %gather3A_1542, %gather3A_1558 : vector<16xf32>
        %add3A_1574 = arith.addf %add3A_1573, %gather3A_1538 : vector<16xf32>
        %add3A_1575 = arith.addf %gather3A_1544, %gather3A_1560 : vector<16xf32>
        %add3A_1576 = arith.addf %add3A_1575, %gather3A_1538 : vector<16xf32>
        %add3A_1577 = arith.addf %gather3A_1546, %gather3A_1562 : vector<16xf32>
        %add3A_1578 = arith.addf %add3A_1577, %gather3A_1538 : vector<16xf32>
        %add3A_1579 = arith.addf %gather3A_1548, %gather3A_1564 : vector<16xf32>
        %add3A_1580 = arith.addf %add3A_1579, %gather3A_1538 : vector<16xf32>
        %add3A_1581 = arith.addf %gather3A_1550, %gather3A_1566 : vector<16xf32>
        %add3A_1582 = arith.addf %add3A_1581, %gather3A_1538 : vector<16xf32>
        %add3A_1583 = arith.addf %gather3A_1552, %gather3A_1568 : vector<16xf32>
        %add3A_1584 = arith.addf %add3A_1583, %gather3A_1538 : vector<16xf32>
        %add3A_1585 = arith.addf %gather3A_1554, %gather3A_1570 : vector<16xf32>
        %add3A_1586 = arith.addf %add3A_1585, %gather3A_1538 : vector<16xf32>
        %mul3A_1587 = arith.constant 128 : i32
        %mul3A_1588 = arith.muli %add3A_1523, %mul3A_1587 : i32
        %add3A_1589 = arith.constant 0 : i32
        %add3A_1590 = arith.addi %mul3A_1588, %add3A_1589 : i32
        %swap3A = arith.index_cast %add3A_1590 : i32 to index
        %swap3A_1591 = tpu.vector_load %arg15[%swap3A] {strides = array<i32>} : memref<8192xf32, #tpu.memory_space<vmem>>, vector<16xf32>,
        tpu.vector_store %arg15[%swap3A], %add3A_1572 {strides = array<i32>} : memref<8192xf32, #tpu.memory_space<vmem>>, vector<16xf32>,
        %mul3A_1592 = arith.constant 128 : i32
        %mul3A_1593 = arith.muli %add3A_1523, %mul3A_1592 : i32
        %add3A_1594 = arith.constant 16 : i32
        %add3A_1595 = arith.addi %mul3A_1593, %add3A_1594 : i32
        %swap3A_1596 = arith.index_cast %add3A_1595 : i32 to index
        %swap3A_1597 = tpu.vector_load %arg15[%swap3A_1596] {strides = array<i32>} : memref<8192xf32, #tpu.memory_space<vmem>>, vector<16xf32>,
        tpu.vector_store %arg15[%swap3A_1596], %add3A_1574 {strides = array<i32>} : memref<8192xf32, #tpu.memory_space<vmem>>, vector<16xf32>,
        %mul3A_1598 = arith.constant 128 : i32
        %mul3A_1599 = arith.muli %add3A_1523, %mul3A_1598 : i32
        %add3A_1600 = arith.constant 32 : i32
        %add3A_1601 = arith.addi %mul3A_1599, %add3A_1600 : i32
        %swap3A_1602 = arith.index_cast %add3A_1601 : i32 to index
        %swap3A_1603 = tpu.vector_load %arg15[%swap3A_1602] {strides = array<i32>} : memref<8192xf32, #tpu.memory_space<vmem>>, vector<16xf32>,
        tpu.vector_store %arg15[%swap3A_1602], %add3A_1576 {strides = array<i32>} : memref<8192xf32, #tpu.memory_space<vmem>>, vector<16xf32>,
        %mul3A_1604 = arith.constant 128 : i32
        %mul3A_1605 = arith.muli %add3A_1523, %mul3A_1604 : i32
        %add3A_1606 = arith.constant 48 : i32
        %add3A_1607 = arith.addi %mul3A_1605, %add3A_1606 : i32
        %swap3A_1608 = arith.index_cast %add3A_1607 : i32 to index
        %swap3A_1609 = tpu.vector_load %arg15[%swap3A_1608] {strides = array<i32>} : memref<8192xf32, #tpu.memory_space<vmem>>, vector<16xf32>,
        tpu.vector_store %arg15[%swap3A_1608], %add3A_1578 {strides = array<i32>} : memref<8192xf32, #tpu.memory_space<vmem>>, vector<16xf32>,
        %mul3A_1610 = arith.constant 128 : i32
        %mul3A_1611 = arith.muli %add3A_1523, %mul3A_1610 : i32
        %add3A_1612 = arith.constant 64 : i32
        %add3A_1613 = arith.addi %mul3A_1611, %add3A_1612 : i32
        %swap3A_1614 = arith.index_cast %add3A_1613 : i32 to index
        %swap3A_1615 = tpu.vector_load %arg15[%swap3A_1614] {strides = array<i32>} : memref<8192xf32, #tpu.memory_space<vmem>>, vector<16xf32>,
        tpu.vector_store %arg15[%swap3A_1614], %add3A_1580 {strides = array<i32>} : memref<8192xf32, #tpu.memory_space<vmem>>, vector<16xf32>,
        %mul3A_1616 = arith.constant 128 : i32
        %mul3A_1617 = arith.muli %add3A_1523, %mul3A_1616 : i32
        %add3A_1618 = arith.constant 80 : i32
        %add3A_1619 = arith.addi %mul3A_1617, %add3A_1618 : i32
        %swap3A_1620 = arith.index_cast %add3A_1619 : i32 to index
        %swap3A_1621 = tpu.vector_load %arg15[%swap3A_1620] {strides = array<i32>} : memref<8192xf32, #tpu.memory_space<vmem>>, vector<16xf32>,
        tpu.vector_store %arg15[%swap3A_1620], %add3A_1582 {strides = array<i32>} : memref<8192xf32, #tpu.memory_space<vmem>>, vector<16xf32>,
        %mul3A_1622 = arith.constant 128 : i32
        %mul3A_1623 = arith.muli %add3A_1523, %mul3A_1622 : i32
        %add3A_1624 = arith.constant 96 : i32
        %add3A_1625 = arith.addi %mul3A_1623, %add3A_1624 : i32
        %swap3A_1626 = arith.index_cast %add3A_1625 : i32 to index
        %swap3A_1627 = tpu.vector_load %arg15[%swap3A_1626] {strides = array<i32>} : memref<8192xf32, #tpu.memory_space<vmem>>, vector<16xf32>,
        tpu.vector_store %arg15[%swap3A_1626], %add3A_1584 {strides = array<i32>} : memref<8192xf32, #tpu.memory_space<vmem>>, vector<16xf32>,
        %mul3A_1628 = arith.constant 128 : i32
        %mul3A_1629 = arith.muli %add3A_1523, %mul3A_1628 : i32
        %add3A_1630 = arith.constant 112 : i32
        %add3A_1631 = arith.addi %mul3A_1629, %add3A_1630 : i32
        %swap3A_1632 = arith.index_cast %add3A_1631 : i32 to index
        %swap3A_1633 = tpu.vector_load %arg15[%swap3A_1632] {strides = array<i32>} : memref<8192xf32, #tpu.memory_space<vmem>>, vector<16xf32>,
        tpu.vector_store %arg15[%swap3A_1632], %add3A_1586 {strides = array<i32>} : memref<8192xf32, #tpu.memory_space<vmem>>, vector<16xf32>,
      }
      %scan3A_994 = arith.constant 16 : i32
      %scan3A_995 = arith.constant 0 : i32
      %scan3A_996 = arith.constant 0 : i32
      %scan3A_997 = arith.constant 16 : i32
      %scan3A_998 = arith.addi %scan3A_996, %scan3A_997 : i32
      %scan3A_999 = arith.constant 1 : i32
      scf.for %scan3A_1521 = %scan3A_996 to %scan3A_998 step %scan3A_999  : i32 {
        %add3A_1522 = arith.constant 16 : i32
        %add3A_1523 = arith.addi %add3A_1522, %scan3A_1521 : i32
        %mul3A_1524 = arith.constant 1000 : i32
        %mul3A_1525 = arith.muli %add3A_1523, %mul3A_1524 : i32
        %broadcast_in_dim3A = vector.broadcast %mul3A_1525 : i32 to vector<16xi32>
        %mul3A_1526 = arith.constant 201 : i32
        %mul3A_1527 = arith.muli %add3A_1523, %mul3A_1526 : i32
        %broadcast_in_dim3A_1528 = vector.broadcast %mul3A_1527 : i32 to vector<16xi32>
        %broadcast_in_dim3A_1529 = vector.broadcast %scan3A_1521 : i32 to vector<16xi32>
        %lt3A_1530 = arith.constant 0 : i32
        %lt3A_1531 = vector.broadcast %lt3A_1530 : i32 to vector<16xi32>
        %lt3A_1532 = arith.cmpi slt, %broadcast_in_dim3A_1529, %lt3A_1531 : vector<16xi32>
        %add3A_1533 = arith.constant 16 : i32
        %add3A_1534 = vector.broadcast %add3A_1533 : i32 to vector<16xi32>
        %add3A_1535 = arith.addi %broadcast_in_dim3A_1529, %add3A_1534 : vector<16xi32>
        %select_n3A_1536 = arith.select %lt3A_1532, %add3A_1535, %broadcast_in_dim3A_1529 : vector<16xi1>, vector<16xi32>
        %broadcast_in_dim3A_1537 = vector.shape_cast %select_n3A_1536 : vector<16xi32> to vector<16x1xi32>
        %gather3A = vector.shape_cast %broadcast_in_dim3A_1537 : vector<16x1xi32> to vector<16xi32>
        %gather3A_1538 = tpu.dynamic_gather %get3A_976[%gather3A] in [0] : vector<16xf32>, vector<16xi32> -> vector<16xf32>
        %add3A_1539 = arith.addi %get3A_790, %broadcast_in_dim3A : vector<16xi32>
        %gather3A_1540 = tpu.vector_load_idx %arg8[%add3A_1539] : memref<64000xf32, #tpu.memory_space<vmem>>[vector<16xi32>], vector<16xf32>,
        %add3A_1541 = arith.addi %get3A_792, %broadcast_in_dim3A : vector<16xi32>
        %gather3A_1542 = tpu.vector_load_idx %arg8[%add3A_1541] : memref<64000xf32, #tpu.memory_space<vmem>>[vector<16xi32>], vector<16xf32>,
        %add3A_1543 = arith.addi %get3A_794, %broadcast_in_dim3A : vector<16xi32>
        %gather3A_1544 = tpu.vector_load_idx %arg8[%add3A_1543] : memref<64000xf32, #tpu.memory_space<vmem>>[vector<16xi32>], vector<16xf32>,
        %add3A_1545 = arith.addi %get3A_796, %broadcast_in_dim3A : vector<16xi32>
        %gather3A_1546 = tpu.vector_load_idx %arg8[%add3A_1545] : memref<64000xf32, #tpu.memory_space<vmem>>[vector<16xi32>], vector<16xf32>,
        %add3A_1547 = arith.addi %get3A_798, %broadcast_in_dim3A : vector<16xi32>
        %gather3A_1548 = tpu.vector_load_idx %arg8[%add3A_1547] : memref<64000xf32, #tpu.memory_space<vmem>>[vector<16xi32>], vector<16xf32>,
        %add3A_1549 = arith.addi %get3A_800, %broadcast_in_dim3A : vector<16xi32>
        %gather3A_1550 = tpu.vector_load_idx %arg8[%add3A_1549] : memref<64000xf32, #tpu.memory_space<vmem>>[vector<16xi32>], vector<16xf32>,
        %add3A_1551 = arith.addi %get3A_802, %broadcast_in_dim3A : vector<16xi32>
        %gather3A_1552 = tpu.vector_load_idx %arg8[%add3A_1551] : memref<64000xf32, #tpu.memory_space<vmem>>[vector<16xi32>], vector<16xf32>,
        %add3A_1553 = arith.addi %get3A_804, %broadcast_in_dim3A : vector<16xi32>
        %gather3A_1554 = tpu.vector_load_idx %arg8[%add3A_1553] : memref<64000xf32, #tpu.memory_space<vmem>>[vector<16xi32>], vector<16xf32>,
        %add3A_1555 = arith.addi %get3A_806, %broadcast_in_dim3A_1528 : vector<16xi32>
        %gather3A_1556 = tpu.vector_load_idx %arg9[%add3A_1555] : memref<12864xf32, #tpu.memory_space<vmem>>[vector<16xi32>], vector<16xf32>,
        %add3A_1557 = arith.addi %get3A_808, %broadcast_in_dim3A_1528 : vector<16xi32>
        %gather3A_1558 = tpu.vector_load_idx %arg9[%add3A_1557] : memref<12864xf32, #tpu.memory_space<vmem>>[vector<16xi32>], vector<16xf32>,
        %add3A_1559 = arith.addi %get3A_810, %broadcast_in_dim3A_1528 : vector<16xi32>
        %gather3A_1560 = tpu.vector_load_idx %arg9[%add3A_1559] : memref<12864xf32, #tpu.memory_space<vmem>>[vector<16xi32>], vector<16xf32>,
        %add3A_1561 = arith.addi %get3A_812, %broadcast_in_dim3A_1528 : vector<16xi32>
        %gather3A_1562 = tpu.vector_load_idx %arg9[%add3A_1561] : memref<12864xf32, #tpu.memory_space<vmem>>[vector<16xi32>], vector<16xf32>,
        %add3A_1563 = arith.addi %get3A_814, %broadcast_in_dim3A_1528 : vector<16xi32>
        %gather3A_1564 = tpu.vector_load_idx %arg9[%add3A_1563] : memref<12864xf32, #tpu.memory_space<vmem>>[vector<16xi32>], vector<16xf32>,
        %add3A_1565 = arith.addi %get3A_816, %broadcast_in_dim3A_1528 : vector<16xi32>
        %gather3A_1566 = tpu.vector_load_idx %arg9[%add3A_1565] : memref<12864xf32, #tpu.memory_space<vmem>>[vector<16xi32>], vector<16xf32>,
        %add3A_1567 = arith.addi %get3A_818, %broadcast_in_dim3A_1528 : vector<16xi32>
        %gather3A_1568 = tpu.vector_load_idx %arg9[%add3A_1567] : memref<12864xf32, #tpu.memory_space<vmem>>[vector<16xi32>], vector<16xf32>,
        %add3A_1569 = arith.addi %get3A_820, %broadcast_in_dim3A_1528 : vector<16xi32>
        %gather3A_1570 = tpu.vector_load_idx %arg9[%add3A_1569] : memref<12864xf32, #tpu.memory_space<vmem>>[vector<16xi32>], vector<16xf32>,
        %add3A_1571 = arith.addf %gather3A_1540, %gather3A_1556 : vector<16xf32>
        %add3A_1572 = arith.addf %add3A_1571, %gather3A_1538 : vector<16xf32>
        %add3A_1573 = arith.addf %gather3A_1542, %gather3A_1558 : vector<16xf32>
        %add3A_1574 = arith.addf %add3A_1573, %gather3A_1538 : vector<16xf32>
        %add3A_1575 = arith.addf %gather3A_1544, %gather3A_1560 : vector<16xf32>
        %add3A_1576 = arith.addf %add3A_1575, %gather3A_1538 : vector<16xf32>
        %add3A_1577 = arith.addf %gather3A_1546, %gather3A_1562 : vector<16xf32>
        %add3A_1578 = arith.addf %add3A_1577, %gather3A_1538 : vector<16xf32>
        %add3A_1579 = arith.addf %gather3A_1548, %gather3A_1564 : vector<16xf32>
        %add3A_1580 = arith.addf %add3A_1579, %gather3A_1538 : vector<16xf32>
        %add3A_1581 = arith.addf %gather3A_1550, %gather3A_1566 : vector<16xf32>
        %add3A_1582 = arith.addf %add3A_1581, %gather3A_1538 : vector<16xf32>
        %add3A_1583 = arith.addf %gather3A_1552, %gather3A_1568 : vector<16xf32>
        %add3A_1584 = arith.addf %add3A_1583, %gather3A_1538 : vector<16xf32>
        %add3A_1585 = arith.addf %gather3A_1554, %gather3A_1570 : vector<16xf32>
        %add3A_1586 = arith.addf %add3A_1585, %gather3A_1538 : vector<16xf32>
        %mul3A_1587 = arith.constant 128 : i32
        %mul3A_1588 = arith.muli %add3A_1523, %mul3A_1587 : i32
        %add3A_1589 = arith.constant 0 : i32
        %add3A_1590 = arith.addi %mul3A_1588, %add3A_1589 : i32
        %swap3A = arith.index_cast %add3A_1590 : i32 to index
        %swap3A_1591 = tpu.vector_load %arg15[%swap3A] {strides = array<i32>} : memref<8192xf32, #tpu.memory_space<vmem>>, vector<16xf32>,
        tpu.vector_store %arg15[%swap3A], %add3A_1572 {strides = array<i32>} : memref<8192xf32, #tpu.memory_space<vmem>>, vector<16xf32>,
        %mul3A_1592 = arith.constant 128 : i32
        %mul3A_1593 = arith.muli %add3A_1523, %mul3A_1592 : i32
        %add3A_1594 = arith.constant 16 : i32
        %add3A_1595 = arith.addi %mul3A_1593, %add3A_1594 : i32
        %swap3A_1596 = arith.index_cast %add3A_1595 : i32 to index
        %swap3A_1597 = tpu.vector_load %arg15[%swap3A_1596] {strides = array<i32>} : memref<8192xf32, #tpu.memory_space<vmem>>, vector<16xf32>,
        tpu.vector_store %arg15[%swap3A_1596], %add3A_1574 {strides = array<i32>} : memref<8192xf32, #tpu.memory_space<vmem>>, vector<16xf32>,
        %mul3A_1598 = arith.constant 128 : i32
        %mul3A_1599 = arith.muli %add3A_1523, %mul3A_1598 : i32
        %add3A_1600 = arith.constant 32 : i32
        %add3A_1601 = arith.addi %mul3A_1599, %add3A_1600 : i32
        %swap3A_1602 = arith.index_cast %add3A_1601 : i32 to index
        %swap3A_1603 = tpu.vector_load %arg15[%swap3A_1602] {strides = array<i32>} : memref<8192xf32, #tpu.memory_space<vmem>>, vector<16xf32>,
        tpu.vector_store %arg15[%swap3A_1602], %add3A_1576 {strides = array<i32>} : memref<8192xf32, #tpu.memory_space<vmem>>, vector<16xf32>,
        %mul3A_1604 = arith.constant 128 : i32
        %mul3A_1605 = arith.muli %add3A_1523, %mul3A_1604 : i32
        %add3A_1606 = arith.constant 48 : i32
        %add3A_1607 = arith.addi %mul3A_1605, %add3A_1606 : i32
        %swap3A_1608 = arith.index_cast %add3A_1607 : i32 to index
        %swap3A_1609 = tpu.vector_load %arg15[%swap3A_1608] {strides = array<i32>} : memref<8192xf32, #tpu.memory_space<vmem>>, vector<16xf32>,
        tpu.vector_store %arg15[%swap3A_1608], %add3A_1578 {strides = array<i32>} : memref<8192xf32, #tpu.memory_space<vmem>>, vector<16xf32>,
        %mul3A_1610 = arith.constant 128 : i32
        %mul3A_1611 = arith.muli %add3A_1523, %mul3A_1610 : i32
        %add3A_1612 = arith.constant 64 : i32
        %add3A_1613 = arith.addi %mul3A_1611, %add3A_1612 : i32
        %swap3A_1614 = arith.index_cast %add3A_1613 : i32 to index
        %swap3A_1615 = tpu.vector_load %arg15[%swap3A_1614] {strides = array<i32>} : memref<8192xf32, #tpu.memory_space<vmem>>, vector<16xf32>,
        tpu.vector_store %arg15[%swap3A_1614], %add3A_1580 {strides = array<i32>} : memref<8192xf32, #tpu.memory_space<vmem>>, vector<16xf32>,
        %mul3A_1616 = arith.constant 128 : i32
        %mul3A_1617 = arith.muli %add3A_1523, %mul3A_1616 : i32
        %add3A_1618 = arith.constant 80 : i32
        %add3A_1619 = arith.addi %mul3A_1617, %add3A_1618 : i32
        %swap3A_1620 = arith.index_cast %add3A_1619 : i32 to index
        %swap3A_1621 = tpu.vector_load %arg15[%swap3A_1620] {strides = array<i32>} : memref<8192xf32, #tpu.memory_space<vmem>>, vector<16xf32>,
        tpu.vector_store %arg15[%swap3A_1620], %add3A_1582 {strides = array<i32>} : memref<8192xf32, #tpu.memory_space<vmem>>, vector<16xf32>,
        %mul3A_1622 = arith.constant 128 : i32
        %mul3A_1623 = arith.muli %add3A_1523, %mul3A_1622 : i32
        %add3A_1624 = arith.constant 96 : i32
        %add3A_1625 = arith.addi %mul3A_1623, %add3A_1624 : i32
        %swap3A_1626 = arith.index_cast %add3A_1625 : i32 to index
        %swap3A_1627 = tpu.vector_load %arg15[%swap3A_1626] {strides = array<i32>} : memref<8192xf32, #tpu.memory_space<vmem>>, vector<16xf32>,
        tpu.vector_store %arg15[%swap3A_1626], %add3A_1584 {strides = array<i32>} : memref<8192xf32, #tpu.memory_space<vmem>>, vector<16xf32>,
        %mul3A_1628 = arith.constant 128 : i32
        %mul3A_1629 = arith.muli %add3A_1523, %mul3A_1628 : i32
        %add3A_1630 = arith.constant 112 : i32
        %add3A_1631 = arith.addi %mul3A_1629, %add3A_1630 : i32
        %swap3A_1632 = arith.index_cast %add3A_1631 : i32 to index
        %swap3A_1633 = tpu.vector_load %arg15[%swap3A_1632] {strides = array<i32>} : memref<8192xf32, #tpu.memory_space<vmem>>, vector<16xf32>,
        tpu.vector_store %arg15[%swap3A_1632], %add3A_1586 {strides = array<i32>} : memref<8192xf32, #tpu.memory_space<vmem>>, vector<16xf32>,
      }
      %scan3A_1000 = arith.constant 16 : i32
      %scan3A_1001 = arith.constant 0 : i32
      %scan3A_1002 = arith.constant 0 : i32
      %scan3A_1003 = arith.constant 16 : i32
      %scan3A_1004 = arith.addi %scan3A_1002, %scan3A_1003 : i32
      %scan3A_1005 = arith.constant 1 : i32
      scf.for %scan3A_1521 = %scan3A_1002 to %scan3A_1004 step %scan3A_1005  : i32 {
        %add3A_1522 = arith.constant 32 : i32
        %add3A_1523 = arith.addi %add3A_1522, %scan3A_1521 : i32
        %mul3A_1524 = arith.constant 1000 : i32
        %mul3A_1525 = arith.muli %add3A_1523, %mul3A_1524 : i32
        %broadcast_in_dim3A = vector.broadcast %mul3A_1525 : i32 to vector<16xi32>
        %mul3A_1526 = arith.constant 201 : i32
        %mul3A_1527 = arith.muli %add3A_1523, %mul3A_1526 : i32
        %broadcast_in_dim3A_1528 = vector.broadcast %mul3A_1527 : i32 to vector<16xi32>
        %broadcast_in_dim3A_1529 = vector.broadcast %scan3A_1521 : i32 to vector<16xi32>
        %lt3A_1530 = arith.constant 0 : i32
        %lt3A_1531 = vector.broadcast %lt3A_1530 : i32 to vector<16xi32>
        %lt3A_1532 = arith.cmpi slt, %broadcast_in_dim3A_1529, %lt3A_1531 : vector<16xi32>
        %add3A_1533 = arith.constant 16 : i32
        %add3A_1534 = vector.broadcast %add3A_1533 : i32 to vector<16xi32>
        %add3A_1535 = arith.addi %broadcast_in_dim3A_1529, %add3A_1534 : vector<16xi32>
        %select_n3A_1536 = arith.select %lt3A_1532, %add3A_1535, %broadcast_in_dim3A_1529 : vector<16xi1>, vector<16xi32>
        %broadcast_in_dim3A_1537 = vector.shape_cast %select_n3A_1536 : vector<16xi32> to vector<16x1xi32>
        %gather3A = vector.shape_cast %broadcast_in_dim3A_1537 : vector<16x1xi32> to vector<16xi32>
        %gather3A_1538 = tpu.dynamic_gather %get3A_982[%gather3A] in [0] : vector<16xf32>, vector<16xi32> -> vector<16xf32>
        %add3A_1539 = arith.addi %get3A_790, %broadcast_in_dim3A : vector<16xi32>
        %gather3A_1540 = tpu.vector_load_idx %arg8[%add3A_1539] : memref<64000xf32, #tpu.memory_space<vmem>>[vector<16xi32>], vector<16xf32>,
        %add3A_1541 = arith.addi %get3A_792, %broadcast_in_dim3A : vector<16xi32>
        %gather3A_1542 = tpu.vector_load_idx %arg8[%add3A_1541] : memref<64000xf32, #tpu.memory_space<vmem>>[vector<16xi32>], vector<16xf32>,
        %add3A_1543 = arith.addi %get3A_794, %broadcast_in_dim3A : vector<16xi32>
        %gather3A_1544 = tpu.vector_load_idx %arg8[%add3A_1543] : memref<64000xf32, #tpu.memory_space<vmem>>[vector<16xi32>], vector<16xf32>,
        %add3A_1545 = arith.addi %get3A_796, %broadcast_in_dim3A : vector<16xi32>
        %gather3A_1546 = tpu.vector_load_idx %arg8[%add3A_1545] : memref<64000xf32, #tpu.memory_space<vmem>>[vector<16xi32>], vector<16xf32>,
        %add3A_1547 = arith.addi %get3A_798, %broadcast_in_dim3A : vector<16xi32>
        %gather3A_1548 = tpu.vector_load_idx %arg8[%add3A_1547] : memref<64000xf32, #tpu.memory_space<vmem>>[vector<16xi32>], vector<16xf32>,
        %add3A_1549 = arith.addi %get3A_800, %broadcast_in_dim3A : vector<16xi32>
        %gather3A_1550 = tpu.vector_load_idx %arg8[%add3A_1549] : memref<64000xf32, #tpu.memory_space<vmem>>[vector<16xi32>], vector<16xf32>,
        %add3A_1551 = arith.addi %get3A_802, %broadcast_in_dim3A : vector<16xi32>
        %gather3A_1552 = tpu.vector_load_idx %arg8[%add3A_1551] : memref<64000xf32, #tpu.memory_space<vmem>>[vector<16xi32>], vector<16xf32>,
        %add3A_1553 = arith.addi %get3A_804, %broadcast_in_dim3A : vector<16xi32>
        %gather3A_1554 = tpu.vector_load_idx %arg8[%add3A_1553] : memref<64000xf32, #tpu.memory_space<vmem>>[vector<16xi32>], vector<16xf32>,
        %add3A_1555 = arith.addi %get3A_806, %broadcast_in_dim3A_1528 : vector<16xi32>
        %gather3A_1556 = tpu.vector_load_idx %arg9[%add3A_1555] : memref<12864xf32, #tpu.memory_space<vmem>>[vector<16xi32>], vector<16xf32>,
        %add3A_1557 = arith.addi %get3A_808, %broadcast_in_dim3A_1528 : vector<16xi32>
        %gather3A_1558 = tpu.vector_load_idx %arg9[%add3A_1557] : memref<12864xf32, #tpu.memory_space<vmem>>[vector<16xi32>], vector<16xf32>,
        %add3A_1559 = arith.addi %get3A_810, %broadcast_in_dim3A_1528 : vector<16xi32>
        %gather3A_1560 = tpu.vector_load_idx %arg9[%add3A_1559] : memref<12864xf32, #tpu.memory_space<vmem>>[vector<16xi32>], vector<16xf32>,
        %add3A_1561 = arith.addi %get3A_812, %broadcast_in_dim3A_1528 : vector<16xi32>
        %gather3A_1562 = tpu.vector_load_idx %arg9[%add3A_1561] : memref<12864xf32, #tpu.memory_space<vmem>>[vector<16xi32>], vector<16xf32>,
        %add3A_1563 = arith.addi %get3A_814, %broadcast_in_dim3A_1528 : vector<16xi32>
        %gather3A_1564 = tpu.vector_load_idx %arg9[%add3A_1563] : memref<12864xf32, #tpu.memory_space<vmem>>[vector<16xi32>], vector<16xf32>,
        %add3A_1565 = arith.addi %get3A_816, %broadcast_in_dim3A_1528 : vector<16xi32>
        %gather3A_1566 = tpu.vector_load_idx %arg9[%add3A_1565] : memref<12864xf32, #tpu.memory_space<vmem>>[vector<16xi32>], vector<16xf32>,
        %add3A_1567 = arith.addi %get3A_818, %broadcast_in_dim3A_1528 : vector<16xi32>
        %gather3A_1568 = tpu.vector_load_idx %arg9[%add3A_1567] : memref<12864xf32, #tpu.memory_space<vmem>>[vector<16xi32>], vector<16xf32>,
        %add3A_1569 = arith.addi %get3A_820, %broadcast_in_dim3A_1528 : vector<16xi32>
        %gather3A_1570 = tpu.vector_load_idx %arg9[%add3A_1569] : memref<12864xf32, #tpu.memory_space<vmem>>[vector<16xi32>], vector<16xf32>,
        %add3A_1571 = arith.addf %gather3A_1540, %gather3A_1556 : vector<16xf32>
        %add3A_1572 = arith.addf %add3A_1571, %gather3A_1538 : vector<16xf32>
        %add3A_1573 = arith.addf %gather3A_1542, %gather3A_1558 : vector<16xf32>
        %add3A_1574 = arith.addf %add3A_1573, %gather3A_1538 : vector<16xf32>
        %add3A_1575 = arith.addf %gather3A_1544, %gather3A_1560 : vector<16xf32>
        %add3A_1576 = arith.addf %add3A_1575, %gather3A_1538 : vector<16xf32>
        %add3A_1577 = arith.addf %gather3A_1546, %gather3A_1562 : vector<16xf32>
        %add3A_1578 = arith.addf %add3A_1577, %gather3A_1538 : vector<16xf32>
        %add3A_1579 = arith.addf %gather3A_1548, %gather3A_1564 : vector<16xf32>
        %add3A_1580 = arith.addf %add3A_1579, %gather3A_1538 : vector<16xf32>
        %add3A_1581 = arith.addf %gather3A_1550, %gather3A_1566 : vector<16xf32>
        %add3A_1582 = arith.addf %add3A_1581, %gather3A_1538 : vector<16xf32>
        %add3A_1583 = arith.addf %gather3A_1552, %gather3A_1568 : vector<16xf32>
        %add3A_1584 = arith.addf %add3A_1583, %gather3A_1538 : vector<16xf32>
        %add3A_1585 = arith.addf %gather3A_1554, %gather3A_1570 : vector<16xf32>
        %add3A_1586 = arith.addf %add3A_1585, %gather3A_1538 : vector<16xf32>
        %mul3A_1587 = arith.constant 128 : i32
        %mul3A_1588 = arith.muli %add3A_1523, %mul3A_1587 : i32
        %add3A_1589 = arith.constant 0 : i32
        %add3A_1590 = arith.addi %mul3A_1588, %add3A_1589 : i32
        %swap3A = arith.index_cast %add3A_1590 : i32 to index
        %swap3A_1591 = tpu.vector_load %arg15[%swap3A] {strides = array<i32>} : memref<8192xf32, #tpu.memory_space<vmem>>, vector<16xf32>,
        tpu.vector_store %arg15[%swap3A], %add3A_1572 {strides = array<i32>} : memref<8192xf32, #tpu.memory_space<vmem>>, vector<16xf32>,
        %mul3A_1592 = arith.constant 128 : i32
        %mul3A_1593 = arith.muli %add3A_1523, %mul3A_1592 : i32
        %add3A_1594 = arith.constant 16 : i32
        %add3A_1595 = arith.addi %mul3A_1593, %add3A_1594 : i32
        %swap3A_1596 = arith.index_cast %add3A_1595 : i32 to index
        %swap3A_1597 = tpu.vector_load %arg15[%swap3A_1596] {strides = array<i32>} : memref<8192xf32, #tpu.memory_space<vmem>>, vector<16xf32>,
        tpu.vector_store %arg15[%swap3A_1596], %add3A_1574 {strides = array<i32>} : memref<8192xf32, #tpu.memory_space<vmem>>, vector<16xf32>,
        %mul3A_1598 = arith.constant 128 : i32
        %mul3A_1599 = arith.muli %add3A_1523, %mul3A_1598 : i32
        %add3A_1600 = arith.constant 32 : i32
        %add3A_1601 = arith.addi %mul3A_1599, %add3A_1600 : i32
        %swap3A_1602 = arith.index_cast %add3A_1601 : i32 to index
        %swap3A_1603 = tpu.vector_load %arg15[%swap3A_1602] {strides = array<i32>} : memref<8192xf32, #tpu.memory_space<vmem>>, vector<16xf32>,
        tpu.vector_store %arg15[%swap3A_1602], %add3A_1576 {strides = array<i32>} : memref<8192xf32, #tpu.memory_space<vmem>>, vector<16xf32>,
        %mul3A_1604 = arith.constant 128 : i32
        %mul3A_1605 = arith.muli %add3A_1523, %mul3A_1604 : i32
        %add3A_1606 = arith.constant 48 : i32
        %add3A_1607 = arith.addi %mul3A_1605, %add3A_1606 : i32
        %swap3A_1608 = arith.index_cast %add3A_1607 : i32 to index
        %swap3A_1609 = tpu.vector_load %arg15[%swap3A_1608] {strides = array<i32>} : memref<8192xf32, #tpu.memory_space<vmem>>, vector<16xf32>,
        tpu.vector_store %arg15[%swap3A_1608], %add3A_1578 {strides = array<i32>} : memref<8192xf32, #tpu.memory_space<vmem>>, vector<16xf32>,
        %mul3A_1610 = arith.constant 128 : i32
        %mul3A_1611 = arith.muli %add3A_1523, %mul3A_1610 : i32
        %add3A_1612 = arith.constant 64 : i32
        %add3A_1613 = arith.addi %mul3A_1611, %add3A_1612 : i32
        %swap3A_1614 = arith.index_cast %add3A_1613 : i32 to index
        %swap3A_1615 = tpu.vector_load %arg15[%swap3A_1614] {strides = array<i32>} : memref<8192xf32, #tpu.memory_space<vmem>>, vector<16xf32>,
        tpu.vector_store %arg15[%swap3A_1614], %add3A_1580 {strides = array<i32>} : memref<8192xf32, #tpu.memory_space<vmem>>, vector<16xf32>,
        %mul3A_1616 = arith.constant 128 : i32
        %mul3A_1617 = arith.muli %add3A_1523, %mul3A_1616 : i32
        %add3A_1618 = arith.constant 80 : i32
        %add3A_1619 = arith.addi %mul3A_1617, %add3A_1618 : i32
        %swap3A_1620 = arith.index_cast %add3A_1619 : i32 to index
        %swap3A_1621 = tpu.vector_load %arg15[%swap3A_1620] {strides = array<i32>} : memref<8192xf32, #tpu.memory_space<vmem>>, vector<16xf32>,
        tpu.vector_store %arg15[%swap3A_1620], %add3A_1582 {strides = array<i32>} : memref<8192xf32, #tpu.memory_space<vmem>>, vector<16xf32>,
        %mul3A_1622 = arith.constant 128 : i32
        %mul3A_1623 = arith.muli %add3A_1523, %mul3A_1622 : i32
        %add3A_1624 = arith.constant 96 : i32
        %add3A_1625 = arith.addi %mul3A_1623, %add3A_1624 : i32
        %swap3A_1626 = arith.index_cast %add3A_1625 : i32 to index
        %swap3A_1627 = tpu.vector_load %arg15[%swap3A_1626] {strides = array<i32>} : memref<8192xf32, #tpu.memory_space<vmem>>, vector<16xf32>,
        tpu.vector_store %arg15[%swap3A_1626], %add3A_1584 {strides = array<i32>} : memref<8192xf32, #tpu.memory_space<vmem>>, vector<16xf32>,
        %mul3A_1628 = arith.constant 128 : i32
        %mul3A_1629 = arith.muli %add3A_1523, %mul3A_1628 : i32
        %add3A_1630 = arith.constant 112 : i32
        %add3A_1631 = arith.addi %mul3A_1629, %add3A_1630 : i32
        %swap3A_1632 = arith.index_cast %add3A_1631 : i32 to index
        %swap3A_1633 = tpu.vector_load %arg15[%swap3A_1632] {strides = array<i32>} : memref<8192xf32, #tpu.memory_space<vmem>>, vector<16xf32>,
        tpu.vector_store %arg15[%swap3A_1632], %add3A_1586 {strides = array<i32>} : memref<8192xf32, #tpu.memory_space<vmem>>, vector<16xf32>,
      }
      %scan3A_1006 = arith.constant 16 : i32
      %scan3A_1007 = arith.constant 0 : i32
      %scan3A_1008 = arith.constant 0 : i32
      %scan3A_1009 = arith.constant 16 : i32
      %scan3A_1010 = arith.addi %scan3A_1008, %scan3A_1009 : i32
      %scan3A_1011 = arith.constant 1 : i32
      scf.for %scan3A_1521 = %scan3A_1008 to %scan3A_1010 step %scan3A_1011  : i32 {
        %add3A_1522 = arith.constant 48 : i32
        %add3A_1523 = arith.addi %add3A_1522, %scan3A_1521 : i32
        %mul3A_1524 = arith.constant 1000 : i32
        %mul3A_1525 = arith.muli %add3A_1523, %mul3A_1524 : i32
        %broadcast_in_dim3A = vector.broadcast %mul3A_1525 : i32 to vector<16xi32>
        %mul3A_1526 = arith.constant 201 : i32
        %mul3A_1527 = arith.muli %add3A_1523, %mul3A_1526 : i32
        %broadcast_in_dim3A_1528 = vector.broadcast %mul3A_1527 : i32 to vector<16xi32>
        %broadcast_in_dim3A_1529 = vector.broadcast %scan3A_1521 : i32 to vector<16xi32>
        %lt3A_1530 = arith.constant 0 : i32
        %lt3A_1531 = vector.broadcast %lt3A_1530 : i32 to vector<16xi32>
        %lt3A_1532 = arith.cmpi slt, %broadcast_in_dim3A_1529, %lt3A_1531 : vector<16xi32>
        %add3A_1533 = arith.constant 16 : i32
        %add3A_1534 = vector.broadcast %add3A_1533 : i32 to vector<16xi32>
        %add3A_1535 = arith.addi %broadcast_in_dim3A_1529, %add3A_1534 : vector<16xi32>
        %select_n3A_1536 = arith.select %lt3A_1532, %add3A_1535, %broadcast_in_dim3A_1529 : vector<16xi1>, vector<16xi32>
        %broadcast_in_dim3A_1537 = vector.shape_cast %select_n3A_1536 : vector<16xi32> to vector<16x1xi32>
        %gather3A = vector.shape_cast %broadcast_in_dim3A_1537 : vector<16x1xi32> to vector<16xi32>
        %gather3A_1538 = tpu.dynamic_gather %get3A_988[%gather3A] in [0] : vector<16xf32>, vector<16xi32> -> vector<16xf32>
        %add3A_1539 = arith.addi %get3A_790, %broadcast_in_dim3A : vector<16xi32>
        %gather3A_1540 = tpu.vector_load_idx %arg8[%add3A_1539] : memref<64000xf32, #tpu.memory_space<vmem>>[vector<16xi32>], vector<16xf32>,
        %add3A_1541 = arith.addi %get3A_792, %broadcast_in_dim3A : vector<16xi32>
        %gather3A_1542 = tpu.vector_load_idx %arg8[%add3A_1541] : memref<64000xf32, #tpu.memory_space<vmem>>[vector<16xi32>], vector<16xf32>,
        %add3A_1543 = arith.addi %get3A_794, %broadcast_in_dim3A : vector<16xi32>
        %gather3A_1544 = tpu.vector_load_idx %arg8[%add3A_1543] : memref<64000xf32, #tpu.memory_space<vmem>>[vector<16xi32>], vector<16xf32>,
        %add3A_1545 = arith.addi %get3A_796, %broadcast_in_dim3A : vector<16xi32>
        %gather3A_1546 = tpu.vector_load_idx %arg8[%add3A_1545] : memref<64000xf32, #tpu.memory_space<vmem>>[vector<16xi32>], vector<16xf32>,
        %add3A_1547 = arith.addi %get3A_798, %broadcast_in_dim3A : vector<16xi32>
        %gather3A_1548 = tpu.vector_load_idx %arg8[%add3A_1547] : memref<64000xf32, #tpu.memory_space<vmem>>[vector<16xi32>], vector<16xf32>,
        %add3A_1549 = arith.addi %get3A_800, %broadcast_in_dim3A : vector<16xi32>
        %gather3A_1550 = tpu.vector_load_idx %arg8[%add3A_1549] : memref<64000xf32, #tpu.memory_space<vmem>>[vector<16xi32>], vector<16xf32>,
        %add3A_1551 = arith.addi %get3A_802, %broadcast_in_dim3A : vector<16xi32>
        %gather3A_1552 = tpu.vector_load_idx %arg8[%add3A_1551] : memref<64000xf32, #tpu.memory_space<vmem>>[vector<16xi32>], vector<16xf32>,
        %add3A_1553 = arith.addi %get3A_804, %broadcast_in_dim3A : vector<16xi32>
        %gather3A_1554 = tpu.vector_load_idx %arg8[%add3A_1553] : memref<64000xf32, #tpu.memory_space<vmem>>[vector<16xi32>], vector<16xf32>,
        %add3A_1555 = arith.addi %get3A_806, %broadcast_in_dim3A_1528 : vector<16xi32>
        %gather3A_1556 = tpu.vector_load_idx %arg9[%add3A_1555] : memref<12864xf32, #tpu.memory_space<vmem>>[vector<16xi32>], vector<16xf32>,
        %add3A_1557 = arith.addi %get3A_808, %broadcast_in_dim3A_1528 : vector<16xi32>
        %gather3A_1558 = tpu.vector_load_idx %arg9[%add3A_1557] : memref<12864xf32, #tpu.memory_space<vmem>>[vector<16xi32>], vector<16xf32>,
        %add3A_1559 = arith.addi %get3A_810, %broadcast_in_dim3A_1528 : vector<16xi32>
        %gather3A_1560 = tpu.vector_load_idx %arg9[%add3A_1559] : memref<12864xf32, #tpu.memory_space<vmem>>[vector<16xi32>], vector<16xf32>,
        %add3A_1561 = arith.addi %get3A_812, %broadcast_in_dim3A_1528 : vector<16xi32>
        %gather3A_1562 = tpu.vector_load_idx %arg9[%add3A_1561] : memref<12864xf32, #tpu.memory_space<vmem>>[vector<16xi32>], vector<16xf32>,
        %add3A_1563 = arith.addi %get3A_814, %broadcast_in_dim3A_1528 : vector<16xi32>
        %gather3A_1564 = tpu.vector_load_idx %arg9[%add3A_1563] : memref<12864xf32, #tpu.memory_space<vmem>>[vector<16xi32>], vector<16xf32>,
        %add3A_1565 = arith.addi %get3A_816, %broadcast_in_dim3A_1528 : vector<16xi32>
        %gather3A_1566 = tpu.vector_load_idx %arg9[%add3A_1565] : memref<12864xf32, #tpu.memory_space<vmem>>[vector<16xi32>], vector<16xf32>,
        %add3A_1567 = arith.addi %get3A_818, %broadcast_in_dim3A_1528 : vector<16xi32>
        %gather3A_1568 = tpu.vector_load_idx %arg9[%add3A_1567] : memref<12864xf32, #tpu.memory_space<vmem>>[vector<16xi32>], vector<16xf32>,
        %add3A_1569 = arith.addi %get3A_820, %broadcast_in_dim3A_1528 : vector<16xi32>
        %gather3A_1570 = tpu.vector_load_idx %arg9[%add3A_1569] : memref<12864xf32, #tpu.memory_space<vmem>>[vector<16xi32>], vector<16xf32>,
        %add3A_1571 = arith.addf %gather3A_1540, %gather3A_1556 : vector<16xf32>
        %add3A_1572 = arith.addf %add3A_1571, %gather3A_1538 : vector<16xf32>
        %add3A_1573 = arith.addf %gather3A_1542, %gather3A_1558 : vector<16xf32>
        %add3A_1574 = arith.addf %add3A_1573, %gather3A_1538 : vector<16xf32>
        %add3A_1575 = arith.addf %gather3A_1544, %gather3A_1560 : vector<16xf32>
        %add3A_1576 = arith.addf %add3A_1575, %gather3A_1538 : vector<16xf32>
        %add3A_1577 = arith.addf %gather3A_1546, %gather3A_1562 : vector<16xf32>
        %add3A_1578 = arith.addf %add3A_1577, %gather3A_1538 : vector<16xf32>
        %add3A_1579 = arith.addf %gather3A_1548, %gather3A_1564 : vector<16xf32>
        %add3A_1580 = arith.addf %add3A_1579, %gather3A_1538 : vector<16xf32>
        %add3A_1581 = arith.addf %gather3A_1550, %gather3A_1566 : vector<16xf32>
        %add3A_1582 = arith.addf %add3A_1581, %gather3A_1538 : vector<16xf32>
        %add3A_1583 = arith.addf %gather3A_1552, %gather3A_1568 : vector<16xf32>
        %add3A_1584 = arith.addf %add3A_1583, %gather3A_1538 : vector<16xf32>
        %add3A_1585 = arith.addf %gather3A_1554, %gather3A_1570 : vector<16xf32>
        %add3A_1586 = arith.addf %add3A_1585, %gather3A_1538 : vector<16xf32>
        %mul3A_1587 = arith.constant 128 : i32
        %mul3A_1588 = arith.muli %add3A_1523, %mul3A_1587 : i32
        %add3A_1589 = arith.constant 0 : i32
        %add3A_1590 = arith.addi %mul3A_1588, %add3A_1589 : i32
        %swap3A = arith.index_cast %add3A_1590 : i32 to index
        %swap3A_1591 = tpu.vector_load %arg15[%swap3A] {strides = array<i32>} : memref<8192xf32, #tpu.memory_space<vmem>>, vector<16xf32>,
        tpu.vector_store %arg15[%swap3A], %add3A_1572 {strides = array<i32>} : memref<8192xf32, #tpu.memory_space<vmem>>, vector<16xf32>,
        %mul3A_1592 = arith.constant 128 : i32
        %mul3A_1593 = arith.muli %add3A_1523, %mul3A_1592 : i32
        %add3A_1594 = arith.constant 16 : i32
        %add3A_1595 = arith.addi %mul3A_1593, %add3A_1594 : i32
        %swap3A_1596 = arith.index_cast %add3A_1595 : i32 to index
        %swap3A_1597 = tpu.vector_load %arg15[%swap3A_1596] {strides = array<i32>} : memref<8192xf32, #tpu.memory_space<vmem>>, vector<16xf32>,
        tpu.vector_store %arg15[%swap3A_1596], %add3A_1574 {strides = array<i32>} : memref<8192xf32, #tpu.memory_space<vmem>>, vector<16xf32>,
        %mul3A_1598 = arith.constant 128 : i32
        %mul3A_1599 = arith.muli %add3A_1523, %mul3A_1598 : i32
        %add3A_1600 = arith.constant 32 : i32
        %add3A_1601 = arith.addi %mul3A_1599, %add3A_1600 : i32
        %swap3A_1602 = arith.index_cast %add3A_1601 : i32 to index
        %swap3A_1603 = tpu.vector_load %arg15[%swap3A_1602] {strides = array<i32>} : memref<8192xf32, #tpu.memory_space<vmem>>, vector<16xf32>,
        tpu.vector_store %arg15[%swap3A_1602], %add3A_1576 {strides = array<i32>} : memref<8192xf32, #tpu.memory_space<vmem>>, vector<16xf32>,
        %mul3A_1604 = arith.constant 128 : i32
        %mul3A_1605 = arith.muli %add3A_1523, %mul3A_1604 : i32
        %add3A_1606 = arith.constant 48 : i32
        %add3A_1607 = arith.addi %mul3A_1605, %add3A_1606 : i32
        %swap3A_1608 = arith.index_cast %add3A_1607 : i32 to index
        %swap3A_1609 = tpu.vector_load %arg15[%swap3A_1608] {strides = array<i32>} : memref<8192xf32, #tpu.memory_space<vmem>>, vector<16xf32>,
        tpu.vector_store %arg15[%swap3A_1608], %add3A_1578 {strides = array<i32>} : memref<8192xf32, #tpu.memory_space<vmem>>, vector<16xf32>,
        %mul3A_1610 = arith.constant 128 : i32
        %mul3A_1611 = arith.muli %add3A_1523, %mul3A_1610 : i32
        %add3A_1612 = arith.constant 64 : i32
        %add3A_1613 = arith.addi %mul3A_1611, %add3A_1612 : i32
        %swap3A_1614 = arith.index_cast %add3A_1613 : i32 to index
        %swap3A_1615 = tpu.vector_load %arg15[%swap3A_1614] {strides = array<i32>} : memref<8192xf32, #tpu.memory_space<vmem>>, vector<16xf32>,
        tpu.vector_store %arg15[%swap3A_1614], %add3A_1580 {strides = array<i32>} : memref<8192xf32, #tpu.memory_space<vmem>>, vector<16xf32>,
        %mul3A_1616 = arith.constant 128 : i32
        %mul3A_1617 = arith.muli %add3A_1523, %mul3A_1616 : i32
        %add3A_1618 = arith.constant 80 : i32
        %add3A_1619 = arith.addi %mul3A_1617, %add3A_1618 : i32
        %swap3A_1620 = arith.index_cast %add3A_1619 : i32 to index
        %swap3A_1621 = tpu.vector_load %arg15[%swap3A_1620] {strides = array<i32>} : memref<8192xf32, #tpu.memory_space<vmem>>, vector<16xf32>,
        tpu.vector_store %arg15[%swap3A_1620], %add3A_1582 {strides = array<i32>} : memref<8192xf32, #tpu.memory_space<vmem>>, vector<16xf32>,
        %mul3A_1622 = arith.constant 128 : i32
        %mul3A_1623 = arith.muli %add3A_1523, %mul3A_1622 : i32
        %add3A_1624 = arith.constant 96 : i32
        %add3A_1625 = arith.addi %mul3A_1623, %add3A_1624 : i32
        %swap3A_1626 = arith.index_cast %add3A_1625 : i32 to index
        %swap3A_1627 = tpu.vector_load %arg15[%swap3A_1626] {strides = array<i32>} : memref<8192xf32, #tpu.memory_space<vmem>>, vector<16xf32>,
        tpu.vector_store %arg15[%swap3A_1626], %add3A_1584 {strides = array<i32>} : memref<8192xf32, #tpu.memory_space<vmem>>, vector<16xf32>,
        %mul3A_1628 = arith.constant 128 : i32
        %mul3A_1629 = arith.muli %add3A_1523, %mul3A_1628 : i32
        %add3A_1630 = arith.constant 112 : i32
        %add3A_1631 = arith.addi %mul3A_1629, %add3A_1630 : i32
        %swap3A_1632 = arith.index_cast %add3A_1631 : i32 to index
        %swap3A_1633 = tpu.vector_load %arg15[%swap3A_1632] {strides = array<i32>} : memref<8192xf32, #tpu.memory_space<vmem>>, vector<16xf32>,
        tpu.vector_store %arg15[%swap3A_1632], %add3A_1586 {strides = array<i32>} : memref<8192xf32, #tpu.memory_space<vmem>>, vector<16xf32>,
      }
      %scan3A_1012 = arith.constant 16 : i32
      %mul3A_1013 = arith.constant 8 : i32
      %mul3A_1014 = arith.muli %mul3A_780, %mul3A_1013 : i32
      %add3A_1015 = arith.constant 0 : i32
      %add3A_1016 = arith.addi %mul3A_1014, %add3A_1015 : i32
      %mul3A_1017 = arith.constant 32 : i32
      %mul3A_1018 = arith.muli %add3A_1016, %mul3A_1017 : i32
      %add3A_1019 = arith.addi %mul3A_1018, %add3A : i32
      %dma_start3A_1020 = arith.constant 0 : i32
      %dma_start3A_1021 = tpu.memref_slice %arg15[%dma_start3A_1020] : memref<8192xf32, #tpu.memory_space<vmem>> -> memref<1024xf32, #tpu.memory_space<vmem>>
      %dma_start3A_1022 = arith.constant 0 : i32
      %dma_start3A_1023 = tpu.memref_slice %arg7[%add3A_1019, %dma_start3A_1022] : memref<51200x1024xf32, #tpu.memory_space<hbm>> -> memref<1x1024xf32, #tpu.memory_space<hbm>>
      %dma_start3A_1024 = tpu.memref_squeeze %dma_start3A_1023 : memref<1x1024xf32, #tpu.memory_space<hbm>> -> memref<1024xf32, #tpu.memory_space<hbm>>
      %dma_start3A_1025 = arith.constant 0 : i32
      %dma_start3A_1026 = tpu.memref_slice %arg7[%add3A_1019, %dma_start3A_1025] : memref<51200x1024xf32, #tpu.memory_space<hbm>> -> memref<1x1024xf32, #tpu.memory_space<hbm>>
      %dma_start3A_1027 = tpu.memref_squeeze %dma_start3A_1026 : memref<1x1024xf32, #tpu.memory_space<hbm>> -> memref<1024xf32, #tpu.memory_space<hbm>>
      %dma_start3A_1028 = arith.constant 0 : i32
      %dma_start3A_1029 = tpu.memref_slice %arg15[%dma_start3A_1028] : memref<8192xf32, #tpu.memory_space<vmem>> -> memref<1024xf32, #tpu.memory_space<vmem>>
      tpu.enqueue_dma source(%dma_start3A_1029 : memref<1024xf32, #tpu.memory_space<vmem>>) target(%dma_start3A_1027 : memref<1024xf32, #tpu.memory_space<hbm>>) target_semaphore(%arg19 : memref<!tpu.dma_semaphore, #tpu.memory_space<semaphore_mem>>)
      %mul3A_1030 = arith.constant 8 : i32
      %mul3A_1031 = arith.muli %mul3A_780, %mul3A_1030 : i32
      %add3A_1032 = arith.constant 1 : i32
      %add3A_1033 = arith.addi %mul3A_1031, %add3A_1032 : i32
      %mul3A_1034 = arith.constant 32 : i32
      %mul3A_1035 = arith.muli %add3A_1033, %mul3A_1034 : i32
      %add3A_1036 = arith.addi %mul3A_1035, %add3A : i32
      %dma_start3A_1037 = arith.constant 1024 : i32
      %dma_start3A_1038 = tpu.memref_slice %arg15[%dma_start3A_1037] : memref<8192xf32, #tpu.memory_space<vmem>> -> memref<1024xf32, #tpu.memory_space<vmem>>
      %dma_start3A_1039 = arith.constant 0 : i32
      %dma_start3A_1040 = tpu.memref_slice %arg7[%add3A_1036, %dma_start3A_1039] : memref<51200x1024xf32, #tpu.memory_space<hbm>> -> memref<1x1024xf32, #tpu.memory_space<hbm>>
      %dma_start3A_1041 = tpu.memref_squeeze %dma_start3A_1040 : memref<1x1024xf32, #tpu.memory_space<hbm>> -> memref<1024xf32, #tpu.memory_space<hbm>>
      %dma_start3A_1042 = arith.constant 0 : i32
      %dma_start3A_1043 = tpu.memref_slice %arg7[%add3A_1036, %dma_start3A_1042] : memref<51200x1024xf32, #tpu.memory_space<hbm>> -> memref<1x1024xf32, #tpu.memory_space<hbm>>
      %dma_start3A_1044 = tpu.memref_squeeze %dma_start3A_1043 : memref<1x1024xf32, #tpu.memory_space<hbm>> -> memref<1024xf32, #tpu.memory_space<hbm>>
      %dma_start3A_1045 = arith.constant 1024 : i32
      %dma_start3A_1046 = tpu.memref_slice %arg15[%dma_start3A_1045] : memref<8192xf32, #tpu.memory_space<vmem>> -> memref<1024xf32, #tpu.memory_space<vmem>>
      tpu.enqueue_dma source(%dma_start3A_1046 : memref<1024xf32, #tpu.memory_space<vmem>>) target(%dma_start3A_1044 : memref<1024xf32, #tpu.memory_space<hbm>>) target_semaphore(%arg19 : memref<!tpu.dma_semaphore, #tpu.memory_space<semaphore_mem>>)
      %mul3A_1047 = arith.constant 8 : i32
      %mul3A_1048 = arith.muli %mul3A_780, %mul3A_1047 : i32
      %add3A_1049 = arith.constant 2 : i32
      %add3A_1050 = arith.addi %mul3A_1048, %add3A_1049 : i32
      %mul3A_1051 = arith.constant 32 : i32
      %mul3A_1052 = arith.muli %add3A_1050, %mul3A_1051 : i32
      %add3A_1053 = arith.addi %mul3A_1052, %add3A : i32
      %dma_start3A_1054 = arith.constant 2048 : i32
      %dma_start3A_1055 = tpu.memref_slice %arg15[%dma_start3A_1054] : memref<8192xf32, #tpu.memory_space<vmem>> -> memref<1024xf32, #tpu.memory_space<vmem>>
      %dma_start3A_1056 = arith.constant 0 : i32
      %dma_start3A_1057 = tpu.memref_slice %arg7[%add3A_1053, %dma_start3A_1056] : memref<51200x1024xf32, #tpu.memory_space<hbm>> -> memref<1x1024xf32, #tpu.memory_space<hbm>>
      %dma_start3A_1058 = tpu.memref_squeeze %dma_start3A_1057 : memref<1x1024xf32, #tpu.memory_space<hbm>> -> memref<1024xf32, #tpu.memory_space<hbm>>
      %dma_start3A_1059 = arith.constant 0 : i32
      %dma_start3A_1060 = tpu.memref_slice %arg7[%add3A_1053, %dma_start3A_1059] : memref<51200x1024xf32, #tpu.memory_space<hbm>> -> memref<1x1024xf32, #tpu.memory_space<hbm>>
      %dma_start3A_1061 = tpu.memref_squeeze %dma_start3A_1060 : memref<1x1024xf32, #tpu.memory_space<hbm>> -> memref<1024xf32, #tpu.memory_space<hbm>>
      %dma_start3A_1062 = arith.constant 2048 : i32
      %dma_start3A_1063 = tpu.memref_slice %arg15[%dma_start3A_1062] : memref<8192xf32, #tpu.memory_space<vmem>> -> memref<1024xf32, #tpu.memory_space<vmem>>
      tpu.enqueue_dma source(%dma_start3A_1063 : memref<1024xf32, #tpu.memory_space<vmem>>) target(%dma_start3A_1061 : memref<1024xf32, #tpu.memory_space<hbm>>) target_semaphore(%arg19 : memref<!tpu.dma_semaphore, #tpu.memory_space<semaphore_mem>>)
      %mul3A_1064 = arith.constant 8 : i32
      %mul3A_1065 = arith.muli %mul3A_780, %mul3A_1064 : i32
      %add3A_1066 = arith.constant 3 : i32
      %add3A_1067 = arith.addi %mul3A_1065, %add3A_1066 : i32
      %mul3A_1068 = arith.constant 32 : i32
      %mul3A_1069 = arith.muli %add3A_1067, %mul3A_1068 : i32
      %add3A_1070 = arith.addi %mul3A_1069, %add3A : i32
      %dma_start3A_1071 = arith.constant 3072 : i32
      %dma_start3A_1072 = tpu.memref_slice %arg15[%dma_start3A_1071] : memref<8192xf32, #tpu.memory_space<vmem>> -> memref<1024xf32, #tpu.memory_space<vmem>>
      %dma_start3A_1073 = arith.constant 0 : i32
      %dma_start3A_1074 = tpu.memref_slice %arg7[%add3A_1070, %dma_start3A_1073] : memref<51200x1024xf32, #tpu.memory_space<hbm>> -> memref<1x1024xf32, #tpu.memory_space<hbm>>
      %dma_start3A_1075 = tpu.memref_squeeze %dma_start3A_1074 : memref<1x1024xf32, #tpu.memory_space<hbm>> -> memref<1024xf32, #tpu.memory_space<hbm>>
      %dma_start3A_1076 = arith.constant 0 : i32
      %dma_start3A_1077 = tpu.memref_slice %arg7[%add3A_1070, %dma_start3A_1076] : memref<51200x1024xf32, #tpu.memory_space<hbm>> -> memref<1x1024xf32, #tpu.memory_space<hbm>>
      %dma_start3A_1078 = tpu.memref_squeeze %dma_start3A_1077 : memref<1x1024xf32, #tpu.memory_space<hbm>> -> memref<1024xf32, #tpu.memory_space<hbm>>
      %dma_start3A_1079 = arith.constant 3072 : i32
      %dma_start3A_1080 = tpu.memref_slice %arg15[%dma_start3A_1079] : memref<8192xf32, #tpu.memory_space<vmem>> -> memref<1024xf32, #tpu.memory_space<vmem>>
      tpu.enqueue_dma source(%dma_start3A_1080 : memref<1024xf32, #tpu.memory_space<vmem>>) target(%dma_start3A_1078 : memref<1024xf32, #tpu.memory_space<hbm>>) target_semaphore(%arg19 : memref<!tpu.dma_semaphore, #tpu.memory_space<semaphore_mem>>)
      %mul3A_1081 = arith.constant 8 : i32
      %mul3A_1082 = arith.muli %mul3A_780, %mul3A_1081 : i32
      %add3A_1083 = arith.constant 4 : i32
      %add3A_1084 = arith.addi %mul3A_1082, %add3A_1083 : i32
      %mul3A_1085 = arith.constant 32 : i32
      %mul3A_1086 = arith.muli %add3A_1084, %mul3A_1085 : i32
      %add3A_1087 = arith.addi %mul3A_1086, %add3A : i32
      %dma_start3A_1088 = arith.constant 4096 : i32
      %dma_start3A_1089 = tpu.memref_slice %arg15[%dma_start3A_1088] : memref<8192xf32, #tpu.memory_space<vmem>> -> memref<1024xf32, #tpu.memory_space<vmem>>
      %dma_start3A_1090 = arith.constant 0 : i32
      %dma_start3A_1091 = tpu.memref_slice %arg7[%add3A_1087, %dma_start3A_1090] : memref<51200x1024xf32, #tpu.memory_space<hbm>> -> memref<1x1024xf32, #tpu.memory_space<hbm>>
      %dma_start3A_1092 = tpu.memref_squeeze %dma_start3A_1091 : memref<1x1024xf32, #tpu.memory_space<hbm>> -> memref<1024xf32, #tpu.memory_space<hbm>>
      %dma_start3A_1093 = arith.constant 0 : i32
      %dma_start3A_1094 = tpu.memref_slice %arg7[%add3A_1087, %dma_start3A_1093] : memref<51200x1024xf32, #tpu.memory_space<hbm>> -> memref<1x1024xf32, #tpu.memory_space<hbm>>
      %dma_start3A_1095 = tpu.memref_squeeze %dma_start3A_1094 : memref<1x1024xf32, #tpu.memory_space<hbm>> -> memref<1024xf32, #tpu.memory_space<hbm>>
      %dma_start3A_1096 = arith.constant 4096 : i32
      %dma_start3A_1097 = tpu.memref_slice %arg15[%dma_start3A_1096] : memref<8192xf32, #tpu.memory_space<vmem>> -> memref<1024xf32, #tpu.memory_space<vmem>>
      tpu.enqueue_dma source(%dma_start3A_1097 : memref<1024xf32, #tpu.memory_space<vmem>>) target(%dma_start3A_1095 : memref<1024xf32, #tpu.memory_space<hbm>>) target_semaphore(%arg19 : memref<!tpu.dma_semaphore, #tpu.memory_space<semaphore_mem>>)
      %mul3A_1098 = arith.constant 8 : i32
      %mul3A_1099 = arith.muli %mul3A_780, %mul3A_1098 : i32
      %add3A_1100 = arith.constant 5 : i32
      %add3A_1101 = arith.addi %mul3A_1099, %add3A_1100 : i32
      %mul3A_1102 = arith.constant 32 : i32
      %mul3A_1103 = arith.muli %add3A_1101, %mul3A_1102 : i32
      %add3A_1104 = arith.addi %mul3A_1103, %add3A : i32
      %dma_start3A_1105 = arith.constant 5120 : i32
      %dma_start3A_1106 = tpu.memref_slice %arg15[%dma_start3A_1105] : memref<8192xf32, #tpu.memory_space<vmem>> -> memref<1024xf32, #tpu.memory_space<vmem>>
      %dma_start3A_1107 = arith.constant 0 : i32
      %dma_start3A_1108 = tpu.memref_slice %arg7[%add3A_1104, %dma_start3A_1107] : memref<51200x1024xf32, #tpu.memory_space<hbm>> -> memref<1x1024xf32, #tpu.memory_space<hbm>>
      %dma_start3A_1109 = tpu.memref_squeeze %dma_start3A_1108 : memref<1x1024xf32, #tpu.memory_space<hbm>> -> memref<1024xf32, #tpu.memory_space<hbm>>
      %dma_start3A_1110 = arith.constant 0 : i32
      %dma_start3A_1111 = tpu.memref_slice %arg7[%add3A_1104, %dma_start3A_1110] : memref<51200x1024xf32, #tpu.memory_space<hbm>> -> memref<1x1024xf32, #tpu.memory_space<hbm>>
      %dma_start3A_1112 = tpu.memref_squeeze %dma_start3A_1111 : memref<1x1024xf32, #tpu.memory_space<hbm>> -> memref<1024xf32, #tpu.memory_space<hbm>>
      %dma_start3A_1113 = arith.constant 5120 : i32
      %dma_start3A_1114 = tpu.memref_slice %arg15[%dma_start3A_1113] : memref<8192xf32, #tpu.memory_space<vmem>> -> memref<1024xf32, #tpu.memory_space<vmem>>
      tpu.enqueue_dma source(%dma_start3A_1114 : memref<1024xf32, #tpu.memory_space<vmem>>) target(%dma_start3A_1112 : memref<1024xf32, #tpu.memory_space<hbm>>) target_semaphore(%arg19 : memref<!tpu.dma_semaphore, #tpu.memory_space<semaphore_mem>>)
      %mul3A_1115 = arith.constant 8 : i32
      %mul3A_1116 = arith.muli %mul3A_780, %mul3A_1115 : i32
      %add3A_1117 = arith.constant 6 : i32
      %add3A_1118 = arith.addi %mul3A_1116, %add3A_1117 : i32
      %mul3A_1119 = arith.constant 32 : i32
      %mul3A_1120 = arith.muli %add3A_1118, %mul3A_1119 : i32
      %add3A_1121 = arith.addi %mul3A_1120, %add3A : i32
      %dma_start3A_1122 = arith.constant 6144 : i32
      %dma_start3A_1123 = tpu.memref_slice %arg15[%dma_start3A_1122] : memref<8192xf32, #tpu.memory_space<vmem>> -> memref<1024xf32, #tpu.memory_space<vmem>>
      %dma_start3A_1124 = arith.constant 0 : i32
      %dma_start3A_1125 = tpu.memref_slice %arg7[%add3A_1121, %dma_start3A_1124] : memref<51200x1024xf32, #tpu.memory_space<hbm>> -> memref<1x1024xf32, #tpu.memory_space<hbm>>
      %dma_start3A_1126 = tpu.memref_squeeze %dma_start3A_1125 : memref<1x1024xf32, #tpu.memory_space<hbm>> -> memref<1024xf32, #tpu.memory_space<hbm>>
      %dma_start3A_1127 = arith.constant 0 : i32
      %dma_start3A_1128 = tpu.memref_slice %arg7[%add3A_1121, %dma_start3A_1127] : memref<51200x1024xf32, #tpu.memory_space<hbm>> -> memref<1x1024xf32, #tpu.memory_space<hbm>>
      %dma_start3A_1129 = tpu.memref_squeeze %dma_start3A_1128 : memref<1x1024xf32, #tpu.memory_space<hbm>> -> memref<1024xf32, #tpu.memory_space<hbm>>
      %dma_start3A_1130 = arith.constant 6144 : i32
      %dma_start3A_1131 = tpu.memref_slice %arg15[%dma_start3A_1130] : memref<8192xf32, #tpu.memory_space<vmem>> -> memref<1024xf32, #tpu.memory_space<vmem>>
      tpu.enqueue_dma source(%dma_start3A_1131 : memref<1024xf32, #tpu.memory_space<vmem>>) target(%dma_start3A_1129 : memref<1024xf32, #tpu.memory_space<hbm>>) target_semaphore(%arg19 : memref<!tpu.dma_semaphore, #tpu.memory_space<semaphore_mem>>)
      %mul3A_1132 = arith.constant 8 : i32
      %mul3A_1133 = arith.muli %mul3A_780, %mul3A_1132 : i32
      %add3A_1134 = arith.constant 7 : i32
      %add3A_1135 = arith.addi %mul3A_1133, %add3A_1134 : i32
      %mul3A_1136 = arith.constant 32 : i32
      %mul3A_1137 = arith.muli %add3A_1135, %mul3A_1136 : i32
      %add3A_1138 = arith.addi %mul3A_1137, %add3A : i32
      %dma_start3A_1139 = arith.constant 7168 : i32
      %dma_start3A_1140 = tpu.memref_slice %arg15[%dma_start3A_1139] : memref<8192xf32, #tpu.memory_space<vmem>> -> memref<1024xf32, #tpu.memory_space<vmem>>
      %dma_start3A_1141 = arith.constant 0 : i32
      %dma_start3A_1142 = tpu.memref_slice %arg7[%add3A_1138, %dma_start3A_1141] : memref<51200x1024xf32, #tpu.memory_space<hbm>> -> memref<1x1024xf32, #tpu.memory_space<hbm>>
      %dma_start3A_1143 = tpu.memref_squeeze %dma_start3A_1142 : memref<1x1024xf32, #tpu.memory_space<hbm>> -> memref<1024xf32, #tpu.memory_space<hbm>>
      %dma_start3A_1144 = arith.constant 0 : i32
      %dma_start3A_1145 = tpu.memref_slice %arg7[%add3A_1138, %dma_start3A_1144] : memref<51200x1024xf32, #tpu.memory_space<hbm>> -> memref<1x1024xf32, #tpu.memory_space<hbm>>
      %dma_start3A_1146 = tpu.memref_squeeze %dma_start3A_1145 : memref<1x1024xf32, #tpu.memory_space<hbm>> -> memref<1024xf32, #tpu.memory_space<hbm>>
      %dma_start3A_1147 = arith.constant 7168 : i32
      %dma_start3A_1148 = tpu.memref_slice %arg15[%dma_start3A_1147] : memref<8192xf32, #tpu.memory_space<vmem>> -> memref<1024xf32, #tpu.memory_space<vmem>>
      tpu.enqueue_dma source(%dma_start3A_1148 : memref<1024xf32, #tpu.memory_space<vmem>>) target(%dma_start3A_1146 : memref<1024xf32, #tpu.memory_space<hbm>>) target_semaphore(%arg19 : memref<!tpu.dma_semaphore, #tpu.memory_space<semaphore_mem>>)
      %mul3A_1149 = arith.constant 2 : i32
      %mul3A_1150 = arith.muli %mul3A_1149, %scan3A_778 : i32
      %add3A_1151 = arith.constant 1 : i32
      %add3A_1152 = arith.addi %mul3A_1150, %add3A_1151 : i32
      %dma_wait3A_1153 = arith.constant 0 : i32
      %dma_wait3A_1154 = tpu.memref_slice %arg2[%dma_wait3A_1153] : memref<819200xi32, #tpu.memory_space<hbm>> -> memref<128xi32, #tpu.memory_space<hbm>>
      %dma_wait3A_1155 = arith.constant 0 : i32
      %dma_wait3A_1156 = tpu.memref_slice %arg2[%dma_wait3A_1155] : memref<819200xi32, #tpu.memory_space<hbm>> -> memref<128xi32, #tpu.memory_space<hbm>>
      tpu.wait_dma2 semaphore(%arg18 : memref<!tpu.dma_semaphore, #tpu.memory_space<semaphore_mem>>) src(%dma_wait3A_1156 : memref<128xi32, #tpu.memory_space<hbm>>) dst(%arg12 : memref<128xi32, #tpu.memory_space<vmem>>)
      %dma_wait3A_1157 = arith.constant 0 : i32
      %dma_wait3A_1158 = tpu.memref_slice %arg3[%dma_wait3A_1157] : memref<819200xi32, #tpu.memory_space<hbm>> -> memref<128xi32, #tpu.memory_space<hbm>>
      %dma_wait3A_1159 = arith.constant 0 : i32
      %dma_wait3A_1160 = tpu.memref_slice %arg3[%dma_wait3A_1159] : memref<819200xi32, #tpu.memory_space<hbm>> -> memref<128xi32, #tpu.memory_space<hbm>>
      tpu.wait_dma2 semaphore(%arg18 : memref<!tpu.dma_semaphore, #tpu.memory_space<semaphore_mem>>) src(%dma_wait3A_1160 : memref<128xi32, #tpu.memory_space<hbm>>) dst(%arg14 : memref<128xi32, #tpu.memory_space<vmem>>)
      %get3A_1161 = arith.constant 0 : index
      %get3A_1162 = tpu.vector_load %arg12[%get3A_1161] {strides = array<i32>} : memref<128xi32, #tpu.memory_space<vmem>>, vector<16xi32>,
      %get3A_1163 = arith.constant 16 : index
      %get3A_1164 = tpu.vector_load %arg12[%get3A_1163] {strides = array<i32>} : memref<128xi32, #tpu.memory_space<vmem>>, vector<16xi32>,
      %get3A_1165 = arith.constant 32 : index
      %get3A_1166 = tpu.vector_load %arg12[%get3A_1165] {strides = array<i32>} : memref<128xi32, #tpu.memory_space<vmem>>, vector<16xi32>,
      %get3A_1167 = arith.constant 48 : index
      %get3A_1168 = tpu.vector_load %arg12[%get3A_1167] {strides = array<i32>} : memref<128xi32, #tpu.memory_space<vmem>>, vector<16xi32>,
      %get3A_1169 = arith.constant 64 : index
      %get3A_1170 = tpu.vector_load %arg12[%get3A_1169] {strides = array<i32>} : memref<128xi32, #tpu.memory_space<vmem>>, vector<16xi32>,
      %get3A_1171 = arith.constant 80 : index
      %get3A_1172 = tpu.vector_load %arg12[%get3A_1171] {strides = array<i32>} : memref<128xi32, #tpu.memory_space<vmem>>, vector<16xi32>,
      %get3A_1173 = arith.constant 96 : index
      %get3A_1174 = tpu.vector_load %arg12[%get3A_1173] {strides = array<i32>} : memref<128xi32, #tpu.memory_space<vmem>>, vector<16xi32>,
      %get3A_1175 = arith.constant 112 : index
      %get3A_1176 = tpu.vector_load %arg12[%get3A_1175] {strides = array<i32>} : memref<128xi32, #tpu.memory_space<vmem>>, vector<16xi32>,
      %get3A_1177 = arith.constant 0 : index
      %get3A_1178 = tpu.vector_load %arg14[%get3A_1177] {strides = array<i32>} : memref<128xi32, #tpu.memory_space<vmem>>, vector<16xi32>,
      %get3A_1179 = arith.constant 16 : index
      %get3A_1180 = tpu.vector_load %arg14[%get3A_1179] {strides = array<i32>} : memref<128xi32, #tpu.memory_space<vmem>>, vector<16xi32>,
      %get3A_1181 = arith.constant 32 : index
      %get3A_1182 = tpu.vector_load %arg14[%get3A_1181] {strides = array<i32>} : memref<128xi32, #tpu.memory_space<vmem>>, vector<16xi32>,
      %get3A_1183 = arith.constant 48 : index
      %get3A_1184 = tpu.vector_load %arg14[%get3A_1183] {strides = array<i32>} : memref<128xi32, #tpu.memory_space<vmem>>, vector<16xi32>,
      %get3A_1185 = arith.constant 64 : index
      %get3A_1186 = tpu.vector_load %arg14[%get3A_1185] {strides = array<i32>} : memref<128xi32, #tpu.memory_space<vmem>>, vector<16xi32>,
      %get3A_1187 = arith.constant 80 : index
      %get3A_1188 = tpu.vector_load %arg14[%get3A_1187] {strides = array<i32>} : memref<128xi32, #tpu.memory_space<vmem>>, vector<16xi32>,
      %get3A_1189 = arith.constant 96 : index
      %get3A_1190 = tpu.vector_load %arg14[%get3A_1189] {strides = array<i32>} : memref<128xi32, #tpu.memory_space<vmem>>, vector<16xi32>,
      %get3A_1191 = arith.constant 112 : index
      %get3A_1192 = tpu.vector_load %arg14[%get3A_1191] {strides = array<i32>} : memref<128xi32, #tpu.memory_space<vmem>>, vector<16xi32>,
      %add3A_1193 = arith.constant 2 : i32
      %add3A_1194 = arith.addi %add3A_1152, %add3A_1193 : i32
      %min3A_1195 = arith.constant 199 : i32
      %min3A_1196 = arith.minsi %add3A_1194, %min3A_1195 : i32
      %jit3A_1197 = arith.constant 8 : i32
      %div3A_1198 = arith.divsi %min3A_1196, %jit3A_1197 : i32
      %sign3A_1199 = arith.constant 0 : i32
      %sign3A_1200 = arith.cmpi sgt, %min3A_1196, %sign3A_1199 : i32
      %sign3A_1201 = arith.extui %sign3A_1200 : i1 to i32
      %sign3A_1202 = arith.constant 0 : i32
      %sign3A_1203 = arith.cmpi slt, %min3A_1196, %sign3A_1202 : i32
      %sign3A_1204 = arith.extui %sign3A_1203 : i1 to i32
      %sign3A_1205 = arith.subi %sign3A_1201, %sign3A_1204 : i32
      %sign3A_1206 = arith.constant 0 : i32
      %sign3A_1207 = arith.cmpi sgt, %jit3A_1197, %sign3A_1206 : i32
      %sign3A_1208 = arith.extui %sign3A_1207 : i1 to i32
      %sign3A_1209 = arith.constant 0 : i32
      %sign3A_1210 = arith.cmpi slt, %jit3A_1197, %sign3A_1209 : i32
      %sign3A_1211 = arith.extui %sign3A_1210 : i1 to i32
      %sign3A_1212 = arith.subi %sign3A_1208, %sign3A_1211 : i32
      %ne3A_1213 = arith.cmpi ne, %sign3A_1205, %sign3A_1212 : i32
      %rem3A_1214 = arith.remsi %min3A_1196, %jit3A_1197 : i32
      %ne3A_1215 = arith.constant 0 : i32
      %ne3A_1216 = arith.cmpi ne, %rem3A_1214, %ne3A_1215 : i32
      %and3A_1217 = arith.andi %ne3A_1213, %ne3A_1216 : i1
      %sub3A_1218 = arith.constant 1 : i32
      %sub3A_1219 = arith.subi %div3A_1198, %sub3A_1218 : i32
      %select_n3A_1220 = arith.select %and3A_1217, %sub3A_1219, %div3A_1198 : i32
      %mul3A_1221 = arith.constant 32 : i32
      %mul3A_1222 = arith.muli %select_n3A_1220, %mul3A_1221 : i32
      %add3A_1223 = arith.addi %mul3A_1222, %add3A : i32
      %mul3A_1224 = arith.constant 1024 : i32
      %mul3A_1225 = arith.muli %add3A_1223, %mul3A_1224 : i32
      %jit3A_1226 = arith.constant 8 : i32
      %eq3A_1227 = arith.constant 0 : i32
      %eq3A_1228 = arith.cmpi eq, %jit3A_1226, %eq3A_1227 : i32
      %jit3A_1229 = arith.constant 1 : i32
      %select_n3A_1230 = arith.select %eq3A_1228, %jit3A_1229, %jit3A_1226 : i32
      %rem3A_1231 = arith.remsi %min3A_1196, %select_n3A_1230 : i32
      %ne3A_1232 = arith.constant 0 : i32
      %ne3A_1233 = arith.cmpi ne, %rem3A_1231, %ne3A_1232 : i32
      %lt3A_1234 = arith.constant 0 : i32
      %lt3A_1235 = arith.cmpi slt, %rem3A_1231, %lt3A_1234 : i32
      %lt3A_1236 = arith.constant 0 : i32
      %lt3A_1237 = arith.cmpi slt, %select_n3A_1230, %lt3A_1236 : i32
      %ne3A_1238 = arith.xori %lt3A_1235, %lt3A_1237 : i1
      %and3A_1239 = arith.andi %ne3A_1238, %ne3A_1233 : i1
      %add3A_1240 = arith.addi %rem3A_1231, %select_n3A_1230 : i32
      %select_n3A_1241 = arith.select %and3A_1239, %add3A_1240, %rem3A_1231 : i32
      %mul3A_1242 = arith.constant 128 : i32
      %mul3A_1243 = arith.muli %select_n3A_1241, %mul3A_1242 : i32
      %add3A_1244 = arith.addi %mul3A_1225, %mul3A_1243 : i32
      %dma_start3A_1245 = tpu.memref_slice %arg2[%add3A_1244] : memref<819200xi32, #tpu.memory_space<hbm>> -> memref<128xi32, #tpu.memory_space<hbm>>
      %dma_start3A_1246 = tpu.memref_slice %arg2[%add3A_1244] : memref<819200xi32, #tpu.memory_space<hbm>> -> memref<128xi32, #tpu.memory_space<hbm>>
      tpu.enqueue_dma source(%dma_start3A_1246 : memref<128xi32, #tpu.memory_space<hbm>>) target(%arg12 : memref<128xi32, #tpu.memory_space<vmem>>) target_semaphore(%arg18 : memref<!tpu.dma_semaphore, #tpu.memory_space<semaphore_mem>>)
      %dma_start3A_1247 = tpu.memref_slice %arg3[%add3A_1244] : memref<819200xi32, #tpu.memory_space<hbm>> -> memref<128xi32, #tpu.memory_space<hbm>>
      %dma_start3A_1248 = tpu.memref_slice %arg3[%add3A_1244] : memref<819200xi32, #tpu.memory_space<hbm>> -> memref<128xi32, #tpu.memory_space<hbm>>
      tpu.enqueue_dma source(%dma_start3A_1248 : memref<128xi32, #tpu.memory_space<hbm>>) target(%arg14 : memref<128xi32, #tpu.memory_space<vmem>>) target_semaphore(%arg18 : memref<!tpu.dma_semaphore, #tpu.memory_space<semaphore_mem>>)
      %dma_wait3A_1249 = arith.constant 0 : i32
      %dma_wait3A_1250 = arith.constant 0 : i32
      %dma_wait3A_1251 = tpu.memref_slice %arg16[%dma_wait3A_1250] : memref<8192xf32, #tpu.memory_space<vmem>> -> memref<1024xf32, #tpu.memory_space<vmem>>
      %dma_wait3A_1252 = arith.constant 0 : i32
      %dma_wait3A_1253 = tpu.memref_slice %arg7[%dma_wait3A_1249, %dma_wait3A_1252] : memref<51200x1024xf32, #tpu.memory_space<hbm>> -> memref<1x1024xf32, #tpu.memory_space<hbm>>
      %dma_wait3A_1254 = tpu.memref_squeeze %dma_wait3A_1253 : memref<1x1024xf32, #tpu.memory_space<hbm>> -> memref<1024xf32, #tpu.memory_space<hbm>>
      %dma_wait3A_1255 = arith.constant 0 : i32
      %dma_wait3A_1256 = tpu.memref_slice %arg7[%dma_wait3A_1249, %dma_wait3A_1255] : memref<51200x1024xf32, #tpu.memory_space<hbm>> -> memref<1x1024xf32, #tpu.memory_space<hbm>>
      %dma_wait3A_1257 = tpu.memref_squeeze %dma_wait3A_1256 : memref<1x1024xf32, #tpu.memory_space<hbm>> -> memref<1024xf32, #tpu.memory_space<hbm>>
      %dma_wait3A_1258 = arith.constant 0 : i32
      %dma_wait3A_1259 = tpu.memref_slice %arg16[%dma_wait3A_1258] : memref<8192xf32, #tpu.memory_space<vmem>> -> memref<1024xf32, #tpu.memory_space<vmem>>
      tpu.wait_dma2 semaphore(%arg20 : memref<!tpu.dma_semaphore, #tpu.memory_space<semaphore_mem>>) src(%dma_wait3A_1259 : memref<1024xf32, #tpu.memory_space<vmem>>) dst(%dma_wait3A_1257 : memref<1024xf32, #tpu.memory_space<hbm>>)
      %dma_wait3A_1260 = arith.constant 0 : i32
      %dma_wait3A_1261 = arith.constant 0 : i32
      %dma_wait3A_1262 = tpu.memref_slice %arg16[%dma_wait3A_1261] : memref<8192xf32, #tpu.memory_space<vmem>> -> memref<1024xf32, #tpu.memory_space<vmem>>
      %dma_wait3A_1263 = arith.constant 0 : i32
      %dma_wait3A_1264 = tpu.memref_slice %arg7[%dma_wait3A_1260, %dma_wait3A_1263] : memref<51200x1024xf32, #tpu.memory_space<hbm>> -> memref<1x1024xf32, #tpu.memory_space<hbm>>
      %dma_wait3A_1265 = tpu.memref_squeeze %dma_wait3A_1264 : memref<1x1024xf32, #tpu.memory_space<hbm>> -> memref<1024xf32, #tpu.memory_space<hbm>>
      %dma_wait3A_1266 = arith.constant 0 : i32
      %dma_wait3A_1267 = tpu.memref_slice %arg7[%dma_wait3A_1260, %dma_wait3A_1266] : memref<51200x1024xf32, #tpu.memory_space<hbm>> -> memref<1x1024xf32, #tpu.memory_space<hbm>>
      %dma_wait3A_1268 = tpu.memref_squeeze %dma_wait3A_1267 : memref<1x1024xf32, #tpu.memory_space<hbm>> -> memref<1024xf32, #tpu.memory_space<hbm>>
      %dma_wait3A_1269 = arith.constant 0 : i32
      %dma_wait3A_1270 = tpu.memref_slice %arg16[%dma_wait3A_1269] : memref<8192xf32, #tpu.memory_space<vmem>> -> memref<1024xf32, #tpu.memory_space<vmem>>
      tpu.wait_dma2 semaphore(%arg20 : memref<!tpu.dma_semaphore, #tpu.memory_space<semaphore_mem>>) src(%dma_wait3A_1270 : memref<1024xf32, #tpu.memory_space<vmem>>) dst(%dma_wait3A_1268 : memref<1024xf32, #tpu.memory_space<hbm>>)
      %dma_wait3A_1271 = arith.constant 0 : i32
      %dma_wait3A_1272 = arith.constant 0 : i32
      %dma_wait3A_1273 = tpu.memref_slice %arg16[%dma_wait3A_1272] : memref<8192xf32, #tpu.memory_space<vmem>> -> memref<1024xf32, #tpu.memory_space<vmem>>
      %dma_wait3A_1274 = arith.constant 0 : i32
      %dma_wait3A_1275 = tpu.memref_slice %arg7[%dma_wait3A_1271, %dma_wait3A_1274] : memref<51200x1024xf32, #tpu.memory_space<hbm>> -> memref<1x1024xf32, #tpu.memory_space<hbm>>
      %dma_wait3A_1276 = tpu.memref_squeeze %dma_wait3A_1275 : memref<1x1024xf32, #tpu.memory_space<hbm>> -> memref<1024xf32, #tpu.memory_space<hbm>>
      %dma_wait3A_1277 = arith.constant 0 : i32
      %dma_wait3A_1278 = tpu.memref_slice %arg7[%dma_wait3A_1271, %dma_wait3A_1277] : memref<51200x1024xf32, #tpu.memory_space<hbm>> -> memref<1x1024xf32, #tpu.memory_space<hbm>>
      %dma_wait3A_1279 = tpu.memref_squeeze %dma_wait3A_1278 : memref<1x1024xf32, #tpu.memory_space<hbm>> -> memref<1024xf32, #tpu.memory_space<hbm>>
      %dma_wait3A_1280 = arith.constant 0 : i32
      %dma_wait3A_1281 = tpu.memref_slice %arg16[%dma_wait3A_1280] : memref<8192xf32, #tpu.memory_space<vmem>> -> memref<1024xf32, #tpu.memory_space<vmem>>
      tpu.wait_dma2 semaphore(%arg20 : memref<!tpu.dma_semaphore, #tpu.memory_space<semaphore_mem>>) src(%dma_wait3A_1281 : memref<1024xf32, #tpu.memory_space<vmem>>) dst(%dma_wait3A_1279 : memref<1024xf32, #tpu.memory_space<hbm>>)
      %dma_wait3A_1282 = arith.constant 0 : i32
      %dma_wait3A_1283 = arith.constant 0 : i32
      %dma_wait3A_1284 = tpu.memref_slice %arg16[%dma_wait3A_1283] : memref<8192xf32, #tpu.memory_space<vmem>> -> memref<1024xf32, #tpu.memory_space<vmem>>
      %dma_wait3A_1285 = arith.constant 0 : i32
      %dma_wait3A_1286 = tpu.memref_slice %arg7[%dma_wait3A_1282, %dma_wait3A_1285] : memref<51200x1024xf32, #tpu.memory_space<hbm>> -> memref<1x1024xf32, #tpu.memory_space<hbm>>
      %dma_wait3A_1287 = tpu.memref_squeeze %dma_wait3A_1286 : memref<1x1024xf32, #tpu.memory_space<hbm>> -> memref<1024xf32, #tpu.memory_space<hbm>>
      %dma_wait3A_1288 = arith.constant 0 : i32
      %dma_wait3A_1289 = tpu.memref_slice %arg7[%dma_wait3A_1282, %dma_wait3A_1288] : memref<51200x1024xf32, #tpu.memory_space<hbm>> -> memref<1x1024xf32, #tpu.memory_space<hbm>>
      %dma_wait3A_1290 = tpu.memref_squeeze %dma_wait3A_1289 : memref<1x1024xf32, #tpu.memory_space<hbm>> -> memref<1024xf32, #tpu.memory_space<hbm>>
      %dma_wait3A_1291 = arith.constant 0 : i32
      %dma_wait3A_1292 = tpu.memref_slice %arg16[%dma_wait3A_1291] : memref<8192xf32, #tpu.memory_space<vmem>> -> memref<1024xf32, #tpu.memory_space<vmem>>
      tpu.wait_dma2 semaphore(%arg20 : memref<!tpu.dma_semaphore, #tpu.memory_space<semaphore_mem>>) src(%dma_wait3A_1292 : memref<1024xf32, #tpu.memory_space<vmem>>) dst(%dma_wait3A_1290 : memref<1024xf32, #tpu.memory_space<hbm>>)
      %dma_wait3A_1293 = arith.constant 0 : i32
      %dma_wait3A_1294 = arith.constant 0 : i32
      %dma_wait3A_1295 = tpu.memref_slice %arg16[%dma_wait3A_1294] : memref<8192xf32, #tpu.memory_space<vmem>> -> memref<1024xf32, #tpu.memory_space<vmem>>
      %dma_wait3A_1296 = arith.constant 0 : i32
      %dma_wait3A_1297 = tpu.memref_slice %arg7[%dma_wait3A_1293, %dma_wait3A_1296] : memref<51200x1024xf32, #tpu.memory_space<hbm>> -> memref<1x1024xf32, #tpu.memory_space<hbm>>
      %dma_wait3A_1298 = tpu.memref_squeeze %dma_wait3A_1297 : memref<1x1024xf32, #tpu.memory_space<hbm>> -> memref<1024xf32, #tpu.memory_space<hbm>>
      %dma_wait3A_1299 = arith.constant 0 : i32
      %dma_wait3A_1300 = tpu.memref_slice %arg7[%dma_wait3A_1293, %dma_wait3A_1299] : memref<51200x1024xf32, #tpu.memory_space<hbm>> -> memref<1x1024xf32, #tpu.memory_space<hbm>>
      %dma_wait3A_1301 = tpu.memref_squeeze %dma_wait3A_1300 : memref<1x1024xf32, #tpu.memory_space<hbm>> -> memref<1024xf32, #tpu.memory_space<hbm>>
      %dma_wait3A_1302 = arith.constant 0 : i32
      %dma_wait3A_1303 = tpu.memref_slice %arg16[%dma_wait3A_1302] : memref<8192xf32, #tpu.memory_space<vmem>> -> memref<1024xf32, #tpu.memory_space<vmem>>
      tpu.wait_dma2 semaphore(%arg20 : memref<!tpu.dma_semaphore, #tpu.memory_space<semaphore_mem>>) src(%dma_wait3A_1303 : memref<1024xf32, #tpu.memory_space<vmem>>) dst(%dma_wait3A_1301 : memref<1024xf32, #tpu.memory_space<hbm>>)
      %dma_wait3A_1304 = arith.constant 0 : i32
      %dma_wait3A_1305 = arith.constant 0 : i32
      %dma_wait3A_1306 = tpu.memref_slice %arg16[%dma_wait3A_1305] : memref<8192xf32, #tpu.memory_space<vmem>> -> memref<1024xf32, #tpu.memory_space<vmem>>
      %dma_wait3A_1307 = arith.constant 0 : i32
      %dma_wait3A_1308 = tpu.memref_slice %arg7[%dma_wait3A_1304, %dma_wait3A_1307] : memref<51200x1024xf32, #tpu.memory_space<hbm>> -> memref<1x1024xf32, #tpu.memory_space<hbm>>
      %dma_wait3A_1309 = tpu.memref_squeeze %dma_wait3A_1308 : memref<1x1024xf32, #tpu.memory_space<hbm>> -> memref<1024xf32, #tpu.memory_space<hbm>>
      %dma_wait3A_1310 = arith.constant 0 : i32
      %dma_wait3A_1311 = tpu.memref_slice %arg7[%dma_wait3A_1304, %dma_wait3A_1310] : memref<51200x1024xf32, #tpu.memory_space<hbm>> -> memref<1x1024xf32, #tpu.memory_space<hbm>>
      %dma_wait3A_1312 = tpu.memref_squeeze %dma_wait3A_1311 : memref<1x1024xf32, #tpu.memory_space<hbm>> -> memref<1024xf32, #tpu.memory_space<hbm>>
      %dma_wait3A_1313 = arith.constant 0 : i32
      %dma_wait3A_1314 = tpu.memref_slice %arg16[%dma_wait3A_1313] : memref<8192xf32, #tpu.memory_space<vmem>> -> memref<1024xf32, #tpu.memory_space<vmem>>
      tpu.wait_dma2 semaphore(%arg20 : memref<!tpu.dma_semaphore, #tpu.memory_space<semaphore_mem>>) src(%dma_wait3A_1314 : memref<1024xf32, #tpu.memory_space<vmem>>) dst(%dma_wait3A_1312 : memref<1024xf32, #tpu.memory_space<hbm>>)
      %dma_wait3A_1315 = arith.constant 0 : i32
      %dma_wait3A_1316 = arith.constant 0 : i32
      %dma_wait3A_1317 = tpu.memref_slice %arg16[%dma_wait3A_1316] : memref<8192xf32, #tpu.memory_space<vmem>> -> memref<1024xf32, #tpu.memory_space<vmem>>
      %dma_wait3A_1318 = arith.constant 0 : i32
      %dma_wait3A_1319 = tpu.memref_slice %arg7[%dma_wait3A_1315, %dma_wait3A_1318] : memref<51200x1024xf32, #tpu.memory_space<hbm>> -> memref<1x1024xf32, #tpu.memory_space<hbm>>
      %dma_wait3A_1320 = tpu.memref_squeeze %dma_wait3A_1319 : memref<1x1024xf32, #tpu.memory_space<hbm>> -> memref<1024xf32, #tpu.memory_space<hbm>>
      %dma_wait3A_1321 = arith.constant 0 : i32
      %dma_wait3A_1322 = tpu.memref_slice %arg7[%dma_wait3A_1315, %dma_wait3A_1321] : memref<51200x1024xf32, #tpu.memory_space<hbm>> -> memref<1x1024xf32, #tpu.memory_space<hbm>>
      %dma_wait3A_1323 = tpu.memref_squeeze %dma_wait3A_1322 : memref<1x1024xf32, #tpu.memory_space<hbm>> -> memref<1024xf32, #tpu.memory_space<hbm>>
      %dma_wait3A_1324 = arith.constant 0 : i32
      %dma_wait3A_1325 = tpu.memref_slice %arg16[%dma_wait3A_1324] : memref<8192xf32, #tpu.memory_space<vmem>> -> memref<1024xf32, #tpu.memory_space<vmem>>
      tpu.wait_dma2 semaphore(%arg20 : memref<!tpu.dma_semaphore, #tpu.memory_space<semaphore_mem>>) src(%dma_wait3A_1325 : memref<1024xf32, #tpu.memory_space<vmem>>) dst(%dma_wait3A_1323 : memref<1024xf32, #tpu.memory_space<hbm>>)
      %dma_wait3A_1326 = arith.constant 0 : i32
      %dma_wait3A_1327 = arith.constant 0 : i32
      %dma_wait3A_1328 = tpu.memref_slice %arg16[%dma_wait3A_1327] : memref<8192xf32, #tpu.memory_space<vmem>> -> memref<1024xf32, #tpu.memory_space<vmem>>
      %dma_wait3A_1329 = arith.constant 0 : i32
      %dma_wait3A_1330 = tpu.memref_slice %arg7[%dma_wait3A_1326, %dma_wait3A_1329] : memref<51200x1024xf32, #tpu.memory_space<hbm>> -> memref<1x1024xf32, #tpu.memory_space<hbm>>
      %dma_wait3A_1331 = tpu.memref_squeeze %dma_wait3A_1330 : memref<1x1024xf32, #tpu.memory_space<hbm>> -> memref<1024xf32, #tpu.memory_space<hbm>>
      %dma_wait3A_1332 = arith.constant 0 : i32
      %dma_wait3A_1333 = tpu.memref_slice %arg7[%dma_wait3A_1326, %dma_wait3A_1332] : memref<51200x1024xf32, #tpu.memory_space<hbm>> -> memref<1x1024xf32, #tpu.memory_space<hbm>>
      %dma_wait3A_1334 = tpu.memref_squeeze %dma_wait3A_1333 : memref<1x1024xf32, #tpu.memory_space<hbm>> -> memref<1024xf32, #tpu.memory_space<hbm>>
      %dma_wait3A_1335 = arith.constant 0 : i32
      %dma_wait3A_1336 = tpu.memref_slice %arg16[%dma_wait3A_1335] : memref<8192xf32, #tpu.memory_space<vmem>> -> memref<1024xf32, #tpu.memory_space<vmem>>
      tpu.wait_dma2 semaphore(%arg20 : memref<!tpu.dma_semaphore, #tpu.memory_space<semaphore_mem>>) src(%dma_wait3A_1336 : memref<1024xf32, #tpu.memory_space<vmem>>) dst(%dma_wait3A_1334 : memref<1024xf32, #tpu.memory_space<hbm>>)
      %mul3A_1337 = arith.constant 64 : i32
      %mul3A_1338 = arith.muli %add3A_1152, %mul3A_1337 : i32
      %add3A_1339 = arith.constant 0 : i32
      %add3A_1340 = arith.addi %mul3A_1338, %add3A_1339 : i32
      %get3A_1341 = arith.index_cast %add3A_1340 : i32 to index
      %get3A_1342 = tpu.vector_load %arg10[%get3A_1341] {strides = array<i32>} : memref<12800xf32, #tpu.memory_space<vmem>>, vector<16xf32>,
      %mul3A_1343 = arith.constant 64 : i32
      %mul3A_1344 = arith.muli %add3A_1152, %mul3A_1343 : i32
      %add3A_1345 = arith.constant 16 : i32
      %add3A_1346 = arith.addi %mul3A_1344, %add3A_1345 : i32
      %get3A_1347 = arith.index_cast %add3A_1346 : i32 to index
      %get3A_1348 = tpu.vector_load %arg10[%get3A_1347] {strides = array<i32>} : memref<12800xf32, #tpu.memory_space<vmem>>, vector<16xf32>,
      %mul3A_1349 = arith.constant 64 : i32
      %mul3A_1350 = arith.muli %add3A_1152, %mul3A_1349 : i32
      %add3A_1351 = arith.constant 32 : i32
      %add3A_1352 = arith.addi %mul3A_1350, %add3A_1351 : i32
      %get3A_1353 = arith.index_cast %add3A_1352 : i32 to index
      %get3A_1354 = tpu.vector_load %arg10[%get3A_1353] {strides = array<i32>} : memref<12800xf32, #tpu.memory_space<vmem>>, vector<16xf32>,
      %mul3A_1355 = arith.constant 64 : i32
      %mul3A_1356 = arith.muli %add3A_1152, %mul3A_1355 : i32
      %add3A_1357 = arith.constant 48 : i32
      %add3A_1358 = arith.addi %mul3A_1356, %add3A_1357 : i32
      %get3A_1359 = arith.index_cast %add3A_1358 : i32 to index
      %get3A_1360 = tpu.vector_load %arg10[%get3A_1359] {strides = array<i32>} : memref<12800xf32, #tpu.memory_space<vmem>>, vector<16xf32>,
      %scan3A_1361 = arith.constant 0 : i32
      %scan3A_1362 = arith.constant 0 : i32
      %scan3A_1363 = arith.constant 16 : i32
      %scan3A_1364 = arith.addi %scan3A_1362, %scan3A_1363 : i32
      %scan3A_1365 = arith.constant 1 : i32
      scf.for %scan3A_1521 = %scan3A_1362 to %scan3A_1364 step %scan3A_1365  : i32 {
        %add3A_1522 = arith.constant 0 : i32
        %add3A_1523 = arith.addi %add3A_1522, %scan3A_1521 : i32
        %mul3A_1524 = arith.constant 1000 : i32
        %mul3A_1525 = arith.muli %add3A_1523, %mul3A_1524 : i32
        %broadcast_in_dim3A = vector.broadcast %mul3A_1525 : i32 to vector<16xi32>
        %mul3A_1526 = arith.constant 201 : i32
        %mul3A_1527 = arith.muli %add3A_1523, %mul3A_1526 : i32
        %broadcast_in_dim3A_1528 = vector.broadcast %mul3A_1527 : i32 to vector<16xi32>
        %broadcast_in_dim3A_1529 = vector.broadcast %scan3A_1521 : i32 to vector<16xi32>
        %lt3A_1530 = arith.constant 0 : i32
        %lt3A_1531 = vector.broadcast %lt3A_1530 : i32 to vector<16xi32>
        %lt3A_1532 = arith.cmpi slt, %broadcast_in_dim3A_1529, %lt3A_1531 : vector<16xi32>
        %add3A_1533 = arith.constant 16 : i32
        %add3A_1534 = vector.broadcast %add3A_1533 : i32 to vector<16xi32>
        %add3A_1535 = arith.addi %broadcast_in_dim3A_1529, %add3A_1534 : vector<16xi32>
        %select_n3A_1536 = arith.select %lt3A_1532, %add3A_1535, %broadcast_in_dim3A_1529 : vector<16xi1>, vector<16xi32>
        %broadcast_in_dim3A_1537 = vector.shape_cast %select_n3A_1536 : vector<16xi32> to vector<16x1xi32>
        %gather3A = vector.shape_cast %broadcast_in_dim3A_1537 : vector<16x1xi32> to vector<16xi32>
        %gather3A_1538 = tpu.dynamic_gather %get3A_1342[%gather3A] in [0] : vector<16xf32>, vector<16xi32> -> vector<16xf32>
        %add3A_1539 = arith.addi %get3A_1162, %broadcast_in_dim3A : vector<16xi32>
        %gather3A_1540 = tpu.vector_load_idx %arg8[%add3A_1539] : memref<64000xf32, #tpu.memory_space<vmem>>[vector<16xi32>], vector<16xf32>,
        %add3A_1541 = arith.addi %get3A_1164, %broadcast_in_dim3A : vector<16xi32>
        %gather3A_1542 = tpu.vector_load_idx %arg8[%add3A_1541] : memref<64000xf32, #tpu.memory_space<vmem>>[vector<16xi32>], vector<16xf32>,
        %add3A_1543 = arith.addi %get3A_1166, %broadcast_in_dim3A : vector<16xi32>
        %gather3A_1544 = tpu.vector_load_idx %arg8[%add3A_1543] : memref<64000xf32, #tpu.memory_space<vmem>>[vector<16xi32>], vector<16xf32>,
        %add3A_1545 = arith.addi %get3A_1168, %broadcast_in_dim3A : vector<16xi32>
        %gather3A_1546 = tpu.vector_load_idx %arg8[%add3A_1545] : memref<64000xf32, #tpu.memory_space<vmem>>[vector<16xi32>], vector<16xf32>,
        %add3A_1547 = arith.addi %get3A_1170, %broadcast_in_dim3A : vector<16xi32>
        %gather3A_1548 = tpu.vector_load_idx %arg8[%add3A_1547] : memref<64000xf32, #tpu.memory_space<vmem>>[vector<16xi32>], vector<16xf32>,
        %add3A_1549 = arith.addi %get3A_1172, %broadcast_in_dim3A : vector<16xi32>
        %gather3A_1550 = tpu.vector_load_idx %arg8[%add3A_1549] : memref<64000xf32, #tpu.memory_space<vmem>>[vector<16xi32>], vector<16xf32>,
        %add3A_1551 = arith.addi %get3A_1174, %broadcast_in_dim3A : vector<16xi32>
        %gather3A_1552 = tpu.vector_load_idx %arg8[%add3A_1551] : memref<64000xf32, #tpu.memory_space<vmem>>[vector<16xi32>], vector<16xf32>,
        %add3A_1553 = arith.addi %get3A_1176, %broadcast_in_dim3A : vector<16xi32>
        %gather3A_1554 = tpu.vector_load_idx %arg8[%add3A_1553] : memref<64000xf32, #tpu.memory_space<vmem>>[vector<16xi32>], vector<16xf32>,
        %add3A_1555 = arith.addi %get3A_1178, %broadcast_in_dim3A_1528 : vector<16xi32>
        %gather3A_1556 = tpu.vector_load_idx %arg9[%add3A_1555] : memref<12864xf32, #tpu.memory_space<vmem>>[vector<16xi32>], vector<16xf32>,
        %add3A_1557 = arith.addi %get3A_1180, %broadcast_in_dim3A_1528 : vector<16xi32>
        %gather3A_1558 = tpu.vector_load_idx %arg9[%add3A_1557] : memref<12864xf32, #tpu.memory_space<vmem>>[vector<16xi32>], vector<16xf32>,
        %add3A_1559 = arith.addi %get3A_1182, %broadcast_in_dim3A_1528 : vector<16xi32>
        %gather3A_1560 = tpu.vector_load_idx %arg9[%add3A_1559] : memref<12864xf32, #tpu.memory_space<vmem>>[vector<16xi32>], vector<16xf32>,
        %add3A_1561 = arith.addi %get3A_1184, %broadcast_in_dim3A_1528 : vector<16xi32>
        %gather3A_1562 = tpu.vector_load_idx %arg9[%add3A_1561] : memref<12864xf32, #tpu.memory_space<vmem>>[vector<16xi32>], vector<16xf32>,
        %add3A_1563 = arith.addi %get3A_1186, %broadcast_in_dim3A_1528 : vector<16xi32>
        %gather3A_1564 = tpu.vector_load_idx %arg9[%add3A_1563] : memref<12864xf32, #tpu.memory_space<vmem>>[vector<16xi32>], vector<16xf32>,
        %add3A_1565 = arith.addi %get3A_1188, %broadcast_in_dim3A_1528 : vector<16xi32>
        %gather3A_1566 = tpu.vector_load_idx %arg9[%add3A_1565] : memref<12864xf32, #tpu.memory_space<vmem>>[vector<16xi32>], vector<16xf32>,
        %add3A_1567 = arith.addi %get3A_1190, %broadcast_in_dim3A_1528 : vector<16xi32>
        %gather3A_1568 = tpu.vector_load_idx %arg9[%add3A_1567] : memref<12864xf32, #tpu.memory_space<vmem>>[vector<16xi32>], vector<16xf32>,
        %add3A_1569 = arith.addi %get3A_1192, %broadcast_in_dim3A_1528 : vector<16xi32>
        %gather3A_1570 = tpu.vector_load_idx %arg9[%add3A_1569] : memref<12864xf32, #tpu.memory_space<vmem>>[vector<16xi32>], vector<16xf32>,
        %add3A_1571 = arith.addf %gather3A_1540, %gather3A_1556 : vector<16xf32>
        %add3A_1572 = arith.addf %add3A_1571, %gather3A_1538 : vector<16xf32>
        %add3A_1573 = arith.addf %gather3A_1542, %gather3A_1558 : vector<16xf32>
        %add3A_1574 = arith.addf %add3A_1573, %gather3A_1538 : vector<16xf32>
        %add3A_1575 = arith.addf %gather3A_1544, %gather3A_1560 : vector<16xf32>
        %add3A_1576 = arith.addf %add3A_1575, %gather3A_1538 : vector<16xf32>
        %add3A_1577 = arith.addf %gather3A_1546, %gather3A_1562 : vector<16xf32>
        %add3A_1578 = arith.addf %add3A_1577, %gather3A_1538 : vector<16xf32>
        %add3A_1579 = arith.addf %gather3A_1548, %gather3A_1564 : vector<16xf32>
        %add3A_1580 = arith.addf %add3A_1579, %gather3A_1538 : vector<16xf32>
        %add3A_1581 = arith.addf %gather3A_1550, %gather3A_1566 : vector<16xf32>
        %add3A_1582 = arith.addf %add3A_1581, %gather3A_1538 : vector<16xf32>
        %add3A_1583 = arith.addf %gather3A_1552, %gather3A_1568 : vector<16xf32>
        %add3A_1584 = arith.addf %add3A_1583, %gather3A_1538 : vector<16xf32>
        %add3A_1585 = arith.addf %gather3A_1554, %gather3A_1570 : vector<16xf32>
        %add3A_1586 = arith.addf %add3A_1585, %gather3A_1538 : vector<16xf32>
        %mul3A_1587 = arith.constant 128 : i32
        %mul3A_1588 = arith.muli %add3A_1523, %mul3A_1587 : i32
        %add3A_1589 = arith.constant 0 : i32
        %add3A_1590 = arith.addi %mul3A_1588, %add3A_1589 : i32
        %swap3A = arith.index_cast %add3A_1590 : i32 to index
        %swap3A_1591 = tpu.vector_load %arg16[%swap3A] {strides = array<i32>} : memref<8192xf32, #tpu.memory_space<vmem>>, vector<16xf32>,
        tpu.vector_store %arg16[%swap3A], %add3A_1572 {strides = array<i32>} : memref<8192xf32, #tpu.memory_space<vmem>>, vector<16xf32>,
        %mul3A_1592 = arith.constant 128 : i32
        %mul3A_1593 = arith.muli %add3A_1523, %mul3A_1592 : i32
        %add3A_1594 = arith.constant 16 : i32
        %add3A_1595 = arith.addi %mul3A_1593, %add3A_1594 : i32
        %swap3A_1596 = arith.index_cast %add3A_1595 : i32 to index
        %swap3A_1597 = tpu.vector_load %arg16[%swap3A_1596] {strides = array<i32>} : memref<8192xf32, #tpu.memory_space<vmem>>, vector<16xf32>,
        tpu.vector_store %arg16[%swap3A_1596], %add3A_1574 {strides = array<i32>} : memref<8192xf32, #tpu.memory_space<vmem>>, vector<16xf32>,
        %mul3A_1598 = arith.constant 128 : i32
        %mul3A_1599 = arith.muli %add3A_1523, %mul3A_1598 : i32
        %add3A_1600 = arith.constant 32 : i32
        %add3A_1601 = arith.addi %mul3A_1599, %add3A_1600 : i32
        %swap3A_1602 = arith.index_cast %add3A_1601 : i32 to index
        %swap3A_1603 = tpu.vector_load %arg16[%swap3A_1602] {strides = array<i32>} : memref<8192xf32, #tpu.memory_space<vmem>>, vector<16xf32>,
        tpu.vector_store %arg16[%swap3A_1602], %add3A_1576 {strides = array<i32>} : memref<8192xf32, #tpu.memory_space<vmem>>, vector<16xf32>,
        %mul3A_1604 = arith.constant 128 : i32
        %mul3A_1605 = arith.muli %add3A_1523, %mul3A_1604 : i32
        %add3A_1606 = arith.constant 48 : i32
        %add3A_1607 = arith.addi %mul3A_1605, %add3A_1606 : i32
        %swap3A_1608 = arith.index_cast %add3A_1607 : i32 to index
        %swap3A_1609 = tpu.vector_load %arg16[%swap3A_1608] {strides = array<i32>} : memref<8192xf32, #tpu.memory_space<vmem>>, vector<16xf32>,
        tpu.vector_store %arg16[%swap3A_1608], %add3A_1578 {strides = array<i32>} : memref<8192xf32, #tpu.memory_space<vmem>>, vector<16xf32>,
        %mul3A_1610 = arith.constant 128 : i32
        %mul3A_1611 = arith.muli %add3A_1523, %mul3A_1610 : i32
        %add3A_1612 = arith.constant 64 : i32
        %add3A_1613 = arith.addi %mul3A_1611, %add3A_1612 : i32
        %swap3A_1614 = arith.index_cast %add3A_1613 : i32 to index
        %swap3A_1615 = tpu.vector_load %arg16[%swap3A_1614] {strides = array<i32>} : memref<8192xf32, #tpu.memory_space<vmem>>, vector<16xf32>,
        tpu.vector_store %arg16[%swap3A_1614], %add3A_1580 {strides = array<i32>} : memref<8192xf32, #tpu.memory_space<vmem>>, vector<16xf32>,
        %mul3A_1616 = arith.constant 128 : i32
        %mul3A_1617 = arith.muli %add3A_1523, %mul3A_1616 : i32
        %add3A_1618 = arith.constant 80 : i32
        %add3A_1619 = arith.addi %mul3A_1617, %add3A_1618 : i32
        %swap3A_1620 = arith.index_cast %add3A_1619 : i32 to index
        %swap3A_1621 = tpu.vector_load %arg16[%swap3A_1620] {strides = array<i32>} : memref<8192xf32, #tpu.memory_space<vmem>>, vector<16xf32>,
        tpu.vector_store %arg16[%swap3A_1620], %add3A_1582 {strides = array<i32>} : memref<8192xf32, #tpu.memory_space<vmem>>, vector<16xf32>,
        %mul3A_1622 = arith.constant 128 : i32
        %mul3A_1623 = arith.muli %add3A_1523, %mul3A_1622 : i32
        %add3A_1624 = arith.constant 96 : i32
        %add3A_1625 = arith.addi %mul3A_1623, %add3A_1624 : i32
        %swap3A_1626 = arith.index_cast %add3A_1625 : i32 to index
        %swap3A_1627 = tpu.vector_load %arg16[%swap3A_1626] {strides = array<i32>} : memref<8192xf32, #tpu.memory_space<vmem>>, vector<16xf32>,
        tpu.vector_store %arg16[%swap3A_1626], %add3A_1584 {strides = array<i32>} : memref<8192xf32, #tpu.memory_space<vmem>>, vector<16xf32>,
        %mul3A_1628 = arith.constant 128 : i32
        %mul3A_1629 = arith.muli %add3A_1523, %mul3A_1628 : i32
        %add3A_1630 = arith.constant 112 : i32
        %add3A_1631 = arith.addi %mul3A_1629, %add3A_1630 : i32
        %swap3A_1632 = arith.index_cast %add3A_1631 : i32 to index
        %swap3A_1633 = tpu.vector_load %arg16[%swap3A_1632] {strides = array<i32>} : memref<8192xf32, #tpu.memory_space<vmem>>, vector<16xf32>,
        tpu.vector_store %arg16[%swap3A_1632], %add3A_1586 {strides = array<i32>} : memref<8192xf32, #tpu.memory_space<vmem>>, vector<16xf32>,
      }
      %scan3A_1366 = arith.constant 16 : i32
      %scan3A_1367 = arith.constant 0 : i32
      %scan3A_1368 = arith.constant 0 : i32
      %scan3A_1369 = arith.constant 16 : i32
      %scan3A_1370 = arith.addi %scan3A_1368, %scan3A_1369 : i32
      %scan3A_1371 = arith.constant 1 : i32
      scf.for %scan3A_1521 = %scan3A_1368 to %scan3A_1370 step %scan3A_1371  : i32 {
        %add3A_1522 = arith.constant 16 : i32
        %add3A_1523 = arith.addi %add3A_1522, %scan3A_1521 : i32
        %mul3A_1524 = arith.constant 1000 : i32
        %mul3A_1525 = arith.muli %add3A_1523, %mul3A_1524 : i32
        %broadcast_in_dim3A = vector.broadcast %mul3A_1525 : i32 to vector<16xi32>
        %mul3A_1526 = arith.constant 201 : i32
        %mul3A_1527 = arith.muli %add3A_1523, %mul3A_1526 : i32
        %broadcast_in_dim3A_1528 = vector.broadcast %mul3A_1527 : i32 to vector<16xi32>
        %broadcast_in_dim3A_1529 = vector.broadcast %scan3A_1521 : i32 to vector<16xi32>
        %lt3A_1530 = arith.constant 0 : i32
        %lt3A_1531 = vector.broadcast %lt3A_1530 : i32 to vector<16xi32>
        %lt3A_1532 = arith.cmpi slt, %broadcast_in_dim3A_1529, %lt3A_1531 : vector<16xi32>
        %add3A_1533 = arith.constant 16 : i32
        %add3A_1534 = vector.broadcast %add3A_1533 : i32 to vector<16xi32>
        %add3A_1535 = arith.addi %broadcast_in_dim3A_1529, %add3A_1534 : vector<16xi32>
        %select_n3A_1536 = arith.select %lt3A_1532, %add3A_1535, %broadcast_in_dim3A_1529 : vector<16xi1>, vector<16xi32>
        %broadcast_in_dim3A_1537 = vector.shape_cast %select_n3A_1536 : vector<16xi32> to vector<16x1xi32>
        %gather3A = vector.shape_cast %broadcast_in_dim3A_1537 : vector<16x1xi32> to vector<16xi32>
        %gather3A_1538 = tpu.dynamic_gather %get3A_1348[%gather3A] in [0] : vector<16xf32>, vector<16xi32> -> vector<16xf32>
        %add3A_1539 = arith.addi %get3A_1162, %broadcast_in_dim3A : vector<16xi32>
        %gather3A_1540 = tpu.vector_load_idx %arg8[%add3A_1539] : memref<64000xf32, #tpu.memory_space<vmem>>[vector<16xi32>], vector<16xf32>,
        %add3A_1541 = arith.addi %get3A_1164, %broadcast_in_dim3A : vector<16xi32>
        %gather3A_1542 = tpu.vector_load_idx %arg8[%add3A_1541] : memref<64000xf32, #tpu.memory_space<vmem>>[vector<16xi32>], vector<16xf32>,
        %add3A_1543 = arith.addi %get3A_1166, %broadcast_in_dim3A : vector<16xi32>
        %gather3A_1544 = tpu.vector_load_idx %arg8[%add3A_1543] : memref<64000xf32, #tpu.memory_space<vmem>>[vector<16xi32>], vector<16xf32>,
        %add3A_1545 = arith.addi %get3A_1168, %broadcast_in_dim3A : vector<16xi32>
        %gather3A_1546 = tpu.vector_load_idx %arg8[%add3A_1545] : memref<64000xf32, #tpu.memory_space<vmem>>[vector<16xi32>], vector<16xf32>,
        %add3A_1547 = arith.addi %get3A_1170, %broadcast_in_dim3A : vector<16xi32>
        %gather3A_1548 = tpu.vector_load_idx %arg8[%add3A_1547] : memref<64000xf32, #tpu.memory_space<vmem>>[vector<16xi32>], vector<16xf32>,
        %add3A_1549 = arith.addi %get3A_1172, %broadcast_in_dim3A : vector<16xi32>
        %gather3A_1550 = tpu.vector_load_idx %arg8[%add3A_1549] : memref<64000xf32, #tpu.memory_space<vmem>>[vector<16xi32>], vector<16xf32>,
        %add3A_1551 = arith.addi %get3A_1174, %broadcast_in_dim3A : vector<16xi32>
        %gather3A_1552 = tpu.vector_load_idx %arg8[%add3A_1551] : memref<64000xf32, #tpu.memory_space<vmem>>[vector<16xi32>], vector<16xf32>,
        %add3A_1553 = arith.addi %get3A_1176, %broadcast_in_dim3A : vector<16xi32>
        %gather3A_1554 = tpu.vector_load_idx %arg8[%add3A_1553] : memref<64000xf32, #tpu.memory_space<vmem>>[vector<16xi32>], vector<16xf32>,
        %add3A_1555 = arith.addi %get3A_1178, %broadcast_in_dim3A_1528 : vector<16xi32>
        %gather3A_1556 = tpu.vector_load_idx %arg9[%add3A_1555] : memref<12864xf32, #tpu.memory_space<vmem>>[vector<16xi32>], vector<16xf32>,
        %add3A_1557 = arith.addi %get3A_1180, %broadcast_in_dim3A_1528 : vector<16xi32>
        %gather3A_1558 = tpu.vector_load_idx %arg9[%add3A_1557] : memref<12864xf32, #tpu.memory_space<vmem>>[vector<16xi32>], vector<16xf32>,
        %add3A_1559 = arith.addi %get3A_1182, %broadcast_in_dim3A_1528 : vector<16xi32>
        %gather3A_1560 = tpu.vector_load_idx %arg9[%add3A_1559] : memref<12864xf32, #tpu.memory_space<vmem>>[vector<16xi32>], vector<16xf32>,
        %add3A_1561 = arith.addi %get3A_1184, %broadcast_in_dim3A_1528 : vector<16xi32>
        %gather3A_1562 = tpu.vector_load_idx %arg9[%add3A_1561] : memref<12864xf32, #tpu.memory_space<vmem>>[vector<16xi32>], vector<16xf32>,
        %add3A_1563 = arith.addi %get3A_1186, %broadcast_in_dim3A_1528 : vector<16xi32>
        %gather3A_1564 = tpu.vector_load_idx %arg9[%add3A_1563] : memref<12864xf32, #tpu.memory_space<vmem>>[vector<16xi32>], vector<16xf32>,
        %add3A_1565 = arith.addi %get3A_1188, %broadcast_in_dim3A_1528 : vector<16xi32>
        %gather3A_1566 = tpu.vector_load_idx %arg9[%add3A_1565] : memref<12864xf32, #tpu.memory_space<vmem>>[vector<16xi32>], vector<16xf32>,
        %add3A_1567 = arith.addi %get3A_1190, %broadcast_in_dim3A_1528 : vector<16xi32>
        %gather3A_1568 = tpu.vector_load_idx %arg9[%add3A_1567] : memref<12864xf32, #tpu.memory_space<vmem>>[vector<16xi32>], vector<16xf32>,
        %add3A_1569 = arith.addi %get3A_1192, %broadcast_in_dim3A_1528 : vector<16xi32>
        %gather3A_1570 = tpu.vector_load_idx %arg9[%add3A_1569] : memref<12864xf32, #tpu.memory_space<vmem>>[vector<16xi32>], vector<16xf32>,
        %add3A_1571 = arith.addf %gather3A_1540, %gather3A_1556 : vector<16xf32>
        %add3A_1572 = arith.addf %add3A_1571, %gather3A_1538 : vector<16xf32>
        %add3A_1573 = arith.addf %gather3A_1542, %gather3A_1558 : vector<16xf32>
        %add3A_1574 = arith.addf %add3A_1573, %gather3A_1538 : vector<16xf32>
        %add3A_1575 = arith.addf %gather3A_1544, %gather3A_1560 : vector<16xf32>
        %add3A_1576 = arith.addf %add3A_1575, %gather3A_1538 : vector<16xf32>
        %add3A_1577 = arith.addf %gather3A_1546, %gather3A_1562 : vector<16xf32>
        %add3A_1578 = arith.addf %add3A_1577, %gather3A_1538 : vector<16xf32>
        %add3A_1579 = arith.addf %gather3A_1548, %gather3A_1564 : vector<16xf32>
        %add3A_1580 = arith.addf %add3A_1579, %gather3A_1538 : vector<16xf32>
        %add3A_1581 = arith.addf %gather3A_1550, %gather3A_1566 : vector<16xf32>
        %add3A_1582 = arith.addf %add3A_1581, %gather3A_1538 : vector<16xf32>
        %add3A_1583 = arith.addf %gather3A_1552, %gather3A_1568 : vector<16xf32>
        %add3A_1584 = arith.addf %add3A_1583, %gather3A_1538 : vector<16xf32>
        %add3A_1585 = arith.addf %gather3A_1554, %gather3A_1570 : vector<16xf32>
        %add3A_1586 = arith.addf %add3A_1585, %gather3A_1538 : vector<16xf32>
        %mul3A_1587 = arith.constant 128 : i32
        %mul3A_1588 = arith.muli %add3A_1523, %mul3A_1587 : i32
        %add3A_1589 = arith.constant 0 : i32
        %add3A_1590 = arith.addi %mul3A_1588, %add3A_1589 : i32
        %swap3A = arith.index_cast %add3A_1590 : i32 to index
        %swap3A_1591 = tpu.vector_load %arg16[%swap3A] {strides = array<i32>} : memref<8192xf32, #tpu.memory_space<vmem>>, vector<16xf32>,
        tpu.vector_store %arg16[%swap3A], %add3A_1572 {strides = array<i32>} : memref<8192xf32, #tpu.memory_space<vmem>>, vector<16xf32>,
        %mul3A_1592 = arith.constant 128 : i32
        %mul3A_1593 = arith.muli %add3A_1523, %mul3A_1592 : i32
        %add3A_1594 = arith.constant 16 : i32
        %add3A_1595 = arith.addi %mul3A_1593, %add3A_1594 : i32
        %swap3A_1596 = arith.index_cast %add3A_1595 : i32 to index
        %swap3A_1597 = tpu.vector_load %arg16[%swap3A_1596] {strides = array<i32>} : memref<8192xf32, #tpu.memory_space<vmem>>, vector<16xf32>,
        tpu.vector_store %arg16[%swap3A_1596], %add3A_1574 {strides = array<i32>} : memref<8192xf32, #tpu.memory_space<vmem>>, vector<16xf32>,
        %mul3A_1598 = arith.constant 128 : i32
        %mul3A_1599 = arith.muli %add3A_1523, %mul3A_1598 : i32
        %add3A_1600 = arith.constant 32 : i32
        %add3A_1601 = arith.addi %mul3A_1599, %add3A_1600 : i32
        %swap3A_1602 = arith.index_cast %add3A_1601 : i32 to index
        %swap3A_1603 = tpu.vector_load %arg16[%swap3A_1602] {strides = array<i32>} : memref<8192xf32, #tpu.memory_space<vmem>>, vector<16xf32>,
        tpu.vector_store %arg16[%swap3A_1602], %add3A_1576 {strides = array<i32>} : memref<8192xf32, #tpu.memory_space<vmem>>, vector<16xf32>,
        %mul3A_1604 = arith.constant 128 : i32
        %mul3A_1605 = arith.muli %add3A_1523, %mul3A_1604 : i32
        %add3A_1606 = arith.constant 48 : i32
        %add3A_1607 = arith.addi %mul3A_1605, %add3A_1606 : i32
        %swap3A_1608 = arith.index_cast %add3A_1607 : i32 to index
        %swap3A_1609 = tpu.vector_load %arg16[%swap3A_1608] {strides = array<i32>} : memref<8192xf32, #tpu.memory_space<vmem>>, vector<16xf32>,
        tpu.vector_store %arg16[%swap3A_1608], %add3A_1578 {strides = array<i32>} : memref<8192xf32, #tpu.memory_space<vmem>>, vector<16xf32>,
        %mul3A_1610 = arith.constant 128 : i32
        %mul3A_1611 = arith.muli %add3A_1523, %mul3A_1610 : i32
        %add3A_1612 = arith.constant 64 : i32
        %add3A_1613 = arith.addi %mul3A_1611, %add3A_1612 : i32
        %swap3A_1614 = arith.index_cast %add3A_1613 : i32 to index
        %swap3A_1615 = tpu.vector_load %arg16[%swap3A_1614] {strides = array<i32>} : memref<8192xf32, #tpu.memory_space<vmem>>, vector<16xf32>,
        tpu.vector_store %arg16[%swap3A_1614], %add3A_1580 {strides = array<i32>} : memref<8192xf32, #tpu.memory_space<vmem>>, vector<16xf32>,
        %mul3A_1616 = arith.constant 128 : i32
        %mul3A_1617 = arith.muli %add3A_1523, %mul3A_1616 : i32
        %add3A_1618 = arith.constant 80 : i32
        %add3A_1619 = arith.addi %mul3A_1617, %add3A_1618 : i32
        %swap3A_1620 = arith.index_cast %add3A_1619 : i32 to index
        %swap3A_1621 = tpu.vector_load %arg16[%swap3A_1620] {strides = array<i32>} : memref<8192xf32, #tpu.memory_space<vmem>>, vector<16xf32>,
        tpu.vector_store %arg16[%swap3A_1620], %add3A_1582 {strides = array<i32>} : memref<8192xf32, #tpu.memory_space<vmem>>, vector<16xf32>,
        %mul3A_1622 = arith.constant 128 : i32
        %mul3A_1623 = arith.muli %add3A_1523, %mul3A_1622 : i32
        %add3A_1624 = arith.constant 96 : i32
        %add3A_1625 = arith.addi %mul3A_1623, %add3A_1624 : i32
        %swap3A_1626 = arith.index_cast %add3A_1625 : i32 to index
        %swap3A_1627 = tpu.vector_load %arg16[%swap3A_1626] {strides = array<i32>} : memref<8192xf32, #tpu.memory_space<vmem>>, vector<16xf32>,
        tpu.vector_store %arg16[%swap3A_1626], %add3A_1584 {strides = array<i32>} : memref<8192xf32, #tpu.memory_space<vmem>>, vector<16xf32>,
        %mul3A_1628 = arith.constant 128 : i32
        %mul3A_1629 = arith.muli %add3A_1523, %mul3A_1628 : i32
        %add3A_1630 = arith.constant 112 : i32
        %add3A_1631 = arith.addi %mul3A_1629, %add3A_1630 : i32
        %swap3A_1632 = arith.index_cast %add3A_1631 : i32 to index
        %swap3A_1633 = tpu.vector_load %arg16[%swap3A_1632] {strides = array<i32>} : memref<8192xf32, #tpu.memory_space<vmem>>, vector<16xf32>,
        tpu.vector_store %arg16[%swap3A_1632], %add3A_1586 {strides = array<i32>} : memref<8192xf32, #tpu.memory_space<vmem>>, vector<16xf32>,
      }
      %scan3A_1372 = arith.constant 16 : i32
      %scan3A_1373 = arith.constant 0 : i32
      %scan3A_1374 = arith.constant 0 : i32
      %scan3A_1375 = arith.constant 16 : i32
      %scan3A_1376 = arith.addi %scan3A_1374, %scan3A_1375 : i32
      %scan3A_1377 = arith.constant 1 : i32
      scf.for %scan3A_1521 = %scan3A_1374 to %scan3A_1376 step %scan3A_1377  : i32 {
        %add3A_1522 = arith.constant 32 : i32
        %add3A_1523 = arith.addi %add3A_1522, %scan3A_1521 : i32
        %mul3A_1524 = arith.constant 1000 : i32
        %mul3A_1525 = arith.muli %add3A_1523, %mul3A_1524 : i32
        %broadcast_in_dim3A = vector.broadcast %mul3A_1525 : i32 to vector<16xi32>
        %mul3A_1526 = arith.constant 201 : i32
        %mul3A_1527 = arith.muli %add3A_1523, %mul3A_1526 : i32
        %broadcast_in_dim3A_1528 = vector.broadcast %mul3A_1527 : i32 to vector<16xi32>
        %broadcast_in_dim3A_1529 = vector.broadcast %scan3A_1521 : i32 to vector<16xi32>
        %lt3A_1530 = arith.constant 0 : i32
        %lt3A_1531 = vector.broadcast %lt3A_1530 : i32 to vector<16xi32>
        %lt3A_1532 = arith.cmpi slt, %broadcast_in_dim3A_1529, %lt3A_1531 : vector<16xi32>
        %add3A_1533 = arith.constant 16 : i32
        %add3A_1534 = vector.broadcast %add3A_1533 : i32 to vector<16xi32>
        %add3A_1535 = arith.addi %broadcast_in_dim3A_1529, %add3A_1534 : vector<16xi32>
        %select_n3A_1536 = arith.select %lt3A_1532, %add3A_1535, %broadcast_in_dim3A_1529 : vector<16xi1>, vector<16xi32>
        %broadcast_in_dim3A_1537 = vector.shape_cast %select_n3A_1536 : vector<16xi32> to vector<16x1xi32>
        %gather3A = vector.shape_cast %broadcast_in_dim3A_1537 : vector<16x1xi32> to vector<16xi32>
        %gather3A_1538 = tpu.dynamic_gather %get3A_1354[%gather3A] in [0] : vector<16xf32>, vector<16xi32> -> vector<16xf32>
        %add3A_1539 = arith.addi %get3A_1162, %broadcast_in_dim3A : vector<16xi32>
        %gather3A_1540 = tpu.vector_load_idx %arg8[%add3A_1539] : memref<64000xf32, #tpu.memory_space<vmem>>[vector<16xi32>], vector<16xf32>,
        %add3A_1541 = arith.addi %get3A_1164, %broadcast_in_dim3A : vector<16xi32>
        %gather3A_1542 = tpu.vector_load_idx %arg8[%add3A_1541] : memref<64000xf32, #tpu.memory_space<vmem>>[vector<16xi32>], vector<16xf32>,
        %add3A_1543 = arith.addi %get3A_1166, %broadcast_in_dim3A : vector<16xi32>
        %gather3A_1544 = tpu.vector_load_idx %arg8[%add3A_1543] : memref<64000xf32, #tpu.memory_space<vmem>>[vector<16xi32>], vector<16xf32>,
        %add3A_1545 = arith.addi %get3A_1168, %broadcast_in_dim3A : vector<16xi32>
        %gather3A_1546 = tpu.vector_load_idx %arg8[%add3A_1545] : memref<64000xf32, #tpu.memory_space<vmem>>[vector<16xi32>], vector<16xf32>,
        %add3A_1547 = arith.addi %get3A_1170, %broadcast_in_dim3A : vector<16xi32>
        %gather3A_1548 = tpu.vector_load_idx %arg8[%add3A_1547] : memref<64000xf32, #tpu.memory_space<vmem>>[vector<16xi32>], vector<16xf32>,
        %add3A_1549 = arith.addi %get3A_1172, %broadcast_in_dim3A : vector<16xi32>
        %gather3A_1550 = tpu.vector_load_idx %arg8[%add3A_1549] : memref<64000xf32, #tpu.memory_space<vmem>>[vector<16xi32>], vector<16xf32>,
        %add3A_1551 = arith.addi %get3A_1174, %broadcast_in_dim3A : vector<16xi32>
        %gather3A_1552 = tpu.vector_load_idx %arg8[%add3A_1551] : memref<64000xf32, #tpu.memory_space<vmem>>[vector<16xi32>], vector<16xf32>,
        %add3A_1553 = arith.addi %get3A_1176, %broadcast_in_dim3A : vector<16xi32>
        %gather3A_1554 = tpu.vector_load_idx %arg8[%add3A_1553] : memref<64000xf32, #tpu.memory_space<vmem>>[vector<16xi32>], vector<16xf32>,
        %add3A_1555 = arith.addi %get3A_1178, %broadcast_in_dim3A_1528 : vector<16xi32>
        %gather3A_1556 = tpu.vector_load_idx %arg9[%add3A_1555] : memref<12864xf32, #tpu.memory_space<vmem>>[vector<16xi32>], vector<16xf32>,
        %add3A_1557 = arith.addi %get3A_1180, %broadcast_in_dim3A_1528 : vector<16xi32>
        %gather3A_1558 = tpu.vector_load_idx %arg9[%add3A_1557] : memref<12864xf32, #tpu.memory_space<vmem>>[vector<16xi32>], vector<16xf32>,
        %add3A_1559 = arith.addi %get3A_1182, %broadcast_in_dim3A_1528 : vector<16xi32>
        %gather3A_1560 = tpu.vector_load_idx %arg9[%add3A_1559] : memref<12864xf32, #tpu.memory_space<vmem>>[vector<16xi32>], vector<16xf32>,
        %add3A_1561 = arith.addi %get3A_1184, %broadcast_in_dim3A_1528 : vector<16xi32>
        %gather3A_1562 = tpu.vector_load_idx %arg9[%add3A_1561] : memref<12864xf32, #tpu.memory_space<vmem>>[vector<16xi32>], vector<16xf32>,
        %add3A_1563 = arith.addi %get3A_1186, %broadcast_in_dim3A_1528 : vector<16xi32>
        %gather3A_1564 = tpu.vector_load_idx %arg9[%add3A_1563] : memref<12864xf32, #tpu.memory_space<vmem>>[vector<16xi32>], vector<16xf32>,
        %add3A_1565 = arith.addi %get3A_1188, %broadcast_in_dim3A_1528 : vector<16xi32>
        %gather3A_1566 = tpu.vector_load_idx %arg9[%add3A_1565] : memref<12864xf32, #tpu.memory_space<vmem>>[vector<16xi32>], vector<16xf32>,
        %add3A_1567 = arith.addi %get3A_1190, %broadcast_in_dim3A_1528 : vector<16xi32>
        %gather3A_1568 = tpu.vector_load_idx %arg9[%add3A_1567] : memref<12864xf32, #tpu.memory_space<vmem>>[vector<16xi32>], vector<16xf32>,
        %add3A_1569 = arith.addi %get3A_1192, %broadcast_in_dim3A_1528 : vector<16xi32>
        %gather3A_1570 = tpu.vector_load_idx %arg9[%add3A_1569] : memref<12864xf32, #tpu.memory_space<vmem>>[vector<16xi32>], vector<16xf32>,
        %add3A_1571 = arith.addf %gather3A_1540, %gather3A_1556 : vector<16xf32>
        %add3A_1572 = arith.addf %add3A_1571, %gather3A_1538 : vector<16xf32>
        %add3A_1573 = arith.addf %gather3A_1542, %gather3A_1558 : vector<16xf32>
        %add3A_1574 = arith.addf %add3A_1573, %gather3A_1538 : vector<16xf32>
        %add3A_1575 = arith.addf %gather3A_1544, %gather3A_1560 : vector<16xf32>
        %add3A_1576 = arith.addf %add3A_1575, %gather3A_1538 : vector<16xf32>
        %add3A_1577 = arith.addf %gather3A_1546, %gather3A_1562 : vector<16xf32>
        %add3A_1578 = arith.addf %add3A_1577, %gather3A_1538 : vector<16xf32>
        %add3A_1579 = arith.addf %gather3A_1548, %gather3A_1564 : vector<16xf32>
        %add3A_1580 = arith.addf %add3A_1579, %gather3A_1538 : vector<16xf32>
        %add3A_1581 = arith.addf %gather3A_1550, %gather3A_1566 : vector<16xf32>
        %add3A_1582 = arith.addf %add3A_1581, %gather3A_1538 : vector<16xf32>
        %add3A_1583 = arith.addf %gather3A_1552, %gather3A_1568 : vector<16xf32>
        %add3A_1584 = arith.addf %add3A_1583, %gather3A_1538 : vector<16xf32>
        %add3A_1585 = arith.addf %gather3A_1554, %gather3A_1570 : vector<16xf32>
        %add3A_1586 = arith.addf %add3A_1585, %gather3A_1538 : vector<16xf32>
        %mul3A_1587 = arith.constant 128 : i32
        %mul3A_1588 = arith.muli %add3A_1523, %mul3A_1587 : i32
        %add3A_1589 = arith.constant 0 : i32
        %add3A_1590 = arith.addi %mul3A_1588, %add3A_1589 : i32
        %swap3A = arith.index_cast %add3A_1590 : i32 to index
        %swap3A_1591 = tpu.vector_load %arg16[%swap3A] {strides = array<i32>} : memref<8192xf32, #tpu.memory_space<vmem>>, vector<16xf32>,
        tpu.vector_store %arg16[%swap3A], %add3A_1572 {strides = array<i32>} : memref<8192xf32, #tpu.memory_space<vmem>>, vector<16xf32>,
        %mul3A_1592 = arith.constant 128 : i32
        %mul3A_1593 = arith.muli %add3A_1523, %mul3A_1592 : i32
        %add3A_1594 = arith.constant 16 : i32
        %add3A_1595 = arith.addi %mul3A_1593, %add3A_1594 : i32
        %swap3A_1596 = arith.index_cast %add3A_1595 : i32 to index
        %swap3A_1597 = tpu.vector_load %arg16[%swap3A_1596] {strides = array<i32>} : memref<8192xf32, #tpu.memory_space<vmem>>, vector<16xf32>,
        tpu.vector_store %arg16[%swap3A_1596], %add3A_1574 {strides = array<i32>} : memref<8192xf32, #tpu.memory_space<vmem>>, vector<16xf32>,
        %mul3A_1598 = arith.constant 128 : i32
        %mul3A_1599 = arith.muli %add3A_1523, %mul3A_1598 : i32
        %add3A_1600 = arith.constant 32 : i32
        %add3A_1601 = arith.addi %mul3A_1599, %add3A_1600 : i32
        %swap3A_1602 = arith.index_cast %add3A_1601 : i32 to index
        %swap3A_1603 = tpu.vector_load %arg16[%swap3A_1602] {strides = array<i32>} : memref<8192xf32, #tpu.memory_space<vmem>>, vector<16xf32>,
        tpu.vector_store %arg16[%swap3A_1602], %add3A_1576 {strides = array<i32>} : memref<8192xf32, #tpu.memory_space<vmem>>, vector<16xf32>,
        %mul3A_1604 = arith.constant 128 : i32
        %mul3A_1605 = arith.muli %add3A_1523, %mul3A_1604 : i32
        %add3A_1606 = arith.constant 48 : i32
        %add3A_1607 = arith.addi %mul3A_1605, %add3A_1606 : i32
        %swap3A_1608 = arith.index_cast %add3A_1607 : i32 to index
        %swap3A_1609 = tpu.vector_load %arg16[%swap3A_1608] {strides = array<i32>} : memref<8192xf32, #tpu.memory_space<vmem>>, vector<16xf32>,
        tpu.vector_store %arg16[%swap3A_1608], %add3A_1578 {strides = array<i32>} : memref<8192xf32, #tpu.memory_space<vmem>>, vector<16xf32>,
        %mul3A_1610 = arith.constant 128 : i32
        %mul3A_1611 = arith.muli %add3A_1523, %mul3A_1610 : i32
        %add3A_1612 = arith.constant 64 : i32
        %add3A_1613 = arith.addi %mul3A_1611, %add3A_1612 : i32
        %swap3A_1614 = arith.index_cast %add3A_1613 : i32 to index
        %swap3A_1615 = tpu.vector_load %arg16[%swap3A_1614] {strides = array<i32>} : memref<8192xf32, #tpu.memory_space<vmem>>, vector<16xf32>,
        tpu.vector_store %arg16[%swap3A_1614], %add3A_1580 {strides = array<i32>} : memref<8192xf32, #tpu.memory_space<vmem>>, vector<16xf32>,
        %mul3A_1616 = arith.constant 128 : i32
        %mul3A_1617 = arith.muli %add3A_1523, %mul3A_1616 : i32
        %add3A_1618 = arith.constant 80 : i32
        %add3A_1619 = arith.addi %mul3A_1617, %add3A_1618 : i32
        %swap3A_1620 = arith.index_cast %add3A_1619 : i32 to index
        %swap3A_1621 = tpu.vector_load %arg16[%swap3A_1620] {strides = array<i32>} : memref<8192xf32, #tpu.memory_space<vmem>>, vector<16xf32>,
        tpu.vector_store %arg16[%swap3A_1620], %add3A_1582 {strides = array<i32>} : memref<8192xf32, #tpu.memory_space<vmem>>, vector<16xf32>,
        %mul3A_1622 = arith.constant 128 : i32
        %mul3A_1623 = arith.muli %add3A_1523, %mul3A_1622 : i32
        %add3A_1624 = arith.constant 96 : i32
        %add3A_1625 = arith.addi %mul3A_1623, %add3A_1624 : i32
        %swap3A_1626 = arith.index_cast %add3A_1625 : i32 to index
        %swap3A_1627 = tpu.vector_load %arg16[%swap3A_1626] {strides = array<i32>} : memref<8192xf32, #tpu.memory_space<vmem>>, vector<16xf32>,
        tpu.vector_store %arg16[%swap3A_1626], %add3A_1584 {strides = array<i32>} : memref<8192xf32, #tpu.memory_space<vmem>>, vector<16xf32>,
        %mul3A_1628 = arith.constant 128 : i32
        %mul3A_1629 = arith.muli %add3A_1523, %mul3A_1628 : i32
        %add3A_1630 = arith.constant 112 : i32
        %add3A_1631 = arith.addi %mul3A_1629, %add3A_1630 : i32
        %swap3A_1632 = arith.index_cast %add3A_1631 : i32 to index
        %swap3A_1633 = tpu.vector_load %arg16[%swap3A_1632] {strides = array<i32>} : memref<8192xf32, #tpu.memory_space<vmem>>, vector<16xf32>,
        tpu.vector_store %arg16[%swap3A_1632], %add3A_1586 {strides = array<i32>} : memref<8192xf32, #tpu.memory_space<vmem>>, vector<16xf32>,
      }
      %scan3A_1378 = arith.constant 16 : i32
      %scan3A_1379 = arith.constant 0 : i32
      %scan3A_1380 = arith.constant 0 : i32
      %scan3A_1381 = arith.constant 16 : i32
      %scan3A_1382 = arith.addi %scan3A_1380, %scan3A_1381 : i32
      %scan3A_1383 = arith.constant 1 : i32
      scf.for %scan3A_1521 = %scan3A_1380 to %scan3A_1382 step %scan3A_1383  : i32 {
        %add3A_1522 = arith.constant 48 : i32
        %add3A_1523 = arith.addi %add3A_1522, %scan3A_1521 : i32
        %mul3A_1524 = arith.constant 1000 : i32
        %mul3A_1525 = arith.muli %add3A_1523, %mul3A_1524 : i32
        %broadcast_in_dim3A = vector.broadcast %mul3A_1525 : i32 to vector<16xi32>
        %mul3A_1526 = arith.constant 201 : i32
        %mul3A_1527 = arith.muli %add3A_1523, %mul3A_1526 : i32
        %broadcast_in_dim3A_1528 = vector.broadcast %mul3A_1527 : i32 to vector<16xi32>
        %broadcast_in_dim3A_1529 = vector.broadcast %scan3A_1521 : i32 to vector<16xi32>
        %lt3A_1530 = arith.constant 0 : i32
        %lt3A_1531 = vector.broadcast %lt3A_1530 : i32 to vector<16xi32>
        %lt3A_1532 = arith.cmpi slt, %broadcast_in_dim3A_1529, %lt3A_1531 : vector<16xi32>
        %add3A_1533 = arith.constant 16 : i32
        %add3A_1534 = vector.broadcast %add3A_1533 : i32 to vector<16xi32>
        %add3A_1535 = arith.addi %broadcast_in_dim3A_1529, %add3A_1534 : vector<16xi32>
        %select_n3A_1536 = arith.select %lt3A_1532, %add3A_1535, %broadcast_in_dim3A_1529 : vector<16xi1>, vector<16xi32>
        %broadcast_in_dim3A_1537 = vector.shape_cast %select_n3A_1536 : vector<16xi32> to vector<16x1xi32>
        %gather3A = vector.shape_cast %broadcast_in_dim3A_1537 : vector<16x1xi32> to vector<16xi32>
        %gather3A_1538 = tpu.dynamic_gather %get3A_1360[%gather3A] in [0] : vector<16xf32>, vector<16xi32> -> vector<16xf32>
        %add3A_1539 = arith.addi %get3A_1162, %broadcast_in_dim3A : vector<16xi32>
        %gather3A_1540 = tpu.vector_load_idx %arg8[%add3A_1539] : memref<64000xf32, #tpu.memory_space<vmem>>[vector<16xi32>], vector<16xf32>,
        %add3A_1541 = arith.addi %get3A_1164, %broadcast_in_dim3A : vector<16xi32>
        %gather3A_1542 = tpu.vector_load_idx %arg8[%add3A_1541] : memref<64000xf32, #tpu.memory_space<vmem>>[vector<16xi32>], vector<16xf32>,
        %add3A_1543 = arith.addi %get3A_1166, %broadcast_in_dim3A : vector<16xi32>
        %gather3A_1544 = tpu.vector_load_idx %arg8[%add3A_1543] : memref<64000xf32, #tpu.memory_space<vmem>>[vector<16xi32>], vector<16xf32>,
        %add3A_1545 = arith.addi %get3A_1168, %broadcast_in_dim3A : vector<16xi32>
        %gather3A_1546 = tpu.vector_load_idx %arg8[%add3A_1545] : memref<64000xf32, #tpu.memory_space<vmem>>[vector<16xi32>], vector<16xf32>,
        %add3A_1547 = arith.addi %get3A_1170, %broadcast_in_dim3A : vector<16xi32>
        %gather3A_1548 = tpu.vector_load_idx %arg8[%add3A_1547] : memref<64000xf32, #tpu.memory_space<vmem>>[vector<16xi32>], vector<16xf32>,
        %add3A_1549 = arith.addi %get3A_1172, %broadcast_in_dim3A : vector<16xi32>
        %gather3A_1550 = tpu.vector_load_idx %arg8[%add3A_1549] : memref<64000xf32, #tpu.memory_space<vmem>>[vector<16xi32>], vector<16xf32>,
        %add3A_1551 = arith.addi %get3A_1174, %broadcast_in_dim3A : vector<16xi32>
        %gather3A_1552 = tpu.vector_load_idx %arg8[%add3A_1551] : memref<64000xf32, #tpu.memory_space<vmem>>[vector<16xi32>], vector<16xf32>,
        %add3A_1553 = arith.addi %get3A_1176, %broadcast_in_dim3A : vector<16xi32>
        %gather3A_1554 = tpu.vector_load_idx %arg8[%add3A_1553] : memref<64000xf32, #tpu.memory_space<vmem>>[vector<16xi32>], vector<16xf32>,
        %add3A_1555 = arith.addi %get3A_1178, %broadcast_in_dim3A_1528 : vector<16xi32>
        %gather3A_1556 = tpu.vector_load_idx %arg9[%add3A_1555] : memref<12864xf32, #tpu.memory_space<vmem>>[vector<16xi32>], vector<16xf32>,
        %add3A_1557 = arith.addi %get3A_1180, %broadcast_in_dim3A_1528 : vector<16xi32>
        %gather3A_1558 = tpu.vector_load_idx %arg9[%add3A_1557] : memref<12864xf32, #tpu.memory_space<vmem>>[vector<16xi32>], vector<16xf32>,
        %add3A_1559 = arith.addi %get3A_1182, %broadcast_in_dim3A_1528 : vector<16xi32>
        %gather3A_1560 = tpu.vector_load_idx %arg9[%add3A_1559] : memref<12864xf32, #tpu.memory_space<vmem>>[vector<16xi32>], vector<16xf32>,
        %add3A_1561 = arith.addi %get3A_1184, %broadcast_in_dim3A_1528 : vector<16xi32>
        %gather3A_1562 = tpu.vector_load_idx %arg9[%add3A_1561] : memref<12864xf32, #tpu.memory_space<vmem>>[vector<16xi32>], vector<16xf32>,
        %add3A_1563 = arith.addi %get3A_1186, %broadcast_in_dim3A_1528 : vector<16xi32>
        %gather3A_1564 = tpu.vector_load_idx %arg9[%add3A_1563] : memref<12864xf32, #tpu.memory_space<vmem>>[vector<16xi32>], vector<16xf32>,
        %add3A_1565 = arith.addi %get3A_1188, %broadcast_in_dim3A_1528 : vector<16xi32>
        %gather3A_1566 = tpu.vector_load_idx %arg9[%add3A_1565] : memref<12864xf32, #tpu.memory_space<vmem>>[vector<16xi32>], vector<16xf32>,
        %add3A_1567 = arith.addi %get3A_1190, %broadcast_in_dim3A_1528 : vector<16xi32>
        %gather3A_1568 = tpu.vector_load_idx %arg9[%add3A_1567] : memref<12864xf32, #tpu.memory_space<vmem>>[vector<16xi32>], vector<16xf32>,
        %add3A_1569 = arith.addi %get3A_1192, %broadcast_in_dim3A_1528 : vector<16xi32>
        %gather3A_1570 = tpu.vector_load_idx %arg9[%add3A_1569] : memref<12864xf32, #tpu.memory_space<vmem>>[vector<16xi32>], vector<16xf32>,
        %add3A_1571 = arith.addf %gather3A_1540, %gather3A_1556 : vector<16xf32>
        %add3A_1572 = arith.addf %add3A_1571, %gather3A_1538 : vector<16xf32>
        %add3A_1573 = arith.addf %gather3A_1542, %gather3A_1558 : vector<16xf32>
        %add3A_1574 = arith.addf %add3A_1573, %gather3A_1538 : vector<16xf32>
        %add3A_1575 = arith.addf %gather3A_1544, %gather3A_1560 : vector<16xf32>
        %add3A_1576 = arith.addf %add3A_1575, %gather3A_1538 : vector<16xf32>
        %add3A_1577 = arith.addf %gather3A_1546, %gather3A_1562 : vector<16xf32>
        %add3A_1578 = arith.addf %add3A_1577, %gather3A_1538 : vector<16xf32>
        %add3A_1579 = arith.addf %gather3A_1548, %gather3A_1564 : vector<16xf32>
        %add3A_1580 = arith.addf %add3A_1579, %gather3A_1538 : vector<16xf32>
        %add3A_1581 = arith.addf %gather3A_1550, %gather3A_1566 : vector<16xf32>
        %add3A_1582 = arith.addf %add3A_1581, %gather3A_1538 : vector<16xf32>
        %add3A_1583 = arith.addf %gather3A_1552, %gather3A_1568 : vector<16xf32>
        %add3A_1584 = arith.addf %add3A_1583, %gather3A_1538 : vector<16xf32>
        %add3A_1585 = arith.addf %gather3A_1554, %gather3A_1570 : vector<16xf32>
        %add3A_1586 = arith.addf %add3A_1585, %gather3A_1538 : vector<16xf32>
        %mul3A_1587 = arith.constant 128 : i32
        %mul3A_1588 = arith.muli %add3A_1523, %mul3A_1587 : i32
        %add3A_1589 = arith.constant 0 : i32
        %add3A_1590 = arith.addi %mul3A_1588, %add3A_1589 : i32
        %swap3A = arith.index_cast %add3A_1590 : i32 to index
        %swap3A_1591 = tpu.vector_load %arg16[%swap3A] {strides = array<i32>} : memref<8192xf32, #tpu.memory_space<vmem>>, vector<16xf32>,
        tpu.vector_store %arg16[%swap3A], %add3A_1572 {strides = array<i32>} : memref<8192xf32, #tpu.memory_space<vmem>>, vector<16xf32>,
        %mul3A_1592 = arith.constant 128 : i32
        %mul3A_1593 = arith.muli %add3A_1523, %mul3A_1592 : i32
        %add3A_1594 = arith.constant 16 : i32
        %add3A_1595 = arith.addi %mul3A_1593, %add3A_1594 : i32
        %swap3A_1596 = arith.index_cast %add3A_1595 : i32 to index
        %swap3A_1597 = tpu.vector_load %arg16[%swap3A_1596] {strides = array<i32>} : memref<8192xf32, #tpu.memory_space<vmem>>, vector<16xf32>,
        tpu.vector_store %arg16[%swap3A_1596], %add3A_1574 {strides = array<i32>} : memref<8192xf32, #tpu.memory_space<vmem>>, vector<16xf32>,
        %mul3A_1598 = arith.constant 128 : i32
        %mul3A_1599 = arith.muli %add3A_1523, %mul3A_1598 : i32
        %add3A_1600 = arith.constant 32 : i32
        %add3A_1601 = arith.addi %mul3A_1599, %add3A_1600 : i32
        %swap3A_1602 = arith.index_cast %add3A_1601 : i32 to index
        %swap3A_1603 = tpu.vector_load %arg16[%swap3A_1602] {strides = array<i32>} : memref<8192xf32, #tpu.memory_space<vmem>>, vector<16xf32>,
        tpu.vector_store %arg16[%swap3A_1602], %add3A_1576 {strides = array<i32>} : memref<8192xf32, #tpu.memory_space<vmem>>, vector<16xf32>,
        %mul3A_1604 = arith.constant 128 : i32
        %mul3A_1605 = arith.muli %add3A_1523, %mul3A_1604 : i32
        %add3A_1606 = arith.constant 48 : i32
        %add3A_1607 = arith.addi %mul3A_1605, %add3A_1606 : i32
        %swap3A_1608 = arith.index_cast %add3A_1607 : i32 to index
        %swap3A_1609 = tpu.vector_load %arg16[%swap3A_1608] {strides = array<i32>} : memref<8192xf32, #tpu.memory_space<vmem>>, vector<16xf32>,
        tpu.vector_store %arg16[%swap3A_1608], %add3A_1578 {strides = array<i32>} : memref<8192xf32, #tpu.memory_space<vmem>>, vector<16xf32>,
        %mul3A_1610 = arith.constant 128 : i32
        %mul3A_1611 = arith.muli %add3A_1523, %mul3A_1610 : i32
        %add3A_1612 = arith.constant 64 : i32
        %add3A_1613 = arith.addi %mul3A_1611, %add3A_1612 : i32
        %swap3A_1614 = arith.index_cast %add3A_1613 : i32 to index
        %swap3A_1615 = tpu.vector_load %arg16[%swap3A_1614] {strides = array<i32>} : memref<8192xf32, #tpu.memory_space<vmem>>, vector<16xf32>,
        tpu.vector_store %arg16[%swap3A_1614], %add3A_1580 {strides = array<i32>} : memref<8192xf32, #tpu.memory_space<vmem>>, vector<16xf32>,
        %mul3A_1616 = arith.constant 128 : i32
        %mul3A_1617 = arith.muli %add3A_1523, %mul3A_1616 : i32
        %add3A_1618 = arith.constant 80 : i32
        %add3A_1619 = arith.addi %mul3A_1617, %add3A_1618 : i32
        %swap3A_1620 = arith.index_cast %add3A_1619 : i32 to index
        %swap3A_1621 = tpu.vector_load %arg16[%swap3A_1620] {strides = array<i32>} : memref<8192xf32, #tpu.memory_space<vmem>>, vector<16xf32>,
        tpu.vector_store %arg16[%swap3A_1620], %add3A_1582 {strides = array<i32>} : memref<8192xf32, #tpu.memory_space<vmem>>, vector<16xf32>,
        %mul3A_1622 = arith.constant 128 : i32
        %mul3A_1623 = arith.muli %add3A_1523, %mul3A_1622 : i32
        %add3A_1624 = arith.constant 96 : i32
        %add3A_1625 = arith.addi %mul3A_1623, %add3A_1624 : i32
        %swap3A_1626 = arith.index_cast %add3A_1625 : i32 to index
        %swap3A_1627 = tpu.vector_load %arg16[%swap3A_1626] {strides = array<i32>} : memref<8192xf32, #tpu.memory_space<vmem>>, vector<16xf32>,
        tpu.vector_store %arg16[%swap3A_1626], %add3A_1584 {strides = array<i32>} : memref<8192xf32, #tpu.memory_space<vmem>>, vector<16xf32>,
        %mul3A_1628 = arith.constant 128 : i32
        %mul3A_1629 = arith.muli %add3A_1523, %mul3A_1628 : i32
        %add3A_1630 = arith.constant 112 : i32
        %add3A_1631 = arith.addi %mul3A_1629, %add3A_1630 : i32
        %swap3A_1632 = arith.index_cast %add3A_1631 : i32 to index
        %swap3A_1633 = tpu.vector_load %arg16[%swap3A_1632] {strides = array<i32>} : memref<8192xf32, #tpu.memory_space<vmem>>, vector<16xf32>,
        tpu.vector_store %arg16[%swap3A_1632], %add3A_1586 {strides = array<i32>} : memref<8192xf32, #tpu.memory_space<vmem>>, vector<16xf32>,
      }
      %scan3A_1384 = arith.constant 16 : i32
      %mul3A_1385 = arith.constant 8 : i32
      %mul3A_1386 = arith.muli %add3A_1152, %mul3A_1385 : i32
      %add3A_1387 = arith.constant 0 : i32
      %add3A_1388 = arith.addi %mul3A_1386, %add3A_1387 : i32
      %mul3A_1389 = arith.constant 32 : i32
      %mul3A_1390 = arith.muli %add3A_1388, %mul3A_1389 : i32
      %add3A_1391 = arith.addi %mul3A_1390, %add3A : i32
      %dma_start3A_1392 = arith.constant 0 : i32
      %dma_start3A_1393 = tpu.memref_slice %arg16[%dma_start3A_1392] : memref<8192xf32, #tpu.memory_space<vmem>> -> memref<1024xf32, #tpu.memory_space<vmem>>
      %dma_start3A_1394 = arith.constant 0 : i32
      %dma_start3A_1395 = tpu.memref_slice %arg7[%add3A_1391, %dma_start3A_1394] : memref<51200x1024xf32, #tpu.memory_space<hbm>> -> memref<1x1024xf32, #tpu.memory_space<hbm>>
      %dma_start3A_1396 = tpu.memref_squeeze %dma_start3A_1395 : memref<1x1024xf32, #tpu.memory_space<hbm>> -> memref<1024xf32, #tpu.memory_space<hbm>>
      %dma_start3A_1397 = arith.constant 0 : i32
      %dma_start3A_1398 = tpu.memref_slice %arg7[%add3A_1391, %dma_start3A_1397] : memref<51200x1024xf32, #tpu.memory_space<hbm>> -> memref<1x1024xf32, #tpu.memory_space<hbm>>
      %dma_start3A_1399 = tpu.memref_squeeze %dma_start3A_1398 : memref<1x1024xf32, #tpu.memory_space<hbm>> -> memref<1024xf32, #tpu.memory_space<hbm>>
      %dma_start3A_1400 = arith.constant 0 : i32
      %dma_start3A_1401 = tpu.memref_slice %arg16[%dma_start3A_1400] : memref<8192xf32, #tpu.memory_space<vmem>> -> memref<1024xf32, #tpu.memory_space<vmem>>
      tpu.enqueue_dma source(%dma_start3A_1401 : memref<1024xf32, #tpu.memory_space<vmem>>) target(%dma_start3A_1399 : memref<1024xf32, #tpu.memory_space<hbm>>) target_semaphore(%arg20 : memref<!tpu.dma_semaphore, #tpu.memory_space<semaphore_mem>>)
      %mul3A_1402 = arith.constant 8 : i32
      %mul3A_1403 = arith.muli %add3A_1152, %mul3A_1402 : i32
      %add3A_1404 = arith.constant 1 : i32
      %add3A_1405 = arith.addi %mul3A_1403, %add3A_1404 : i32
      %mul3A_1406 = arith.constant 32 : i32
      %mul3A_1407 = arith.muli %add3A_1405, %mul3A_1406 : i32
      %add3A_1408 = arith.addi %mul3A_1407, %add3A : i32
      %dma_start3A_1409 = arith.constant 1024 : i32
      %dma_start3A_1410 = tpu.memref_slice %arg16[%dma_start3A_1409] : memref<8192xf32, #tpu.memory_space<vmem>> -> memref<1024xf32, #tpu.memory_space<vmem>>
      %dma_start3A_1411 = arith.constant 0 : i32
      %dma_start3A_1412 = tpu.memref_slice %arg7[%add3A_1408, %dma_start3A_1411] : memref<51200x1024xf32, #tpu.memory_space<hbm>> -> memref<1x1024xf32, #tpu.memory_space<hbm>>
      %dma_start3A_1413 = tpu.memref_squeeze %dma_start3A_1412 : memref<1x1024xf32, #tpu.memory_space<hbm>> -> memref<1024xf32, #tpu.memory_space<hbm>>
      %dma_start3A_1414 = arith.constant 0 : i32
      %dma_start3A_1415 = tpu.memref_slice %arg7[%add3A_1408, %dma_start3A_1414] : memref<51200x1024xf32, #tpu.memory_space<hbm>> -> memref<1x1024xf32, #tpu.memory_space<hbm>>
      %dma_start3A_1416 = tpu.memref_squeeze %dma_start3A_1415 : memref<1x1024xf32, #tpu.memory_space<hbm>> -> memref<1024xf32, #tpu.memory_space<hbm>>
      %dma_start3A_1417 = arith.constant 1024 : i32
      %dma_start3A_1418 = tpu.memref_slice %arg16[%dma_start3A_1417] : memref<8192xf32, #tpu.memory_space<vmem>> -> memref<1024xf32, #tpu.memory_space<vmem>>
      tpu.enqueue_dma source(%dma_start3A_1418 : memref<1024xf32, #tpu.memory_space<vmem>>) target(%dma_start3A_1416 : memref<1024xf32, #tpu.memory_space<hbm>>) target_semaphore(%arg20 : memref<!tpu.dma_semaphore, #tpu.memory_space<semaphore_mem>>)
      %mul3A_1419 = arith.constant 8 : i32
      %mul3A_1420 = arith.muli %add3A_1152, %mul3A_1419 : i32
      %add3A_1421 = arith.constant 2 : i32
      %add3A_1422 = arith.addi %mul3A_1420, %add3A_1421 : i32
      %mul3A_1423 = arith.constant 32 : i32
      %mul3A_1424 = arith.muli %add3A_1422, %mul3A_1423 : i32
      %add3A_1425 = arith.addi %mul3A_1424, %add3A : i32
      %dma_start3A_1426 = arith.constant 2048 : i32
      %dma_start3A_1427 = tpu.memref_slice %arg16[%dma_start3A_1426] : memref<8192xf32, #tpu.memory_space<vmem>> -> memref<1024xf32, #tpu.memory_space<vmem>>
      %dma_start3A_1428 = arith.constant 0 : i32
      %dma_start3A_1429 = tpu.memref_slice %arg7[%add3A_1425, %dma_start3A_1428] : memref<51200x1024xf32, #tpu.memory_space<hbm>> -> memref<1x1024xf32, #tpu.memory_space<hbm>>
      %dma_start3A_1430 = tpu.memref_squeeze %dma_start3A_1429 : memref<1x1024xf32, #tpu.memory_space<hbm>> -> memref<1024xf32, #tpu.memory_space<hbm>>
      %dma_start3A_1431 = arith.constant 0 : i32
      %dma_start3A_1432 = tpu.memref_slice %arg7[%add3A_1425, %dma_start3A_1431] : memref<51200x1024xf32, #tpu.memory_space<hbm>> -> memref<1x1024xf32, #tpu.memory_space<hbm>>
      %dma_start3A_1433 = tpu.memref_squeeze %dma_start3A_1432 : memref<1x1024xf32, #tpu.memory_space<hbm>> -> memref<1024xf32, #tpu.memory_space<hbm>>
      %dma_start3A_1434 = arith.constant 2048 : i32
      %dma_start3A_1435 = tpu.memref_slice %arg16[%dma_start3A_1434] : memref<8192xf32, #tpu.memory_space<vmem>> -> memref<1024xf32, #tpu.memory_space<vmem>>
      tpu.enqueue_dma source(%dma_start3A_1435 : memref<1024xf32, #tpu.memory_space<vmem>>) target(%dma_start3A_1433 : memref<1024xf32, #tpu.memory_space<hbm>>) target_semaphore(%arg20 : memref<!tpu.dma_semaphore, #tpu.memory_space<semaphore_mem>>)
      %mul3A_1436 = arith.constant 8 : i32
      %mul3A_1437 = arith.muli %add3A_1152, %mul3A_1436 : i32
      %add3A_1438 = arith.constant 3 : i32
      %add3A_1439 = arith.addi %mul3A_1437, %add3A_1438 : i32
      %mul3A_1440 = arith.constant 32 : i32
      %mul3A_1441 = arith.muli %add3A_1439, %mul3A_1440 : i32
      %add3A_1442 = arith.addi %mul3A_1441, %add3A : i32
      %dma_start3A_1443 = arith.constant 3072 : i32
      %dma_start3A_1444 = tpu.memref_slice %arg16[%dma_start3A_1443] : memref<8192xf32, #tpu.memory_space<vmem>> -> memref<1024xf32, #tpu.memory_space<vmem>>
      %dma_start3A_1445 = arith.constant 0 : i32
      %dma_start3A_1446 = tpu.memref_slice %arg7[%add3A_1442, %dma_start3A_1445] : memref<51200x1024xf32, #tpu.memory_space<hbm>> -> memref<1x1024xf32, #tpu.memory_space<hbm>>
      %dma_start3A_1447 = tpu.memref_squeeze %dma_start3A_1446 : memref<1x1024xf32, #tpu.memory_space<hbm>> -> memref<1024xf32, #tpu.memory_space<hbm>>
      %dma_start3A_1448 = arith.constant 0 : i32
      %dma_start3A_1449 = tpu.memref_slice %arg7[%add3A_1442, %dma_start3A_1448] : memref<51200x1024xf32, #tpu.memory_space<hbm>> -> memref<1x1024xf32, #tpu.memory_space<hbm>>
      %dma_start3A_1450 = tpu.memref_squeeze %dma_start3A_1449 : memref<1x1024xf32, #tpu.memory_space<hbm>> -> memref<1024xf32, #tpu.memory_space<hbm>>
      %dma_start3A_1451 = arith.constant 3072 : i32
      %dma_start3A_1452 = tpu.memref_slice %arg16[%dma_start3A_1451] : memref<8192xf32, #tpu.memory_space<vmem>> -> memref<1024xf32, #tpu.memory_space<vmem>>
      tpu.enqueue_dma source(%dma_start3A_1452 : memref<1024xf32, #tpu.memory_space<vmem>>) target(%dma_start3A_1450 : memref<1024xf32, #tpu.memory_space<hbm>>) target_semaphore(%arg20 : memref<!tpu.dma_semaphore, #tpu.memory_space<semaphore_mem>>)
      %mul3A_1453 = arith.constant 8 : i32
      %mul3A_1454 = arith.muli %add3A_1152, %mul3A_1453 : i32
      %add3A_1455 = arith.constant 4 : i32
      %add3A_1456 = arith.addi %mul3A_1454, %add3A_1455 : i32
      %mul3A_1457 = arith.constant 32 : i32
      %mul3A_1458 = arith.muli %add3A_1456, %mul3A_1457 : i32
      %add3A_1459 = arith.addi %mul3A_1458, %add3A : i32
      %dma_start3A_1460 = arith.constant 4096 : i32
      %dma_start3A_1461 = tpu.memref_slice %arg16[%dma_start3A_1460] : memref<8192xf32, #tpu.memory_space<vmem>> -> memref<1024xf32, #tpu.memory_space<vmem>>
      %dma_start3A_1462 = arith.constant 0 : i32
      %dma_start3A_1463 = tpu.memref_slice %arg7[%add3A_1459, %dma_start3A_1462] : memref<51200x1024xf32, #tpu.memory_space<hbm>> -> memref<1x1024xf32, #tpu.memory_space<hbm>>
      %dma_start3A_1464 = tpu.memref_squeeze %dma_start3A_1463 : memref<1x1024xf32, #tpu.memory_space<hbm>> -> memref<1024xf32, #tpu.memory_space<hbm>>
      %dma_start3A_1465 = arith.constant 0 : i32
      %dma_start3A_1466 = tpu.memref_slice %arg7[%add3A_1459, %dma_start3A_1465] : memref<51200x1024xf32, #tpu.memory_space<hbm>> -> memref<1x1024xf32, #tpu.memory_space<hbm>>
      %dma_start3A_1467 = tpu.memref_squeeze %dma_start3A_1466 : memref<1x1024xf32, #tpu.memory_space<hbm>> -> memref<1024xf32, #tpu.memory_space<hbm>>
      %dma_start3A_1468 = arith.constant 4096 : i32
      %dma_start3A_1469 = tpu.memref_slice %arg16[%dma_start3A_1468] : memref<8192xf32, #tpu.memory_space<vmem>> -> memref<1024xf32, #tpu.memory_space<vmem>>
      tpu.enqueue_dma source(%dma_start3A_1469 : memref<1024xf32, #tpu.memory_space<vmem>>) target(%dma_start3A_1467 : memref<1024xf32, #tpu.memory_space<hbm>>) target_semaphore(%arg20 : memref<!tpu.dma_semaphore, #tpu.memory_space<semaphore_mem>>)
      %mul3A_1470 = arith.constant 8 : i32
      %mul3A_1471 = arith.muli %add3A_1152, %mul3A_1470 : i32
      %add3A_1472 = arith.constant 5 : i32
      %add3A_1473 = arith.addi %mul3A_1471, %add3A_1472 : i32
      %mul3A_1474 = arith.constant 32 : i32
      %mul3A_1475 = arith.muli %add3A_1473, %mul3A_1474 : i32
      %add3A_1476 = arith.addi %mul3A_1475, %add3A : i32
      %dma_start3A_1477 = arith.constant 5120 : i32
      %dma_start3A_1478 = tpu.memref_slice %arg16[%dma_start3A_1477] : memref<8192xf32, #tpu.memory_space<vmem>> -> memref<1024xf32, #tpu.memory_space<vmem>>
      %dma_start3A_1479 = arith.constant 0 : i32
      %dma_start3A_1480 = tpu.memref_slice %arg7[%add3A_1476, %dma_start3A_1479] : memref<51200x1024xf32, #tpu.memory_space<hbm>> -> memref<1x1024xf32, #tpu.memory_space<hbm>>
      %dma_start3A_1481 = tpu.memref_squeeze %dma_start3A_1480 : memref<1x1024xf32, #tpu.memory_space<hbm>> -> memref<1024xf32, #tpu.memory_space<hbm>>
      %dma_start3A_1482 = arith.constant 0 : i32
      %dma_start3A_1483 = tpu.memref_slice %arg7[%add3A_1476, %dma_start3A_1482] : memref<51200x1024xf32, #tpu.memory_space<hbm>> -> memref<1x1024xf32, #tpu.memory_space<hbm>>
      %dma_start3A_1484 = tpu.memref_squeeze %dma_start3A_1483 : memref<1x1024xf32, #tpu.memory_space<hbm>> -> memref<1024xf32, #tpu.memory_space<hbm>>
      %dma_start3A_1485 = arith.constant 5120 : i32
      %dma_start3A_1486 = tpu.memref_slice %arg16[%dma_start3A_1485] : memref<8192xf32, #tpu.memory_space<vmem>> -> memref<1024xf32, #tpu.memory_space<vmem>>
      tpu.enqueue_dma source(%dma_start3A_1486 : memref<1024xf32, #tpu.memory_space<vmem>>) target(%dma_start3A_1484 : memref<1024xf32, #tpu.memory_space<hbm>>) target_semaphore(%arg20 : memref<!tpu.dma_semaphore, #tpu.memory_space<semaphore_mem>>)
      %mul3A_1487 = arith.constant 8 : i32
      %mul3A_1488 = arith.muli %add3A_1152, %mul3A_1487 : i32
      %add3A_1489 = arith.constant 6 : i32
      %add3A_1490 = arith.addi %mul3A_1488, %add3A_1489 : i32
      %mul3A_1491 = arith.constant 32 : i32
      %mul3A_1492 = arith.muli %add3A_1490, %mul3A_1491 : i32
      %add3A_1493 = arith.addi %mul3A_1492, %add3A : i32
      %dma_start3A_1494 = arith.constant 6144 : i32
      %dma_start3A_1495 = tpu.memref_slice %arg16[%dma_start3A_1494] : memref<8192xf32, #tpu.memory_space<vmem>> -> memref<1024xf32, #tpu.memory_space<vmem>>
      %dma_start3A_1496 = arith.constant 0 : i32
      %dma_start3A_1497 = tpu.memref_slice %arg7[%add3A_1493, %dma_start3A_1496] : memref<51200x1024xf32, #tpu.memory_space<hbm>> -> memref<1x1024xf32, #tpu.memory_space<hbm>>
      %dma_start3A_1498 = tpu.memref_squeeze %dma_start3A_1497 : memref<1x1024xf32, #tpu.memory_space<hbm>> -> memref<1024xf32, #tpu.memory_space<hbm>>
      %dma_start3A_1499 = arith.constant 0 : i32
      %dma_start3A_1500 = tpu.memref_slice %arg7[%add3A_1493, %dma_start3A_1499] : memref<51200x1024xf32, #tpu.memory_space<hbm>> -> memref<1x1024xf32, #tpu.memory_space<hbm>>
      %dma_start3A_1501 = tpu.memref_squeeze %dma_start3A_1500 : memref<1x1024xf32, #tpu.memory_space<hbm>> -> memref<1024xf32, #tpu.memory_space<hbm>>
      %dma_start3A_1502 = arith.constant 6144 : i32
      %dma_start3A_1503 = tpu.memref_slice %arg16[%dma_start3A_1502] : memref<8192xf32, #tpu.memory_space<vmem>> -> memref<1024xf32, #tpu.memory_space<vmem>>
      tpu.enqueue_dma source(%dma_start3A_1503 : memref<1024xf32, #tpu.memory_space<vmem>>) target(%dma_start3A_1501 : memref<1024xf32, #tpu.memory_space<hbm>>) target_semaphore(%arg20 : memref<!tpu.dma_semaphore, #tpu.memory_space<semaphore_mem>>)
      %mul3A_1504 = arith.constant 8 : i32
      %mul3A_1505 = arith.muli %add3A_1152, %mul3A_1504 : i32
      %add3A_1506 = arith.constant 7 : i32
      %add3A_1507 = arith.addi %mul3A_1505, %add3A_1506 : i32
      %mul3A_1508 = arith.constant 32 : i32
      %mul3A_1509 = arith.muli %add3A_1507, %mul3A_1508 : i32
      %add3A_1510 = arith.addi %mul3A_1509, %add3A : i32
      %dma_start3A_1511 = arith.constant 7168 : i32
      %dma_start3A_1512 = tpu.memref_slice %arg16[%dma_start3A_1511] : memref<8192xf32, #tpu.memory_space<vmem>> -> memref<1024xf32, #tpu.memory_space<vmem>>
      %dma_start3A_1513 = arith.constant 0 : i32
      %dma_start3A_1514 = tpu.memref_slice %arg7[%add3A_1510, %dma_start3A_1513] : memref<51200x1024xf32, #tpu.memory_space<hbm>> -> memref<1x1024xf32, #tpu.memory_space<hbm>>
      %dma_start3A_1515 = tpu.memref_squeeze %dma_start3A_1514 : memref<1x1024xf32, #tpu.memory_space<hbm>> -> memref<1024xf32, #tpu.memory_space<hbm>>
      %dma_start3A_1516 = arith.constant 0 : i32
      %dma_start3A_1517 = tpu.memref_slice %arg7[%add3A_1510, %dma_start3A_1516] : memref<51200x1024xf32, #tpu.memory_space<hbm>> -> memref<1x1024xf32, #tpu.memory_space<hbm>>
      %dma_start3A_1518 = tpu.memref_squeeze %dma_start3A_1517 : memref<1x1024xf32, #tpu.memory_space<hbm>> -> memref<1024xf32, #tpu.memory_space<hbm>>
      %dma_start3A_1519 = arith.constant 7168 : i32
      %dma_start3A_1520 = tpu.memref_slice %arg16[%dma_start3A_1519] : memref<8192xf32, #tpu.memory_space<vmem>> -> memref<1024xf32, #tpu.memory_space<vmem>>
      tpu.enqueue_dma source(%dma_start3A_1520 : memref<1024xf32, #tpu.memory_space<vmem>>) target(%dma_start3A_1518 : memref<1024xf32, #tpu.memory_space<hbm>>) target_semaphore(%arg20 : memref<!tpu.dma_semaphore, #tpu.memory_space<semaphore_mem>>)
    }
    %scan3A_586 = arith.constant 99 : i32
    %dma_wait3A = arith.constant 0 : i32
    %dma_wait3A_587 = arith.constant 0 : i32
    %dma_wait3A_588 = tpu.memref_slice %arg15[%dma_wait3A_587] : memref<8192xf32, #tpu.memory_space<vmem>> -> memref<1024xf32, #tpu.memory_space<vmem>>
    %dma_wait3A_589 = arith.constant 0 : i32
    %dma_wait3A_590 = tpu.memref_slice %arg7[%dma_wait3A, %dma_wait3A_589] : memref<51200x1024xf32, #tpu.memory_space<hbm>> -> memref<1x1024xf32, #tpu.memory_space<hbm>>
    %dma_wait3A_591 = tpu.memref_squeeze %dma_wait3A_590 : memref<1x1024xf32, #tpu.memory_space<hbm>> -> memref<1024xf32, #tpu.memory_space<hbm>>
    %dma_wait3A_592 = arith.constant 0 : i32
    %dma_wait3A_593 = tpu.memref_slice %arg7[%dma_wait3A, %dma_wait3A_592] : memref<51200x1024xf32, #tpu.memory_space<hbm>> -> memref<1x1024xf32, #tpu.memory_space<hbm>>
    %dma_wait3A_594 = tpu.memref_squeeze %dma_wait3A_593 : memref<1x1024xf32, #tpu.memory_space<hbm>> -> memref<1024xf32, #tpu.memory_space<hbm>>
    %dma_wait3A_595 = arith.constant 0 : i32
    %dma_wait3A_596 = tpu.memref_slice %arg15[%dma_wait3A_595] : memref<8192xf32, #tpu.memory_space<vmem>> -> memref<1024xf32, #tpu.memory_space<vmem>>
    tpu.wait_dma2 semaphore(%arg19 : memref<!tpu.dma_semaphore, #tpu.memory_space<semaphore_mem>>) src(%dma_wait3A_596 : memref<1024xf32, #tpu.memory_space<vmem>>) dst(%dma_wait3A_594 : memref<1024xf32, #tpu.memory_space<hbm>>)
    %dma_wait3A_597 = arith.constant 0 : i32
    %dma_wait3A_598 = arith.constant 0 : i32
    %dma_wait3A_599 = tpu.memref_slice %arg15[%dma_wait3A_598] : memref<8192xf32, #tpu.memory_space<vmem>> -> memref<1024xf32, #tpu.memory_space<vmem>>
    %dma_wait3A_600 = arith.constant 0 : i32
    %dma_wait3A_601 = tpu.memref_slice %arg7[%dma_wait3A_597, %dma_wait3A_600] : memref<51200x1024xf32, #tpu.memory_space<hbm>> -> memref<1x1024xf32, #tpu.memory_space<hbm>>
    %dma_wait3A_602 = tpu.memref_squeeze %dma_wait3A_601 : memref<1x1024xf32, #tpu.memory_space<hbm>> -> memref<1024xf32, #tpu.memory_space<hbm>>
    %dma_wait3A_603 = arith.constant 0 : i32
    %dma_wait3A_604 = tpu.memref_slice %arg7[%dma_wait3A_597, %dma_wait3A_603] : memref<51200x1024xf32, #tpu.memory_space<hbm>> -> memref<1x1024xf32, #tpu.memory_space<hbm>>
    %dma_wait3A_605 = tpu.memref_squeeze %dma_wait3A_604 : memref<1x1024xf32, #tpu.memory_space<hbm>> -> memref<1024xf32, #tpu.memory_space<hbm>>
    %dma_wait3A_606 = arith.constant 0 : i32
    %dma_wait3A_607 = tpu.memref_slice %arg15[%dma_wait3A_606] : memref<8192xf32, #tpu.memory_space<vmem>> -> memref<1024xf32, #tpu.memory_space<vmem>>
    tpu.wait_dma2 semaphore(%arg19 : memref<!tpu.dma_semaphore, #tpu.memory_space<semaphore_mem>>) src(%dma_wait3A_607 : memref<1024xf32, #tpu.memory_space<vmem>>) dst(%dma_wait3A_605 : memref<1024xf32, #tpu.memory_space<hbm>>)
    %dma_wait3A_608 = arith.constant 0 : i32
    %dma_wait3A_609 = arith.constant 0 : i32
    %dma_wait3A_610 = tpu.memref_slice %arg15[%dma_wait3A_609] : memref<8192xf32, #tpu.memory_space<vmem>> -> memref<1024xf32, #tpu.memory_space<vmem>>
    %dma_wait3A_611 = arith.constant 0 : i32
    %dma_wait3A_612 = tpu.memref_slice %arg7[%dma_wait3A_608, %dma_wait3A_611] : memref<51200x1024xf32, #tpu.memory_space<hbm>> -> memref<1x1024xf32, #tpu.memory_space<hbm>>
    %dma_wait3A_613 = tpu.memref_squeeze %dma_wait3A_612 : memref<1x1024xf32, #tpu.memory_space<hbm>> -> memref<1024xf32, #tpu.memory_space<hbm>>
    %dma_wait3A_614 = arith.constant 0 : i32
    %dma_wait3A_615 = tpu.memref_slice %arg7[%dma_wait3A_608, %dma_wait3A_614] : memref<51200x1024xf32, #tpu.memory_space<hbm>> -> memref<1x1024xf32, #tpu.memory_space<hbm>>
    %dma_wait3A_616 = tpu.memref_squeeze %dma_wait3A_615 : memref<1x1024xf32, #tpu.memory_space<hbm>> -> memref<1024xf32, #tpu.memory_space<hbm>>
    %dma_wait3A_617 = arith.constant 0 : i32
    %dma_wait3A_618 = tpu.memref_slice %arg15[%dma_wait3A_617] : memref<8192xf32, #tpu.memory_space<vmem>> -> memref<1024xf32, #tpu.memory_space<vmem>>
    tpu.wait_dma2 semaphore(%arg19 : memref<!tpu.dma_semaphore, #tpu.memory_space<semaphore_mem>>) src(%dma_wait3A_618 : memref<1024xf32, #tpu.memory_space<vmem>>) dst(%dma_wait3A_616 : memref<1024xf32, #tpu.memory_space<hbm>>)
    %dma_wait3A_619 = arith.constant 0 : i32
    %dma_wait3A_620 = arith.constant 0 : i32
    %dma_wait3A_621 = tpu.memref_slice %arg15[%dma_wait3A_620] : memref<8192xf32, #tpu.memory_space<vmem>> -> memref<1024xf32, #tpu.memory_space<vmem>>
    %dma_wait3A_622 = arith.constant 0 : i32
    %dma_wait3A_623 = tpu.memref_slice %arg7[%dma_wait3A_619, %dma_wait3A_622] : memref<51200x1024xf32, #tpu.memory_space<hbm>> -> memref<1x1024xf32, #tpu.memory_space<hbm>>
    %dma_wait3A_624 = tpu.memref_squeeze %dma_wait3A_623 : memref<1x1024xf32, #tpu.memory_space<hbm>> -> memref<1024xf32, #tpu.memory_space<hbm>>
    %dma_wait3A_625 = arith.constant 0 : i32
    %dma_wait3A_626 = tpu.memref_slice %arg7[%dma_wait3A_619, %dma_wait3A_625] : memref<51200x1024xf32, #tpu.memory_space<hbm>> -> memref<1x1024xf32, #tpu.memory_space<hbm>>
    %dma_wait3A_627 = tpu.memref_squeeze %dma_wait3A_626 : memref<1x1024xf32, #tpu.memory_space<hbm>> -> memref<1024xf32, #tpu.memory_space<hbm>>
    %dma_wait3A_628 = arith.constant 0 : i32
    %dma_wait3A_629 = tpu.memref_slice %arg15[%dma_wait3A_628] : memref<8192xf32, #tpu.memory_space<vmem>> -> memref<1024xf32, #tpu.memory_space<vmem>>
    tpu.wait_dma2 semaphore(%arg19 : memref<!tpu.dma_semaphore, #tpu.memory_space<semaphore_mem>>) src(%dma_wait3A_629 : memref<1024xf32, #tpu.memory_space<vmem>>) dst(%dma_wait3A_627 : memref<1024xf32, #tpu.memory_space<hbm>>)
    %dma_wait3A_630 = arith.constant 0 : i32
    %dma_wait3A_631 = arith.constant 0 : i32
    %dma_wait3A_632 = tpu.memref_slice %arg15[%dma_wait3A_631] : memref<8192xf32, #tpu.memory_space<vmem>> -> memref<1024xf32, #tpu.memory_space<vmem>>
    %dma_wait3A_633 = arith.constant 0 : i32
    %dma_wait3A_634 = tpu.memref_slice %arg7[%dma_wait3A_630, %dma_wait3A_633] : memref<51200x1024xf32, #tpu.memory_space<hbm>> -> memref<1x1024xf32, #tpu.memory_space<hbm>>
    %dma_wait3A_635 = tpu.memref_squeeze %dma_wait3A_634 : memref<1x1024xf32, #tpu.memory_space<hbm>> -> memref<1024xf32, #tpu.memory_space<hbm>>
    %dma_wait3A_636 = arith.constant 0 : i32
    %dma_wait3A_637 = tpu.memref_slice %arg7[%dma_wait3A_630, %dma_wait3A_636] : memref<51200x1024xf32, #tpu.memory_space<hbm>> -> memref<1x1024xf32, #tpu.memory_space<hbm>>
    %dma_wait3A_638 = tpu.memref_squeeze %dma_wait3A_637 : memref<1x1024xf32, #tpu.memory_space<hbm>> -> memref<1024xf32, #tpu.memory_space<hbm>>
    %dma_wait3A_639 = arith.constant 0 : i32
    %dma_wait3A_640 = tpu.memref_slice %arg15[%dma_wait3A_639] : memref<8192xf32, #tpu.memory_space<vmem>> -> memref<1024xf32, #tpu.memory_space<vmem>>
    tpu.wait_dma2 semaphore(%arg19 : memref<!tpu.dma_semaphore, #tpu.memory_space<semaphore_mem>>) src(%dma_wait3A_640 : memref<1024xf32, #tpu.memory_space<vmem>>) dst(%dma_wait3A_638 : memref<1024xf32, #tpu.memory_space<hbm>>)
    %dma_wait3A_641 = arith.constant 0 : i32
    %dma_wait3A_642 = arith.constant 0 : i32
    %dma_wait3A_643 = tpu.memref_slice %arg15[%dma_wait3A_642] : memref<8192xf32, #tpu.memory_space<vmem>> -> memref<1024xf32, #tpu.memory_space<vmem>>
    %dma_wait3A_644 = arith.constant 0 : i32
    %dma_wait3A_645 = tpu.memref_slice %arg7[%dma_wait3A_641, %dma_wait3A_644] : memref<51200x1024xf32, #tpu.memory_space<hbm>> -> memref<1x1024xf32, #tpu.memory_space<hbm>>
    %dma_wait3A_646 = tpu.memref_squeeze %dma_wait3A_645 : memref<1x1024xf32, #tpu.memory_space<hbm>> -> memref<1024xf32, #tpu.memory_space<hbm>>
    %dma_wait3A_647 = arith.constant 0 : i32
    %dma_wait3A_648 = tpu.memref_slice %arg7[%dma_wait3A_641, %dma_wait3A_647] : memref<51200x1024xf32, #tpu.memory_space<hbm>> -> memref<1x1024xf32, #tpu.memory_space<hbm>>
    %dma_wait3A_649 = tpu.memref_squeeze %dma_wait3A_648 : memref<1x1024xf32, #tpu.memory_space<hbm>> -> memref<1024xf32, #tpu.memory_space<hbm>>
    %dma_wait3A_650 = arith.constant 0 : i32
    %dma_wait3A_651 = tpu.memref_slice %arg15[%dma_wait3A_650] : memref<8192xf32, #tpu.memory_space<vmem>> -> memref<1024xf32, #tpu.memory_space<vmem>>
    tpu.wait_dma2 semaphore(%arg19 : memref<!tpu.dma_semaphore, #tpu.memory_space<semaphore_mem>>) src(%dma_wait3A_651 : memref<1024xf32, #tpu.memory_space<vmem>>) dst(%dma_wait3A_649 : memref<1024xf32, #tpu.memory_space<hbm>>)
    %dma_wait3A_652 = arith.constant 0 : i32
    %dma_wait3A_653 = arith.constant 0 : i32
    %dma_wait3A_654 = tpu.memref_slice %arg15[%dma_wait3A_653] : memref<8192xf32, #tpu.memory_space<vmem>> -> memref<1024xf32, #tpu.memory_space<vmem>>
    %dma_wait3A_655 = arith.constant 0 : i32
    %dma_wait3A_656 = tpu.memref_slice %arg7[%dma_wait3A_652, %dma_wait3A_655] : memref<51200x1024xf32, #tpu.memory_space<hbm>> -> memref<1x1024xf32, #tpu.memory_space<hbm>>
    %dma_wait3A_657 = tpu.memref_squeeze %dma_wait3A_656 : memref<1x1024xf32, #tpu.memory_space<hbm>> -> memref<1024xf32, #tpu.memory_space<hbm>>
    %dma_wait3A_658 = arith.constant 0 : i32
    %dma_wait3A_659 = tpu.memref_slice %arg7[%dma_wait3A_652, %dma_wait3A_658] : memref<51200x1024xf32, #tpu.memory_space<hbm>> -> memref<1x1024xf32, #tpu.memory_space<hbm>>
    %dma_wait3A_660 = tpu.memref_squeeze %dma_wait3A_659 : memref<1x1024xf32, #tpu.memory_space<hbm>> -> memref<1024xf32, #tpu.memory_space<hbm>>
    %dma_wait3A_661 = arith.constant 0 : i32
    %dma_wait3A_662 = tpu.memref_slice %arg15[%dma_wait3A_661] : memref<8192xf32, #tpu.memory_space<vmem>> -> memref<1024xf32, #tpu.memory_space<vmem>>
    tpu.wait_dma2 semaphore(%arg19 : memref<!tpu.dma_semaphore, #tpu.memory_space<semaphore_mem>>) src(%dma_wait3A_662 : memref<1024xf32, #tpu.memory_space<vmem>>) dst(%dma_wait3A_660 : memref<1024xf32, #tpu.memory_space<hbm>>)
    %dma_wait3A_663 = arith.constant 0 : i32
    %dma_wait3A_664 = arith.constant 0 : i32
    %dma_wait3A_665 = tpu.memref_slice %arg15[%dma_wait3A_664] : memref<8192xf32, #tpu.memory_space<vmem>> -> memref<1024xf32, #tpu.memory_space<vmem>>
    %dma_wait3A_666 = arith.constant 0 : i32
    %dma_wait3A_667 = tpu.memref_slice %arg7[%dma_wait3A_663, %dma_wait3A_666] : memref<51200x1024xf32, #tpu.memory_space<hbm>> -> memref<1x1024xf32, #tpu.memory_space<hbm>>
    %dma_wait3A_668 = tpu.memref_squeeze %dma_wait3A_667 : memref<1x1024xf32, #tpu.memory_space<hbm>> -> memref<1024xf32, #tpu.memory_space<hbm>>
    %dma_wait3A_669 = arith.constant 0 : i32
    %dma_wait3A_670 = tpu.memref_slice %arg7[%dma_wait3A_663, %dma_wait3A_669] : memref<51200x1024xf32, #tpu.memory_space<hbm>> -> memref<1x1024xf32, #tpu.memory_space<hbm>>
    %dma_wait3A_671 = tpu.memref_squeeze %dma_wait3A_670 : memref<1x1024xf32, #tpu.memory_space<hbm>> -> memref<1024xf32, #tpu.memory_space<hbm>>
    %dma_wait3A_672 = arith.constant 0 : i32
    %dma_wait3A_673 = tpu.memref_slice %arg15[%dma_wait3A_672] : memref<8192xf32, #tpu.memory_space<vmem>> -> memref<1024xf32, #tpu.memory_space<vmem>>
    tpu.wait_dma2 semaphore(%arg19 : memref<!tpu.dma_semaphore, #tpu.memory_space<semaphore_mem>>) src(%dma_wait3A_673 : memref<1024xf32, #tpu.memory_space<vmem>>) dst(%dma_wait3A_671 : memref<1024xf32, #tpu.memory_space<hbm>>)
    %dma_wait3A_674 = arith.constant 0 : i32
    %dma_wait3A_675 = arith.constant 0 : i32
    %dma_wait3A_676 = tpu.memref_slice %arg16[%dma_wait3A_675] : memref<8192xf32, #tpu.memory_space<vmem>> -> memref<1024xf32, #tpu.memory_space<vmem>>
    %dma_wait3A_677 = arith.constant 0 : i32
    %dma_wait3A_678 = tpu.memref_slice %arg7[%dma_wait3A_674, %dma_wait3A_677] : memref<51200x1024xf32, #tpu.memory_space<hbm>> -> memref<1x1024xf32, #tpu.memory_space<hbm>>
    %dma_wait3A_679 = tpu.memref_squeeze %dma_wait3A_678 : memref<1x1024xf32, #tpu.memory_space<hbm>> -> memref<1024xf32, #tpu.memory_space<hbm>>
    %dma_wait3A_680 = arith.constant 0 : i32
    %dma_wait3A_681 = tpu.memref_slice %arg7[%dma_wait3A_674, %dma_wait3A_680] : memref<51200x1024xf32, #tpu.memory_space<hbm>> -> memref<1x1024xf32, #tpu.memory_space<hbm>>
    %dma_wait3A_682 = tpu.memref_squeeze %dma_wait3A_681 : memref<1x1024xf32, #tpu.memory_space<hbm>> -> memref<1024xf32, #tpu.memory_space<hbm>>
    %dma_wait3A_683 = arith.constant 0 : i32
    %dma_wait3A_684 = tpu.memref_slice %arg16[%dma_wait3A_683] : memref<8192xf32, #tpu.memory_space<vmem>> -> memref<1024xf32, #tpu.memory_space<vmem>>
    tpu.wait_dma2 semaphore(%arg20 : memref<!tpu.dma_semaphore, #tpu.memory_space<semaphore_mem>>) src(%dma_wait3A_684 : memref<1024xf32, #tpu.memory_space<vmem>>) dst(%dma_wait3A_682 : memref<1024xf32, #tpu.memory_space<hbm>>)
    %dma_wait3A_685 = arith.constant 0 : i32
    %dma_wait3A_686 = arith.constant 0 : i32
    %dma_wait3A_687 = tpu.memref_slice %arg16[%dma_wait3A_686] : memref<8192xf32, #tpu.memory_space<vmem>> -> memref<1024xf32, #tpu.memory_space<vmem>>
    %dma_wait3A_688 = arith.constant 0 : i32
    %dma_wait3A_689 = tpu.memref_slice %arg7[%dma_wait3A_685, %dma_wait3A_688] : memref<51200x1024xf32, #tpu.memory_space<hbm>> -> memref<1x1024xf32, #tpu.memory_space<hbm>>
    %dma_wait3A_690 = tpu.memref_squeeze %dma_wait3A_689 : memref<1x1024xf32, #tpu.memory_space<hbm>> -> memref<1024xf32, #tpu.memory_space<hbm>>
    %dma_wait3A_691 = arith.constant 0 : i32
    %dma_wait3A_692 = tpu.memref_slice %arg7[%dma_wait3A_685, %dma_wait3A_691] : memref<51200x1024xf32, #tpu.memory_space<hbm>> -> memref<1x1024xf32, #tpu.memory_space<hbm>>
    %dma_wait3A_693 = tpu.memref_squeeze %dma_wait3A_692 : memref<1x1024xf32, #tpu.memory_space<hbm>> -> memref<1024xf32, #tpu.memory_space<hbm>>
    %dma_wait3A_694 = arith.constant 0 : i32
    %dma_wait3A_695 = tpu.memref_slice %arg16[%dma_wait3A_694] : memref<8192xf32, #tpu.memory_space<vmem>> -> memref<1024xf32, #tpu.memory_space<vmem>>
    tpu.wait_dma2 semaphore(%arg20 : memref<!tpu.dma_semaphore, #tpu.memory_space<semaphore_mem>>) src(%dma_wait3A_695 : memref<1024xf32, #tpu.memory_space<vmem>>) dst(%dma_wait3A_693 : memref<1024xf32, #tpu.memory_space<hbm>>)
    %dma_wait3A_696 = arith.constant 0 : i32
    %dma_wait3A_697 = arith.constant 0 : i32
    %dma_wait3A_698 = tpu.memref_slice %arg16[%dma_wait3A_697] : memref<8192xf32, #tpu.memory_space<vmem>> -> memref<1024xf32, #tpu.memory_space<vmem>>
    %dma_wait3A_699 = arith.constant 0 : i32
    %dma_wait3A_700 = tpu.memref_slice %arg7[%dma_wait3A_696, %dma_wait3A_699] : memref<51200x1024xf32, #tpu.memory_space<hbm>> -> memref<1x1024xf32, #tpu.memory_space<hbm>>
    %dma_wait3A_701 = tpu.memref_squeeze %dma_wait3A_700 : memref<1x1024xf32, #tpu.memory_space<hbm>> -> memref<1024xf32, #tpu.memory_space<hbm>>
    %dma_wait3A_702 = arith.constant 0 : i32
    %dma_wait3A_703 = tpu.memref_slice %arg7[%dma_wait3A_696, %dma_wait3A_702] : memref<51200x1024xf32, #tpu.memory_space<hbm>> -> memref<1x1024xf32, #tpu.memory_space<hbm>>
    %dma_wait3A_704 = tpu.memref_squeeze %dma_wait3A_703 : memref<1x1024xf32, #tpu.memory_space<hbm>> -> memref<1024xf32, #tpu.memory_space<hbm>>
    %dma_wait3A_705 = arith.constant 0 : i32
    %dma_wait3A_706 = tpu.memref_slice %arg16[%dma_wait3A_705] : memref<8192xf32, #tpu.memory_space<vmem>> -> memref<1024xf32, #tpu.memory_space<vmem>>
    tpu.wait_dma2 semaphore(%arg20 : memref<!tpu.dma_semaphore, #tpu.memory_space<semaphore_mem>>) src(%dma_wait3A_706 : memref<1024xf32, #tpu.memory_space<vmem>>) dst(%dma_wait3A_704 : memref<1024xf32, #tpu.memory_space<hbm>>)
    %dma_wait3A_707 = arith.constant 0 : i32
    %dma_wait3A_708 = arith.constant 0 : i32
    %dma_wait3A_709 = tpu.memref_slice %arg16[%dma_wait3A_708] : memref<8192xf32, #tpu.memory_space<vmem>> -> memref<1024xf32, #tpu.memory_space<vmem>>
    %dma_wait3A_710 = arith.constant 0 : i32
    %dma_wait3A_711 = tpu.memref_slice %arg7[%dma_wait3A_707, %dma_wait3A_710] : memref<51200x1024xf32, #tpu.memory_space<hbm>> -> memref<1x1024xf32, #tpu.memory_space<hbm>>
    %dma_wait3A_712 = tpu.memref_squeeze %dma_wait3A_711 : memref<1x1024xf32, #tpu.memory_space<hbm>> -> memref<1024xf32, #tpu.memory_space<hbm>>
    %dma_wait3A_713 = arith.constant 0 : i32
    %dma_wait3A_714 = tpu.memref_slice %arg7[%dma_wait3A_707, %dma_wait3A_713] : memref<51200x1024xf32, #tpu.memory_space<hbm>> -> memref<1x1024xf32, #tpu.memory_space<hbm>>
    %dma_wait3A_715 = tpu.memref_squeeze %dma_wait3A_714 : memref<1x1024xf32, #tpu.memory_space<hbm>> -> memref<1024xf32, #tpu.memory_space<hbm>>
    %dma_wait3A_716 = arith.constant 0 : i32
    %dma_wait3A_717 = tpu.memref_slice %arg16[%dma_wait3A_716] : memref<8192xf32, #tpu.memory_space<vmem>> -> memref<1024xf32, #tpu.memory_space<vmem>>
    tpu.wait_dma2 semaphore(%arg20 : memref<!tpu.dma_semaphore, #tpu.memory_space<semaphore_mem>>) src(%dma_wait3A_717 : memref<1024xf32, #tpu.memory_space<vmem>>) dst(%dma_wait3A_715 : memref<1024xf32, #tpu.memory_space<hbm>>)
    %dma_wait3A_718 = arith.constant 0 : i32
    %dma_wait3A_719 = arith.constant 0 : i32
    %dma_wait3A_720 = tpu.memref_slice %arg16[%dma_wait3A_719] : memref<8192xf32, #tpu.memory_space<vmem>> -> memref<1024xf32, #tpu.memory_space<vmem>>
    %dma_wait3A_721 = arith.constant 0 : i32
    %dma_wait3A_722 = tpu.memref_slice %arg7[%dma_wait3A_718, %dma_wait3A_721] : memref<51200x1024xf32, #tpu.memory_space<hbm>> -> memref<1x1024xf32, #tpu.memory_space<hbm>>
    %dma_wait3A_723 = tpu.memref_squeeze %dma_wait3A_722 : memref<1x1024xf32, #tpu.memory_space<hbm>> -> memref<1024xf32, #tpu.memory_space<hbm>>
    %dma_wait3A_724 = arith.constant 0 : i32
    %dma_wait3A_725 = tpu.memref_slice %arg7[%dma_wait3A_718, %dma_wait3A_724] : memref<51200x1024xf32, #tpu.memory_space<hbm>> -> memref<1x1024xf32, #tpu.memory_space<hbm>>
    %dma_wait3A_726 = tpu.memref_squeeze %dma_wait3A_725 : memref<1x1024xf32, #tpu.memory_space<hbm>> -> memref<1024xf32, #tpu.memory_space<hbm>>
    %dma_wait3A_727 = arith.constant 0 : i32
    %dma_wait3A_728 = tpu.memref_slice %arg16[%dma_wait3A_727] : memref<8192xf32, #tpu.memory_space<vmem>> -> memref<1024xf32, #tpu.memory_space<vmem>>
    tpu.wait_dma2 semaphore(%arg20 : memref<!tpu.dma_semaphore, #tpu.memory_space<semaphore_mem>>) src(%dma_wait3A_728 : memref<1024xf32, #tpu.memory_space<vmem>>) dst(%dma_wait3A_726 : memref<1024xf32, #tpu.memory_space<hbm>>)
    %dma_wait3A_729 = arith.constant 0 : i32
    %dma_wait3A_730 = arith.constant 0 : i32
    %dma_wait3A_731 = tpu.memref_slice %arg16[%dma_wait3A_730] : memref<8192xf32, #tpu.memory_space<vmem>> -> memref<1024xf32, #tpu.memory_space<vmem>>
    %dma_wait3A_732 = arith.constant 0 : i32
    %dma_wait3A_733 = tpu.memref_slice %arg7[%dma_wait3A_729, %dma_wait3A_732] : memref<51200x1024xf32, #tpu.memory_space<hbm>> -> memref<1x1024xf32, #tpu.memory_space<hbm>>
    %dma_wait3A_734 = tpu.memref_squeeze %dma_wait3A_733 : memref<1x1024xf32, #tpu.memory_space<hbm>> -> memref<1024xf32, #tpu.memory_space<hbm>>
    %dma_wait3A_735 = arith.constant 0 : i32
    %dma_wait3A_736 = tpu.memref_slice %arg7[%dma_wait3A_729, %dma_wait3A_735] : memref<51200x1024xf32, #tpu.memory_space<hbm>> -> memref<1x1024xf32, #tpu.memory_space<hbm>>
    %dma_wait3A_737 = tpu.memref_squeeze %dma_wait3A_736 : memref<1x1024xf32, #tpu.memory_space<hbm>> -> memref<1024xf32, #tpu.memory_space<hbm>>
    %dma_wait3A_738 = arith.constant 0 : i32
    %dma_wait3A_739 = tpu.memref_slice %arg16[%dma_wait3A_738] : memref<8192xf32, #tpu.memory_space<vmem>> -> memref<1024xf32, #tpu.memory_space<vmem>>
    tpu.wait_dma2 semaphore(%arg20 : memref<!tpu.dma_semaphore, #tpu.memory_space<semaphore_mem>>) src(%dma_wait3A_739 : memref<1024xf32, #tpu.memory_space<vmem>>) dst(%dma_wait3A_737 : memref<1024xf32, #tpu.memory_space<hbm>>)
    %dma_wait3A_740 = arith.constant 0 : i32
    %dma_wait3A_741 = arith.constant 0 : i32
    %dma_wait3A_742 = tpu.memref_slice %arg16[%dma_wait3A_741] : memref<8192xf32, #tpu.memory_space<vmem>> -> memref<1024xf32, #tpu.memory_space<vmem>>
    %dma_wait3A_743 = arith.constant 0 : i32
    %dma_wait3A_744 = tpu.memref_slice %arg7[%dma_wait3A_740, %dma_wait3A_743] : memref<51200x1024xf32, #tpu.memory_space<hbm>> -> memref<1x1024xf32, #tpu.memory_space<hbm>>
    %dma_wait3A_745 = tpu.memref_squeeze %dma_wait3A_744 : memref<1x1024xf32, #tpu.memory_space<hbm>> -> memref<1024xf32, #tpu.memory_space<hbm>>
    %dma_wait3A_746 = arith.constant 0 : i32
    %dma_wait3A_747 = tpu.memref_slice %arg7[%dma_wait3A_740, %dma_wait3A_746] : memref<51200x1024xf32, #tpu.memory_space<hbm>> -> memref<1x1024xf32, #tpu.memory_space<hbm>>
    %dma_wait3A_748 = tpu.memref_squeeze %dma_wait3A_747 : memref<1x1024xf32, #tpu.memory_space<hbm>> -> memref<1024xf32, #tpu.memory_space<hbm>>
    %dma_wait3A_749 = arith.constant 0 : i32
    %dma_wait3A_750 = tpu.memref_slice %arg16[%dma_wait3A_749] : memref<8192xf32, #tpu.memory_space<vmem>> -> memref<1024xf32, #tpu.memory_space<vmem>>
    tpu.wait_dma2 semaphore(%arg20 : memref<!tpu.dma_semaphore, #tpu.memory_space<semaphore_mem>>) src(%dma_wait3A_750 : memref<1024xf32, #tpu.memory_space<vmem>>) dst(%dma_wait3A_748 : memref<1024xf32, #tpu.memory_space<hbm>>)
    %dma_wait3A_751 = arith.constant 0 : i32
    %dma_wait3A_752 = arith.constant 0 : i32
    %dma_wait3A_753 = tpu.memref_slice %arg16[%dma_wait3A_752] : memref<8192xf32, #tpu.memory_space<vmem>> -> memref<1024xf32, #tpu.memory_space<vmem>>
    %dma_wait3A_754 = arith.constant 0 : i32
    %dma_wait3A_755 = tpu.memref_slice %arg7[%dma_wait3A_751, %dma_wait3A_754] : memref<51200x1024xf32, #tpu.memory_space<hbm>> -> memref<1x1024xf32, #tpu.memory_space<hbm>>
    %dma_wait3A_756 = tpu.memref_squeeze %dma_wait3A_755 : memref<1x1024xf32, #tpu.memory_space<hbm>> -> memref<1024xf32, #tpu.memory_space<hbm>>
    %dma_wait3A_757 = arith.constant 0 : i32
    %dma_wait3A_758 = tpu.memref_slice %arg7[%dma_wait3A_751, %dma_wait3A_757] : memref<51200x1024xf32, #tpu.memory_space<hbm>> -> memref<1x1024xf32, #tpu.memory_space<hbm>>
    %dma_wait3A_759 = tpu.memref_squeeze %dma_wait3A_758 : memref<1x1024xf32, #tpu.memory_space<hbm>> -> memref<1024xf32, #tpu.memory_space<hbm>>
    %dma_wait3A_760 = arith.constant 0 : i32
    %dma_wait3A_761 = tpu.memref_slice %arg16[%dma_wait3A_760] : memref<8192xf32, #tpu.memory_space<vmem>> -> memref<1024xf32, #tpu.memory_space<vmem>>
    tpu.wait_dma2 semaphore(%arg20 : memref<!tpu.dma_semaphore, #tpu.memory_space<semaphore_mem>>) src(%dma_wait3A_761 : memref<1024xf32, #tpu.memory_space<vmem>>) dst(%dma_wait3A_759 : memref<1024xf32, #tpu.memory_space<hbm>>)
    %dma_wait3A_762 = arith.constant 0 : i32
    %dma_wait3A_763 = tpu.memref_slice %arg2[%dma_wait3A_762] : memref<819200xi32, #tpu.memory_space<hbm>> -> memref<128xi32, #tpu.memory_space<hbm>>
    %dma_wait3A_764 = arith.constant 0 : i32
    %dma_wait3A_765 = tpu.memref_slice %arg2[%dma_wait3A_764] : memref<819200xi32, #tpu.memory_space<hbm>> -> memref<128xi32, #tpu.memory_space<hbm>>
    tpu.wait_dma2 semaphore(%arg17 : memref<!tpu.dma_semaphore, #tpu.memory_space<semaphore_mem>>) src(%dma_wait3A_765 : memref<128xi32, #tpu.memory_space<hbm>>) dst(%arg11 : memref<128xi32, #tpu.memory_space<vmem>>)
    %dma_wait3A_766 = arith.constant 0 : i32
    %dma_wait3A_767 = tpu.memref_slice %arg3[%dma_wait3A_766] : memref<819200xi32, #tpu.memory_space<hbm>> -> memref<128xi32, #tpu.memory_space<hbm>>
    %dma_wait3A_768 = arith.constant 0 : i32
    %dma_wait3A_769 = tpu.memref_slice %arg3[%dma_wait3A_768] : memref<819200xi32, #tpu.memory_space<hbm>> -> memref<128xi32, #tpu.memory_space<hbm>>
    tpu.wait_dma2 semaphore(%arg17 : memref<!tpu.dma_semaphore, #tpu.memory_space<semaphore_mem>>) src(%dma_wait3A_769 : memref<128xi32, #tpu.memory_space<hbm>>) dst(%arg13 : memref<128xi32, #tpu.memory_space<vmem>>)
    %dma_wait3A_770 = arith.constant 0 : i32
    %dma_wait3A_771 = tpu.memref_slice %arg2[%dma_wait3A_770] : memref<819200xi32, #tpu.memory_space<hbm>> -> memref<128xi32, #tpu.memory_space<hbm>>
    %dma_wait3A_772 = arith.constant 0 : i32
    %dma_wait3A_773 = tpu.memref_slice %arg2[%dma_wait3A_772] : memref<819200xi32, #tpu.memory_space<hbm>> -> memref<128xi32, #tpu.memory_space<hbm>>
    tpu.wait_dma2 semaphore(%arg18 : memref<!tpu.dma_semaphore, #tpu.memory_space<semaphore_mem>>) src(%dma_wait3A_773 : memref<128xi32, #tpu.memory_space<hbm>>) dst(%arg12 : memref<128xi32, #tpu.memory_space<vmem>>)
    %dma_wait3A_774 = arith.constant 0 : i32
    %dma_wait3A_775 = tpu.memref_slice %arg3[%dma_wait3A_774] : memref<819200xi32, #tpu.memory_space<hbm>> -> memref<128xi32, #tpu.memory_space<hbm>>
    %dma_wait3A_776 = arith.constant 0 : i32
    %dma_wait3A_777 = tpu.memref_slice %arg3[%dma_wait3A_776] : memref<819200xi32, #tpu.memory_space<hbm>> -> memref<128xi32, #tpu.memory_space<hbm>>
    tpu.wait_dma2 semaphore(%arg18 : memref<!tpu.dma_semaphore, #tpu.memory_space<semaphore_mem>>) src(%dma_wait3A_777 : memref<128xi32, #tpu.memory_space<hbm>>) dst(%arg14 : memref<128xi32, #tpu.memory_space<vmem>>)
    return
  }
}

</mosaic_0001>

<sc_bundles>
// kernel: kernel.3.cloned.1.call-start
scs
__scs_entry_jumppad:
0x0: {  	(pc) =	sbr.rel $0x88, $3  }
0x1: {  	(tag) =	ssettag $0x0;
	lr =	simm.s32 $0x1  }
0x2: {  	[smem:$0x3F9C] =	sst lr;
	_ =	strace $0xD0000000  }
0x3: {  	_ = 	snop  }
0x4: {  	_ = 	snop  }
0x5: {  	_ = 	snop  }
0x6: {  	_ = 	snop  }
0x7: {  	_ = 	snop  }
__scs_overlays_trampoline_lowered:
0x8: {  	[smem:$0x3FAB] =	sst s0  }
0x9: {  	[smem:$0x3FAC] =	sst s1  }
0xa: {  	[smem:$0x3FAD] =	sst s2  }
0xb: {  	[smem:$0x3FAE] =	sst s3  }
0xc: {  	[smem:$0x3FAF] =	sst s4  }
0xd: {  	[smem:$0x3FB0] =	sst s5  }
0xe: {  	[smem:$0x3FB1] =	sst s6  }
0xf: {  	[smem:$0x3FB2] =	sst s7  }
0x10: {  	[smem:$0x3FB3] =	sst s8  }
0x11: {  	[smem:$0x3FB4] =	sst s9;
	s0 =	simm.s32 @!p0 $0x0  }
0x12: {  	s1 =	sld [smem:$0x3F9A];
	s0 =	simm.s32 @p0 $0x1  }
0x13: {  	[smem:$0x3FB5] =	sst s0;
	s0 =	simm.s32 @!p1 $0x0  }
0x14: {  	s2 =	sld [smem:$0x3F99];
	s0 =	simm.s32 @p1 $0x1  }
0x15: {  	[smem:$0x3FB6] =	sst s0;
	s0 =	simm.s32 @!p2 $0x0  }
0x16: {  	s3 =	sld [smem:$0x3FDB];
	s0 =	simm.s32 @p2 $0x1  }
0x17: {  	s4 =	simm.s32 $0x1BF5;
	[smem:$0x3FB8] =	sst s0  }
0x18: {  	s0 =	sld [smem:$0x3F9B];
	_ =	swait.ge [sflag:s4], $0x0  }
0x19: {  	s7 =	sld [smem:$0x3F9C]  }
0x1a: {  	s8 =	sadd.s32 $0xFFFFE003, lr  }
0x1b: {  	s9 =	sadd.s32 $0xFFFFFEF7, lr;
	s5 =	simm.s32 $0xFFFFFFFF;
	p2 =	slt.u32 s8, $0xFFFFF086  }
0x1c: {  	p1 =	slt.u32 s9, $0xF7A;
	s5 =	simm.s32 @!p2 $0x0  }
0x1d: {  	s5 =	simm.s32 @p1 $0x1;
	p0 =	seq.s32 s7, s2  }
0x1e: {  	s7 =	smul.u32 @!p0 $0xF7A, s2;
	p2 =	seq.s32 @!p0 s5, $0x0  }
0x1f: {  	s9 =	smul.u32 $0xF7A, s1;
	s8 =	simm.s32 @!p0 $0x1BF5;
	p2 =	por !p2, p0  }
0x20: {  	[sflag:s8] =	ssyncset.s32 @!p0 $0xFFFFF086;
	s6 =	sadd.s32 @!p0 s3, s7;
	s7 =	simm.s32 @!p0 $0x108  }
0x21: {  	s3 =	sadd.s32 s3, s9;
	s6 =	sadd.s32 @!p0 $0x88, s6;
	s7 =	simm.s32 @p2 $0x1082  }
0x22: {  	[simem:s7], [sflag:s8] =	dma.local @!p0 [hbm:s6], $0xF7A  }
0x23: {  	s9 =	sor.u32 $0xD0000000, s2;
	s6 =	simm.s32 $0x108;
	_ =	swait.ge @!p0 [sflag:s8], $0x0  }
0x24: {  	s3 =	sadd.s32 $0x88, s3;
	s6 =	simm.s32 @!p1 $0x1082;
	[sflag:s4] =	ssyncset.s32 $0xFFFFF086  }
0x25: {  	[simem:s6], [sflag:s4] =	dma.local [hbm:s3], $0xF7A  }
0x26: {  	[smem:$0x3F9C] =	sst s1;
	(tag) =	ssettag s2;
	_ =	strace s9  }
0x27: {  	s1 =	sld [smem:$0x3FAC]  }
0x28: {  	s2 =	sld [smem:$0x3FAD]  }
0x29: {  	s4 =	sld [smem:$0x3FAF]  }
0x2a: {  	p0 =	seq.s32 s5, $0x0;
	s5 =	sld [smem:$0x3FB0]  }
0x2b: {  	s6 =	sld [smem:$0x3FB1]  }
0x2c: {  	s7 =	sld [smem:$0x3FB2]  }
0x2d: {  	s3 =	simm.s32 $0x108;
	s8 =	sld [smem:$0x3FB3]  }
0x2e: {  	s3 =	simm.s32 @!p0 $0x1082;
	s9 =	sld [smem:$0x3FB4]  }
0x2f: {  	lr =	sadd.s32 s0, s3;
	s0 =	sld [smem:$0x3FAB]  }
0x30: {  	s3 =	sld [smem:$0x3FAE]  }
0x31: {  	[smem:$0x3FB7] =	sst s10  }
0x32: {  	s10 =	sld [smem:$0x3FB5];
	_ =	sdelay $0x3  }
0x33: {  	p0 =	seq.s32 s10, $0x1;
	s10 =	sld [smem:$0x3FB7];
	_ =	sdelay $0x3  }
0x34: {  	[smem:$0x3FB7] =	sst s10  }
0x35: {  	s10 =	sld [smem:$0x3FB6];
	_ =	sdelay $0x3  }
0x36: {  	p1 =	seq.s32 s10, $0x1;
	s10 =	sld [smem:$0x3FB7];
	_ =	sdelay $0x3  }
0x37: {  	[smem:$0x3FB7] =	sst s10  }
0x38: {  	s10 =	sld [smem:$0x3FB8]  }
0x39: {  	_ = 	snop;
	(pc) =	sbr.ind lr, $3  }
0x3a: {  	_ = 	snop  }
0x3b: {  	_ = 	snop  }
0x3c: {  	p2 =	seq.s32 s10, $0x1;
	s10 =	sld [smem:$0x3FB7]  }
0x3d: {  	_ =	shalt  }
0x3e: {  	_ =	shalt  }
0x3f: {  	_ =	shalt  }
0x40: {  	_ =	shalt  }
0x41: {  	_ =	shalt  }
0x42: {  	_ =	shalt  }
0x43: {  	_ =	shalt  }
0x44: {  	_ =	shalt  }
0x45: {  	_ =	shalt  }
0x46: {  	_ =	shalt  }
0x47: {  	_ =	shalt  }
0x48: {  	_ =	shalt  }
0x49: {  	_ =	shalt  }
0x4a: {  	_ =	shalt  }
0x4b: {  	_ =	shalt  }
0x4c: {  	_ =	shalt  }
0x4d: {  	_ =	shalt  }
0x4e: {  	_ =	shalt  }
0x4f: {  	_ =	shalt  }
0x50: {  	_ =	shalt  }
0x51: {  	_ =	shalt  }
0x52: {  	_ =	shalt  }
0x53: {  	_ =	shalt  }
0x54: {  	_ =	shalt  }
0x55: {  	_ =	shalt  }
0x56: {  	_ =	shalt  }
0x57: {  	_ =	shalt  }
0x58: {  	_ =	shalt  }
0x59: {  	_ =	shalt  }
0x5a: {  	_ =	shalt  }
0x5b: {  	_ =	shalt  }
0x5c: {  	_ =	shalt  }
0x5d: {  	_ =	shalt  }
0x5e: {  	_ =	shalt  }
0x5f: {  	_ =	shalt  }
0x60: {  	_ =	shalt  }
0x61: {  	_ =	shalt  }
0x62: {  	_ =	shalt  }
0x63: {  	_ =	shalt  }
0x64: {  	_ =	shalt  }
0x65: {  	_ =	shalt  }
0x66: {  	_ =	shalt  }
0x67: {  	_ =	shalt  }
0x68: {  	_ =	shalt  }
0x69: {  	_ =	shalt  }
0x6a: {  	_ =	shalt  }
0x6b: {  	_ =	shalt  }
0x6c: {  	_ =	shalt  }
0x6d: {  	_ =	shalt  }
0x6e: {  	_ =	shalt  }
0x6f: {  	_ =	shalt  }
0x70: {  	_ =	shalt  }
0x71: {  	_ =	shalt  }
0x72: {  	_ =	shalt  }
0x73: {  	_ =	shalt  }
0x74: {  	_ =	shalt  }
0x75: {  	_ =	shalt  }
0x76: {  	_ =	shalt  }
0x77: {  	_ =	shalt  }
0x78: {  	_ =	shalt  }
0x79: {  	_ =	shalt  }
0x7a: {  	_ =	shalt  }
0x7b: {  	_ =	shalt  }
0x7c: {  	_ =	shalt  }
0x7d: {  	_ =	shalt  }
0x7e: {  	_ =	shalt  }
0x7f: {  	_ =	shalt  }
0x80: {  	_ =	shalt  }
0x81: {  	_ =	shalt  }
0x82: {  	_ =	shalt  }
0x83: {  	_ =	shalt  }
0x84: {  	_ =	shalt  }
0x85: {  	_ =	shalt  }
0x86: {  	_ =	shalt  }
0x87: {  	_ =	shalt  }
.Lfunc_end0:
.L_simem_size_0:
called_computation_lowered:
.L_overlay_start_0:
0x88: {  	s2 =	sld [smem:$0x3FD9]  }
0x89: {  	s3 =	sld [smem:$0x3FFE];
	_ =	sdelay $0x1  }
0x8a: {  	s1 =	srdreg.scid  }
0x8b: {  	s0 =	sand.u32 $0x1, s1  }
0x8c: {  	s17 =	sshll.u32 s0, $0xA;
	s2 =	sadd.s32 s3, s2  }
0x8d: {  	s2 =	sadd.s32 s2, s17  }
0x8e: {  	[smem:$0x3FC3] =	sst s2  }
0x8f: {  	_ = 	snop  }
0x90: {  	s2 =	sld [smem:$0x3FC9]  }
0x91: {  	s18 =	sld [smem:$0x3FC8]  }
0x92: {  	s4 =	sld [smem:$0x3FD0];
	(tm) =	ssettm $0x1  }
0x93: {  	s5 =	sld [smem:$0x3FFB];
	_ =	sdelay $0x3  }
0x94: {  	_ =	strace s5  }
0x95: {  	s5 =	sld [smem:$0x3FFC];
	_ =	sdelay $0x3  }
0x96: {  	_ =	strace s5  }
0x97: {  	s5 =	sld [smem:$0x3FFD];
	_ =	sdelay $0x3  }
0x98: {  	_ =	strace s5  }
0x99: {  	_ =	strace $0x8FFFFFFF  }
0x9a: {  	s19 =	sld [smem:$0x3FDB];
	_ =	sdelay $0x1  }
0x9b: {  	s6 =	simm.s32 $_scs_section_size  }
0x9c: {  	s7 =	simm.s32 $_size__tile_overlayer_lowered;
	s8 =	simm.s32 $_tile_overlayer_lowered  }
0x9d: {  	s22 =	simm.s32 $0x1BFF;
	s21 =	sshll.u32 s8, $0x1;
	s5 =	sadd.s32 s6, s19  }
0x9e: {  	s9 =	simm.s32 $0x0;
	s20 =	sshll.u32 s7, $0x1;
	s7 =	sadd.s32 s21, s5  }
0x9f: {  	[timem:s9], [sflag:s22] =	dma.local [hbm:s7], s20  }
0xa0: {  	_ =	swait.ge [sflag:s22], s20  }
0xa1: {  	s6 =	ssub.s32 $0x0, s20;
	[sflag:s22] =	ssyncset.done $0x0  }
0xa2: {  	[sflag:s22] =	ssyncadd.s32 s6;
	_ =	sdelay $0x1  }
0xa3: {  	s23 =	simm.s32 $0x1B8B  }
0xa4: {  	_ =	swait.ge [sflag:s23], $0x1  }
0xa5: {  	[sflag:s23] =	ssyncset.done $0x0  }
0xa6: {  	s25 =	simm.s32 $0x1B8E;
	s24 =	sld [smem:$0x3FFE];
	[sflag:s23] =	ssyncadd.s32 $0xFFFFFFFF  }
0xa7: {  	s26 =	simm.s32 $execute0_lowered;
	[smem:$0x3FD2] =	sst s25  }
0xa8: {  	s7 =	sshll.u32 s26, $0x1;
	_ =	strace $0x80000046;
	[dreg:$0x1] =	wrdreg $0xFFFFFFFF  }
0xa9: {  	s28 =	simm.s32 $_size_execute0_lowered;
	s5 =	sadd.s32 s5, s7;
	[dreg:$0x0] =	wrdreg $0x0  }
0xaa: {  	s7 =	sshll.u32 s28, $0x1;
	[dreg:$0x2] =	wrdreg s5  }
0xab: {  	[dreg:$0x3] =	wrdreg s7  }
0xac: {  	[dreg:$0x4] =	wrdreg $0xC0  }
0xad: {  	_ =	task [dreg:s9], $0x5FFFF  }
0xae: {  	[dreg:$0x1] =	wrdreg $0xFFFFFFFF  }
0xaf: {  	[dreg:$0x0] =	wrdreg $0x60  }
0xb0: {  	[dreg:$0x2] =	wrdreg s2  }
0xb1: {  	[dreg:$0x3] =	wrdreg s18  }
0xb2: {  	[dreg:$0x4] =	wrdreg s24  }
0xb3: {  	[dreg:$0x5] =	wrdreg s4  }
0xb4: {  	[dreg:$0x6] =	wrdreg $0x9  }
0xb5: {  	_ =	task.clear_ibuf [dreg:s9], $0x7FFFF;
	_ =	strace $0x90000046  }
0xb6: {  	s29 =	simm.s32 $0x9;
	_ =	strace $0x80000048  }
0xb7: {  	_ =	swait.ge [sflag:s29], $0x1  }
0xb8: {  	[sflag:s29] =	ssyncadd.s32 $0xFFFFFFFF  }
0xb9: {  	_ =	strace $0x90000048  }
0xba: {  	_ =	sfence  }
0xbb: {  	s30 =	sld [smem:$0x0];
	_ =	sdelay $0x2  }
0xbc: {  	s31 =	sshll.u32 s1, $0xD;
	s1 =	sshrl.u32 s1, $0x2  }
0xbd: {  	s3 =	sand.u32 $0x4000, s31;
	s1 =	sadd.s32 s1, s30  }
0xbe: {  	s0 =	sor.u32 s3, s0;
	s1 =	sshll.u32 s1, $0x11  }
0xbf: {  	s0 =	sor.u32 s1, s0  }
0xc0: {  	s0 =	sadd.s32 $0x8F2B, s0  }
0xc1: {  	[sflag:s0] =	ssyncadd.remote.s32 $0x1  }
0xc2: {  	_ =	sfence.sel $0xFFFF  }
0xc3: {  	[dreg:$0x0] =	wrdreg $0xFFFFFFFF;
	(pc) =	sbr.abs _section_cstart, $3  }
0xc4: {  	[dreg:$0x1] =	wrdreg $0xFFFFFFFF  }
0xc5: {  	_ =	task.clear_ibuf [dreg:s9], $0x2FFFF;
	_ =	strace $0x9FFFFFFF  }
0xc6: {  	(tm) =	ssettm $0x7FFFFFFF  }
0xc7: {  	_ =	shalt  }
tec
execute0_lowered:
.L_overlay_start_1:
0x0: {  	(tag) =	ssettag $0x1  }
0x1: {  	s1 =	rddreg [dreg:$0x0]  }
0x2: {  	s2 =	rddreg [dreg:$0x1]  }
0x3: {  	s0 =	rddreg [dreg:$0x2]  }
0x4: {  	s3 =	rddreg [dreg:$0x3]  }
0x5: {  	s4 =	simm.s32 $0x0;
	s5 =	srdreg.scid;
	s8 =	stileid.u32  }
0x6: {  	[smem:$0x7FF] =	sst s4;
	s6 =	sadd.s32 $0x1400, s0;
	s5 =	sand.u32 $0x1, s5  }
0x7: {  	s16 =	sadd.s32 $0x400, s0;
	s8 =	sshll.u32 s8, $0x8;
	_ =	strace $0x80000047  }
0x8: {  	[dreg:$0x5] =	wrdreg s6;
	s17 =	ssub.s32 $0x2, s5;
	s5 =	sshll.u32 s5, $0x7  }
0x9: {  	s0 =	sadd.s32 $0xC00, s0;
	[dreg:$0x6] =	wrdreg s16;
	s9 =	sor.u32 s5, s8  }
0xa: {  	[dreg:$0x7] =	wrdreg s0;
	s5 =	sadd.s32 s1, s9  }
0xb: {  	s16 =	sadd.s32 $0x1000, s3;
	s19 =	sadd.s32 s2, s9;
	[dreg:$0x8] =	wrdreg s5  }
0xc: {  	s29 =	sadd.s32 $0x5000, s3;
	s24 =	sadd.s32 s9, s16;
	[dreg:$0x9] =	wrdreg s19  }
0xd: {  	s30 =	sadd.s32 $0x6000, s3;
	s12 =	sadd.s32 s9, s29;
	[dreg:$0xf] =	wrdreg s24  }
0xe: {  	s31 =	sadd.s32 $0x7000, s3;
	s13 =	sadd.s32 s9, s30;
	[dreg:$0x16] =	wrdreg s12  }
0xf: {  	s14 =	sadd.s32 s9, s31;
	[dreg:$0x17] =	wrdreg s13  }
0x10: {  	s20 =	sor.u32 $0x10, s9;
	s6 =	sadd.s32 s3, s9;
	[dreg:$0x18] =	wrdreg s14  }
0x11: {  	s7 =	sshrl.u32 s17, $0x1;
	s21 =	sadd.s32 s1, s20;
	[dreg:$0xe] =	wrdreg s6  }
0x12: {  	s22 =	sor.u32 $0x20, s9;
	s5 =	sadd.s32 s2, s20;
	[dreg:$0xa] =	wrdreg s21  }
0x13: {  	s26 =	sor.u32 $0x30, s9;
	s23 =	sadd.s32 s1, s22;
	[dreg:$0xb] =	wrdreg s5  }
0x14: {  	s18 =	ssub.s32 s17, s7;
	s8 =	sadd.s32 s1, s26;
	[dreg:$0xc] =	wrdreg s23  }
0x15: {  	s0 =	smax.u32 s18, $0x1;
	[dreg:$0x11] =	wrdreg s8  }
0x16: {  	s15 =	sadd.s32 $0x8000, s6;
	[dreg:$0x13] =	wrdreg s0  }
0x17: {  	s17 =	sadd.s32 $0x9000, s6;
	[dreg:$0x19] =	wrdreg s15  }
0x18: {  	s18 =	sadd.s32 $0xA000, s6;
	[dreg:$0x1a] =	wrdreg s17  }
0x19: {  	s28 =	simm.s32 $0x19840;
	s20 =	sadd.s32 $0xB000, s6;
	[dreg:$0x1b] =	wrdreg s18  }
0x1a: {  	s7 =	simm.s32 $0x2;
	s24 =	sadd.s32 $0xD000, s6;
	[dreg:$0x1c] =	wrdreg s20  }
0x1b: {  	s19 =	sadd.s32 $0x2000, s3;
	s5 =	sadd.s32 s2, s22;
	[dreg:$0x1e] =	wrdreg s24  }
0x1c: {  	s25 =	sadd.s32 s9, s19;
	s21 =	sadd.s32 $0x3000, s3;
	[dreg:$0xd] =	wrdreg s5  }
0x1d: {  	s22 =	sadd.s32 $0x4000, s3;
	s23 =	sadd.s32 $0xC000, s6;
	[dreg:$0x10] =	wrdreg s25  }
0x1e: {  	s20 =	simm.s32 $0xFA00;
	s5 =	sadd.s32 s2, s26;
	[dreg:$0x1d] =	wrdreg s23  }
0x1f: {  	s24 =	simm.s32 $0x15F40;
	s10 =	sadd.s32 s9, s21;
	[dreg:$0x12] =	wrdreg s5  }
0x20: {  	s0 =	simm.s32 $0x19C40;
	s11 =	sadd.s32 s9, s22;
	[dreg:$0x14] =	wrdreg s10  }
0x21: {  	s8 =	simm.s32 $0x4;
	s25 =	sadd.s32 $0xE000, s6;
	[dreg:$0x15] =	wrdreg s11  }
0x22: {  	s26 =	sadd.s32 $0xF000, s6;
	s23 =	simm.s32 $0x15E40;
	[dreg:$0x1f] =	wrdreg s25  }
0x23: {  	s6 =	simm.s32 $0x3;
	[smem:$0x7FD] =	sst s26;
	s25 =	simm.s32 $0x15EC0  }
0x24: {  	s26 =	simm.s32 $0x15FC0;
	s5 =	simm.s32 $0x1;
	s11 =	simm.s32 $0x0  }
.LBB2_1:
0x25: {  	[smem:$0x7FC] =	sst s11  }
0x26: {  	s10 =	rddreg [dreg:$0x5];
	s11 =	simm.s32 $0x5  }
0x27: {  	[tilespmem:s4], [sflag:$0x5] =	stream.linear.gather [hbm4b:s10+s4], $0xFA00, $0x38;
	[tilespmem:$0x1A040] =	vst v63  }
0x28: {  	_ =	swait.ge [sflag:s11], $0xFA00  }
0x29: {  	[sflag:s11] =	ssyncset.done $0x0  }
0x2a: {  	s17 =	rddreg [dreg:$0x6];
	[sflag:s11] =	ssyncadd.s32 $0xFFFF0600  }
0x2b: {  	[tilespmem:s20], [sflag:$0x5] =	stream.linear.gather [hbm4b:s17+s4], $0x3240, $0x38;
	[tilespmem:$0x1A040] =	vst v63  }
0x2c: {  	_ =	swait.ge [sflag:s11], $0x3240  }
0x2d: {  	[sflag:s11] =	ssyncset.done $0x0  }
0x2e: {  	s12 =	simm.s32 $0x12C40;
	s18 =	rddreg [dreg:$0x7];
	[sflag:s11] =	ssyncadd.s32 $0xFFFFCDC0  }
0x2f: {  	[tilespmem:s12], [sflag:$0x5] =	stream.linear.gather [hbm4b:s18+s4], $0x3200, $0x38;
	[tilespmem:$0x1A040] =	vst v63  }
0x30: {  	_ =	swait.ge [sflag:s11], $0x3200  }
0x31: {  	[sflag:s11] =	ssyncset.done $0x0  }
0x32: {  	s12 =	rddreg [dreg:$0x8];
	[sflag:s11] =	ssyncadd.s32 $0xFFFFCE00  }
0x33: {  	[tilespmem:s23], [sflag:$0x5] =	stream.linear.gather [hbm4b:s12+s4], $0x80, $0x38;
	[tilespmem:$0x1A040] =	vst v63  }
0x34: {  	_ =	swait.ge [sflag:s11], $0x80  }
0x35: {  	[sflag:s11] =	ssyncset.done $0x0  }
0x36: {  	s13 =	rddreg [dreg:$0x9];
	[sflag:s11] =	ssyncadd.s32 $0xFFFFFF80  }
0x37: {  	[tilespmem:s24], [sflag:$0x5] =	stream.linear.gather [hbm4b:s13+s4], $0x80, $0x38;
	[tilespmem:$0x1A040] =	vst v63  }
0x38: {  	_ =	swait.ge [sflag:s11], $0x80  }
0x39: {  	[sflag:s11] =	ssyncset.done $0x0  }
0x3a: {  	s14 =	rddreg [dreg:$0xa];
	[sflag:s11] =	ssyncadd.s32 $0xFFFFFF80  }
0x3b: {  	[tilespmem:s25], [sflag:$0x5] =	stream.linear.gather [hbm4b:s14+s4], $0x80, $0x38;
	[tilespmem:$0x1A040] =	vst v63  }
0x3c: {  	_ =	swait.ge [sflag:s11], $0x80  }
0x3d: {  	[sflag:s11] =	ssyncset.done $0x0  }
0x3e: {  	s15 =	rddreg [dreg:$0xb];
	[sflag:s11] =	ssyncadd.s32 $0xFFFFFF80  }
0x3f: {  	[tilespmem:s26], [sflag:$0x5] =	stream.linear.gather [hbm4b:s15+s4], $0x80, $0x38;
	[tilespmem:$0x1A040] =	vst v63  }
0x40: {  	_ =	swait.ge [sflag:s11], $0x80  }
0x41: {  	[sflag:s11] =	ssyncset.done $0x0  }
0x42: {  	[sflag:s11] =	ssyncadd.s32 $0xFFFFFF80  }
0x43: {  	v9 =	vld [tilespmem:$0x15E40]  }
0x44: {  	v1 =	vld [tilespmem:$0x15E50]  }
0x45: {  	v10 =	vld [tilespmem:$0x15E60]  }
0x46: {  	v8 =	vld [tilespmem:$0x15E70]  }
0x47: {  	v7 =	vld [tilespmem:$0x15E80]  }
0x48: {  	v11 =	vld [tilespmem:$0x15E90]  }
0x49: {  	v6 =	vld [tilespmem:$0x15EA0]  }
0x4a: {  	v12 =	vld [tilespmem:$0x15EB0]  }
0x4b: {  	v5 =	vld [tilespmem:$0x15F40]  }
0x4c: {  	v4 =	vld [tilespmem:$0x15F50]  }
0x4d: {  	v3 =	vld [tilespmem:$0x15F60]  }
0x4e: {  	v2 =	vld [tilespmem:$0x15F70]  }
0x4f: {  	v14 =	vld [tilespmem:$0x15FA0]  }
0x50: {  	v15 =	vld [tilespmem:$0x15FB0]  }
0x51: {  	s17 =	rddreg [dreg:$0xc];
	v0 =	vld [tilespmem:$0x15F80]  }
0x52: {  	v13 =	vld [tilespmem:$0x15F90];
	[tilespmem:s23], [sflag:$0x1] =	stream.linear.gather [hbm4b:s17+s4], $0x80, $0x38  }
0x53: {  	s18 =	rddreg [dreg:$0xd]  }
0x54: {  	[tilespmem:s24], [sflag:$0x1] =	stream.linear.gather [hbm4b:s18+s4], $0x80, $0x38;
	[tilespmem:$0x1A040] =	vst v63  }
0x55: {  	v19 =	vld [tilespmem:$0x12C40]  }
0x56: {  	v18 =	vld [tilespmem:$0x12C50]  }
0x57: {  	v22 =	vld.idx.msk [tilespmem:v14+s20+$0x0], $0xffff  }
0x58: {  	v16 =	vld.idx.msk [tilespmem:v15+s20+$0x0], $0xffff  }
0x59: {  	v20 =	vld.idx.msk [tilespmem:v11+s4+$0x0], $0xffff  }
0x5a: {  	v21 =	vld.idx.msk [tilespmem:v13+s20+$0x0], $0xffff  }
0x5b: {  	v23 =	vld.idx.msk [tilespmem:v9+s4+$0x0], $0xffff  }
0x5c: {  	v24 =	vld.idx.msk [tilespmem:v12+s4+$0x0], $0xffff  }
0x5d: {  	v25 =	vld.idx.msk [tilespmem:v10+s4+$0x0], $0xffff  }
0x5e: {  	v26 =	vld.idx.msk [tilespmem:v8+s4+$0x0], $0xffff  }
0x5f: {  	v27 =	vld.idx.msk [tilespmem:v7+s4+$0x0], $0xffff  }
0x60: {  	v28 =	vld.idx.msk [tilespmem:v5+s20+$0x0], $0xffff  }
0x61: {  	v30 =	vld.idx.msk [tilespmem:v3+s20+$0x0], $0xffff  }
0x62: {  	v32 =	vld.idx.msk [tilespmem:v2+s20+$0x0], $0xffff  }
0x63: {  	v31 =	vmov s4;
	v34 =	vld.idx.msk [tilespmem:v6+s4+$0x0], $0xffff  }
0x64: {  	v29 =	vld.idx.msk [tilespmem:v4+s20+$0x0], $0xffff;
	v31 =	vperm.xlane v19, v31;
	v16 =	vadd.f32 v16, v24  }
0x65: {  	v24 =	vld.idx.msk [tilespmem:v0+s20+$0x0], $0xffff;
	v20 =	vadd.f32 v21, v20;
	v23 =	vadd.f32 v28, v23  }
0x66: {  	v33 =	vld.idx.msk [tilespmem:v1+s4+$0x0], $0xffff;
	v25 =	vadd.f32 v30, v25;
	v21 =	vadd.f32 v16, v31  }
0x67: {  	s11 =	simm.s32 $0x16080;
	v17 =	vld [tilespmem:$0x12C60];
	v26 =	vadd.f32 v32, v26;
	v28 =	vadd.f32 v20, v31  }
0x68: {  	v22 =	vadd.f32 v22, v34;
	v16 =	vld [tilespmem:$0x12C70];
	v23 =	vadd.f32 v23, v31;
	[tilespmem:s11+$0x30] =	vst v21  }
0x69: {  	v25 =	vadd.f32 v25, v31;
	v26 =	vadd.f32 v26, v31;
	[tilespmem:s11+$0x10] =	vst v28  }
0x6a: {  	v20 =	vadd.s32 $0xC9, v14;
	v22 =	vadd.f32 v22, v31;
	[tilespmem:s11+$0xFFFFFFC0] =	vst v23;
	v24 =	vadd.f32 v24, v27  }
0x6b: {  	v62 =	vadd.s32 s4, v20;
	v21 =	vadd.s32 $0xC9, v15;
	[tilespmem:s11+$0xFFFFFFE0] =	vst v25;
	v27 =	vadd.f32 v29, v33  }
0x6c: {  	v23 =	vadd.s32 $0x3E8, v11;
	[tilespmem:s11+$0xFFFFFFF0] =	vst v26;
	v63 =	vadd.s32 s4, v21;
	v24 =	vadd.f32 v24, v31  }
0x6d: {  	v25 =	vadd.s32 $0xC9, v13;
	[tilespmem:s11+$0x20] =	vst v22;
	v38 =	vadd.s32 s4, v23;
	v28 =	vadd.f32 v27, v31  }
0x6e: {  	v39 =	vadd.s32 s4, v25;
	v27 =	vadd.s32 $0x3E8, v9;
	[tilespmem:s11+$0x0] =	vst v24  }
0x6f: {  	v34 =	vadd.s32 $0x3E8, v12;
	v45 =	vadd.s32 s4, v27;
	[tilespmem:s11+$0xFFFFFFD0] =	vst v28  }
0x70: {  	v36 =	vadd.s32 $0xC9, v5;
	v41 =	vadd.s32 s4, v34;
	v28 =	vadd.s32 $0x3E8, v10;
	v22 =	vld.idx.msk [tilespmem:v62+s20+$0x0], $0xffff  }
0x71: {  	v35 =	vadd.s32 $0xC9, v4;
	v29 =	vadd.s32 $0x3E8, v8;
	v37 =	vld.idx.msk [tilespmem:v63+s20+$0x0], $0xffff;
	v42 =	vadd.s32 s4, v28  }
0x72: {  	v30 =	vadd.s32 $0x3E8, v7;
	v32 =	vadd.s32 $0xC9, v0;
	v44 =	vadd.s32 s4, v29;
	v38 =	vld.idx.msk [tilespmem:v38+s4+$0x0], $0xffff  }
0x73: {  	s10 =	simm.s32 $0x0;
	s12 =	simm.s32 $0x1;
	v43 =	vadd.s32 s4, v30;
	v26 =	vadd.s32 $0x3E8, v6;
	v33 =	vadd.s32 $0xC9, v3;
	v40 =	vld.idx.msk [tilespmem:v39+s20+$0x0], $0xffff  }
0x74: {  	s13 =	simm.s32 $0x0;
	s14 =	simm.s32 $0x0;
	s15 =	simm.s32 $0x2;
	v31 =	vadd.s32 $0xC9, v2;
	v24 =	vadd.s32 $0x3E8, v1;
	v39 =	vld.idx.msk [tilespmem:v45+s4+$0x0], $0xffff;
	v45 =	vadd.s32 s4, v36  }
.LBB2_2:
0x75: {  	p0 =	sne.s32 s15, $0xF;
	v41 =	vld.idx.msk [tilespmem:v41+s10+$0x0], $0xffff;
	v46 =	vadd.s32 s14, v35  }
0x76: {  	v47 =	vadd.s32 s14, v33;
	v42 =	vld.idx.msk [tilespmem:v42+s10+$0x0], $0xffff  }
0x77: {  	v48 =	vadd.s32 s14, v31;
	v44 =	vld.idx.msk [tilespmem:v44+s10+$0x0], $0xffff  }
0x78: {  	v49 =	vadd.s32 s14, v32;
	v43 =	vld.idx.msk [tilespmem:v43+s10+$0x0], $0xffff  }
0x79: {  	v50 =	vadd.s32 s13, v24;
	v45 =	vld.idx.msk [tilespmem:v45+s20+$0x0], $0xffff  }
0x7a: {  	v51 =	vmov s12;
	v52 =	vadd.s32 s13, v26;
	s12 =	smov.u32 s15;
	v46 =	vld.idx.msk [tilespmem:v46+s20+$0x0], $0xffff  }
0x7b: {  	v51 =	vperm.xlane v19, v51;
	v37 =	vadd.f32 v37, v41;
	v47 =	vld.idx.msk [tilespmem:v47+s20+$0x0], $0xffff  }
0x7c: {  	v38 =	vadd.f32 v40, v38;
	v41 =	vld.idx.msk [tilespmem:v48+s20+$0x0], $0xffff  }
0x7d: {  	v37 =	vadd.f32 v37, v51;
	v40 =	vld.idx.msk [tilespmem:v49+s20+$0x0], $0xffff  }
0x7e: {  	s11 =	sadd.s32 $0x80, s11;
	v38 =	vadd.f32 v38, v51;
	v48 =	vld.idx.msk [tilespmem:v50+s10+$0x0], $0xffff  }
0x7f: {  	v39 =	vadd.f32 v45, v39;
	v49 =	vld.idx.msk [tilespmem:v52+s10+$0x0], $0xffff;
	[tilespmem:s11+$0x30] =	vst v37  }
0x80: {  	[tilespmem:s11+$0x10] =	vst v38  }
0x81: {  	v37 =	vadd.f32 v39, v51;
	v38 =	vadd.f32 v47, v42  }
0x82: {  	v39 =	vadd.f32 v41, v44  }
0x83: {  	v38 =	vadd.f32 v38, v51;
	v40 =	vadd.f32 v40, v43;
	[tilespmem:s11+$0xFFFFFFC0] =	vst v37  }
0x84: {  	s14 =	sadd.s32 $0xC9, s14;
	v37 =	vadd.f32 v46, v48;
	v39 =	vadd.f32 v39, v51  }
0x85: {  	v41 =	vadd.s32 s14, v20;
	v40 =	vadd.f32 v40, v51;
	v22 =	vadd.f32 v22, v49;
	[tilespmem:s11+$0xFFFFFFE0] =	vst v38  }
0x86: {  	s13 =	sadd.s32 $0x3E8, s13;
	v38 =	vadd.s32 s14, v21;
	v37 =	vadd.f32 v37, v51;
	[tilespmem:s11+$0xFFFFFFF0] =	vst v39  }
0x87: {  	v39 =	vadd.s32 s13, v23;
	v22 =	vadd.f32 v22, v51;
	[tilespmem:s11+$0x0] =	vst v40  }
0x88: {  	v40 =	vadd.s32 s14, v25;
	[tilespmem:s11+$0xFFFFFFD0] =	vst v37  }
0x89: {  	v45 =	vadd.s32 s13, v27;
	[tilespmem:s11+$0x20] =	vst v22  }
.Ltmp0:
0x8a: {  	v22 =	vld.idx.msk [tilespmem:v41+s20+$0x0], $0xffff;
	v41 =	vadd.s32 s13, v34;
	(pc) =	sbr.rel @p0 .LBB2_2-.Ltmp0, $4  }
0x8b: {  	s10 =	simm.s32 $0x0;
	v42 =	vadd.s32 s13, v28;
	v37 =	vld.idx.msk [tilespmem:v38+s20+$0x0], $0xffff  }
0x8c: {  	v44 =	vadd.s32 s13, v29;
	v38 =	vld.idx.msk [tilespmem:v39+s10+$0x0], $0xffff  }
0x8d: {  	v43 =	vadd.s32 s13, v30;
	v40 =	vld.idx.msk [tilespmem:v40+s20+$0x0], $0xffff  }
0x8e: {  	s15 =	sadd.s32 $0x1, s15;
	v39 =	vld.idx.msk [tilespmem:v45+s10+$0x0], $0xffff;
	v45 =	vadd.s32 s14, v36  }
0x8f: {  	_ =	sdelay $0x3  }
0x90: {  	v20 =	vld.idx.msk [tilespmem:v41+s10+$0x0], $0xffff;
	v21 =	vadd.s32 s14, v35  }
0x91: {  	v23 =	vld.idx.msk [tilespmem:v42+s10+$0x0], $0xffff;
	v25 =	vadd.s32 s14, v33  }
0x92: {  	v27 =	vld.idx.msk [tilespmem:v44+s10+$0x0], $0xffff;
	v28 =	vadd.s32 s14, v31  }
0x93: {  	v29 =	vld.idx.msk [tilespmem:v43+s10+$0x0], $0xffff;
	v30 =	vadd.s32 s14, v32  }
0x94: {  	v53 =	vld.idx.msk [tilespmem:v45+s20+$0x0], $0xffff;
	v24 =	vadd.s32 s13, v24  }
0x95: {  	v26 =	vadd.s32 s13, v26;
	v21 =	vld.idx.msk [tilespmem:v21+s20+$0x0], $0xffff  }
0x96: {  	v25 =	vld.idx.msk [tilespmem:v25+s20+$0x0], $0xffff  }
0x97: {  	v54 =	vmov s12;
	v28 =	vld.idx.msk [tilespmem:v28+s20+$0x0], $0xffff  }
0x98: {  	v19 =	vperm.xlane v19, v54;
	v20 =	vadd.f32 v37, v20;
	v30 =	vld.idx.msk [tilespmem:v30+s20+$0x0], $0xffff  }
0x99: {  	v55 =	vadd.f32 v40, v38;
	v24 =	vld.idx.msk [tilespmem:v24+s10+$0x0], $0xffff  }
0x9a: {  	v26 =	vld.idx.msk [tilespmem:v26+s10+$0x0], $0xffff;
	v31 =	vadd.f32 v53, v39;
	v20 =	vadd.f32 v20, v19  }
0x9b: {  	s11 =	sadd.s32 $0x80, s11;
	v32 =	vadd.f32 v55, v19;
	v23 =	vadd.f32 v25, v23  }
0x9c: {  	[tilespmem:s11+$0x30] =	vst v20;
	v20 =	vadd.f32 v31, v19;
	v25 =	vadd.f32 v28, v27  }
0x9d: {  	[tilespmem:s11+$0x10] =	vst v32;
	v27 =	vadd.f32 v30, v29;
	v23 =	vadd.f32 v23, v19  }
0x9e: {  	s18 =	simm.s32 $0x3E80;
	[tilespmem:s11+$0xFFFFFFC0] =	vst v20;
	v20 =	vadd.f32 v21, v24;
	v21 =	vadd.f32 v25, v19  }
0x9f: {  	v22 =	vadd.f32 v22, v26;
	v26 =	vadd.s32 s18, v8;
	v24 =	vadd.f32 v27, v19;
	[tilespmem:s11+$0xFFFFFFE0] =	vst v23  }
0xa0: {  	s17 =	simm.s32 $0xC90;
	v57 =	vadd.s32 s18, v6;
	v20 =	vadd.f32 v20, v19;
	[tilespmem:s11+$0xFFFFFFF0] =	vst v21  }
0xa1: {  	v58 =	vadd.s32 s17, v5;
	v19 =	vadd.f32 v22, v19;
	[tilespmem:s11+$0x0] =	vst v24  }
0xa2: {  	v59 =	vadd.s32 s17, v4;
	[tilespmem:s11+$0xFFFFFFD0] =	vst v20  }
0xa3: {  	v62 =	vadd.s32 s17, v0;
	[tilespmem:s11+$0x20] =	vst v19  }
0xa4: {  	v22 =	vadd.s32 s18, v11;
	v26 =	vld.idx.msk [tilespmem:v26+s10+$0x0], $0xffff  }
0xa5: {  	v21 =	vadd.s32 s17, v15;
	v29 =	vld.idx.msk [tilespmem:v57+s10+$0x0], $0xffff  }
0xa6: {  	v19 =	vadd.s32 s18, v9;
	v30 =	vld.idx.msk [tilespmem:v58+s20+$0x0], $0xffff  }
0xa7: {  	v24 =	vadd.s32 s18, v12;
	v31 =	vld.idx.msk [tilespmem:v59+s20+$0x0], $0xffff  }
0xa8: {  	v20 =	vadd.s32 s17, v13;
	v63 =	vld.idx.msk [tilespmem:v62+s20+$0x0], $0xffff  }
0xa9: {  	v23 =	vadd.s32 s17, v14;
	v22 =	vld.idx.msk [tilespmem:v22+s10+$0x0], $0xffff  }
0xaa: {  	v25 =	vadd.s32 s18, v10;
	v21 =	vld.idx.msk [tilespmem:v21+s20+$0x0], $0xffff  }
0xab: {  	v56 =	vld.idx.msk [tilespmem:v19+s10+$0x0], $0xffff;
	v19 =	vadd.s32 s18, v1  }
0xac: {  	v60 =	vadd.s32 s17, v3;
	v24 =	vld.idx.msk [tilespmem:v24+s10+$0x0], $0xffff  }
0xad: {  	v34 =	vadd.s32 s17, v2;
	v20 =	vld.idx.msk [tilespmem:v20+s20+$0x0], $0xffff  }
0xae: {  	v27 =	vadd.s32 s18, v7;
	v23 =	vld.idx.msk [tilespmem:v23+s20+$0x0], $0xffff  }
0xaf: {  	v25 =	vld.idx.msk [tilespmem:v25+s10+$0x0], $0xffff  }
0xb0: {  	v61 =	vld.idx.msk [tilespmem:v19+s10+$0x0], $0xffff;
	v19 =	vmov s10  }
0xb1: {  	v21 =	vadd.f32 v21, v24;
	v24 =	vld.idx.msk [tilespmem:v60+s20+$0x0], $0xffff;
	v36 =	vperm.xlane v18, v19  }
0xb2: {  	v20 =	vadd.f32 v20, v22;
	v22 =	vld.idx.msk [tilespmem:v34+s20+$0x0], $0xffff  }
0xb3: {  	v27 =	vld.idx.msk [tilespmem:v27+s10+$0x0], $0xffff;
	v23 =	vadd.f32 v23, v29;
	v21 =	vadd.f32 v21, v36  }
0xb4: {  	s11 =	simm.s32 $0x168B0;
	v28 =	vadd.f32 v30, v56;
	v20 =	vadd.f32 v20, v36  }
0xb5: {  	v23 =	vadd.f32 v23, v36;
	[tilespmem:s11+$0x0] =	vst v21;
	v21 =	vadd.f32 v31, v61  }
0xb6: {  	v24 =	vadd.f32 v24, v25;
	[tilespmem:s11+$0xFFFFFFE0] =	vst v20;
	v20 =	vadd.f32 v28, v36  }
0xb7: {  	s12 =	simm.s32 $0xD59;
	v22 =	vadd.f32 v22, v26;
	[tilespmem:s11+$0xFFFFFFF0] =	vst v23;
	v21 =	vadd.f32 v21, v36  }
0xb8: {  	v26 =	vadd.s32 s12, v14;
	v23 =	vadd.f32 v24, v36;
	v24 =	vadd.f32 v63, v27;
	[tilespmem:s11+$0xFFFFFF90] =	vst v20  }
0xb9: {  	s14 =	simm.s32 $0x4268;
	v20 =	vadd.f32 v22, v36;
	[tilespmem:s11+$0xFFFFFFA0] =	vst v21;
	v21 =	vadd.s32 s12, v15  }
0xba: {  	v22 =	vadd.f32 v24, v36;
	[tilespmem:s11+$0xFFFFFFB0] =	vst v23;
	v23 =	vadd.s32 s14, v11  }
0xbb: {  	v24 =	vadd.s32 s12, v13;
	[tilespmem:s11+$0xFFFFFFC0] =	vst v20  }
0xbc: {  	v25 =	vadd.s32 s14, v9;
	[tilespmem:s11+$0xFFFFFFD0] =	vst v22  }
0xbd: {  	s15 =	simm.s32 $0xE22;
	s13 =	simm.s32 $0x0;
	v22 =	vadd.s32 s14, v12;
	v20 =	vld.idx.msk [tilespmem:v26+s20+$0x0], $0xffff  }
.LBB2_4:
0xbe: {  	p0 =	sne.s32 s15, $0x1857;
	v26 =	vadd.s32 s14, v10;
	v21 =	vld.idx.msk [tilespmem:v21+s20+$0x0], $0xffff  }
0xbf: {  	v27 =	vadd.s32 s14, v8;
	v23 =	vld.idx.msk [tilespmem:v23+s10+$0x0], $0xffff  }
0xc0: {  	v28 =	vadd.s32 s14, v7;
	v24 =	vld.idx.msk [tilespmem:v24+s20+$0x0], $0xffff  }
0xc1: {  	v29 =	vadd.s32 s14, v1;
	v25 =	vld.idx.msk [tilespmem:v25+s10+$0x0], $0xffff  }
0xc2: {  	v30 =	vadd.s32 s14, v6;
	v22 =	vld.idx.msk [tilespmem:v22+s10+$0x0], $0xffff  }
0xc3: {  	v31 =	vadd.s32 s12, v5;
	v26 =	vld.idx.msk [tilespmem:v26+s10+$0x0], $0xffff  }
0xc4: {  	v32 =	vadd.s32 s12, v4;
	v27 =	vld.idx.msk [tilespmem:v27+s10+$0x0], $0xffff  }
0xc5: {  	v33 =	vadd.s32 s12, v3;
	v28 =	vld.idx.msk [tilespmem:v28+s10+$0x0], $0xffff  }
0xc6: {  	v34 =	vadd.s32 s12, v2;
	s13 =	sadd.s32 $0x1, s13;
	v29 =	vld.idx.msk [tilespmem:v29+s10+$0x0], $0xffff  }
0xc7: {  	v36 =	vadd.s32 s12, v0;
	s12 =	smov.u32 s15;
	v35 =	vmov s13;
	v30 =	vld.idx.msk [tilespmem:v30+s10+$0x0], $0xffff  }
0xc8: {  	v35 =	vperm.xlane v18, v35;
	v21 =	vadd.f32 v21, v22;
	v31 =	vld.idx.msk [tilespmem:v31+s20+$0x0], $0xffff  }
0xc9: {  	v23 =	vadd.f32 v24, v23;
	v22 =	vld.idx.msk [tilespmem:v32+s20+$0x0], $0xffff  }
0xca: {  	v21 =	vadd.f32 v21, v35;
	v24 =	vld.idx.msk [tilespmem:v33+s20+$0x0], $0xffff  }
0xcb: {  	s11 =	sadd.s32 $0x80, s11;
	v23 =	vadd.f32 v23, v35;
	v32 =	vld.idx.msk [tilespmem:v34+s20+$0x0], $0xffff  }
0xcc: {  	v33 =	vld.idx.msk [tilespmem:v36+s20+$0x0], $0xffff;
	[tilespmem:s11+$0x0] =	vst v21  }
0xcd: {  	v20 =	vadd.f32 v20, v30;
	[tilespmem:s11+$0xFFFFFFE0] =	vst v23  }
0xce: {  	v21 =	vadd.f32 v31, v25  }
0xcf: {  	v22 =	vadd.f32 v22, v29;
	v20 =	vadd.f32 v20, v35  }
0xd0: {  	v21 =	vadd.f32 v21, v35;
	v23 =	vadd.f32 v24, v26  }
0xd1: {  	v22 =	vadd.f32 v22, v35;
	v24 =	vadd.f32 v32, v27;
	[tilespmem:s11+$0xFFFFFFF0] =	vst v20  }
0xd2: {  	v20 =	vadd.s32 s15, v14;
	v25 =	vadd.f32 v23, v35;
	v26 =	vadd.f32 v33, v28;
	[tilespmem:s11+$0xFFFFFF90] =	vst v21  }
.Ltmp1:
0xd3: {  	s14 =	sadd.s32 $0x3E8, s14;
	v21 =	vadd.s32 s15, v15;
	v27 =	vadd.f32 v24, v35;
	[tilespmem:s11+$0xFFFFFFA0] =	vst v22;
	(pc) =	sbr.rel @p0 .LBB2_4-.Ltmp1, $4  }
0xd4: {  	v23 =	vadd.s32 s14, v11;
	v22 =	vadd.f32 v26, v35;
	[tilespmem:s11+$0xFFFFFFB0] =	vst v25  }
0xd5: {  	v24 =	vadd.s32 s15, v13;
	[tilespmem:s11+$0xFFFFFFC0] =	vst v27  }
0xd6: {  	v25 =	vadd.s32 s14, v9;
	[tilespmem:s11+$0xFFFFFFD0] =	vst v22  }
0xd7: {  	s15 =	sadd.s32 $0xC9, s15;
	v22 =	vadd.s32 s14, v12;
	v20 =	vld.idx.msk [tilespmem:v20+s20+$0x0], $0xffff  }
0xd8: {  	_ =	sdelay $0x3  }
0xd9: {  	v26 =	vadd.s32 s14, v10;
	v21 =	vld.idx.msk [tilespmem:v21+s20+$0x0], $0xffff  }
0xda: {  	v27 =	vadd.s32 s14, v8;
	v23 =	vld.idx.msk [tilespmem:v23+s10+$0x0], $0xffff  }
0xdb: {  	v24 =	vld.idx.msk [tilespmem:v24+s20+$0x0], $0xffff;
	v29 =	vadd.s32 s14, v1  }
0xdc: {  	v25 =	vld.idx.msk [tilespmem:v25+s10+$0x0], $0xffff;
	v30 =	vadd.s32 s14, v6  }
0xdd: {  	v22 =	vld.idx.msk [tilespmem:v22+s10+$0x0], $0xffff;
	v31 =	vadd.s32 s12, v5  }
0xde: {  	v32 =	vadd.s32 s12, v4;
	v26 =	vld.idx.msk [tilespmem:v26+s10+$0x0], $0xffff  }
0xdf: {  	v34 =	vadd.s32 s12, v2;
	v27 =	vld.idx.msk [tilespmem:v27+s10+$0x0], $0xffff  }
0xe0: {  	v33 =	vadd.s32 s12, v3;
	v29 =	vld.idx.msk [tilespmem:v29+s10+$0x0], $0xffff  }
0xe1: {  	v28 =	vadd.s32 s14, v7;
	v30 =	vld.idx.msk [tilespmem:v30+s10+$0x0], $0xffff  }
0xe2: {  	v35 =	vadd.s32 s12, v0;
	s15 =	sadd.s32 $0x1, s13;
	v31 =	vld.idx.msk [tilespmem:v31+s20+$0x0], $0xffff  }
0xe3: {  	v36 =	vmov s15;
	v32 =	vld.idx.msk [tilespmem:v32+s20+$0x0], $0xffff  }
0xe4: {  	v18 =	vperm.xlane v18, v36;
	v21 =	vadd.f32 v21, v22;
	v48 =	vld.idx.msk [tilespmem:v34+s20+$0x0], $0xffff  }
0xe5: {  	v22 =	vld.idx.msk [tilespmem:v33+s20+$0x0], $0xffff;
	v23 =	vadd.f32 v24, v23  }
0xe6: {  	v28 =	vld.idx.msk [tilespmem:v28+s10+$0x0], $0xffff;
	v21 =	vadd.f32 v21, v18  }
0xe7: {  	s11 =	sadd.s32 $0x80, s11;
	v49 =	vld.idx.msk [tilespmem:v35+s20+$0x0], $0xffff;
	v23 =	vadd.f32 v23, v18;
	v20 =	vadd.f32 v20, v30  }
0xe8: {  	[tilespmem:s11+$0x0] =	vst v21;
	v25 =	vadd.f32 v31, v25;
	v21 =	vadd.f32 v32, v29  }
0xe9: {  	v24 =	vadd.f32 v48, v27;
	v20 =	vadd.f32 v20, v18  }
0xea: {  	[tilespmem:s11+$0xFFFFFFE0] =	vst v23;
	v22 =	vadd.f32 v22, v26;
	v23 =	vadd.f32 v25, v18  }
0xeb: {  	s17 =	simm.s32 $0x1920;
	v21 =	vadd.f32 v21, v18;
	v24 =	vadd.f32 v24, v18;
	[tilespmem:s11+$0xFFFFFFF0] =	vst v20  }
0xec: {  	v20 =	vadd.f32 v22, v18;
	v22 =	vadd.f32 v49, v28;
	[tilespmem:s11+$0xFFFFFF90] =	vst v23;
	v23 =	vadd.s32 s17, v14  }
0xed: {  	s18 =	simm.s32 $0x7D00;
	[tilespmem:s11+$0xFFFFFFA0] =	vst v21;
	v21 =	vadd.s32 s17, v15  }
0xee: {  	v50 =	vadd.s32 s18, v12;
	[tilespmem:s11+$0xFFFFFFC0] =	vst v24;
	v18 =	vadd.f32 v22, v18  }
0xef: {  	v51 =	vadd.s32 s18, v10;
	[tilespmem:s11+$0xFFFFFFB0] =	vst v20  }
0xf0: {  	v52 =	vadd.s32 s18, v8;
	[tilespmem:s11+$0xFFFFFFD0] =	vst v18  }
0xf1: {  	v53 =	vadd.s32 s18, v7;
	v23 =	vld.idx.msk [tilespmem:v23+s20+$0x0], $0xffff  }
0xf2: {  	v54 =	vadd.s32 s18, v1;
	s11 =	simm.s32 $0x0;
	v21 =	vld.idx.msk [tilespmem:v21+s20+$0x0], $0xffff  }
0xf3: {  	v55 =	vadd.s32 s18, v6;
	v24 =	vld.idx.msk [tilespmem:v50+s11+$0x0], $0xffff  }
0xf4: {  	v56 =	vadd.s32 s17, v5;
	v25 =	vld.idx.msk [tilespmem:v51+s11+$0x0], $0xffff  }
0xf5: {  	v20 =	vadd.s32 s18, v11;
	v26 =	vld.idx.msk [tilespmem:v52+s11+$0x0], $0xffff  }
0xf6: {  	v22 =	vadd.s32 s17, v13;
	v27 =	vld.idx.msk [tilespmem:v53+s11+$0x0], $0xffff  }
0xf7: {  	v57 =	vadd.s32 s17, v4;
	v28 =	vld.idx.msk [tilespmem:v54+s11+$0x0], $0xffff  }
0xf8: {  	v18 =	vadd.s32 s18, v9;
	v29 =	vld.idx.msk [tilespmem:v55+s11+$0x0], $0xffff  }
0xf9: {  	v60 =	vadd.s32 s17, v0;
	v30 =	vld.idx.msk [tilespmem:v56+s20+$0x0], $0xffff  }
0xfa: {  	v58 =	vadd.s32 s17, v3;
	v20 =	vld.idx.msk [tilespmem:v20+s11+$0x0], $0xffff  }
0xfb: {  	v59 =	vadd.s32 s17, v2;
	v22 =	vld.idx.msk [tilespmem:v22+s20+$0x0], $0xffff  }
0xfc: {  	v31 =	vld.idx.msk [tilespmem:v57+s20+$0x0], $0xffff  }
0xfd: {  	v18 =	vld.idx.msk [tilespmem:v18+s11+$0x0], $0xffff  }
0xfe: {  	v19 =	vperm.xlane v17, v19;
	v62 =	vld.idx.msk [tilespmem:v60+s20+$0x0], $0xffff;
	v21 =	vadd.f32 v21, v24  }
0xff: {  	v61 =	vld.idx.msk [tilespmem:v58+s20+$0x0], $0xffff;
	v23 =	vadd.f32 v23, v29  }
0x100: {  	v20 =	vadd.f32 v22, v20;
	v22 =	vld.idx.msk [tilespmem:v59+s20+$0x0], $0xffff;
	v21 =	vadd.f32 v21, v19  }
0x101: {  	s12 =	simm.s32 $0x170B0;
	v23 =	vadd.f32 v23, v19  }
0x102: {  	v20 =	vadd.f32 v20, v19;
	v18 =	vadd.f32 v30, v18;
	[tilespmem:s12+$0x0] =	vst v21  }
0x103: {  	v21 =	vadd.f32 v31, v28;
	[tilespmem:s12+$0xFFFFFFF0] =	vst v23;
	v23 =	vadd.f32 v62, v27  }
0x104: {  	[tilespmem:s12+$0xFFFFFFE0] =	vst v20;
	v18 =	vadd.f32 v18, v19;
	v20 =	vadd.f32 v61, v25  }
0x105: {  	s13 =	simm.s32 $0x19E9;
	v21 =	vadd.f32 v21, v19;
	v22 =	vadd.f32 v22, v26  }
0x106: {  	v63 =	vadd.s32 s13, v14;
	v20 =	vadd.f32 v20, v19;
	[tilespmem:s12+$0xFFFFFF90] =	vst v18  }
0x107: {  	s14 =	simm.s32 $0x80E8;
	[tilespmem:s12+$0xFFFFFFA0] =	vst v21;
	v18 =	vadd.f32 v22, v19;
	v22 =	vadd.f32 v23, v19;
	v19 =	vadd.s32 s13, v15  }
0x108: {  	v21 =	vadd.s32 s14, v11;
	[tilespmem:s12+$0xFFFFFFB0] =	vst v20  }
0x109: {  	[tilespmem:s12+$0xFFFFFFD0] =	vst v22;
	v22 =	vadd.s32 s13, v13  }
0x10a: {  	v23 =	vadd.s32 s14, v9;
	[tilespmem:s12+$0xFFFFFFC0] =	vst v18  }
0x10b: {  	s15 =	simm.s32 $0x1AB2;
	v20 =	vadd.s32 s14, v12;
	v18 =	vld.idx.msk [tilespmem:v63+s20+$0x0], $0xffff  }
.LBB2_6:
0x10c: {  	p0 =	sne.s32 s15, $0x24E7;
	v24 =	vadd.s32 s14, v10;
	v19 =	vld.idx.msk [tilespmem:v19+s20+$0x0], $0xffff  }
0x10d: {  	v25 =	vadd.s32 s14, v8;
	v21 =	vld.idx.msk [tilespmem:v21+s11+$0x0], $0xffff  }
0x10e: {  	v26 =	vadd.s32 s14, v7;
	v22 =	vld.idx.msk [tilespmem:v22+s20+$0x0], $0xffff  }
0x10f: {  	v27 =	vadd.s32 s14, v1;
	v23 =	vld.idx.msk [tilespmem:v23+s11+$0x0], $0xffff  }
0x110: {  	v28 =	vadd.s32 s14, v6;
	v20 =	vld.idx.msk [tilespmem:v20+s11+$0x0], $0xffff  }
0x111: {  	v29 =	vadd.s32 s13, v5;
	v24 =	vld.idx.msk [tilespmem:v24+s11+$0x0], $0xffff  }
0x112: {  	v30 =	vadd.s32 s13, v4;
	v25 =	vld.idx.msk [tilespmem:v25+s11+$0x0], $0xffff  }
0x113: {  	v31 =	vadd.s32 s13, v3;
	v26 =	vld.idx.msk [tilespmem:v26+s11+$0x0], $0xffff  }
0x114: {  	v32 =	vadd.s32 s13, v2;
	s10 =	sadd.s32 $0x1, s10;
	v27 =	vld.idx.msk [tilespmem:v27+s11+$0x0], $0xffff  }
0x115: {  	v34 =	vadd.s32 s13, v0;
	s13 =	smov.u32 s15;
	v33 =	vmov s10;
	v28 =	vld.idx.msk [tilespmem:v28+s11+$0x0], $0xffff  }
0x116: {  	v33 =	vperm.xlane v17, v33;
	v19 =	vadd.f32 v19, v20;
	v29 =	vld.idx.msk [tilespmem:v29+s20+$0x0], $0xffff  }
0x117: {  	v21 =	vadd.f32 v22, v21;
	v20 =	vld.idx.msk [tilespmem:v30+s20+$0x0], $0xffff  }
0x118: {  	v19 =	vadd.f32 v19, v33;
	v22 =	vld.idx.msk [tilespmem:v31+s20+$0x0], $0xffff  }
0x119: {  	s12 =	sadd.s32 $0x80, s12;
	v21 =	vadd.f32 v21, v33;
	v30 =	vld.idx.msk [tilespmem:v32+s20+$0x0], $0xffff  }
0x11a: {  	v31 =	vld.idx.msk [tilespmem:v34+s20+$0x0], $0xffff;
	[tilespmem:s12+$0x0] =	vst v19  }
0x11b: {  	v18 =	vadd.f32 v18, v28;
	[tilespmem:s12+$0xFFFFFFE0] =	vst v21  }
0x11c: {  	v19 =	vadd.f32 v29, v23  }
0x11d: {  	v20 =	vadd.f32 v20, v27;
	v18 =	vadd.f32 v18, v33  }
0x11e: {  	v19 =	vadd.f32 v19, v33;
	v21 =	vadd.f32 v22, v24  }
0x11f: {  	v20 =	vadd.f32 v20, v33;
	v22 =	vadd.f32 v30, v25;
	[tilespmem:s12+$0xFFFFFFF0] =	vst v18  }
0x120: {  	v18 =	vadd.s32 s15, v14;
	v23 =	vadd.f32 v21, v33;
	v24 =	vadd.f32 v31, v26;
	[tilespmem:s12+$0xFFFFFF90] =	vst v19  }
.Ltmp2:
0x121: {  	s14 =	sadd.s32 $0x3E8, s14;
	v19 =	vadd.s32 s15, v15;
	v25 =	vadd.f32 v22, v33;
	[tilespmem:s12+$0xFFFFFFA0] =	vst v20;
	(pc) =	sbr.rel @p0 .LBB2_6-.Ltmp2, $4  }
0x122: {  	v21 =	vadd.s32 s14, v11;
	v20 =	vadd.f32 v24, v33;
	[tilespmem:s12+$0xFFFFFFB0] =	vst v23  }
0x123: {  	v22 =	vadd.s32 s15, v13;
	[tilespmem:s12+$0xFFFFFFC0] =	vst v25  }
0x124: {  	v23 =	vadd.s32 s14, v9;
	[tilespmem:s12+$0xFFFFFFD0] =	vst v20  }
0x125: {  	s15 =	sadd.s32 $0xC9, s15;
	v20 =	vadd.s32 s14, v12;
	v18 =	vld.idx.msk [tilespmem:v18+s20+$0x0], $0xffff  }
0x126: {  	_ =	sdelay $0x3  }
0x127: {  	v24 =	vadd.s32 s14, v10;
	v19 =	vld.idx.msk [tilespmem:v19+s20+$0x0], $0xffff  }
0x128: {  	s11 =	simm.s32 $0x0;
	v25 =	vadd.s32 s14, v8;
	v22 =	vld.idx.msk [tilespmem:v22+s20+$0x0], $0xffff  }
0x129: {  	v27 =	vadd.s32 s14, v1;
	v21 =	vld.idx.msk [tilespmem:v21+s11+$0x0], $0xffff  }
0x12a: {  	v28 =	vadd.s32 s14, v6;
	v23 =	vld.idx.msk [tilespmem:v23+s11+$0x0], $0xffff  }
0x12b: {  	v29 =	vadd.s32 s13, v5;
	v20 =	vld.idx.msk [tilespmem:v20+s11+$0x0], $0xffff  }
0x12c: {  	v30 =	vadd.s32 s13, v4;
	v24 =	vld.idx.msk [tilespmem:v24+s11+$0x0], $0xffff  }
0x12d: {  	v32 =	vadd.s32 s13, v2;
	v25 =	vld.idx.msk [tilespmem:v25+s11+$0x0], $0xffff  }
0x12e: {  	v31 =	vadd.s32 s13, v3;
	v27 =	vld.idx.msk [tilespmem:v27+s11+$0x0], $0xffff  }
0x12f: {  	v26 =	vadd.s32 s14, v7;
	v28 =	vld.idx.msk [tilespmem:v28+s11+$0x0], $0xffff  }
0x130: {  	v33 =	vadd.s32 s13, v0;
	s10 =	sadd.s32 $0x1, s10;
	v29 =	vld.idx.msk [tilespmem:v29+s20+$0x0], $0xffff  }
0x131: {  	v34 =	vmov s10;
	v30 =	vld.idx.msk [tilespmem:v30+s20+$0x0], $0xffff  }
0x132: {  	v17 =	vperm.xlane v17, v34;
	v19 =	vadd.f32 v19, v20;
	v21 =	vadd.f32 v22, v21;
	v22 =	vld.idx.msk [tilespmem:v32+s20+$0x0], $0xffff  }
0x133: {  	v20 =	vld.idx.msk [tilespmem:v31+s20+$0x0], $0xffff  }
0x134: {  	v26 =	vld.idx.msk [tilespmem:v26+s11+$0x0], $0xffff;
	v19 =	vadd.f32 v19, v17  }
0x135: {  	s15 =	sadd.s32 $0x80, s12;
	v52 =	vld.idx.msk [tilespmem:v33+s20+$0x0], $0xffff;
	v21 =	vadd.f32 v21, v17;
	v18 =	vadd.f32 v18, v28  }
0x136: {  	v23 =	vadd.f32 v29, v23;
	[tilespmem:s15+$0x0] =	vst v19;
	v19 =	vadd.f32 v30, v27  }
0x137: {  	v22 =	vadd.f32 v22, v25;
	v18 =	vadd.f32 v18, v17  }
0x138: {  	[tilespmem:s15+$0xFFFFFFE0] =	vst v21;
	v20 =	vadd.f32 v20, v24;
	v21 =	vadd.f32 v23, v17  }
0x139: {  	s17 =	simm.s32 $0x25B0;
	v19 =	vadd.f32 v19, v17;
	v22 =	vadd.f32 v22, v17;
	[tilespmem:s15+$0xFFFFFFF0] =	vst v18  }
0x13a: {  	v18 =	vadd.f32 v20, v17;
	v20 =	vadd.f32 v52, v26;
	[tilespmem:s15+$0xFFFFFF90] =	vst v21;
	v21 =	vadd.s32 s17, v14  }
0x13b: {  	s18 =	simm.s32 $0xBB80;
	[tilespmem:s15+$0xFFFFFFA0] =	vst v19;
	v19 =	vadd.s32 s17, v15  }
0x13c: {  	v23 =	vadd.s32 s18, v10;
	[tilespmem:s15+$0xFFFFFFC0] =	vst v22;
	v17 =	vadd.f32 v20, v17  }
0x13d: {  	v53 =	vadd.s32 s18, v8;
	[tilespmem:s15+$0xFFFFFFB0] =	vst v18  }
0x13e: {  	v54 =	vadd.s32 s18, v7;
	[tilespmem:s15+$0xFFFFFFD0] =	vst v17  }
0x13f: {  	v55 =	vadd.s32 s18, v1;
	v21 =	vld.idx.msk [tilespmem:v21+s20+$0x0], $0xffff  }
0x140: {  	v22 =	vadd.s32 s18, v12;
	v19 =	vld.idx.msk [tilespmem:v19+s20+$0x0], $0xffff  }
0x141: {  	v18 =	vadd.s32 s18, v11;
	v23 =	vld.idx.msk [tilespmem:v23+s4+$0x0], $0xffff  }
0x142: {  	v20 =	vadd.s32 s17, v13;
	v24 =	vld.idx.msk [tilespmem:v53+s4+$0x0], $0xffff  }
0x143: {  	v56 =	vadd.s32 s18, v6;
	v25 =	vld.idx.msk [tilespmem:v54+s4+$0x0], $0xffff  }
0x144: {  	v57 =	vadd.s32 s17, v5;
	v26 =	vld.idx.msk [tilespmem:v55+s4+$0x0], $0xffff  }
0x145: {  	v17 =	vadd.s32 s18, v9;
	v22 =	vld.idx.msk [tilespmem:v22+s4+$0x0], $0xffff  }
0x146: {  	v59 =	vadd.s32 s17, v3;
	v18 =	vld.idx.msk [tilespmem:v18+s4+$0x0], $0xffff  }
0x147: {  	v58 =	vadd.s32 s17, v4;
	v20 =	vld.idx.msk [tilespmem:v20+s20+$0x0], $0xffff  }
0x148: {  	v60 =	vadd.s32 s17, v2;
	v27 =	vld.idx.msk [tilespmem:v56+s4+$0x0], $0xffff  }
0x149: {  	v61 =	vadd.s32 s17, v0;
	v28 =	vld.idx.msk [tilespmem:v57+s20+$0x0], $0xffff  }
0x14a: {  	v17 =	vld.idx.msk [tilespmem:v17+s4+$0x0], $0xffff  }
0x14b: {  	v62 =	vmov s11;
	v19 =	vadd.f32 v19, v22;
	v22 =	vld.idx.msk [tilespmem:v59+s20+$0x0], $0xffff  }
0x14c: {  	v33 =	vperm.xlane v16, v62;
	v29 =	vld.idx.msk [tilespmem:v58+s20+$0x0], $0xffff;
	v18 =	vadd.f32 v20, v18  }
0x14d: {  	v20 =	vld.idx.msk [tilespmem:v60+s20+$0x0], $0xffff  }
0x14e: {  	v63 =	vld.idx.msk [tilespmem:v61+s20+$0x0], $0xffff;
	v21 =	vadd.f32 v21, v27;
	v18 =	vadd.f32 v18, v33  }
0x14f: {  	s10 =	simm.s32 $0x178B0;
	v19 =	vadd.f32 v19, v33;
	v17 =	vadd.f32 v28, v17  }
0x150: {  	v21 =	vadd.f32 v21, v33;
	[tilespmem:s10+$0xFFFFFFE0] =	vst v18;
	v18 =	vadd.f32 v22, v23  }
0x151: {  	[tilespmem:s10+$0x0] =	vst v19;
	v19 =	vadd.f32 v29, v26;
	v17 =	vadd.f32 v17, v33  }
0x152: {  	s12 =	simm.s32 $0x2679;
	[tilespmem:s10+$0xFFFFFFF0] =	vst v21;
	v20 =	vadd.f32 v20, v24;
	v18 =	vadd.f32 v18, v33  }
0x153: {  	v21 =	vadd.f32 v63, v25;
	v23 =	vadd.s32 s12, v14;
	v19 =	vadd.f32 v19, v33;
	[tilespmem:s10+$0xFFFFFF90] =	vst v17  }
0x154: {  	s13 =	simm.s32 $0xBF68;
	v17 =	vadd.f32 v20, v33;
	[tilespmem:s10+$0xFFFFFFB0] =	vst v18;
	v18 =	vadd.s32 s12, v15  }
0x155: {  	[tilespmem:s10+$0xFFFFFFA0] =	vst v19;
	v19 =	vadd.f32 v21, v33;
	v20 =	vadd.s32 s13, v11  }
0x156: {  	v21 =	vadd.s32 s12, v13;
	[tilespmem:s10+$0xFFFFFFC0] =	vst v17  }
0x157: {  	v22 =	vadd.s32 s13, v9;
	[tilespmem:s10+$0xFFFFFFD0] =	vst v19  }
0x158: {  	s14 =	simm.s32 $0x2742;
	v19 =	vadd.s32 s13, v12;
	v17 =	vld.idx.msk [tilespmem:v23+s20+$0x0], $0xffff  }
.LBB2_8:
0x159: {  	p0 =	sne.s32 s14, $0x3177;
	v23 =	vadd.s32 s13, v10;
	v18 =	vld.idx.msk [tilespmem:v18+s20+$0x0], $0xffff  }
0x15a: {  	v24 =	vadd.s32 s13, v8;
	v20 =	vld.idx.msk [tilespmem:v20+s4+$0x0], $0xffff  }
0x15b: {  	v25 =	vadd.s32 s13, v7;
	v21 =	vld.idx.msk [tilespmem:v21+s20+$0x0], $0xffff  }
0x15c: {  	v26 =	vadd.s32 s13, v1;
	v22 =	vld.idx.msk [tilespmem:v22+s4+$0x0], $0xffff  }
0x15d: {  	v27 =	vadd.s32 s13, v6;
	v19 =	vld.idx.msk [tilespmem:v19+s4+$0x0], $0xffff  }
0x15e: {  	v28 =	vadd.s32 s12, v5;
	v23 =	vld.idx.msk [tilespmem:v23+s4+$0x0], $0xffff  }
0x15f: {  	v29 =	vadd.s32 s12, v4;
	v24 =	vld.idx.msk [tilespmem:v24+s4+$0x0], $0xffff  }
0x160: {  	v30 =	vadd.s32 s12, v3;
	v25 =	vld.idx.msk [tilespmem:v25+s4+$0x0], $0xffff  }
0x161: {  	v31 =	vadd.s32 s12, v2;
	s11 =	sadd.s32 $0x1, s11;
	v26 =	vld.idx.msk [tilespmem:v26+s4+$0x0], $0xffff  }
0x162: {  	v33 =	vadd.s32 s12, v0;
	s12 =	smov.u32 s14;
	v32 =	vmov s11;
	v27 =	vld.idx.msk [tilespmem:v27+s4+$0x0], $0xffff  }
0x163: {  	v32 =	vperm.xlane v16, v32;
	v18 =	vadd.f32 v18, v19;
	v28 =	vld.idx.msk [tilespmem:v28+s20+$0x0], $0xffff  }
0x164: {  	v20 =	vadd.f32 v21, v20;
	v19 =	vld.idx.msk [tilespmem:v29+s20+$0x0], $0xffff  }
0x165: {  	v18 =	vadd.f32 v18, v32;
	v21 =	vld.idx.msk [tilespmem:v30+s20+$0x0], $0xffff  }
0x166: {  	s10 =	sadd.s32 $0x80, s10;
	v20 =	vadd.f32 v20, v32;
	v29 =	vld.idx.msk [tilespmem:v31+s20+$0x0], $0xffff  }
0x167: {  	v30 =	vld.idx.msk [tilespmem:v33+s20+$0x0], $0xffff;
	[tilespmem:s10+$0x0] =	vst v18  }
0x168: {  	v17 =	vadd.f32 v17, v27;
	[tilespmem:s10+$0xFFFFFFE0] =	vst v20  }
0x169: {  	v18 =	vadd.f32 v28, v22  }
0x16a: {  	v19 =	vadd.f32 v19, v26;
	v17 =	vadd.f32 v17, v32  }
0x16b: {  	v18 =	vadd.f32 v18, v32;
	v20 =	vadd.f32 v21, v23  }
0x16c: {  	v19 =	vadd.f32 v19, v32;
	v21 =	vadd.f32 v29, v24;
	[tilespmem:s10+$0xFFFFFFF0] =	vst v17  }
0x16d: {  	v17 =	vadd.s32 s14, v14;
	v22 =	vadd.f32 v20, v32;
	v23 =	vadd.f32 v30, v25;
	[tilespmem:s10+$0xFFFFFF90] =	vst v18  }
.Ltmp3:
0x16e: {  	s13 =	sadd.s32 $0x3E8, s13;
	v18 =	vadd.s32 s14, v15;
	v24 =	vadd.f32 v21, v32;
	[tilespmem:s10+$0xFFFFFFA0] =	vst v19;
	(pc) =	sbr.rel @p0 .LBB2_8-.Ltmp3, $4  }
0x16f: {  	v20 =	vadd.s32 s13, v11;
	v19 =	vadd.f32 v23, v32;
	[tilespmem:s10+$0xFFFFFFB0] =	vst v22  }
0x170: {  	v21 =	vadd.s32 s14, v13;
	[tilespmem:s10+$0xFFFFFFC0] =	vst v24  }
0x171: {  	v22 =	vadd.s32 s13, v9;
	[tilespmem:s10+$0xFFFFFFD0] =	vst v19  }
0x172: {  	s14 =	sadd.s32 $0xC9, s14;
	v19 =	vadd.s32 s13, v12;
	v17 =	vld.idx.msk [tilespmem:v17+s20+$0x0], $0xffff  }
0x173: {  	_ =	sdelay $0x3  }
0x174: {  	v9 =	vadd.s32 s13, v10;
	v10 =	vld.idx.msk [tilespmem:v18+s20+$0x0], $0xffff  }
0x175: {  	v8 =	vadd.s32 s13, v8;
	v11 =	vld.idx.msk [tilespmem:v20+s4+$0x0], $0xffff  }
0x176: {  	v7 =	vadd.s32 s13, v7;
	v12 =	vld.idx.msk [tilespmem:v21+s20+$0x0], $0xffff  }
0x177: {  	v13 =	vld.idx.msk [tilespmem:v22+s4+$0x0], $0xffff;
	v1 =	vadd.s32 s13, v1  }
0x178: {  	v6 =	vadd.s32 s13, v6;
	v14 =	vld.idx.msk [tilespmem:v19+s4+$0x0], $0xffff  }
0x179: {  	v5 =	vadd.s32 s12, v5;
	v9 =	vld.idx.msk [tilespmem:v9+s4+$0x0], $0xffff  }
0x17a: {  	v4 =	vadd.s32 s12, v4;
	v8 =	vld.idx.msk [tilespmem:v8+s4+$0x0], $0xffff  }
0x17b: {  	v3 =	vadd.s32 s12, v3;
	v7 =	vld.idx.msk [tilespmem:v7+s4+$0x0], $0xffff  }
0x17c: {  	v2 =	vadd.s32 s12, v2;
	v1 =	vld.idx.msk [tilespmem:v1+s4+$0x0], $0xffff  }
0x17d: {  	v0 =	vadd.s32 s12, v0;
	v6 =	vld.idx.msk [tilespmem:v6+s4+$0x0], $0xffff  }
0x17e: {  	s11 =	sadd.s32 $0x1, s11;
	v5 =	vld.idx.msk [tilespmem:v5+s20+$0x0], $0xffff  }
0x17f: {  	v15 =	vmov s11;
	v4 =	vld.idx.msk [tilespmem:v4+s20+$0x0], $0xffff  }
0x180: {  	v15 =	vperm.xlane v16, v15;
	v10 =	vadd.f32 v10, v14;
	v3 =	vld.idx.msk [tilespmem:v3+s20+$0x0], $0xffff  }
0x181: {  	v11 =	vadd.f32 v12, v11;
	v2 =	vld.idx.msk [tilespmem:v2+s20+$0x0], $0xffff  }
0x182: {  	v0 =	vld.idx.msk [tilespmem:v0+s20+$0x0], $0xffff;
	v10 =	vadd.f32 v10, v15;
	v6 =	vadd.f32 v17, v6  }
0x183: {  	s10 =	sadd.s32 $0x80, s10;
	v11 =	vadd.f32 v11, v15;
	v5 =	vadd.f32 v5, v13  }
0x184: {  	[tilespmem:s10+$0x0] =	vst v10;
	v1 =	vadd.f32 v4, v1;
	v4 =	vadd.f32 v6, v15  }
0x185: {  	[tilespmem:s10+$0xFFFFFFE0] =	vst v11;
	v3 =	vadd.f32 v3, v9;
	v5 =	vadd.f32 v5, v15  }
0x186: {  	v2 =	vadd.f32 v2, v8;
	v1 =	vadd.f32 v1, v15;
	[tilespmem:s10+$0xFFFFFFF0] =	vst v4  }
0x187: {  	v0 =	vadd.f32 v0, v7;
	v3 =	vadd.f32 v3, v15;
	[tilespmem:s10+$0xFFFFFF90] =	vst v5  }
0x188: {  	v2 =	vadd.f32 v2, v15;
	[tilespmem:s10+$0xFFFFFFA0] =	vst v1  }
0x189: {  	v0 =	vadd.f32 v0, v15;
	[tilespmem:s10+$0xFFFFFFB0] =	vst v3  }
0x18a: {  	[tilespmem:s10+$0xFFFFFFC0] =	vst v2  }
0x18b: {  	s12 =	rddreg [dreg:$0xe];
	s13 =	simm.s32 $0x16040;
	s11 =	simm.s32 $0x0;
	[tilespmem:s10+$0xFFFFFFD0] =	vst v0  }
0x18c: {  	[hbm4b:s12+s11] =	stream.linear.scatter [tilespmem:s13], [sflag:$0x3], $0x400, $0x38;
	[tilespmem:$0x1A040] =	vst v63  }
0x18d: {  	s14 =	rddreg [dreg:$0xf];
	s15 =	simm.s32 $0x16440  }
0x18e: {  	[hbm4b:s14+s11] =	stream.linear.scatter [tilespmem:s15], [sflag:$0x3], $0x400, $0x38;
	[tilespmem:$0x1A040] =	vst v63  }
0x18f: {  	s17 =	rddreg [dreg:$0x10];
	s18 =	simm.s32 $0x16840  }
0x190: {  	[hbm4b:s17+s11] =	stream.linear.scatter [tilespmem:s18], [sflag:$0x3], $0x400, $0x38;
	[tilespmem:$0x1A040] =	vst v63  }
0x191: {  	s12 =	rddreg [dreg:$0x14];
	s13 =	simm.s32 $0x16C40  }
0x192: {  	[hbm4b:s12+s11] =	stream.linear.scatter [tilespmem:s13], [sflag:$0x3], $0x400, $0x38;
	[tilespmem:$0x1A040] =	vst v63  }
0x193: {  	s14 =	rddreg [dreg:$0x15];
	s15 =	simm.s32 $0x17040  }
0x194: {  	[hbm4b:s14+s11] =	stream.linear.scatter [tilespmem:s15], [sflag:$0x3], $0x400, $0x38;
	[tilespmem:$0x1A040] =	vst v63  }
0x195: {  	s17 =	rddreg [dreg:$0x16];
	s18 =	simm.s32 $0x17440  }
0x196: {  	[hbm4b:s17+s11] =	stream.linear.scatter [tilespmem:s18], [sflag:$0x3], $0x400, $0x38;
	[tilespmem:$0x1A040] =	vst v63  }
0x197: {  	s12 =	rddreg [dreg:$0x17];
	s13 =	simm.s32 $0x17840  }
0x198: {  	[hbm4b:s12+s11] =	stream.linear.scatter [tilespmem:s13], [sflag:$0x3], $0x400, $0x38;
	[tilespmem:$0x1A040] =	vst v63  }
0x199: {  	s14 =	rddreg [dreg:$0x18];
	s15 =	simm.s32 $0x17C40  }
0x19a: {  	[hbm4b:s14+s11] =	stream.linear.scatter [tilespmem:s15], [sflag:$0x3], $0x400, $0x38;
	[tilespmem:$0x1A040] =	vst v63  }
0x19b: {  	v9 =	vld [tilespmem:$0x15EC0]  }
0x19c: {  	v1 =	vld [tilespmem:$0x15ED0]  }
0x19d: {  	v10 =	vld [tilespmem:$0x15EE0]  }
0x19e: {  	v8 =	vld [tilespmem:$0x15EF0]  }
0x19f: {  	v7 =	vld [tilespmem:$0x15F00]  }
0x1a0: {  	v11 =	vld [tilespmem:$0x15F10]  }
0x1a1: {  	v6 =	vld [tilespmem:$0x15F20]  }
0x1a2: {  	v12 =	vld [tilespmem:$0x15F30]  }
0x1a3: {  	v5 =	vld [tilespmem:$0x15FC0]  }
0x1a4: {  	v4 =	vld [tilespmem:$0x15FD0]  }
0x1a5: {  	v3 =	vld [tilespmem:$0x15FE0]  }
0x1a6: {  	v2 =	vld [tilespmem:$0x15FF0]  }
0x1a7: {  	v14 =	vld [tilespmem:$0x16020]  }
0x1a8: {  	v15 =	vld [tilespmem:$0x16030]  }
0x1a9: {  	s17 =	rddreg [dreg:$0x11];
	v0 =	vld [tilespmem:$0x16000]  }
0x1aa: {  	v13 =	vld [tilespmem:$0x16010];
	[tilespmem:s25], [sflag:$0x2] =	stream.linear.gather [hbm4b:s17+s11], $0x80, $0x38  }
0x1ab: {  	s18 =	rddreg [dreg:$0x12]  }
0x1ac: {  	[tilespmem:s26], [sflag:$0x2] =	stream.linear.gather [hbm4b:s18+s11], $0x80, $0x38;
	[tilespmem:$0x1A040] =	vst v63  }
0x1ad: {  	v19 =	vld [tilespmem:$0x12C80]  }
0x1ae: {  	v18 =	vld [tilespmem:$0x12C90]  }
0x1af: {  	v16 =	vld.idx.msk [tilespmem:v14+s20+$0x0], $0xffff  }
0x1b0: {  	v20 =	vld.idx.msk [tilespmem:v15+s20+$0x0], $0xffff  }
0x1b1: {  	v21 =	vld.idx.msk [tilespmem:v11+s11+$0x0], $0xffff  }
0x1b2: {  	v22 =	vld.idx.msk [tilespmem:v13+s20+$0x0], $0xffff  }
0x1b3: {  	v23 =	vld.idx.msk [tilespmem:v9+s11+$0x0], $0xffff  }
0x1b4: {  	v24 =	vld.idx.msk [tilespmem:v12+s11+$0x0], $0xffff  }
0x1b5: {  	v25 =	vld.idx.msk [tilespmem:v10+s11+$0x0], $0xffff  }
0x1b6: {  	v27 =	vld.idx.msk [tilespmem:v7+s11+$0x0], $0xffff  }
0x1b7: {  	v28 =	vld.idx.msk [tilespmem:v1+s11+$0x0], $0xffff  }
0x1b8: {  	v29 =	vld.idx.msk [tilespmem:v6+s11+$0x0], $0xffff  }
0x1b9: {  	v30 =	vld.idx.msk [tilespmem:v5+s20+$0x0], $0xffff  }
0x1ba: {  	v33 =	vld.idx.msk [tilespmem:v0+s20+$0x0], $0xffff  }
0x1bb: {  	v31 =	vmov s11;
	v32 =	vld.idx.msk [tilespmem:v4+s20+$0x0], $0xffff  }
0x1bc: {  	v26 =	vld.idx.msk [tilespmem:v8+s11+$0x0], $0xffff;
	v31 =	vperm.xlane v19, v31;
	v20 =	vadd.f32 v20, v24  }
0x1bd: {  	v24 =	vld.idx.msk [tilespmem:v3+s20+$0x0], $0xffff;
	v21 =	vadd.f32 v22, v21;
	v29 =	vadd.f32 v16, v29  }
0x1be: {  	v22 =	vld.idx.msk [tilespmem:v2+s20+$0x0], $0xffff;
	v23 =	vadd.f32 v30, v23;
	v20 =	vadd.f32 v20, v31  }
0x1bf: {  	s10 =	simm.s32 $0x18080;
	v17 =	vld [tilespmem:$0x12CA0];
	v27 =	vadd.f32 v33, v27;
	v21 =	vadd.f32 v21, v31  }
0x1c0: {  	v16 =	vld [tilespmem:$0x12CB0];
	v28 =	vadd.f32 v32, v28;
	v29 =	vadd.f32 v29, v31;
	[tilespmem:s10+$0x30] =	vst v20  }
0x1c1: {  	v23 =	vadd.f32 v23, v31;
	v27 =	vadd.f32 v27, v31;
	[tilespmem:s10+$0x10] =	vst v21  }
0x1c2: {  	v20 =	vadd.s32 $0xC9, v14;
	v21 =	vadd.s32 $0xC9, v15;
	[tilespmem:s10+$0x20] =	vst v29;
	v24 =	vadd.f32 v24, v25  }
0x1c3: {  	[tilespmem:s10+$0xFFFFFFC0] =	vst v23;
	v25 =	vadd.f32 v28, v31;
	v26 =	vadd.f32 v22, v26;
	v28 =	vadd.s32 s11, v20  }
0x1c4: {  	v23 =	vadd.s32 $0xC9, v13;
	[tilespmem:s10+$0x0] =	vst v27;
	v29 =	vadd.s32 s11, v21;
	v24 =	vadd.f32 v24, v31  }
0x1c5: {  	v22 =	vadd.s32 $0x3E8, v11;
	v37 =	vadd.s32 s11, v23;
	v26 =	vadd.f32 v26, v31;
	[tilespmem:s10+$0xFFFFFFD0] =	vst v25  }
0x1c6: {  	v63 =	vadd.s32 s11, v22;
	[tilespmem:s10+$0xFFFFFFE0] =	vst v24;
	v24 =	vadd.s32 $0x3E8, v9  }
0x1c7: {  	v25 =	vadd.s32 $0x3E8, v12;
	[tilespmem:s10+$0xFFFFFFF0] =	vst v26;
	v41 =	vadd.s32 s11, v24  }
0x1c8: {  	v27 =	vadd.s32 $0x3E8, v10;
	v45 =	vadd.s32 s11, v25;
	v36 =	vld.idx.msk [tilespmem:v28+s20+$0x0], $0xffff  }
0x1c9: {  	v30 =	vadd.s32 $0x3E8, v8;
	v46 =	vadd.s32 s11, v27;
	v38 =	vld.idx.msk [tilespmem:v29+s20+$0x0], $0xffff  }
0x1ca: {  	v34 =	vadd.s32 $0x3E8, v7;
	v35 =	vadd.s32 $0x3E8, v6;
	v43 =	vadd.s32 s11, v30;
	v40 =	vld.idx.msk [tilespmem:v37+s20+$0x0], $0xffff  }
0x1cb: {  	v44 =	vadd.s32 s11, v34;
	v32 =	vadd.s32 $0xC9, v5;
	v26 =	vadd.s32 $0x3E8, v1;
	v39 =	vld.idx.msk [tilespmem:v63+s11+$0x0], $0xffff  }
0x1cc: {  	s12 =	simm.s32 $0x1;
	v33 =	vadd.s32 $0xC9, v4;
	v31 =	vadd.s32 $0xC9, v3;
	v42 =	vadd.s32 s11, v26;
	v37 =	vld.idx.msk [tilespmem:v41+s11+$0x0], $0xffff  }
0x1cd: {  	s13 =	simm.s32 $0x0;
	s14 =	simm.s32 $0x2;
	s15 =	simm.s32 $0x0;
	v28 =	vadd.s32 $0xC9, v2;
	v29 =	vadd.s32 $0xC9, v0;
	v41 =	vld.idx.msk [tilespmem:v45+s11+$0x0], $0xffff;
	v45 =	vadd.s32 s11, v35  }
.LBB2_10:
0x1ce: {  	p0 =	sne.s32 s14, $0xF;
	v46 =	vld.idx.msk [tilespmem:v46+s11+$0x0], $0xffff;
	v47 =	vadd.s32 s13, v32  }
0x1cf: {  	v48 =	vadd.s32 s13, v33;
	v43 =	vld.idx.msk [tilespmem:v43+s11+$0x0], $0xffff  }
0x1d0: {  	v49 =	vadd.s32 s13, v31;
	v44 =	vld.idx.msk [tilespmem:v44+s11+$0x0], $0xffff  }
0x1d1: {  	v50 =	vadd.s32 s13, v28;
	v42 =	vld.idx.msk [tilespmem:v42+s11+$0x0], $0xffff  }
0x1d2: {  	v51 =	vmov s12;
	v52 =	vadd.s32 s13, v29;
	s12 =	smov.u32 s14;
	v45 =	vld.idx.msk [tilespmem:v45+s11+$0x0], $0xffff  }
0x1d3: {  	v51 =	vperm.xlane v19, v51;
	v38 =	vadd.f32 v38, v41;
	v47 =	vld.idx.msk [tilespmem:v47+s20+$0x0], $0xffff  }
0x1d4: {  	v39 =	vadd.f32 v40, v39;
	v41 =	vld.idx.msk [tilespmem:v48+s20+$0x0], $0xffff  }
0x1d5: {  	v38 =	vadd.f32 v38, v51;
	v40 =	vld.idx.msk [tilespmem:v49+s20+$0x0], $0xffff  }
0x1d6: {  	s10 =	sadd.s32 $0x80, s10;
	v39 =	vadd.f32 v39, v51;
	v48 =	vld.idx.msk [tilespmem:v50+s20+$0x0], $0xffff  }
0x1d7: {  	v49 =	vld.idx.msk [tilespmem:v52+s20+$0x0], $0xffff;
	[tilespmem:s10+$0x30] =	vst v38  }
0x1d8: {  	v36 =	vadd.f32 v36, v45;
	[tilespmem:s10+$0x10] =	vst v39  }
0x1d9: {  	v37 =	vadd.f32 v47, v37  }
0x1da: {  	v38 =	vadd.f32 v41, v42;
	v36 =	vadd.f32 v36, v51  }
0x1db: {  	v37 =	vadd.f32 v37, v51;
	v39 =	vadd.f32 v40, v46  }
0x1dc: {  	s13 =	sadd.s32 $0xC9, s13;
	v38 =	vadd.f32 v38, v51;
	v40 =	vadd.f32 v48, v43;
	[tilespmem:s10+$0x20] =	vst v36  }
0x1dd: {  	v36 =	vadd.s32 s13, v20;
	v39 =	vadd.f32 v39, v51;
	v41 =	vadd.f32 v49, v44;
	[tilespmem:s10+$0xFFFFFFC0] =	vst v37  }
0x1de: {  	s15 =	sadd.s32 $0x3E8, s15;
	v37 =	vadd.s32 s13, v21;
	v40 =	vadd.f32 v40, v51;
	[tilespmem:s10+$0xFFFFFFD0] =	vst v38  }
0x1df: {  	v42 =	vadd.s32 s15, v22;
	v38 =	vadd.f32 v41, v51;
	[tilespmem:s10+$0xFFFFFFE0] =	vst v39  }
0x1e0: {  	v41 =	vadd.s32 s13, v23;
	[tilespmem:s10+$0xFFFFFFF0] =	vst v40  }
0x1e1: {  	v45 =	vadd.s32 s15, v24;
	[tilespmem:s10+$0x0] =	vst v38  }
0x1e2: {  	v47 =	vadd.s32 s15, v25;
	v36 =	vld.idx.msk [tilespmem:v36+s20+$0x0], $0xffff  }
.Ltmp4:
0x1e3: {  	v46 =	vadd.s32 s15, v27;
	v38 =	vld.idx.msk [tilespmem:v37+s20+$0x0], $0xffff;
	(pc) =	sbr.rel @p0 .LBB2_10-.Ltmp4, $4  }
0x1e4: {  	v43 =	vadd.s32 s15, v30;
	v39 =	vld.idx.msk [tilespmem:v42+s11+$0x0], $0xffff  }
0x1e5: {  	v44 =	vadd.s32 s15, v34;
	v40 =	vld.idx.msk [tilespmem:v41+s20+$0x0], $0xffff  }
0x1e6: {  	v42 =	vadd.s32 s15, v26;
	v37 =	vld.idx.msk [tilespmem:v45+s11+$0x0], $0xffff  }
0x1e7: {  	s14 =	sadd.s32 $0x1, s14;
	v45 =	vadd.s32 s15, v35;
	v41 =	vld.idx.msk [tilespmem:v47+s11+$0x0], $0xffff  }
0x1e8: {  	_ =	sdelay $0x3  }
0x1e9: {  	v20 =	vld.idx.msk [tilespmem:v46+s11+$0x0], $0xffff;
	v21 =	vadd.s32 s13, v32  }
0x1ea: {  	v22 =	vld.idx.msk [tilespmem:v43+s11+$0x0], $0xffff;
	v23 =	vadd.s32 s13, v33  }
0x1eb: {  	v24 =	vld.idx.msk [tilespmem:v44+s11+$0x0], $0xffff;
	v25 =	vadd.s32 s13, v31  }
0x1ec: {  	v26 =	vld.idx.msk [tilespmem:v42+s11+$0x0], $0xffff;
	v27 =	vadd.s32 s13, v28  }
0x1ed: {  	v54 =	vld.idx.msk [tilespmem:v45+s11+$0x0], $0xffff;
	v29 =	vadd.s32 s13, v29  }
0x1ee: {  	v21 =	vld.idx.msk [tilespmem:v21+s20+$0x0], $0xffff  }
0x1ef: {  	v30 =	vmov s12;
	v23 =	vld.idx.msk [tilespmem:v23+s20+$0x0], $0xffff  }
0x1f0: {  	v19 =	vperm.xlane v19, v30;
	v56 =	vadd.f32 v40, v39;
	v25 =	vld.idx.msk [tilespmem:v25+s20+$0x0], $0xffff  }
0x1f1: {  	v55 =	vadd.f32 v38, v41;
	v27 =	vld.idx.msk [tilespmem:v27+s20+$0x0], $0xffff  }
0x1f2: {  	v31 =	vadd.f32 v56, v19;
	v29 =	vld.idx.msk [tilespmem:v29+s20+$0x0], $0xffff;
	v28 =	vadd.f32 v36, v54  }
0x1f3: {  	s10 =	sadd.s32 $0x80, s10;
	v30 =	vadd.f32 v55, v19;
	v21 =	vadd.f32 v21, v37  }
0x1f4: {  	[tilespmem:s10+$0x10] =	vst v31;
	v23 =	vadd.f32 v23, v26;
	v26 =	vadd.f32 v28, v19  }
0x1f5: {  	[tilespmem:s10+$0x30] =	vst v30;
	v20 =	vadd.f32 v25, v20;
	v21 =	vadd.f32 v21, v19  }
0x1f6: {  	s18 =	simm.s32 $0x3E80;
	v22 =	vadd.f32 v27, v22;
	v23 =	vadd.f32 v23, v19;
	[tilespmem:s10+$0x20] =	vst v26  }
0x1f7: {  	v24 =	vadd.f32 v29, v24;
	v25 =	vadd.s32 s18, v10;
	v20 =	vadd.f32 v20, v19;
	[tilespmem:s10+$0xFFFFFFC0] =	vst v21  }
0x1f8: {  	v27 =	vadd.s32 s18, v7;
	v22 =	vadd.f32 v22, v19;
	[tilespmem:s10+$0xFFFFFFD0] =	vst v23  }
0x1f9: {  	v57 =	vadd.s32 s18, v1;
	v19 =	vadd.f32 v24, v19;
	[tilespmem:s10+$0xFFFFFFE0] =	vst v20  }
0x1fa: {  	s17 =	simm.s32 $0xC90;
	v58 =	vadd.s32 s18, v6;
	[tilespmem:s10+$0xFFFFFFF0] =	vst v22  }
0x1fb: {  	v59 =	vadd.s32 s17, v5;
	[tilespmem:s10+$0x0] =	vst v19;
	s10 =	simm.s32 $0x0  }
0x1fc: {  	v24 =	vadd.s32 s18, v12;
	v25 =	vld.idx.msk [tilespmem:v25+s10+$0x0], $0xffff  }
0x1fd: {  	v23 =	vadd.s32 s17, v15;
	v27 =	vld.idx.msk [tilespmem:v27+s10+$0x0], $0xffff  }
0x1fe: {  	v20 =	vadd.s32 s18, v11;
	v28 =	vld.idx.msk [tilespmem:v57+s10+$0x0], $0xffff  }
0x1ff: {  	v22 =	vadd.s32 s17, v13;
	v29 =	vld.idx.msk [tilespmem:v58+s10+$0x0], $0xffff  }
0x200: {  	v60 =	vadd.s32 s17, v4;
	v30 =	vld.idx.msk [tilespmem:v59+s20+$0x0], $0xffff  }
0x201: {  	v21 =	vadd.s32 s17, v14;
	v24 =	vld.idx.msk [tilespmem:v24+s10+$0x0], $0xffff  }
0x202: {  	v19 =	vadd.s32 s18, v9;
	v23 =	vld.idx.msk [tilespmem:v23+s20+$0x0], $0xffff  }
0x203: {  	v61 =	vadd.s32 s17, v3;
	v20 =	vld.idx.msk [tilespmem:v20+s10+$0x0], $0xffff  }
0x204: {  	v34 =	vadd.s32 s17, v0;
	v22 =	vld.idx.msk [tilespmem:v22+s20+$0x0], $0xffff  }
0x205: {  	v26 =	vadd.s32 s18, v8;
	v31 =	vld.idx.msk [tilespmem:v60+s20+$0x0], $0xffff  }
0x206: {  	v62 =	vadd.s32 s17, v2;
	v21 =	vld.idx.msk [tilespmem:v21+s20+$0x0], $0xffff  }
0x207: {  	v19 =	vld.idx.msk [tilespmem:v19+s10+$0x0], $0xffff  }
0x208: {  	v35 =	vmov s11;
	v23 =	vadd.f32 v23, v24;
	v24 =	vld.idx.msk [tilespmem:v61+s20+$0x0], $0xffff  }
0x209: {  	v35 =	vperm.xlane v18, v35;
	v63 =	vld.idx.msk [tilespmem:v34+s20+$0x0], $0xffff;
	v20 =	vadd.f32 v22, v20  }
0x20a: {  	v26 =	vld.idx.msk [tilespmem:v26+s10+$0x0], $0xffff  }
0x20b: {  	v22 =	vld.idx.msk [tilespmem:v62+s20+$0x0], $0xffff;
	v21 =	vadd.f32 v21, v29;
	v20 =	vadd.f32 v20, v35  }
0x20c: {  	s12 =	simm.s32 $0x188B0;
	v19 =	vadd.f32 v30, v19;
	v23 =	vadd.f32 v23, v35  }
0x20d: {  	v21 =	vadd.f32 v21, v35;
	[tilespmem:s12+$0xFFFFFFE0] =	vst v20;
	v20 =	vadd.f32 v24, v25  }
0x20e: {  	v19 =	vadd.f32 v19, v35;
	[tilespmem:s12+$0x0] =	vst v23;
	v23 =	vadd.f32 v31, v28  }
0x20f: {  	s13 =	simm.s32 $0xD59;
	[tilespmem:s12+$0xFFFFFFF0] =	vst v21;
	v21 =	vadd.f32 v63, v27;
	v20 =	vadd.f32 v20, v35  }
0x210: {  	[tilespmem:s12+$0xFFFFFF90] =	vst v19;
	v22 =	vadd.f32 v22, v26;
	v25 =	vadd.s32 s13, v14;
	v23 =	vadd.f32 v23, v35  }
0x211: {  	s14 =	simm.s32 $0x4268;
	v21 =	vadd.f32 v21, v35;
	[tilespmem:s12+$0xFFFFFFB0] =	vst v20;
	v20 =	vadd.s32 s13, v15  }
0x212: {  	v19 =	vadd.f32 v22, v35;
	v22 =	vadd.s32 s14, v11;
	[tilespmem:s12+$0xFFFFFFA0] =	vst v23  }
0x213: {  	[tilespmem:s12+$0xFFFFFFD0] =	vst v21;
	v23 =	vadd.s32 s13, v13  }
0x214: {  	v24 =	vadd.s32 s14, v9;
	[tilespmem:s12+$0xFFFFFFC0] =	vst v19  }
0x215: {  	s15 =	simm.s32 $0xE22;
	v21 =	vadd.s32 s14, v12;
	v19 =	vld.idx.msk [tilespmem:v25+s20+$0x0], $0xffff  }
.LBB2_12:
0x216: {  	p0 =	sne.s32 s15, $0x1857;
	v25 =	vadd.s32 s14, v10;
	v20 =	vld.idx.msk [tilespmem:v20+s20+$0x0], $0xffff  }
0x217: {  	v26 =	vadd.s32 s14, v8;
	v22 =	vld.idx.msk [tilespmem:v22+s10+$0x0], $0xffff  }
0x218: {  	v27 =	vadd.s32 s14, v7;
	v23 =	vld.idx.msk [tilespmem:v23+s20+$0x0], $0xffff  }
0x219: {  	v28 =	vadd.s32 s14, v1;
	v24 =	vld.idx.msk [tilespmem:v24+s10+$0x0], $0xffff  }
0x21a: {  	v29 =	vadd.s32 s14, v6;
	v21 =	vld.idx.msk [tilespmem:v21+s10+$0x0], $0xffff  }
0x21b: {  	v30 =	vadd.s32 s13, v5;
	v25 =	vld.idx.msk [tilespmem:v25+s10+$0x0], $0xffff  }
0x21c: {  	v31 =	vadd.s32 s13, v4;
	v26 =	vld.idx.msk [tilespmem:v26+s10+$0x0], $0xffff  }
0x21d: {  	v32 =	vadd.s32 s13, v3;
	v27 =	vld.idx.msk [tilespmem:v27+s10+$0x0], $0xffff  }
0x21e: {  	v33 =	vadd.s32 s13, v2;
	s11 =	sadd.s32 $0x1, s11;
	v28 =	vld.idx.msk [tilespmem:v28+s10+$0x0], $0xffff  }
0x21f: {  	v35 =	vadd.s32 s13, v0;
	s13 =	smov.u32 s15;
	v34 =	vmov s11;
	v29 =	vld.idx.msk [tilespmem:v29+s10+$0x0], $0xffff  }
0x220: {  	v34 =	vperm.xlane v18, v34;
	v20 =	vadd.f32 v20, v21;
	v30 =	vld.idx.msk [tilespmem:v30+s20+$0x0], $0xffff  }
0x221: {  	v22 =	vadd.f32 v23, v22;
	v21 =	vld.idx.msk [tilespmem:v31+s20+$0x0], $0xffff  }
0x222: {  	v20 =	vadd.f32 v20, v34;
	v23 =	vld.idx.msk [tilespmem:v32+s20+$0x0], $0xffff  }
0x223: {  	s12 =	sadd.s32 $0x80, s12;
	v22 =	vadd.f32 v22, v34;
	v31 =	vld.idx.msk [tilespmem:v33+s20+$0x0], $0xffff  }
0x224: {  	v32 =	vld.idx.msk [tilespmem:v35+s20+$0x0], $0xffff;
	[tilespmem:s12+$0x0] =	vst v20  }
0x225: {  	v19 =	vadd.f32 v19, v29;
	[tilespmem:s12+$0xFFFFFFE0] =	vst v22  }
0x226: {  	v20 =	vadd.f32 v30, v24  }
0x227: {  	v21 =	vadd.f32 v21, v28;
	v19 =	vadd.f32 v19, v34  }
0x228: {  	v20 =	vadd.f32 v20, v34;
	v22 =	vadd.f32 v23, v25  }
0x229: {  	v21 =	vadd.f32 v21, v34;
	v23 =	vadd.f32 v31, v26;
	[tilespmem:s12+$0xFFFFFFF0] =	vst v19  }
0x22a: {  	v19 =	vadd.s32 s15, v14;
	v24 =	vadd.f32 v22, v34;
	v25 =	vadd.f32 v32, v27;
	[tilespmem:s12+$0xFFFFFF90] =	vst v20  }
.Ltmp5:
0x22b: {  	s14 =	sadd.s32 $0x3E8, s14;
	v20 =	vadd.s32 s15, v15;
	v26 =	vadd.f32 v23, v34;
	[tilespmem:s12+$0xFFFFFFA0] =	vst v21;
	(pc) =	sbr.rel @p0 .LBB2_12-.Ltmp5, $4  }
0x22c: {  	v22 =	vadd.s32 s14, v11;
	v21 =	vadd.f32 v25, v34;
	[tilespmem:s12+$0xFFFFFFB0] =	vst v24  }
0x22d: {  	v23 =	vadd.s32 s15, v13;
	[tilespmem:s12+$0xFFFFFFC0] =	vst v26  }
0x22e: {  	v24 =	vadd.s32 s14, v9;
	[tilespmem:s12+$0xFFFFFFD0] =	vst v21  }
0x22f: {  	s15 =	sadd.s32 $0xC9, s15;
	v21 =	vadd.s32 s14, v12;
	v19 =	vld.idx.msk [tilespmem:v19+s20+$0x0], $0xffff  }
0x230: {  	_ =	sdelay $0x3  }
0x231: {  	v25 =	vadd.s32 s14, v10;
	v20 =	vld.idx.msk [tilespmem:v20+s20+$0x0], $0xffff  }
0x232: {  	s10 =	simm.s32 $0x0;
	v26 =	vadd.s32 s14, v8;
	v23 =	vld.idx.msk [tilespmem:v23+s20+$0x0], $0xffff  }
0x233: {  	v28 =	vadd.s32 s14, v1;
	v22 =	vld.idx.msk [tilespmem:v22+s10+$0x0], $0xffff  }
0x234: {  	v29 =	vadd.s32 s14, v6;
	v24 =	vld.idx.msk [tilespmem:v24+s10+$0x0], $0xffff  }
0x235: {  	v30 =	vadd.s32 s13, v5;
	v21 =	vld.idx.msk [tilespmem:v21+s10+$0x0], $0xffff  }
0x236: {  	v31 =	vadd.s32 s13, v4;
	v25 =	vld.idx.msk [tilespmem:v25+s10+$0x0], $0xffff  }
0x237: {  	v33 =	vadd.s32 s13, v2;
	v26 =	vld.idx.msk [tilespmem:v26+s10+$0x0], $0xffff  }
0x238: {  	v32 =	vadd.s32 s13, v3;
	v28 =	vld.idx.msk [tilespmem:v28+s10+$0x0], $0xffff  }
0x239: {  	v27 =	vadd.s32 s14, v7;
	v29 =	vld.idx.msk [tilespmem:v29+s10+$0x0], $0xffff  }
0x23a: {  	v34 =	vadd.s32 s13, v0;
	s11 =	sadd.s32 $0x1, s11;
	v30 =	vld.idx.msk [tilespmem:v30+s20+$0x0], $0xffff  }
0x23b: {  	v35 =	vmov s11;
	v31 =	vld.idx.msk [tilespmem:v31+s20+$0x0], $0xffff  }
0x23c: {  	v18 =	vperm.xlane v18, v35;
	v20 =	vadd.f32 v20, v21;
	v22 =	vadd.f32 v23, v22;
	v23 =	vld.idx.msk [tilespmem:v33+s20+$0x0], $0xffff  }
0x23d: {  	v21 =	vld.idx.msk [tilespmem:v32+s20+$0x0], $0xffff  }
0x23e: {  	v27 =	vld.idx.msk [tilespmem:v27+s10+$0x0], $0xffff;
	v20 =	vadd.f32 v20, v18  }
0x23f: {  	s15 =	sadd.s32 $0x80, s12;
	v54 =	vld.idx.msk [tilespmem:v34+s20+$0x0], $0xffff;
	v22 =	vadd.f32 v22, v18;
	v19 =	vadd.f32 v19, v29  }
0x240: {  	v24 =	vadd.f32 v30, v24;
	[tilespmem:s15+$0x0] =	vst v20;
	v20 =	vadd.f32 v31, v28  }
0x241: {  	v23 =	vadd.f32 v23, v26;
	v19 =	vadd.f32 v19, v18  }
0x242: {  	[tilespmem:s15+$0xFFFFFFE0] =	vst v22;
	v21 =	vadd.f32 v21, v25;
	v22 =	vadd.f32 v24, v18  }
0x243: {  	s17 =	simm.s32 $0x1920;
	v20 =	vadd.f32 v20, v18;
	v23 =	vadd.f32 v23, v18;
	[tilespmem:s15+$0xFFFFFFF0] =	vst v19  }
0x244: {  	v19 =	vadd.f32 v21, v18;
	v21 =	vadd.f32 v54, v27;
	[tilespmem:s15+$0xFFFFFF90] =	vst v22;
	v22 =	vadd.s32 s17, v14  }
0x245: {  	s18 =	simm.s32 $0x7D00;
	[tilespmem:s15+$0xFFFFFFA0] =	vst v20;
	v20 =	vadd.s32 s17, v15  }
0x246: {  	v24 =	vadd.s32 s18, v10;
	[tilespmem:s15+$0xFFFFFFC0] =	vst v23;
	v18 =	vadd.f32 v21, v18  }
0x247: {  	v25 =	vadd.s32 s18, v8;
	[tilespmem:s15+$0xFFFFFFB0] =	vst v19  }
0x248: {  	v26 =	vadd.s32 s18, v7;
	[tilespmem:s15+$0xFFFFFFD0] =	vst v18  }
0x249: {  	v55 =	vadd.s32 s18, v6;
	v22 =	vld.idx.msk [tilespmem:v22+s20+$0x0], $0xffff  }
0x24a: {  	v23 =	vadd.s32 s18, v12;
	v20 =	vld.idx.msk [tilespmem:v20+s20+$0x0], $0xffff  }
0x24b: {  	v18 =	vadd.s32 s18, v9;
	v24 =	vld.idx.msk [tilespmem:v24+s10+$0x0], $0xffff  }
0x24c: {  	v19 =	vadd.s32 s18, v11;
	v25 =	vld.idx.msk [tilespmem:v25+s10+$0x0], $0xffff  }
0x24d: {  	v21 =	vadd.s32 s17, v13;
	v26 =	vld.idx.msk [tilespmem:v26+s10+$0x0], $0xffff  }
0x24e: {  	v56 =	vadd.s32 s17, v5;
	v28 =	vld.idx.msk [tilespmem:v55+s10+$0x0], $0xffff  }
0x24f: {  	v57 =	vadd.s32 s17, v4;
	v23 =	vld.idx.msk [tilespmem:v23+s10+$0x0], $0xffff  }
0x250: {  	v27 =	vld.idx.msk [tilespmem:v18+s10+$0x0], $0xffff;
	v18 =	vadd.s32 s18, v1  }
0x251: {  	v58 =	vadd.s32 s17, v3;
	v19 =	vld.idx.msk [tilespmem:v19+s10+$0x0], $0xffff  }
0x252: {  	v60 =	vadd.s32 s17, v2;
	v21 =	vld.idx.msk [tilespmem:v21+s20+$0x0], $0xffff  }
0x253: {  	v61 =	vadd.s32 s17, v0;
	v29 =	vld.idx.msk [tilespmem:v56+s20+$0x0], $0xffff  }
0x254: {  	v30 =	vld.idx.msk [tilespmem:v57+s20+$0x0], $0xffff  }
0x255: {  	v59 =	vld.idx.msk [tilespmem:v18+s10+$0x0], $0xffff;
	v18 =	vmov s10  }
0x256: {  	v20 =	vadd.f32 v20, v23;
	v23 =	vld.idx.msk [tilespmem:v58+s20+$0x0], $0xffff;
	v62 =	vperm.xlane v17, v18  }
0x257: {  	v19 =	vadd.f32 v21, v19;
	v21 =	vld.idx.msk [tilespmem:v60+s20+$0x0], $0xffff  }
0x258: {  	v63 =	vld.idx.msk [tilespmem:v61+s20+$0x0], $0xffff;
	v22 =	vadd.f32 v22, v28;
	v20 =	vadd.f32 v20, v62  }
0x259: {  	s11 =	simm.s32 $0x190B0;
	v27 =	vadd.f32 v29, v27;
	v19 =	vadd.f32 v19, v62  }
0x25a: {  	v22 =	vadd.f32 v22, v62;
	[tilespmem:s11+$0x0] =	vst v20;
	v20 =	vadd.f32 v30, v59  }
0x25b: {  	v23 =	vadd.f32 v23, v24;
	[tilespmem:s11+$0xFFFFFFE0] =	vst v19;
	v19 =	vadd.f32 v27, v62  }
0x25c: {  	s12 =	simm.s32 $0x19E9;
	v21 =	vadd.f32 v21, v25;
	[tilespmem:s11+$0xFFFFFFF0] =	vst v22;
	v20 =	vadd.f32 v20, v62  }
0x25d: {  	v25 =	vadd.s32 s12, v14;
	v22 =	vadd.f32 v23, v62;
	v23 =	vadd.f32 v63, v26;
	[tilespmem:s11+$0xFFFFFF90] =	vst v19  }
0x25e: {  	s14 =	simm.s32 $0x80E8;
	v19 =	vadd.f32 v21, v62;
	[tilespmem:s11+$0xFFFFFFA0] =	vst v20;
	v20 =	vadd.s32 s12, v15  }
0x25f: {  	v21 =	vadd.f32 v23, v62;
	[tilespmem:s11+$0xFFFFFFB0] =	vst v22;
	v22 =	vadd.s32 s14, v11  }
0x260: {  	v23 =	vadd.s32 s12, v13;
	[tilespmem:s11+$0xFFFFFFC0] =	vst v19  }
0x261: {  	v24 =	vadd.s32 s14, v9;
	[tilespmem:s11+$0xFFFFFFD0] =	vst v21  }
0x262: {  	s13 =	simm.s32 $0x0;
	s15 =	simm.s32 $0x1AB2;
	v21 =	vadd.s32 s14, v12;
	v19 =	vld.idx.msk [tilespmem:v25+s20+$0x0], $0xffff  }
.LBB2_14:
0x263: {  	p0 =	sne.s32 s15, $0x24E7;
	v25 =	vadd.s32 s14, v10;
	v20 =	vld.idx.msk [tilespmem:v20+s20+$0x0], $0xffff  }
0x264: {  	v26 =	vadd.s32 s14, v8;
	v22 =	vld.idx.msk [tilespmem:v22+s10+$0x0], $0xffff  }
0x265: {  	v27 =	vadd.s32 s14, v7;
	v23 =	vld.idx.msk [tilespmem:v23+s20+$0x0], $0xffff  }
0x266: {  	v28 =	vadd.s32 s14, v1;
	v24 =	vld.idx.msk [tilespmem:v24+s10+$0x0], $0xffff  }
0x267: {  	v29 =	vadd.s32 s14, v6;
	v21 =	vld.idx.msk [tilespmem:v21+s10+$0x0], $0xffff  }
0x268: {  	v30 =	vadd.s32 s12, v5;
	v25 =	vld.idx.msk [tilespmem:v25+s10+$0x0], $0xffff  }
0x269: {  	v31 =	vadd.s32 s12, v4;
	v26 =	vld.idx.msk [tilespmem:v26+s10+$0x0], $0xffff  }
0x26a: {  	v32 =	vadd.s32 s12, v3;
	v27 =	vld.idx.msk [tilespmem:v27+s10+$0x0], $0xffff  }
0x26b: {  	v33 =	vadd.s32 s12, v2;
	s13 =	sadd.s32 $0x1, s13;
	v28 =	vld.idx.msk [tilespmem:v28+s10+$0x0], $0xffff  }
0x26c: {  	v35 =	vadd.s32 s12, v0;
	s12 =	smov.u32 s15;
	v34 =	vmov s13;
	v29 =	vld.idx.msk [tilespmem:v29+s10+$0x0], $0xffff  }
0x26d: {  	v34 =	vperm.xlane v17, v34;
	v20 =	vadd.f32 v20, v21;
	v30 =	vld.idx.msk [tilespmem:v30+s20+$0x0], $0xffff  }
0x26e: {  	v22 =	vadd.f32 v23, v22;
	v21 =	vld.idx.msk [tilespmem:v31+s20+$0x0], $0xffff  }
0x26f: {  	v20 =	vadd.f32 v20, v34;
	v23 =	vld.idx.msk [tilespmem:v32+s20+$0x0], $0xffff  }
0x270: {  	s11 =	sadd.s32 $0x80, s11;
	v22 =	vadd.f32 v22, v34;
	v31 =	vld.idx.msk [tilespmem:v33+s20+$0x0], $0xffff  }
0x271: {  	v32 =	vld.idx.msk [tilespmem:v35+s20+$0x0], $0xffff;
	[tilespmem:s11+$0x0] =	vst v20  }
0x272: {  	v19 =	vadd.f32 v19, v29;
	[tilespmem:s11+$0xFFFFFFE0] =	vst v22  }
0x273: {  	v20 =	vadd.f32 v30, v24  }
0x274: {  	v21 =	vadd.f32 v21, v28;
	v19 =	vadd.f32 v19, v34  }
0x275: {  	v20 =	vadd.f32 v20, v34;
	v22 =	vadd.f32 v23, v25  }
0x276: {  	v21 =	vadd.f32 v21, v34;
	v23 =	vadd.f32 v31, v26;
	[tilespmem:s11+$0xFFFFFFF0] =	vst v19  }
0x277: {  	v19 =	vadd.s32 s15, v14;
	v24 =	vadd.f32 v22, v34;
	v25 =	vadd.f32 v32, v27;
	[tilespmem:s11+$0xFFFFFF90] =	vst v20  }
.Ltmp6:
0x278: {  	s14 =	sadd.s32 $0x3E8, s14;
	v20 =	vadd.s32 s15, v15;
	v26 =	vadd.f32 v23, v34;
	[tilespmem:s11+$0xFFFFFFA0] =	vst v21;
	(pc) =	sbr.rel @p0 .LBB2_14-.Ltmp6, $4  }
0x279: {  	v22 =	vadd.s32 s14, v11;
	v21 =	vadd.f32 v25, v34;
	[tilespmem:s11+$0xFFFFFFB0] =	vst v24  }
0x27a: {  	v23 =	vadd.s32 s15, v13;
	[tilespmem:s11+$0xFFFFFFC0] =	vst v26  }
0x27b: {  	v24 =	vadd.s32 s14, v9;
	[tilespmem:s11+$0xFFFFFFD0] =	vst v21  }
0x27c: {  	s15 =	sadd.s32 $0xC9, s15;
	v21 =	vadd.s32 s14, v12;
	v19 =	vld.idx.msk [tilespmem:v19+s20+$0x0], $0xffff  }
0x27d: {  	_ =	sdelay $0x3  }
0x27e: {  	v25 =	vadd.s32 s14, v10;
	v20 =	vld.idx.msk [tilespmem:v20+s20+$0x0], $0xffff  }
0x27f: {  	v26 =	vadd.s32 s14, v8;
	v22 =	vld.idx.msk [tilespmem:v22+s10+$0x0], $0xffff  }
0x280: {  	v23 =	vld.idx.msk [tilespmem:v23+s20+$0x0], $0xffff;
	v28 =	vadd.s32 s14, v1  }
0x281: {  	v24 =	vld.idx.msk [tilespmem:v24+s10+$0x0], $0xffff;
	v29 =	vadd.s32 s14, v6  }
0x282: {  	v21 =	vld.idx.msk [tilespmem:v21+s10+$0x0], $0xffff;
	v30 =	vadd.s32 s12, v5  }
0x283: {  	v31 =	vadd.s32 s12, v4;
	v25 =	vld.idx.msk [tilespmem:v25+s10+$0x0], $0xffff  }
0x284: {  	v33 =	vadd.s32 s12, v2;
	v26 =	vld.idx.msk [tilespmem:v26+s10+$0x0], $0xffff  }
0x285: {  	v32 =	vadd.s32 s12, v3;
	v28 =	vld.idx.msk [tilespmem:v28+s10+$0x0], $0xffff  }
0x286: {  	v27 =	vadd.s32 s14, v7;
	v29 =	vld.idx.msk [tilespmem:v29+s10+$0x0], $0xffff  }
0x287: {  	v34 =	vadd.s32 s12, v0;
	s15 =	sadd.s32 $0x1, s13;
	v30 =	vld.idx.msk [tilespmem:v30+s20+$0x0], $0xffff  }
0x288: {  	v35 =	vmov s15;
	v31 =	vld.idx.msk [tilespmem:v31+s20+$0x0], $0xffff  }
0x289: {  	v17 =	vperm.xlane v17, v35;
	v20 =	vadd.f32 v20, v21;
	v22 =	vadd.f32 v23, v22;
	v23 =	vld.idx.msk [tilespmem:v33+s20+$0x0], $0xffff  }
0x28a: {  	v21 =	vld.idx.msk [tilespmem:v32+s20+$0x0], $0xffff  }
0x28b: {  	v27 =	vld.idx.msk [tilespmem:v27+s10+$0x0], $0xffff;
	v20 =	vadd.f32 v20, v17  }
0x28c: {  	s11 =	sadd.s32 $0x80, s11;
	v52 =	vld.idx.msk [tilespmem:v34+s20+$0x0], $0xffff;
	v22 =	vadd.f32 v22, v17;
	v19 =	vadd.f32 v19, v29  }
0x28d: {  	[tilespmem:s11+$0x0] =	vst v20;
	v24 =	vadd.f32 v30, v24;
	v20 =	vadd.f32 v31, v28  }
0x28e: {  	v23 =	vadd.f32 v23, v26;
	v19 =	vadd.f32 v19, v17  }
0x28f: {  	[tilespmem:s11+$0xFFFFFFE0] =	vst v22;
	v21 =	vadd.f32 v21, v25;
	v22 =	vadd.f32 v24, v17  }
0x290: {  	s17 =	simm.s32 $0x25B0;
	v20 =	vadd.f32 v20, v17;
	v23 =	vadd.f32 v23, v17;
	[tilespmem:s11+$0xFFFFFFF0] =	vst v19  }
0x291: {  	v19 =	vadd.f32 v21, v17;
	v21 =	vadd.f32 v52, v27;
	[tilespmem:s11+$0xFFFFFF90] =	vst v22;
	v22 =	vadd.s32 s17, v14  }
0x292: {  	s18 =	simm.s32 $0xBB80;
	[tilespmem:s11+$0xFFFFFFA0] =	vst v20;
	v20 =	vadd.s32 s17, v15  }
0x293: {  	[tilespmem:s11+$0xFFFFFFC0] =	vst v23;
	v23 =	vadd.s32 s18, v12;
	v17 =	vadd.f32 v21, v17  }
0x294: {  	v53 =	vadd.s32 s18, v10;
	[tilespmem:s11+$0xFFFFFFB0] =	vst v19  }
0x295: {  	v54 =	vadd.s32 s18, v8;
	[tilespmem:s11+$0xFFFFFFD0] =	vst v17  }
0x296: {  	v55 =	vadd.s32 s18, v7;
	v22 =	vld.idx.msk [tilespmem:v22+s20+$0x0], $0xffff  }
0x297: {  	v56 =	vadd.s32 s18, v1;
	v20 =	vld.idx.msk [tilespmem:v20+s20+$0x0], $0xffff  }
0x298: {  	v57 =	vadd.s32 s18, v6;
	v23 =	vld.idx.msk [tilespmem:v23+s4+$0x0], $0xffff  }
0x299: {  	v58 =	vadd.s32 s17, v5;
	v24 =	vld.idx.msk [tilespmem:v53+s4+$0x0], $0xffff  }
0x29a: {  	v19 =	vadd.s32 s18, v11;
	v25 =	vld.idx.msk [tilespmem:v54+s4+$0x0], $0xffff  }
0x29b: {  	v21 =	vadd.s32 s17, v13;
	v26 =	vld.idx.msk [tilespmem:v55+s4+$0x0], $0xffff  }
0x29c: {  	v59 =	vadd.s32 s17, v4;
	v27 =	vld.idx.msk [tilespmem:v56+s4+$0x0], $0xffff  }
0x29d: {  	v17 =	vadd.s32 s18, v9;
	v28 =	vld.idx.msk [tilespmem:v57+s4+$0x0], $0xffff  }
0x29e: {  	v62 =	vadd.s32 s17, v0;
	v29 =	vld.idx.msk [tilespmem:v58+s20+$0x0], $0xffff  }
0x29f: {  	v60 =	vadd.s32 s17, v3;
	v19 =	vld.idx.msk [tilespmem:v19+s4+$0x0], $0xffff  }
0x2a0: {  	v61 =	vadd.s32 s17, v2;
	v21 =	vld.idx.msk [tilespmem:v21+s20+$0x0], $0xffff  }
0x2a1: {  	v30 =	vld.idx.msk [tilespmem:v59+s20+$0x0], $0xffff  }
0x2a2: {  	v17 =	vld.idx.msk [tilespmem:v17+s4+$0x0], $0xffff  }
0x2a3: {  	v18 =	vperm.xlane v16, v18;
	v63 =	vld.idx.msk [tilespmem:v62+s20+$0x0], $0xffff;
	v20 =	vadd.f32 v20, v23  }
0x2a4: {  	v23 =	vld.idx.msk [tilespmem:v60+s20+$0x0], $0xffff;
	v22 =	vadd.f32 v22, v28  }
0x2a5: {  	v19 =	vadd.f32 v21, v19;
	v21 =	vld.idx.msk [tilespmem:v61+s20+$0x0], $0xffff;
	v20 =	vadd.f32 v20, v18  }
0x2a6: {  	s11 =	simm.s32 $0x198B0;
	v22 =	vadd.f32 v22, v18  }
0x2a7: {  	v19 =	vadd.f32 v19, v18;
	v17 =	vadd.f32 v29, v17;
	[tilespmem:s11+$0x0] =	vst v20  }
0x2a8: {  	v20 =	vadd.f32 v30, v27;
	[tilespmem:s11+$0xFFFFFFF0] =	vst v22;
	v22 =	vadd.f32 v63, v26  }
0x2a9: {  	[tilespmem:s11+$0xFFFFFFE0] =	vst v19;
	v17 =	vadd.f32 v17, v18;
	v19 =	vadd.f32 v23, v24  }
0x2aa: {  	s12 =	simm.s32 $0x2679;
	v20 =	vadd.f32 v20, v18;
	v21 =	vadd.f32 v21, v25  }
0x2ab: {  	v23 =	vadd.s32 s12, v14;
	v19 =	vadd.f32 v19, v18;
	[tilespmem:s11+$0xFFFFFF90] =	vst v17  }
0x2ac: {  	s13 =	simm.s32 $0xBF68;
	[tilespmem:s11+$0xFFFFFFA0] =	vst v20;
	v17 =	vadd.f32 v21, v18;
	v21 =	vadd.f32 v22, v18;
	v18 =	vadd.s32 s12, v15  }
0x2ad: {  	v20 =	vadd.s32 s13, v11;
	[tilespmem:s11+$0xFFFFFFB0] =	vst v19  }
0x2ae: {  	[tilespmem:s11+$0xFFFFFFD0] =	vst v21;
	v21 =	vadd.s32 s12, v13  }
0x2af: {  	v22 =	vadd.s32 s13, v9;
	[tilespmem:s11+$0xFFFFFFC0] =	vst v17  }
0x2b0: {  	s14 =	simm.s32 $0x2742;
	v19 =	vadd.s32 s13, v12;
	v17 =	vld.idx.msk [tilespmem:v23+s20+$0x0], $0xffff  }
.LBB2_16:
0x2b1: {  	p0 =	sne.s32 s14, $0x3177;
	v23 =	vadd.s32 s13, v10;
	v18 =	vld.idx.msk [tilespmem:v18+s20+$0x0], $0xffff  }
0x2b2: {  	v24 =	vadd.s32 s13, v8;
	v20 =	vld.idx.msk [tilespmem:v20+s4+$0x0], $0xffff  }
0x2b3: {  	v25 =	vadd.s32 s13, v7;
	v21 =	vld.idx.msk [tilespmem:v21+s20+$0x0], $0xffff  }
0x2b4: {  	v26 =	vadd.s32 s13, v1;
	v22 =	vld.idx.msk [tilespmem:v22+s4+$0x0], $0xffff  }
0x2b5: {  	v27 =	vadd.s32 s13, v6;
	v19 =	vld.idx.msk [tilespmem:v19+s4+$0x0], $0xffff  }
0x2b6: {  	v28 =	vadd.s32 s12, v5;
	v23 =	vld.idx.msk [tilespmem:v23+s4+$0x0], $0xffff  }
0x2b7: {  	v29 =	vadd.s32 s12, v4;
	v24 =	vld.idx.msk [tilespmem:v24+s4+$0x0], $0xffff  }
0x2b8: {  	v30 =	vadd.s32 s12, v3;
	v25 =	vld.idx.msk [tilespmem:v25+s4+$0x0], $0xffff  }
0x2b9: {  	v31 =	vadd.s32 s12, v2;
	s10 =	sadd.s32 $0x1, s10;
	v26 =	vld.idx.msk [tilespmem:v26+s4+$0x0], $0xffff  }
0x2ba: {  	v33 =	vadd.s32 s12, v0;
	s12 =	smov.u32 s14;
	v32 =	vmov s10;
	v27 =	vld.idx.msk [tilespmem:v27+s4+$0x0], $0xffff  }
0x2bb: {  	v32 =	vperm.xlane v16, v32;
	v18 =	vadd.f32 v18, v19;
	v28 =	vld.idx.msk [tilespmem:v28+s20+$0x0], $0xffff  }
0x2bc: {  	v20 =	vadd.f32 v21, v20;
	v19 =	vld.idx.msk [tilespmem:v29+s20+$0x0], $0xffff  }
0x2bd: {  	v18 =	vadd.f32 v18, v32;
	v21 =	vld.idx.msk [tilespmem:v30+s20+$0x0], $0xffff  }
0x2be: {  	s11 =	sadd.s32 $0x80, s11;
	v20 =	vadd.f32 v20, v32;
	v29 =	vld.idx.msk [tilespmem:v31+s20+$0x0], $0xffff  }
0x2bf: {  	v30 =	vld.idx.msk [tilespmem:v33+s20+$0x0], $0xffff;
	[tilespmem:s11+$0x0] =	vst v18  }
0x2c0: {  	v17 =	vadd.f32 v17, v27;
	[tilespmem:s11+$0xFFFFFFE0] =	vst v20  }
0x2c1: {  	v18 =	vadd.f32 v28, v22  }
0x2c2: {  	v19 =	vadd.f32 v19, v26;
	v17 =	vadd.f32 v17, v32  }
0x2c3: {  	v18 =	vadd.f32 v18, v32;
	v20 =	vadd.f32 v21, v23  }
0x2c4: {  	v19 =	vadd.f32 v19, v32;
	v21 =	vadd.f32 v29, v24;
	[tilespmem:s11+$0xFFFFFFF0] =	vst v17  }
0x2c5: {  	v17 =	vadd.s32 s14, v14;
	v22 =	vadd.f32 v20, v32;
	v23 =	vadd.f32 v30, v25;
	[tilespmem:s11+$0xFFFFFF90] =	vst v18  }
.Ltmp7:
0x2c6: {  	s13 =	sadd.s32 $0x3E8, s13;
	v18 =	vadd.s32 s14, v15;
	v24 =	vadd.f32 v21, v32;
	[tilespmem:s11+$0xFFFFFFA0] =	vst v19;
	(pc) =	sbr.rel @p0 .LBB2_16-.Ltmp7, $4  }
0x2c7: {  	v20 =	vadd.s32 s13, v11;
	v19 =	vadd.f32 v23, v32;
	[tilespmem:s11+$0xFFFFFFB0] =	vst v22  }
0x2c8: {  	v21 =	vadd.s32 s14, v13;
	[tilespmem:s11+$0xFFFFFFC0] =	vst v24  }
0x2c9: {  	v22 =	vadd.s32 s13, v9;
	[tilespmem:s11+$0xFFFFFFD0] =	vst v19  }
0x2ca: {  	s14 =	sadd.s32 $0xC9, s14;
	v19 =	vadd.s32 s13, v12;
	v17 =	vld.idx.msk [tilespmem:v17+s20+$0x0], $0xffff  }
0x2cb: {  	_ =	sdelay $0x3  }
0x2cc: {  	v9 =	vadd.s32 s13, v10;
	v62 =	vld.idx.msk [tilespmem:v18+s20+$0x0], $0xffff  }
0x2cd: {  	v8 =	vadd.s32 s13, v8;
	v11 =	vld.idx.msk [tilespmem:v20+s4+$0x0], $0xffff  }
0x2ce: {  	v7 =	vadd.s32 s13, v7;
	v12 =	vld.idx.msk [tilespmem:v21+s20+$0x0], $0xffff  }
0x2cf: {  	v13 =	vld.idx.msk [tilespmem:v22+s4+$0x0], $0xffff;
	v1 =	vadd.s32 s13, v1  }
0x2d0: {  	v6 =	vadd.s32 s13, v6;
	v14 =	vld.idx.msk [tilespmem:v19+s4+$0x0], $0xffff  }
0x2d1: {  	v5 =	vadd.s32 s12, v5;
	v9 =	vld.idx.msk [tilespmem:v9+s4+$0x0], $0xffff  }
0x2d2: {  	v4 =	vadd.s32 s12, v4;
	v8 =	vld.idx.msk [tilespmem:v8+s4+$0x0], $0xffff  }
0x2d3: {  	v3 =	vadd.s32 s12, v3;
	v7 =	vld.idx.msk [tilespmem:v7+s4+$0x0], $0xffff  }
0x2d4: {  	v2 =	vadd.s32 s12, v2;
	v1 =	vld.idx.msk [tilespmem:v1+s4+$0x0], $0xffff  }
0x2d5: {  	v0 =	vadd.s32 s12, v0;
	v6 =	vld.idx.msk [tilespmem:v6+s4+$0x0], $0xffff  }
0x2d6: {  	s10 =	sadd.s32 $0x1, s10;
	v5 =	vld.idx.msk [tilespmem:v5+s20+$0x0], $0xffff  }
0x2d7: {  	v15 =	vmov s10;
	v4 =	vld.idx.msk [tilespmem:v4+s20+$0x0], $0xffff  }
0x2d8: {  	v15 =	vperm.xlane v16, v15;
	v10 =	vadd.f32 v62, v14;
	v3 =	vld.idx.msk [tilespmem:v3+s20+$0x0], $0xffff  }
0x2d9: {  	v11 =	vadd.f32 v12, v11;
	v2 =	vld.idx.msk [tilespmem:v2+s20+$0x0], $0xffff  }
0x2da: {  	v0 =	vld.idx.msk [tilespmem:v0+s20+$0x0], $0xffff;
	v10 =	vadd.f32 v10, v15;
	v6 =	vadd.f32 v17, v6  }
0x2db: {  	s15 =	sadd.s32 $0x80, s11;
	v11 =	vadd.f32 v11, v15;
	v5 =	vadd.f32 v5, v13  }
0x2dc: {  	[tilespmem:s15+$0x0] =	vst v10;
	v1 =	vadd.f32 v4, v1;
	v63 =	vadd.f32 v6, v15  }
0x2dd: {  	[tilespmem:s15+$0xFFFFFFE0] =	vst v11;
	v3 =	vadd.f32 v3, v9;
	v5 =	vadd.f32 v5, v15  }
0x2de: {  	v2 =	vadd.f32 v2, v8;
	v1 =	vadd.f32 v1, v15;
	[tilespmem:s15+$0xFFFFFFF0] =	vst v63  }
0x2df: {  	v0 =	vadd.f32 v0, v7;
	v3 =	vadd.f32 v3, v15;
	[tilespmem:s15+$0xFFFFFF90] =	vst v5  }
0x2e0: {  	v2 =	vadd.f32 v2, v15;
	[tilespmem:s15+$0xFFFFFFA0] =	vst v1  }
0x2e1: {  	v0 =	vadd.f32 v0, v15;
	[tilespmem:s15+$0xFFFFFFB0] =	vst v3  }
0x2e2: {  	s17 =	rddreg [dreg:$0x19];
	[tilespmem:s15+$0xFFFFFFC0] =	vst v2  }
0x2e3: {  	s18 =	simm.s32 $0x18040;
	s12 =	rddreg [dreg:$0x1a];
	[tilespmem:s15+$0xFFFFFFD0] =	vst v0  }
0x2e4: {  	[hbm4b:s17+s4] =	stream.linear.scatter [tilespmem:s18], [sflag:$0x4], $0x400, $0x38;
	[tilespmem:$0x1A040] =	vst v63  }
0x2e5: {  	s13 =	simm.s32 $0x18440;
	s14 =	rddreg [dreg:$0x1b]  }
0x2e6: {  	[hbm4b:s12+s4] =	stream.linear.scatter [tilespmem:s13], [sflag:$0x4], $0x400, $0x38;
	[tilespmem:$0x1A040] =	vst v63  }
0x2e7: {  	s15 =	simm.s32 $0x18840;
	s17 =	rddreg [dreg:$0x1c]  }
0x2e8: {  	[hbm4b:s14+s4] =	stream.linear.scatter [tilespmem:s15], [sflag:$0x4], $0x400, $0x38;
	[tilespmem:$0x1A040] =	vst v63  }
0x2e9: {  	s18 =	simm.s32 $0x18C40;
	s12 =	rddreg [dreg:$0x1d]  }
0x2ea: {  	[hbm4b:s17+s4] =	stream.linear.scatter [tilespmem:s18], [sflag:$0x4], $0x400, $0x38;
	[tilespmem:$0x1A040] =	vst v63  }
0x2eb: {  	s13 =	simm.s32 $0x19040;
	s14 =	rddreg [dreg:$0x1e]  }
0x2ec: {  	[hbm4b:s12+s4] =	stream.linear.scatter [tilespmem:s13], [sflag:$0x4], $0x400, $0x38;
	[tilespmem:$0x1A040] =	vst v63  }
0x2ed: {  	s15 =	simm.s32 $0x19440;
	s17 =	rddreg [dreg:$0x1f]  }
0x2ee: {  	[hbm4b:s14+s4] =	stream.linear.scatter [tilespmem:s15], [sflag:$0x4], $0x400, $0x38;
	[tilespmem:$0x1A040] =	vst v63  }
0x2ef: {  	s18 =	sld [smem:$0x7FD]  }
0x2f0: {  	[hbm4b:s17+s4] =	stream.linear.scatter [tilespmem:s28], [sflag:$0x4], $0x400, $0x38;
	[tilespmem:$0x1A040] =	vst v63  }
0x2f1: {  	s10 =	simm.s32 $0x1  }
0x2f2: {  	[hbm4b:s18+s4] =	stream.linear.scatter [tilespmem:s0], [sflag:$0x4], $0x400, $0x38;
	[tilespmem:$0x1A040] =	vst v63  }
.LBB2_18:
0x2f3: {  	_ =	swait.ge [sflag:s5], $0x80  }
0x2f4: {  	[sflag:s5] =	ssyncset.done $0x0  }
0x2f5: {  	[sflag:s5] =	ssyncadd.s32 $0xFFFFFF80  }
0x2f6: {  	_ =	swait.ge [sflag:s5], $0x80  }
0x2f7: {  	[sflag:s5] =	ssyncset.done $0x0  }
0x2f8: {  	[sflag:s5] =	ssyncadd.s32 $0xFFFFFF80  }
0x2f9: {  	v9 =	vld [tilespmem:$0x15E40]  }
0x2fa: {  	v0 =	vld [tilespmem:$0x15E50]  }
0x2fb: {  	v10 =	vld [tilespmem:$0x15E60]  }
0x2fc: {  	v8 =	vld [tilespmem:$0x15E70]  }
0x2fd: {  	v7 =	vld [tilespmem:$0x15E80]  }
0x2fe: {  	v11 =	vld [tilespmem:$0x15E90]  }
0x2ff: {  	v4 =	vld [tilespmem:$0x15EA0]  }
0x300: {  	s11 =	sshll.u32 s10, $0x1;
	v12 =	vld [tilespmem:$0x15EB0]  }
0x301: {  	s12 =	smin.u32 s11, $0xC5;
	v5 =	vld [tilespmem:$0x15F40]  }
0x302: {  	s12 =	sadd.s32 $0x2, s12;
	v1 =	vld [tilespmem:$0x15F50]  }
0x303: {  	s13 =	sshll.u32 s12, $0x9;
	s12 =	sshll.u32 s12, $0x4;
	v2 =	vld [tilespmem:$0x15F60]  }
0x304: {  	s13 =	sand.u32 $0x3F000, s13;
	s12 =	sand.u32 $0x70, s12;
	v3 =	vld [tilespmem:$0x15F70]  }
0x305: {  	s12 =	sor.u32 s13, s12;
	v6 =	vld [tilespmem:$0x15F80]  }
0x306: {  	v13 =	vld [tilespmem:$0x15F90];
	s12 =	sor.u32 s9, s12  }
0x307: {  	s13 =	simm.s32 $0x0;
	v14 =	vld [tilespmem:$0x15FA0];
	s14 =	sadd.s32 s1, s12  }
0x308: {  	v15 =	vld [tilespmem:$0x15FB0];
	[tilespmem:s23], [sflag:$0x1] =	stream.linear.gather [hbm4b:s14+s13], $0x80, $0x38  }
0x309: {  	s12 =	sadd.s32 s2, s12  }
0x30a: {  	[tilespmem:s24], [sflag:$0x1] =	stream.linear.gather [hbm4b:s12+s13], $0x80, $0x38;
	[tilespmem:$0x1A040] =	vst v63  }
0x30b: {  	_ =	swait.ge [sflag:s6], $0x400  }
0x30c: {  	[sflag:s6] =	ssyncset.done $0x0  }
0x30d: {  	[sflag:s6] =	ssyncadd.s32 $0xFFFFFC00  }
0x30e: {  	_ =	swait.ge [sflag:s6], $0x400  }
0x30f: {  	[sflag:s6] =	ssyncset.done $0x0  }
0x310: {  	[sflag:s6] =	ssyncadd.s32 $0xFFFFFC00  }
0x311: {  	_ =	swait.ge [sflag:s6], $0x400  }
0x312: {  	[sflag:s6] =	ssyncset.done $0x0  }
0x313: {  	[sflag:s6] =	ssyncadd.s32 $0xFFFFFC00  }
0x314: {  	_ =	swait.ge [sflag:s6], $0x400  }
0x315: {  	[sflag:s6] =	ssyncset.done $0x0  }
0x316: {  	[sflag:s6] =	ssyncadd.s32 $0xFFFFFC00  }
0x317: {  	_ =	swait.ge [sflag:s6], $0x400  }
0x318: {  	[sflag:s6] =	ssyncset.done $0x0  }
0x319: {  	[sflag:s6] =	ssyncadd.s32 $0xFFFFFC00  }
0x31a: {  	_ =	swait.ge [sflag:s6], $0x400  }
0x31b: {  	[sflag:s6] =	ssyncset.done $0x0  }
0x31c: {  	[sflag:s6] =	ssyncadd.s32 $0xFFFFFC00  }
0x31d: {  	_ =	swait.ge [sflag:s6], $0x400  }
0x31e: {  	[sflag:s6] =	ssyncset.done $0x0  }
0x31f: {  	[sflag:s6] =	ssyncadd.s32 $0xFFFFFC00  }
0x320: {  	_ =	swait.ge [sflag:s6], $0x400  }
0x321: {  	s18 =	sshll.u32 s10, $0x7;
	[sflag:s6] =	ssyncset.done $0x0  }
0x322: {  	s12 =	sand.u32 $0x3FFFFF80, s18;
	[sflag:s6] =	ssyncadd.s32 $0xFFFFFC00  }
0x323: {  	v19 =	vld [tilespmem:s12+$0x12C40]  }
0x324: {  	v18 =	vld [tilespmem:s12+$0x12C50]  }
0x325: {  	v17 =	vld [tilespmem:s12+$0x12C60]  }
0x326: {  	v16 =	vld.idx.msk [tilespmem:v14+s20+$0x0], $0xffff  }
0x327: {  	v20 =	vld.idx.msk [tilespmem:v15+s20+$0x0], $0xffff  }
0x328: {  	v21 =	vld.idx.msk [tilespmem:v11+s13+$0x0], $0xffff  }
0x329: {  	v22 =	vld.idx.msk [tilespmem:v13+s20+$0x0], $0xffff  }
0x32a: {  	v23 =	vld.idx.msk [tilespmem:v9+s13+$0x0], $0xffff  }
0x32b: {  	v24 =	vld.idx.msk [tilespmem:v12+s13+$0x0], $0xffff  }
0x32c: {  	v25 =	vld.idx.msk [tilespmem:v10+s13+$0x0], $0xffff  }
0x32d: {  	v27 =	vld.idx.msk [tilespmem:v7+s13+$0x0], $0xffff  }
0x32e: {  	v28 =	vld.idx.msk [tilespmem:v0+s13+$0x0], $0xffff  }
0x32f: {  	v29 =	vld.idx.msk [tilespmem:v4+s13+$0x0], $0xffff  }
0x330: {  	v30 =	vld.idx.msk [tilespmem:v5+s20+$0x0], $0xffff  }
0x331: {  	v33 =	vld.idx.msk [tilespmem:v6+s20+$0x0], $0xffff  }
0x332: {  	v31 =	vmov s13;
	v32 =	vld.idx.msk [tilespmem:v1+s20+$0x0], $0xffff  }
0x333: {  	v26 =	vld.idx.msk [tilespmem:v8+s13+$0x0], $0xffff;
	v31 =	vperm.xlane v19, v31;
	v20 =	vadd.f32 v20, v24  }
0x334: {  	v24 =	vld.idx.msk [tilespmem:v2+s20+$0x0], $0xffff;
	v21 =	vadd.f32 v22, v21;
	v29 =	vadd.f32 v16, v29  }
0x335: {  	v22 =	vld.idx.msk [tilespmem:v3+s20+$0x0], $0xffff;
	v23 =	vadd.f32 v30, v23;
	v20 =	vadd.f32 v20, v31  }
0x336: {  	v16 =	vld [tilespmem:s12+$0x12C70];
	s12 =	simm.s32 $0x16080;
	v27 =	vadd.f32 v33, v27;
	v21 =	vadd.f32 v21, v31  }
0x337: {  	v28 =	vadd.f32 v32, v28;
	v29 =	vadd.f32 v29, v31;
	[tilespmem:s12+$0x30] =	vst v20  }
0x338: {  	v23 =	vadd.f32 v23, v31;
	v27 =	vadd.f32 v27, v31;
	[tilespmem:s12+$0x10] =	vst v21  }
0x339: {  	v20 =	vadd.s32 $0xC9, v14;
	v21 =	vadd.s32 $0xC9, v15;
	[tilespmem:s12+$0x20] =	vst v29;
	v24 =	vadd.f32 v24, v25  }
0x33a: {  	[tilespmem:s12+$0xFFFFFFC0] =	vst v23;
	v25 =	vadd.f32 v28, v31;
	v26 =	vadd.f32 v22, v26;
	v28 =	vadd.s32 s13, v20  }
0x33b: {  	v23 =	vadd.s32 $0xC9, v13;
	[tilespmem:s12+$0x0] =	vst v27;
	v29 =	vadd.s32 s13, v21;
	v24 =	vadd.f32 v24, v31  }
0x33c: {  	v22 =	vadd.s32 $0x3E8, v11;
	v37 =	vadd.s32 s13, v23;
	v26 =	vadd.f32 v26, v31;
	[tilespmem:s12+$0xFFFFFFD0] =	vst v25  }
0x33d: {  	v63 =	vadd.s32 s13, v22;
	[tilespmem:s12+$0xFFFFFFE0] =	vst v24;
	v24 =	vadd.s32 $0x3E8, v9  }
0x33e: {  	v25 =	vadd.s32 $0x3E8, v12;
	[tilespmem:s12+$0xFFFFFFF0] =	vst v26;
	v41 =	vadd.s32 s13, v24  }
0x33f: {  	v27 =	vadd.s32 $0x3E8, v10;
	v45 =	vadd.s32 s13, v25;
	v36 =	vld.idx.msk [tilespmem:v28+s20+$0x0], $0xffff  }
0x340: {  	v30 =	vadd.s32 $0x3E8, v8;
	v46 =	vadd.s32 s13, v27;
	v38 =	vld.idx.msk [tilespmem:v29+s20+$0x0], $0xffff  }
0x341: {  	v34 =	vadd.s32 $0x3E8, v7;
	v35 =	vadd.s32 $0x3E8, v4;
	v43 =	vadd.s32 s13, v30;
	v40 =	vld.idx.msk [tilespmem:v37+s20+$0x0], $0xffff  }
0x342: {  	v44 =	vadd.s32 s13, v34;
	v32 =	vadd.s32 $0xC9, v5;
	v26 =	vadd.s32 $0x3E8, v0;
	v39 =	vld.idx.msk [tilespmem:v63+s13+$0x0], $0xffff  }
0x343: {  	s17 =	simm.s32 $0x2;
	v33 =	vadd.s32 $0xC9, v1;
	v31 =	vadd.s32 $0xC9, v2;
	v42 =	vadd.s32 s13, v26;
	v37 =	vld.idx.msk [tilespmem:v41+s13+$0x0], $0xffff  }
0x344: {  	s15 =	simm.s32 $0x0;
	s14 =	simm.s32 $0x1;
	s18 =	simm.s32 $0x0;
	v28 =	vadd.s32 $0xC9, v3;
	v29 =	vadd.s32 $0xC9, v6;
	v41 =	vld.idx.msk [tilespmem:v45+s13+$0x0], $0xffff;
	v45 =	vadd.s32 s13, v35  }
.LBB2_19:
0x345: {  	p0 =	sne.s32 s17, $0xF;
	v46 =	vld.idx.msk [tilespmem:v46+s13+$0x0], $0xffff;
	v47 =	vadd.s32 s15, v32  }
0x346: {  	v48 =	vadd.s32 s15, v33;
	v43 =	vld.idx.msk [tilespmem:v43+s13+$0x0], $0xffff  }
0x347: {  	v49 =	vadd.s32 s15, v31;
	v44 =	vld.idx.msk [tilespmem:v44+s13+$0x0], $0xffff  }
0x348: {  	v50 =	vadd.s32 s15, v28;
	v42 =	vld.idx.msk [tilespmem:v42+s13+$0x0], $0xffff  }
0x349: {  	v51 =	vmov s14;
	v52 =	vadd.s32 s15, v29;
	s14 =	smov.u32 s17;
	v45 =	vld.idx.msk [tilespmem:v45+s13+$0x0], $0xffff  }
0x34a: {  	v51 =	vperm.xlane v19, v51;
	v38 =	vadd.f32 v38, v41;
	v47 =	vld.idx.msk [tilespmem:v47+s20+$0x0], $0xffff  }
0x34b: {  	v39 =	vadd.f32 v40, v39;
	v41 =	vld.idx.msk [tilespmem:v48+s20+$0x0], $0xffff  }
0x34c: {  	v38 =	vadd.f32 v38, v51;
	v40 =	vld.idx.msk [tilespmem:v49+s20+$0x0], $0xffff  }
0x34d: {  	s12 =	sadd.s32 $0x80, s12;
	v39 =	vadd.f32 v39, v51;
	v48 =	vld.idx.msk [tilespmem:v50+s20+$0x0], $0xffff  }
0x34e: {  	v49 =	vld.idx.msk [tilespmem:v52+s20+$0x0], $0xffff;
	[tilespmem:s12+$0x30] =	vst v38  }
0x34f: {  	v36 =	vadd.f32 v36, v45;
	[tilespmem:s12+$0x10] =	vst v39  }
0x350: {  	v37 =	vadd.f32 v47, v37  }
0x351: {  	v38 =	vadd.f32 v41, v42;
	v36 =	vadd.f32 v36, v51  }
0x352: {  	v37 =	vadd.f32 v37, v51;
	v39 =	vadd.f32 v40, v46  }
0x353: {  	s15 =	sadd.s32 $0xC9, s15;
	v38 =	vadd.f32 v38, v51;
	v40 =	vadd.f32 v48, v43;
	[tilespmem:s12+$0x20] =	vst v36  }
0x354: {  	v36 =	vadd.s32 s15, v20;
	v39 =	vadd.f32 v39, v51;
	v41 =	vadd.f32 v49, v44;
	[tilespmem:s12+$0xFFFFFFC0] =	vst v37  }
0x355: {  	s18 =	sadd.s32 $0x3E8, s18;
	v37 =	vadd.s32 s15, v21;
	v40 =	vadd.f32 v40, v51;
	[tilespmem:s12+$0xFFFFFFD0] =	vst v38  }
0x356: {  	v42 =	vadd.s32 s18, v22;
	v38 =	vadd.f32 v41, v51;
	[tilespmem:s12+$0xFFFFFFE0] =	vst v39  }
0x357: {  	v41 =	vadd.s32 s15, v23;
	[tilespmem:s12+$0xFFFFFFF0] =	vst v40  }
0x358: {  	v45 =	vadd.s32 s18, v24;
	[tilespmem:s12+$0x0] =	vst v38  }
0x359: {  	v47 =	vadd.s32 s18, v25;
	v36 =	vld.idx.msk [tilespmem:v36+s20+$0x0], $0xffff  }
.Ltmp8:
0x35a: {  	v46 =	vadd.s32 s18, v27;
	v38 =	vld.idx.msk [tilespmem:v37+s20+$0x0], $0xffff;
	(pc) =	sbr.rel @p0 .LBB2_19-.Ltmp8, $4  }
0x35b: {  	v43 =	vadd.s32 s18, v30;
	v39 =	vld.idx.msk [tilespmem:v42+s13+$0x0], $0xffff  }
0x35c: {  	v44 =	vadd.s32 s18, v34;
	v40 =	vld.idx.msk [tilespmem:v41+s20+$0x0], $0xffff  }
0x35d: {  	v42 =	vadd.s32 s18, v26;
	v37 =	vld.idx.msk [tilespmem:v45+s13+$0x0], $0xffff  }
0x35e: {  	s17 =	sadd.s32 $0x1, s17;
	v45 =	vadd.s32 s18, v35;
	v41 =	vld.idx.msk [tilespmem:v47+s13+$0x0], $0xffff  }
0x35f: {  	_ =	sdelay $0x3  }
0x360: {  	v20 =	vld.idx.msk [tilespmem:v46+s13+$0x0], $0xffff;
	v21 =	vadd.s32 s15, v32  }
0x361: {  	v22 =	vld.idx.msk [tilespmem:v43+s13+$0x0], $0xffff;
	v23 =	vadd.s32 s15, v33  }
0x362: {  	v24 =	vld.idx.msk [tilespmem:v44+s13+$0x0], $0xffff;
	v25 =	vadd.s32 s15, v31  }
0x363: {  	v26 =	vld.idx.msk [tilespmem:v42+s13+$0x0], $0xffff;
	v27 =	vadd.s32 s15, v28  }
0x364: {  	v54 =	vld.idx.msk [tilespmem:v45+s13+$0x0], $0xffff;
	v29 =	vadd.s32 s15, v29  }
0x365: {  	v21 =	vld.idx.msk [tilespmem:v21+s20+$0x0], $0xffff  }
0x366: {  	v30 =	vmov s14;
	v23 =	vld.idx.msk [tilespmem:v23+s20+$0x0], $0xffff  }
0x367: {  	v19 =	vperm.xlane v19, v30;
	v56 =	vadd.f32 v40, v39;
	v25 =	vld.idx.msk [tilespmem:v25+s20+$0x0], $0xffff  }
0x368: {  	v55 =	vadd.f32 v38, v41;
	v27 =	vld.idx.msk [tilespmem:v27+s20+$0x0], $0xffff  }
0x369: {  	v31 =	vadd.f32 v56, v19;
	v29 =	vld.idx.msk [tilespmem:v29+s20+$0x0], $0xffff;
	v28 =	vadd.f32 v36, v54  }
0x36a: {  	s12 =	sadd.s32 $0x80, s12;
	v30 =	vadd.f32 v55, v19;
	v21 =	vadd.f32 v21, v37  }
0x36b: {  	[tilespmem:s12+$0x10] =	vst v31;
	v23 =	vadd.f32 v23, v26;
	v26 =	vadd.f32 v28, v19  }
0x36c: {  	[tilespmem:s12+$0x30] =	vst v30;
	v20 =	vadd.f32 v25, v20;
	v21 =	vadd.f32 v21, v19  }
0x36d: {  	s18 =	simm.s32 $0x3E80;
	v22 =	vadd.f32 v27, v22;
	v23 =	vadd.f32 v23, v19;
	[tilespmem:s12+$0x20] =	vst v26  }
0x36e: {  	v24 =	vadd.f32 v29, v24;
	v25 =	vadd.s32 s18, v10;
	v20 =	vadd.f32 v20, v19;
	[tilespmem:s12+$0xFFFFFFC0] =	vst v21  }
0x36f: {  	v27 =	vadd.s32 s18, v7;
	v22 =	vadd.f32 v22, v19;
	[tilespmem:s12+$0xFFFFFFD0] =	vst v23  }
0x370: {  	v57 =	vadd.s32 s18, v0;
	v19 =	vadd.f32 v24, v19;
	[tilespmem:s12+$0xFFFFFFE0] =	vst v20  }
0x371: {  	s17 =	simm.s32 $0xC90;
	v58 =	vadd.s32 s18, v4;
	[tilespmem:s12+$0xFFFFFFF0] =	vst v22  }
0x372: {  	v59 =	vadd.s32 s17, v5;
	[tilespmem:s12+$0x0] =	vst v19;
	s12 =	simm.s32 $0x0  }
0x373: {  	v24 =	vadd.s32 s18, v12;
	v25 =	vld.idx.msk [tilespmem:v25+s12+$0x0], $0xffff  }
0x374: {  	v23 =	vadd.s32 s17, v15;
	v27 =	vld.idx.msk [tilespmem:v27+s12+$0x0], $0xffff  }
0x375: {  	v20 =	vadd.s32 s18, v11;
	v28 =	vld.idx.msk [tilespmem:v57+s12+$0x0], $0xffff  }
0x376: {  	v22 =	vadd.s32 s17, v13;
	v29 =	vld.idx.msk [tilespmem:v58+s12+$0x0], $0xffff  }
0x377: {  	v60 =	vadd.s32 s17, v1;
	v30 =	vld.idx.msk [tilespmem:v59+s20+$0x0], $0xffff  }
0x378: {  	v21 =	vadd.s32 s17, v14;
	v24 =	vld.idx.msk [tilespmem:v24+s12+$0x0], $0xffff  }
0x379: {  	v19 =	vadd.s32 s18, v9;
	v23 =	vld.idx.msk [tilespmem:v23+s20+$0x0], $0xffff  }
0x37a: {  	v61 =	vadd.s32 s17, v2;
	v20 =	vld.idx.msk [tilespmem:v20+s12+$0x0], $0xffff  }
0x37b: {  	v34 =	vadd.s32 s17, v6;
	v22 =	vld.idx.msk [tilespmem:v22+s20+$0x0], $0xffff  }
0x37c: {  	v26 =	vadd.s32 s18, v8;
	v31 =	vld.idx.msk [tilespmem:v60+s20+$0x0], $0xffff  }
0x37d: {  	v62 =	vadd.s32 s17, v3;
	v21 =	vld.idx.msk [tilespmem:v21+s20+$0x0], $0xffff  }
0x37e: {  	v19 =	vld.idx.msk [tilespmem:v19+s12+$0x0], $0xffff  }
0x37f: {  	v35 =	vmov s13;
	v23 =	vadd.f32 v23, v24;
	v24 =	vld.idx.msk [tilespmem:v61+s20+$0x0], $0xffff  }
0x380: {  	v35 =	vperm.xlane v18, v35;
	v63 =	vld.idx.msk [tilespmem:v34+s20+$0x0], $0xffff;
	v20 =	vadd.f32 v22, v20  }
0x381: {  	v26 =	vld.idx.msk [tilespmem:v26+s12+$0x0], $0xffff  }
0x382: {  	v22 =	vld.idx.msk [tilespmem:v62+s20+$0x0], $0xffff;
	v21 =	vadd.f32 v21, v29;
	v20 =	vadd.f32 v20, v35  }
0x383: {  	s14 =	simm.s32 $0x168B0;
	v19 =	vadd.f32 v30, v19;
	v23 =	vadd.f32 v23, v35  }
0x384: {  	v21 =	vadd.f32 v21, v35;
	[tilespmem:s14+$0xFFFFFFE0] =	vst v20;
	v20 =	vadd.f32 v24, v25  }
0x385: {  	v19 =	vadd.f32 v19, v35;
	[tilespmem:s14+$0x0] =	vst v23;
	v23 =	vadd.f32 v31, v28  }
0x386: {  	s15 =	simm.s32 $0xD59;
	[tilespmem:s14+$0xFFFFFFF0] =	vst v21;
	v21 =	vadd.f32 v63, v27;
	v20 =	vadd.f32 v20, v35  }
0x387: {  	[tilespmem:s14+$0xFFFFFF90] =	vst v19;
	v22 =	vadd.f32 v22, v26;
	v25 =	vadd.s32 s15, v14;
	v23 =	vadd.f32 v23, v35  }
0x388: {  	s17 =	simm.s32 $0x4268;
	v21 =	vadd.f32 v21, v35;
	[tilespmem:s14+$0xFFFFFFB0] =	vst v20;
	v20 =	vadd.s32 s15, v15  }
0x389: {  	v19 =	vadd.f32 v22, v35;
	v22 =	vadd.s32 s17, v11;
	[tilespmem:s14+$0xFFFFFFA0] =	vst v23  }
0x38a: {  	[tilespmem:s14+$0xFFFFFFD0] =	vst v21;
	v23 =	vadd.s32 s15, v13  }
0x38b: {  	v24 =	vadd.s32 s17, v9;
	[tilespmem:s14+$0xFFFFFFC0] =	vst v19  }
0x38c: {  	s18 =	simm.s32 $0xE22;
	v21 =	vadd.s32 s17, v12;
	v19 =	vld.idx.msk [tilespmem:v25+s20+$0x0], $0xffff  }
.LBB2_21:
0x38d: {  	p0 =	sne.s32 s18, $0x1857;
	v25 =	vadd.s32 s17, v10;
	v20 =	vld.idx.msk [tilespmem:v20+s20+$0x0], $0xffff  }
0x38e: {  	v26 =	vadd.s32 s17, v8;
	v22 =	vld.idx.msk [tilespmem:v22+s12+$0x0], $0xffff  }
0x38f: {  	v27 =	vadd.s32 s17, v7;
	v23 =	vld.idx.msk [tilespmem:v23+s20+$0x0], $0xffff  }
0x390: {  	v28 =	vadd.s32 s17, v0;
	v24 =	vld.idx.msk [tilespmem:v24+s12+$0x0], $0xffff  }
0x391: {  	v29 =	vadd.s32 s17, v4;
	v21 =	vld.idx.msk [tilespmem:v21+s12+$0x0], $0xffff  }
0x392: {  	v30 =	vadd.s32 s15, v5;
	v25 =	vld.idx.msk [tilespmem:v25+s12+$0x0], $0xffff  }
0x393: {  	v31 =	vadd.s32 s15, v1;
	v26 =	vld.idx.msk [tilespmem:v26+s12+$0x0], $0xffff  }
0x394: {  	v32 =	vadd.s32 s15, v2;
	v27 =	vld.idx.msk [tilespmem:v27+s12+$0x0], $0xffff  }
0x395: {  	v33 =	vadd.s32 s15, v3;
	s13 =	sadd.s32 $0x1, s13;
	v28 =	vld.idx.msk [tilespmem:v28+s12+$0x0], $0xffff  }
0x396: {  	v35 =	vadd.s32 s15, v6;
	s15 =	smov.u32 s18;
	v34 =	vmov s13;
	v29 =	vld.idx.msk [tilespmem:v29+s12+$0x0], $0xffff  }
0x397: {  	v34 =	vperm.xlane v18, v34;
	v20 =	vadd.f32 v20, v21;
	v30 =	vld.idx.msk [tilespmem:v30+s20+$0x0], $0xffff  }
0x398: {  	v22 =	vadd.f32 v23, v22;
	v21 =	vld.idx.msk [tilespmem:v31+s20+$0x0], $0xffff  }
0x399: {  	v20 =	vadd.f32 v20, v34;
	v23 =	vld.idx.msk [tilespmem:v32+s20+$0x0], $0xffff  }
0x39a: {  	s14 =	sadd.s32 $0x80, s14;
	v22 =	vadd.f32 v22, v34;
	v31 =	vld.idx.msk [tilespmem:v33+s20+$0x0], $0xffff  }
0x39b: {  	v32 =	vld.idx.msk [tilespmem:v35+s20+$0x0], $0xffff;
	[tilespmem:s14+$0x0] =	vst v20  }
0x39c: {  	v19 =	vadd.f32 v19, v29;
	[tilespmem:s14+$0xFFFFFFE0] =	vst v22  }
0x39d: {  	v20 =	vadd.f32 v30, v24  }
0x39e: {  	v21 =	vadd.f32 v21, v28;
	v19 =	vadd.f32 v19, v34  }
0x39f: {  	v20 =	vadd.f32 v20, v34;
	v22 =	vadd.f32 v23, v25  }
0x3a0: {  	v21 =	vadd.f32 v21, v34;
	v23 =	vadd.f32 v31, v26;
	[tilespmem:s14+$0xFFFFFFF0] =	vst v19  }
0x3a1: {  	v19 =	vadd.s32 s18, v14;
	v24 =	vadd.f32 v22, v34;
	v25 =	vadd.f32 v32, v27;
	[tilespmem:s14+$0xFFFFFF90] =	vst v20  }
.Ltmp9:
0x3a2: {  	s17 =	sadd.s32 $0x3E8, s17;
	v20 =	vadd.s32 s18, v15;
	v26 =	vadd.f32 v23, v34;
	[tilespmem:s14+$0xFFFFFFA0] =	vst v21;
	(pc) =	sbr.rel @p0 .LBB2_21-.Ltmp9, $4  }
0x3a3: {  	v22 =	vadd.s32 s17, v11;
	v21 =	vadd.f32 v25, v34;
	[tilespmem:s14+$0xFFFFFFB0] =	vst v24  }
0x3a4: {  	v23 =	vadd.s32 s18, v13;
	[tilespmem:s14+$0xFFFFFFC0] =	vst v26  }
0x3a5: {  	v24 =	vadd.s32 s17, v9;
	[tilespmem:s14+$0xFFFFFFD0] =	vst v21  }
0x3a6: {  	s18 =	sadd.s32 $0xC9, s18;
	v21 =	vadd.s32 s17, v12;
	v19 =	vld.idx.msk [tilespmem:v19+s20+$0x0], $0xffff  }
0x3a7: {  	_ =	sdelay $0x3  }
0x3a8: {  	v25 =	vadd.s32 s17, v10;
	v20 =	vld.idx.msk [tilespmem:v20+s20+$0x0], $0xffff  }
0x3a9: {  	s12 =	simm.s32 $0x0;
	v26 =	vadd.s32 s17, v8;
	v23 =	vld.idx.msk [tilespmem:v23+s20+$0x0], $0xffff  }
0x3aa: {  	v28 =	vadd.s32 s17, v0;
	v22 =	vld.idx.msk [tilespmem:v22+s12+$0x0], $0xffff  }
0x3ab: {  	v29 =	vadd.s32 s17, v4;
	v24 =	vld.idx.msk [tilespmem:v24+s12+$0x0], $0xffff  }
0x3ac: {  	v30 =	vadd.s32 s15, v5;
	v21 =	vld.idx.msk [tilespmem:v21+s12+$0x0], $0xffff  }
0x3ad: {  	v31 =	vadd.s32 s15, v1;
	v25 =	vld.idx.msk [tilespmem:v25+s12+$0x0], $0xffff  }
0x3ae: {  	v33 =	vadd.s32 s15, v3;
	v26 =	vld.idx.msk [tilespmem:v26+s12+$0x0], $0xffff  }
0x3af: {  	v32 =	vadd.s32 s15, v2;
	v28 =	vld.idx.msk [tilespmem:v28+s12+$0x0], $0xffff  }
0x3b0: {  	v27 =	vadd.s32 s17, v7;
	v29 =	vld.idx.msk [tilespmem:v29+s12+$0x0], $0xffff  }
0x3b1: {  	v34 =	vadd.s32 s15, v6;
	s13 =	sadd.s32 $0x1, s13;
	v30 =	vld.idx.msk [tilespmem:v30+s20+$0x0], $0xffff  }
0x3b2: {  	v35 =	vmov s13;
	v31 =	vld.idx.msk [tilespmem:v31+s20+$0x0], $0xffff  }
0x3b3: {  	v18 =	vperm.xlane v18, v35;
	v20 =	vadd.f32 v20, v21;
	v22 =	vadd.f32 v23, v22;
	v23 =	vld.idx.msk [tilespmem:v33+s20+$0x0], $0xffff  }
0x3b4: {  	v21 =	vld.idx.msk [tilespmem:v32+s20+$0x0], $0xffff  }
0x3b5: {  	v27 =	vld.idx.msk [tilespmem:v27+s12+$0x0], $0xffff;
	v20 =	vadd.f32 v20, v18  }
0x3b6: {  	s15 =	sadd.s32 $0x80, s14;
	v54 =	vld.idx.msk [tilespmem:v34+s20+$0x0], $0xffff;
	v22 =	vadd.f32 v22, v18;
	v19 =	vadd.f32 v19, v29  }
0x3b7: {  	v24 =	vadd.f32 v30, v24;
	[tilespmem:s15+$0x0] =	vst v20;
	v20 =	vadd.f32 v31, v28  }
0x3b8: {  	v23 =	vadd.f32 v23, v26;
	v19 =	vadd.f32 v19, v18  }
0x3b9: {  	[tilespmem:s15+$0xFFFFFFE0] =	vst v22;
	v21 =	vadd.f32 v21, v25;
	v22 =	vadd.f32 v24, v18  }
0x3ba: {  	s17 =	simm.s32 $0x1920;
	v20 =	vadd.f32 v20, v18;
	v23 =	vadd.f32 v23, v18;
	[tilespmem:s15+$0xFFFFFFF0] =	vst v19  }
0x3bb: {  	v19 =	vadd.f32 v21, v18;
	v21 =	vadd.f32 v54, v27;
	[tilespmem:s15+$0xFFFFFF90] =	vst v22;
	v22 =	vadd.s32 s17, v14  }
0x3bc: {  	s18 =	simm.s32 $0x7D00;
	[tilespmem:s15+$0xFFFFFFA0] =	vst v20;
	v20 =	vadd.s32 s17, v15  }
0x3bd: {  	v24 =	vadd.s32 s18, v10;
	[tilespmem:s15+$0xFFFFFFC0] =	vst v23;
	v18 =	vadd.f32 v21, v18  }
0x3be: {  	v25 =	vadd.s32 s18, v8;
	[tilespmem:s15+$0xFFFFFFB0] =	vst v19  }
0x3bf: {  	v26 =	vadd.s32 s18, v7;
	[tilespmem:s15+$0xFFFFFFD0] =	vst v18  }
0x3c0: {  	v55 =	vadd.s32 s18, v4;
	v22 =	vld.idx.msk [tilespmem:v22+s20+$0x0], $0xffff  }
0x3c1: {  	v23 =	vadd.s32 s18, v12;
	v20 =	vld.idx.msk [tilespmem:v20+s20+$0x0], $0xffff  }
0x3c2: {  	v18 =	vadd.s32 s18, v9;
	v24 =	vld.idx.msk [tilespmem:v24+s12+$0x0], $0xffff  }
0x3c3: {  	v19 =	vadd.s32 s18, v11;
	v25 =	vld.idx.msk [tilespmem:v25+s12+$0x0], $0xffff  }
0x3c4: {  	v21 =	vadd.s32 s17, v13;
	v26 =	vld.idx.msk [tilespmem:v26+s12+$0x0], $0xffff  }
0x3c5: {  	v56 =	vadd.s32 s17, v5;
	v28 =	vld.idx.msk [tilespmem:v55+s12+$0x0], $0xffff  }
0x3c6: {  	v57 =	vadd.s32 s17, v1;
	v23 =	vld.idx.msk [tilespmem:v23+s12+$0x0], $0xffff  }
0x3c7: {  	v27 =	vld.idx.msk [tilespmem:v18+s12+$0x0], $0xffff;
	v18 =	vadd.s32 s18, v0  }
0x3c8: {  	v58 =	vadd.s32 s17, v2;
	v19 =	vld.idx.msk [tilespmem:v19+s12+$0x0], $0xffff  }
0x3c9: {  	v60 =	vadd.s32 s17, v3;
	v21 =	vld.idx.msk [tilespmem:v21+s20+$0x0], $0xffff  }
0x3ca: {  	v61 =	vadd.s32 s17, v6;
	v29 =	vld.idx.msk [tilespmem:v56+s20+$0x0], $0xffff  }
0x3cb: {  	v30 =	vld.idx.msk [tilespmem:v57+s20+$0x0], $0xffff  }
0x3cc: {  	v59 =	vld.idx.msk [tilespmem:v18+s12+$0x0], $0xffff;
	v18 =	vmov s12  }
0x3cd: {  	v20 =	vadd.f32 v20, v23;
	v23 =	vld.idx.msk [tilespmem:v58+s20+$0x0], $0xffff;
	v62 =	vperm.xlane v17, v18  }
0x3ce: {  	v19 =	vadd.f32 v21, v19;
	v21 =	vld.idx.msk [tilespmem:v60+s20+$0x0], $0xffff  }
0x3cf: {  	v63 =	vld.idx.msk [tilespmem:v61+s20+$0x0], $0xffff;
	v22 =	vadd.f32 v22, v28;
	v20 =	vadd.f32 v20, v62  }
0x3d0: {  	s13 =	simm.s32 $0x170B0;
	v27 =	vadd.f32 v29, v27;
	v19 =	vadd.f32 v19, v62  }
0x3d1: {  	v22 =	vadd.f32 v22, v62;
	[tilespmem:s13+$0x0] =	vst v20;
	v20 =	vadd.f32 v30, v59  }
0x3d2: {  	v23 =	vadd.f32 v23, v24;
	[tilespmem:s13+$0xFFFFFFE0] =	vst v19;
	v19 =	vadd.f32 v27, v62  }
0x3d3: {  	s14 =	simm.s32 $0x19E9;
	v21 =	vadd.f32 v21, v25;
	[tilespmem:s13+$0xFFFFFFF0] =	vst v22;
	v20 =	vadd.f32 v20, v62  }
0x3d4: {  	v25 =	vadd.s32 s14, v14;
	v22 =	vadd.f32 v23, v62;
	v23 =	vadd.f32 v63, v26;
	[tilespmem:s13+$0xFFFFFF90] =	vst v19  }
0x3d5: {  	s17 =	simm.s32 $0x80E8;
	v19 =	vadd.f32 v21, v62;
	[tilespmem:s13+$0xFFFFFFA0] =	vst v20;
	v20 =	vadd.s32 s14, v15  }
0x3d6: {  	v21 =	vadd.f32 v23, v62;
	[tilespmem:s13+$0xFFFFFFB0] =	vst v22;
	v22 =	vadd.s32 s17, v11  }
0x3d7: {  	v23 =	vadd.s32 s14, v13;
	[tilespmem:s13+$0xFFFFFFC0] =	vst v19  }
0x3d8: {  	v24 =	vadd.s32 s17, v9;
	[tilespmem:s13+$0xFFFFFFD0] =	vst v21  }
0x3d9: {  	s15 =	simm.s32 $0x0;
	s18 =	simm.s32 $0x1AB2;
	v21 =	vadd.s32 s17, v12;
	v19 =	vld.idx.msk [tilespmem:v25+s20+$0x0], $0xffff  }
.LBB2_23:
0x3da: {  	p0 =	sne.s32 s18, $0x24E7;
	v25 =	vadd.s32 s17, v10;
	v20 =	vld.idx.msk [tilespmem:v20+s20+$0x0], $0xffff  }
0x3db: {  	v26 =	vadd.s32 s17, v8;
	v22 =	vld.idx.msk [tilespmem:v22+s12+$0x0], $0xffff  }
0x3dc: {  	v27 =	vadd.s32 s17, v7;
	v23 =	vld.idx.msk [tilespmem:v23+s20+$0x0], $0xffff  }
0x3dd: {  	v28 =	vadd.s32 s17, v0;
	v24 =	vld.idx.msk [tilespmem:v24+s12+$0x0], $0xffff  }
0x3de: {  	v29 =	vadd.s32 s17, v4;
	v21 =	vld.idx.msk [tilespmem:v21+s12+$0x0], $0xffff  }
0x3df: {  	v30 =	vadd.s32 s14, v5;
	v25 =	vld.idx.msk [tilespmem:v25+s12+$0x0], $0xffff  }
0x3e0: {  	v31 =	vadd.s32 s14, v1;
	v26 =	vld.idx.msk [tilespmem:v26+s12+$0x0], $0xffff  }
0x3e1: {  	v32 =	vadd.s32 s14, v2;
	v27 =	vld.idx.msk [tilespmem:v27+s12+$0x0], $0xffff  }
0x3e2: {  	v33 =	vadd.s32 s14, v3;
	s15 =	sadd.s32 $0x1, s15;
	v28 =	vld.idx.msk [tilespmem:v28+s12+$0x0], $0xffff  }
0x3e3: {  	v35 =	vadd.s32 s14, v6;
	s14 =	smov.u32 s18;
	v34 =	vmov s15;
	v29 =	vld.idx.msk [tilespmem:v29+s12+$0x0], $0xffff  }
0x3e4: {  	v34 =	vperm.xlane v17, v34;
	v20 =	vadd.f32 v20, v21;
	v30 =	vld.idx.msk [tilespmem:v30+s20+$0x0], $0xffff  }
0x3e5: {  	v22 =	vadd.f32 v23, v22;
	v21 =	vld.idx.msk [tilespmem:v31+s20+$0x0], $0xffff  }
0x3e6: {  	v20 =	vadd.f32 v20, v34;
	v23 =	vld.idx.msk [tilespmem:v32+s20+$0x0], $0xffff  }
0x3e7: {  	s13 =	sadd.s32 $0x80, s13;
	v22 =	vadd.f32 v22, v34;
	v31 =	vld.idx.msk [tilespmem:v33+s20+$0x0], $0xffff  }
0x3e8: {  	v32 =	vld.idx.msk [tilespmem:v35+s20+$0x0], $0xffff;
	[tilespmem:s13+$0x0] =	vst v20  }
0x3e9: {  	v19 =	vadd.f32 v19, v29;
	[tilespmem:s13+$0xFFFFFFE0] =	vst v22  }
0x3ea: {  	v20 =	vadd.f32 v30, v24  }
0x3eb: {  	v21 =	vadd.f32 v21, v28;
	v19 =	vadd.f32 v19, v34  }
0x3ec: {  	v20 =	vadd.f32 v20, v34;
	v22 =	vadd.f32 v23, v25  }
0x3ed: {  	v21 =	vadd.f32 v21, v34;
	v23 =	vadd.f32 v31, v26;
	[tilespmem:s13+$0xFFFFFFF0] =	vst v19  }
0x3ee: {  	v19 =	vadd.s32 s18, v14;
	v24 =	vadd.f32 v22, v34;
	v25 =	vadd.f32 v32, v27;
	[tilespmem:s13+$0xFFFFFF90] =	vst v20  }
.Ltmp10:
0x3ef: {  	s17 =	sadd.s32 $0x3E8, s17;
	v20 =	vadd.s32 s18, v15;
	v26 =	vadd.f32 v23, v34;
	[tilespmem:s13+$0xFFFFFFA0] =	vst v21;
	(pc) =	sbr.rel @p0 .LBB2_23-.Ltmp10, $4  }
0x3f0: {  	v22 =	vadd.s32 s17, v11;
	v21 =	vadd.f32 v25, v34;
	[tilespmem:s13+$0xFFFFFFB0] =	vst v24  }
0x3f1: {  	v23 =	vadd.s32 s18, v13;
	[tilespmem:s13+$0xFFFFFFC0] =	vst v26  }
0x3f2: {  	v24 =	vadd.s32 s17, v9;
	[tilespmem:s13+$0xFFFFFFD0] =	vst v21  }
0x3f3: {  	s18 =	sadd.s32 $0xC9, s18;
	v21 =	vadd.s32 s17, v12;
	v19 =	vld.idx.msk [tilespmem:v19+s20+$0x0], $0xffff  }
0x3f4: {  	_ =	sdelay $0x3  }
0x3f5: {  	v25 =	vadd.s32 s17, v10;
	v20 =	vld.idx.msk [tilespmem:v20+s20+$0x0], $0xffff  }
0x3f6: {  	v26 =	vadd.s32 s17, v8;
	v22 =	vld.idx.msk [tilespmem:v22+s12+$0x0], $0xffff  }
0x3f7: {  	v23 =	vld.idx.msk [tilespmem:v23+s20+$0x0], $0xffff;
	v28 =	vadd.s32 s17, v0  }
0x3f8: {  	v24 =	vld.idx.msk [tilespmem:v24+s12+$0x0], $0xffff;
	v29 =	vadd.s32 s17, v4  }
0x3f9: {  	v21 =	vld.idx.msk [tilespmem:v21+s12+$0x0], $0xffff;
	v30 =	vadd.s32 s14, v5  }
0x3fa: {  	v31 =	vadd.s32 s14, v1;
	v25 =	vld.idx.msk [tilespmem:v25+s12+$0x0], $0xffff  }
0x3fb: {  	v33 =	vadd.s32 s14, v3;
	v26 =	vld.idx.msk [tilespmem:v26+s12+$0x0], $0xffff  }
0x3fc: {  	v32 =	vadd.s32 s14, v2;
	v28 =	vld.idx.msk [tilespmem:v28+s12+$0x0], $0xffff  }
0x3fd: {  	v27 =	vadd.s32 s17, v7;
	v29 =	vld.idx.msk [tilespmem:v29+s12+$0x0], $0xffff  }
0x3fe: {  	v34 =	vadd.s32 s14, v6;
	s15 =	sadd.s32 $0x1, s15;
	v30 =	vld.idx.msk [tilespmem:v30+s20+$0x0], $0xffff  }
0x3ff: {  	v35 =	vmov s15;
	v31 =	vld.idx.msk [tilespmem:v31+s20+$0x0], $0xffff  }
0x400: {  	v17 =	vperm.xlane v17, v35;
	v20 =	vadd.f32 v20, v21;
	v22 =	vadd.f32 v23, v22;
	v23 =	vld.idx.msk [tilespmem:v33+s20+$0x0], $0xffff  }
0x401: {  	v21 =	vld.idx.msk [tilespmem:v32+s20+$0x0], $0xffff  }
0x402: {  	v27 =	vld.idx.msk [tilespmem:v27+s12+$0x0], $0xffff;
	v20 =	vadd.f32 v20, v17  }
0x403: {  	s13 =	sadd.s32 $0x80, s13;
	v52 =	vld.idx.msk [tilespmem:v34+s20+$0x0], $0xffff;
	v22 =	vadd.f32 v22, v17;
	v19 =	vadd.f32 v19, v29  }
0x404: {  	[tilespmem:s13+$0x0] =	vst v20;
	v24 =	vadd.f32 v30, v24;
	v20 =	vadd.f32 v31, v28  }
0x405: {  	v23 =	vadd.f32 v23, v26;
	v19 =	vadd.f32 v19, v17  }
0x406: {  	[tilespmem:s13+$0xFFFFFFE0] =	vst v22;
	v21 =	vadd.f32 v21, v25;
	v22 =	vadd.f32 v24, v17  }
0x407: {  	s17 =	simm.s32 $0x25B0;
	v20 =	vadd.f32 v20, v17;
	v23 =	vadd.f32 v23, v17;
	[tilespmem:s13+$0xFFFFFFF0] =	vst v19  }
0x408: {  	v19 =	vadd.f32 v21, v17;
	v21 =	vadd.f32 v52, v27;
	[tilespmem:s13+$0xFFFFFF90] =	vst v22;
	v22 =	vadd.s32 s17, v14  }
0x409: {  	s18 =	simm.s32 $0xBB80;
	[tilespmem:s13+$0xFFFFFFA0] =	vst v20;
	v20 =	vadd.s32 s17, v15  }
0x40a: {  	[tilespmem:s13+$0xFFFFFFC0] =	vst v23;
	v23 =	vadd.s32 s18, v12;
	v17 =	vadd.f32 v21, v17  }
0x40b: {  	v53 =	vadd.s32 s18, v10;
	[tilespmem:s13+$0xFFFFFFB0] =	vst v19  }
0x40c: {  	v54 =	vadd.s32 s18, v8;
	[tilespmem:s13+$0xFFFFFFD0] =	vst v17  }
0x40d: {  	v55 =	vadd.s32 s18, v7;
	v22 =	vld.idx.msk [tilespmem:v22+s20+$0x0], $0xffff  }
0x40e: {  	v56 =	vadd.s32 s18, v0;
	v20 =	vld.idx.msk [tilespmem:v20+s20+$0x0], $0xffff  }
0x40f: {  	v57 =	vadd.s32 s18, v4;
	v23 =	vld.idx.msk [tilespmem:v23+s4+$0x0], $0xffff  }
0x410: {  	v58 =	vadd.s32 s17, v5;
	v24 =	vld.idx.msk [tilespmem:v53+s4+$0x0], $0xffff  }
0x411: {  	v19 =	vadd.s32 s18, v11;
	v25 =	vld.idx.msk [tilespmem:v54+s4+$0x0], $0xffff  }
0x412: {  	v21 =	vadd.s32 s17, v13;
	v26 =	vld.idx.msk [tilespmem:v55+s4+$0x0], $0xffff  }
0x413: {  	v59 =	vadd.s32 s17, v1;
	v27 =	vld.idx.msk [tilespmem:v56+s4+$0x0], $0xffff  }
0x414: {  	v17 =	vadd.s32 s18, v9;
	v28 =	vld.idx.msk [tilespmem:v57+s4+$0x0], $0xffff  }
0x415: {  	v62 =	vadd.s32 s17, v6;
	v29 =	vld.idx.msk [tilespmem:v58+s20+$0x0], $0xffff  }
0x416: {  	v60 =	vadd.s32 s17, v2;
	v19 =	vld.idx.msk [tilespmem:v19+s4+$0x0], $0xffff  }
0x417: {  	v61 =	vadd.s32 s17, v3;
	v21 =	vld.idx.msk [tilespmem:v21+s20+$0x0], $0xffff  }
0x418: {  	v30 =	vld.idx.msk [tilespmem:v59+s20+$0x0], $0xffff  }
0x419: {  	v17 =	vld.idx.msk [tilespmem:v17+s4+$0x0], $0xffff  }
0x41a: {  	v18 =	vperm.xlane v16, v18;
	v63 =	vld.idx.msk [tilespmem:v62+s20+$0x0], $0xffff;
	v20 =	vadd.f32 v20, v23  }
0x41b: {  	v23 =	vld.idx.msk [tilespmem:v60+s20+$0x0], $0xffff;
	v22 =	vadd.f32 v22, v28  }
0x41c: {  	v19 =	vadd.f32 v21, v19;
	v21 =	vld.idx.msk [tilespmem:v61+s20+$0x0], $0xffff;
	v20 =	vadd.f32 v20, v18  }
0x41d: {  	s13 =	simm.s32 $0x178B0;
	v22 =	vadd.f32 v22, v18  }
0x41e: {  	v19 =	vadd.f32 v19, v18;
	v17 =	vadd.f32 v29, v17;
	[tilespmem:s13+$0x0] =	vst v20  }
0x41f: {  	v20 =	vadd.f32 v30, v27;
	[tilespmem:s13+$0xFFFFFFF0] =	vst v22;
	v22 =	vadd.f32 v63, v26  }
0x420: {  	[tilespmem:s13+$0xFFFFFFE0] =	vst v19;
	v17 =	vadd.f32 v17, v18;
	v19 =	vadd.f32 v23, v24  }
0x421: {  	s14 =	simm.s32 $0x2679;
	v20 =	vadd.f32 v20, v18;
	v21 =	vadd.f32 v21, v25  }
0x422: {  	v23 =	vadd.s32 s14, v14;
	v19 =	vadd.f32 v19, v18;
	[tilespmem:s13+$0xFFFFFF90] =	vst v17  }
0x423: {  	s15 =	simm.s32 $0xBF68;
	[tilespmem:s13+$0xFFFFFFA0] =	vst v20;
	v17 =	vadd.f32 v21, v18;
	v21 =	vadd.f32 v22, v18;
	v18 =	vadd.s32 s14, v15  }
0x424: {  	v20 =	vadd.s32 s15, v11;
	[tilespmem:s13+$0xFFFFFFB0] =	vst v19  }
0x425: {  	[tilespmem:s13+$0xFFFFFFD0] =	vst v21;
	v21 =	vadd.s32 s14, v13  }
0x426: {  	v22 =	vadd.s32 s15, v9;
	[tilespmem:s13+$0xFFFFFFC0] =	vst v17  }
0x427: {  	s17 =	simm.s32 $0x2742;
	v19 =	vadd.s32 s15, v12;
	v17 =	vld.idx.msk [tilespmem:v23+s20+$0x0], $0xffff  }
.LBB2_25:
0x428: {  	p0 =	sne.s32 s17, $0x3177;
	v23 =	vadd.s32 s15, v10;
	v18 =	vld.idx.msk [tilespmem:v18+s20+$0x0], $0xffff  }
0x429: {  	v24 =	vadd.s32 s15, v8;
	v20 =	vld.idx.msk [tilespmem:v20+s4+$0x0], $0xffff  }
0x42a: {  	v25 =	vadd.s32 s15, v7;
	v21 =	vld.idx.msk [tilespmem:v21+s20+$0x0], $0xffff  }
0x42b: {  	v26 =	vadd.s32 s15, v0;
	v22 =	vld.idx.msk [tilespmem:v22+s4+$0x0], $0xffff  }
0x42c: {  	v27 =	vadd.s32 s15, v4;
	v19 =	vld.idx.msk [tilespmem:v19+s4+$0x0], $0xffff  }
0x42d: {  	v28 =	vadd.s32 s14, v5;
	v23 =	vld.idx.msk [tilespmem:v23+s4+$0x0], $0xffff  }
0x42e: {  	v29 =	vadd.s32 s14, v1;
	v24 =	vld.idx.msk [tilespmem:v24+s4+$0x0], $0xffff  }
0x42f: {  	v30 =	vadd.s32 s14, v2;
	v25 =	vld.idx.msk [tilespmem:v25+s4+$0x0], $0xffff  }
0x430: {  	v31 =	vadd.s32 s14, v3;
	s12 =	sadd.s32 $0x1, s12;
	v26 =	vld.idx.msk [tilespmem:v26+s4+$0x0], $0xffff  }
0x431: {  	v33 =	vadd.s32 s14, v6;
	s14 =	smov.u32 s17;
	v32 =	vmov s12;
	v27 =	vld.idx.msk [tilespmem:v27+s4+$0x0], $0xffff  }
0x432: {  	v32 =	vperm.xlane v16, v32;
	v18 =	vadd.f32 v18, v19;
	v28 =	vld.idx.msk [tilespmem:v28+s20+$0x0], $0xffff  }
0x433: {  	v20 =	vadd.f32 v21, v20;
	v19 =	vld.idx.msk [tilespmem:v29+s20+$0x0], $0xffff  }
0x434: {  	v18 =	vadd.f32 v18, v32;
	v21 =	vld.idx.msk [tilespmem:v30+s20+$0x0], $0xffff  }
0x435: {  	s13 =	sadd.s32 $0x80, s13;
	v20 =	vadd.f32 v20, v32;
	v29 =	vld.idx.msk [tilespmem:v31+s20+$0x0], $0xffff  }
0x436: {  	v30 =	vld.idx.msk [tilespmem:v33+s20+$0x0], $0xffff;
	[tilespmem:s13+$0x0] =	vst v18  }
0x437: {  	v17 =	vadd.f32 v17, v27;
	[tilespmem:s13+$0xFFFFFFE0] =	vst v20  }
0x438: {  	v18 =	vadd.f32 v28, v22  }
0x439: {  	v19 =	vadd.f32 v19, v26;
	v17 =	vadd.f32 v17, v32  }
0x43a: {  	v18 =	vadd.f32 v18, v32;
	v20 =	vadd.f32 v21, v23  }
0x43b: {  	v19 =	vadd.f32 v19, v32;
	v21 =	vadd.f32 v29, v24;
	[tilespmem:s13+$0xFFFFFFF0] =	vst v17  }
0x43c: {  	v17 =	vadd.s32 s17, v14;
	v22 =	vadd.f32 v20, v32;
	v23 =	vadd.f32 v30, v25;
	[tilespmem:s13+$0xFFFFFF90] =	vst v18  }
.Ltmp11:
0x43d: {  	s15 =	sadd.s32 $0x3E8, s15;
	v18 =	vadd.s32 s17, v15;
	v24 =	vadd.f32 v21, v32;
	[tilespmem:s13+$0xFFFFFFA0] =	vst v19;
	(pc) =	sbr.rel @p0 .LBB2_25-.Ltmp11, $4  }
0x43e: {  	v20 =	vadd.s32 s15, v11;
	v19 =	vadd.f32 v23, v32;
	[tilespmem:s13+$0xFFFFFFB0] =	vst v22  }
0x43f: {  	v21 =	vadd.s32 s17, v13;
	[tilespmem:s13+$0xFFFFFFC0] =	vst v24  }
0x440: {  	v22 =	vadd.s32 s15, v9;
	[tilespmem:s13+$0xFFFFFFD0] =	vst v19  }
0x441: {  	s17 =	sadd.s32 $0xC9, s17;
	v19 =	vadd.s32 s15, v12;
	v17 =	vld.idx.msk [tilespmem:v17+s20+$0x0], $0xffff  }
0x442: {  	_ =	sdelay $0x3  }
0x443: {  	v9 =	vadd.s32 s15, v10;
	v10 =	vld.idx.msk [tilespmem:v18+s20+$0x0], $0xffff  }
0x444: {  	v8 =	vadd.s32 s15, v8;
	v11 =	vld.idx.msk [tilespmem:v20+s4+$0x0], $0xffff  }
0x445: {  	v12 =	vld.idx.msk [tilespmem:v21+s20+$0x0], $0xffff;
	v0 =	vadd.s32 s15, v0  }
0x446: {  	v13 =	vld.idx.msk [tilespmem:v22+s4+$0x0], $0xffff;
	v4 =	vadd.s32 s15, v4  }
0x447: {  	v14 =	vld.idx.msk [tilespmem:v19+s4+$0x0], $0xffff;
	v5 =	vadd.s32 s14, v5  }
0x448: {  	v1 =	vadd.s32 s14, v1;
	v9 =	vld.idx.msk [tilespmem:v9+s4+$0x0], $0xffff  }
0x449: {  	v3 =	vadd.s32 s14, v3;
	v8 =	vld.idx.msk [tilespmem:v8+s4+$0x0], $0xffff  }
0x44a: {  	v2 =	vadd.s32 s14, v2;
	v0 =	vld.idx.msk [tilespmem:v0+s4+$0x0], $0xffff  }
0x44b: {  	v7 =	vadd.s32 s15, v7;
	v4 =	vld.idx.msk [tilespmem:v4+s4+$0x0], $0xffff  }
0x44c: {  	v6 =	vadd.s32 s14, v6;
	s12 =	sadd.s32 $0x1, s12;
	v5 =	vld.idx.msk [tilespmem:v5+s20+$0x0], $0xffff  }
0x44d: {  	v15 =	vmov s12;
	v1 =	vld.idx.msk [tilespmem:v1+s20+$0x0], $0xffff  }
0x44e: {  	v15 =	vperm.xlane v16, v15;
	v10 =	vadd.f32 v10, v14;
	v3 =	vld.idx.msk [tilespmem:v3+s20+$0x0], $0xffff  }
0x44f: {  	v2 =	vld.idx.msk [tilespmem:v2+s20+$0x0], $0xffff;
	v11 =	vadd.f32 v12, v11  }
0x450: {  	v7 =	vld.idx.msk [tilespmem:v7+s4+$0x0], $0xffff;
	v10 =	vadd.f32 v10, v15  }
0x451: {  	v6 =	vld.idx.msk [tilespmem:v6+s20+$0x0], $0xffff;
	v11 =	vadd.f32 v11, v15;
	v4 =	vadd.f32 v17, v4  }
0x452: {  	s14 =	sadd.s32 $0x80, s13;
	v5 =	vadd.f32 v5, v13;
	v0 =	vadd.f32 v1, v0  }
0x453: {  	[tilespmem:s14+$0x0] =	vst v10;
	v3 =	vadd.f32 v3, v8;
	v1 =	vadd.f32 v4, v15  }
0x454: {  	[tilespmem:s14+$0xFFFFFFE0] =	vst v11;
	v2 =	vadd.f32 v2, v9;
	v4 =	vadd.f32 v5, v15  }
0x455: {  	v0 =	vadd.f32 v0, v15;
	v3 =	vadd.f32 v3, v15;
	[tilespmem:s14+$0xFFFFFFF0] =	vst v1  }
0x456: {  	v1 =	vadd.f32 v2, v15;
	v2 =	vadd.f32 v6, v7;
	[tilespmem:s14+$0xFFFFFF90] =	vst v4  }
0x457: {  	[tilespmem:s14+$0xFFFFFFA0] =	vst v0  }
0x458: {  	s15 =	sshll.u32 s10, $0x10;
	[tilespmem:s14+$0xFFFFFFC0] =	vst v3;
	v0 =	vadd.f32 v2, v15  }
0x459: {  	s13 =	sor.u32 s9, s15;
	[tilespmem:s14+$0xFFFFFFB0] =	vst v1  }
0x45a: {  	s18 =	simm.s32 $0x16040;
	s12 =	simm.s32 $0x0;
	s17 =	sadd.s32 s3, s13;
	[tilespmem:s14+$0xFFFFFFD0] =	vst v0  }
0x45b: {  	[hbm4b:s17+s12] =	stream.linear.scatter [tilespmem:s18], [sflag:$0x3], $0x400, $0x38;
	[tilespmem:$0x1A040] =	vst v63  }
0x45c: {  	s17 =	sadd.s32 s13, s16;
	s18 =	simm.s32 $0x16440  }
0x45d: {  	[hbm4b:s17+s12] =	stream.linear.scatter [tilespmem:s18], [sflag:$0x3], $0x400, $0x38;
	[tilespmem:$0x1A040] =	vst v63  }
0x45e: {  	s17 =	sadd.s32 s13, s19;
	s18 =	simm.s32 $0x16840  }
0x45f: {  	[hbm4b:s17+s12] =	stream.linear.scatter [tilespmem:s18], [sflag:$0x3], $0x400, $0x38;
	[tilespmem:$0x1A040] =	vst v63  }
0x460: {  	s17 =	sadd.s32 s13, s21;
	s18 =	simm.s32 $0x16C40  }
0x461: {  	[hbm4b:s17+s12] =	stream.linear.scatter [tilespmem:s18], [sflag:$0x3], $0x400, $0x38;
	[tilespmem:$0x1A040] =	vst v63  }
0x462: {  	s17 =	sadd.s32 s13, s22;
	s18 =	simm.s32 $0x17040  }
0x463: {  	[hbm4b:s17+s12] =	stream.linear.scatter [tilespmem:s18], [sflag:$0x3], $0x400, $0x38;
	[tilespmem:$0x1A040] =	vst v63  }
0x464: {  	s17 =	sadd.s32 s13, s29;
	s18 =	simm.s32 $0x17440  }
0x465: {  	[hbm4b:s17+s12] =	stream.linear.scatter [tilespmem:s18], [sflag:$0x3], $0x400, $0x38;
	[tilespmem:$0x1A040] =	vst v63  }
0x466: {  	s15 =	sadd.s32 s13, s30;
	s17 =	simm.s32 $0x17840  }
0x467: {  	[hbm4b:s15+s12] =	stream.linear.scatter [tilespmem:s17], [sflag:$0x3], $0x400, $0x38;
	[tilespmem:$0x1A040] =	vst v63  }
0x468: {  	s13 =	sadd.s32 s13, s31;
	s18 =	simm.s32 $0x17C40  }
0x469: {  	[hbm4b:s13+s12] =	stream.linear.scatter [tilespmem:s18], [sflag:$0x3], $0x400, $0x38;
	[tilespmem:$0x1A040] =	vst v63  }
0x46a: {  	_ =	swait.ge [sflag:s7], $0x80  }
0x46b: {  	[sflag:s7] =	ssyncset.done $0x0  }
0x46c: {  	[sflag:s7] =	ssyncadd.s32 $0xFFFFFF80  }
0x46d: {  	_ =	swait.ge [sflag:s7], $0x80  }
0x46e: {  	[sflag:s7] =	ssyncset.done $0x0  }
0x46f: {  	[sflag:s7] =	ssyncadd.s32 $0xFFFFFF80  }
0x470: {  	v9 =	vld [tilespmem:$0x15EC0]  }
0x471: {  	v0 =	vld [tilespmem:$0x15ED0]  }
0x472: {  	v10 =	vld [tilespmem:$0x15EE0]  }
0x473: {  	v8 =	vld [tilespmem:$0x15EF0]  }
0x474: {  	v7 =	vld [tilespmem:$0x15F00]  }
0x475: {  	v11 =	vld [tilespmem:$0x15F10]  }
0x476: {  	v6 =	vld [tilespmem:$0x15F20]  }
0x477: {  	v12 =	vld [tilespmem:$0x15F30]  }
0x478: {  	s14 =	smin.u32 s11, $0xC4;
	v4 =	vld [tilespmem:$0x15FC0]  }
0x479: {  	s13 =	sadd.s32 $0x3, s14;
	v1 =	vld [tilespmem:$0x15FD0]  }
0x47a: {  	s15 =	sshll.u32 s13, $0x9;
	s13 =	sshll.u32 s13, $0x4;
	v2 =	vld [tilespmem:$0x15FE0]  }
0x47b: {  	s14 =	sand.u32 $0x3F000, s15;
	s13 =	sand.u32 $0x70, s13;
	v3 =	vld [tilespmem:$0x15FF0]  }
0x47c: {  	s13 =	sor.u32 s14, s13;
	v5 =	vld [tilespmem:$0x16000]  }
0x47d: {  	s13 =	sor.u32 s9, s13;
	v13 =	vld [tilespmem:$0x16010]  }
0x47e: {  	s17 =	sadd.s32 s1, s13;
	v14 =	vld [tilespmem:$0x16020]  }
0x47f: {  	v15 =	vld [tilespmem:$0x16030];
	[tilespmem:s25], [sflag:$0x2] =	stream.linear.gather [hbm4b:s17+s12], $0x80, $0x38  }
0x480: {  	s13 =	sadd.s32 s2, s13  }
0x481: {  	[tilespmem:s26], [sflag:$0x2] =	stream.linear.gather [hbm4b:s13+s12], $0x80, $0x38;
	[tilespmem:$0x1A040] =	vst v63  }
0x482: {  	_ =	swait.ge [sflag:s8], $0x400  }
0x483: {  	[sflag:s8] =	ssyncset.done $0x0  }
0x484: {  	[sflag:s8] =	ssyncadd.s32 $0xFFFFFC00  }
0x485: {  	_ =	swait.ge [sflag:s8], $0x400  }
0x486: {  	[sflag:s8] =	ssyncset.done $0x0  }
0x487: {  	[sflag:s8] =	ssyncadd.s32 $0xFFFFFC00  }
0x488: {  	_ =	swait.ge [sflag:s8], $0x400  }
0x489: {  	[sflag:s8] =	ssyncset.done $0x0  }
0x48a: {  	[sflag:s8] =	ssyncadd.s32 $0xFFFFFC00  }
0x48b: {  	_ =	swait.ge [sflag:s8], $0x400  }
0x48c: {  	[sflag:s8] =	ssyncset.done $0x0  }
0x48d: {  	[sflag:s8] =	ssyncadd.s32 $0xFFFFFC00  }
0x48e: {  	_ =	swait.ge [sflag:s8], $0x400  }
0x48f: {  	[sflag:s8] =	ssyncset.done $0x0  }
0x490: {  	[sflag:s8] =	ssyncadd.s32 $0xFFFFFC00  }
0x491: {  	_ =	swait.ge [sflag:s8], $0x400  }
0x492: {  	[sflag:s8] =	ssyncset.done $0x0  }
0x493: {  	[sflag:s8] =	ssyncadd.s32 $0xFFFFFC00  }
0x494: {  	_ =	swait.ge [sflag:s8], $0x400  }
0x495: {  	[sflag:s8] =	ssyncset.done $0x0  }
0x496: {  	[sflag:s8] =	ssyncadd.s32 $0xFFFFFC00  }
0x497: {  	s11 =	sor.u32 $0x1, s11;
	_ =	swait.ge [sflag:s8], $0x400  }
0x498: {  	s18 =	sshll.u32 s11, $0x6;
	[sflag:s8] =	ssyncset.done $0x0  }
0x499: {  	s13 =	sand.u32 $0x3FFFFFC0, s18;
	[sflag:s8] =	ssyncadd.s32 $0xFFFFFC00  }
0x49a: {  	v19 =	vld [tilespmem:s13+$0x12C40]  }
0x49b: {  	v18 =	vld [tilespmem:s13+$0x12C50]  }
0x49c: {  	v17 =	vld [tilespmem:s13+$0x12C60]  }
0x49d: {  	v16 =	vld.idx.msk [tilespmem:v14+s20+$0x0], $0xffff  }
0x49e: {  	v20 =	vld.idx.msk [tilespmem:v15+s20+$0x0], $0xffff  }
0x49f: {  	v21 =	vld.idx.msk [tilespmem:v11+s12+$0x0], $0xffff  }
0x4a0: {  	v22 =	vld.idx.msk [tilespmem:v13+s20+$0x0], $0xffff  }
0x4a1: {  	v23 =	vld.idx.msk [tilespmem:v9+s12+$0x0], $0xffff  }
0x4a2: {  	v24 =	vld.idx.msk [tilespmem:v12+s12+$0x0], $0xffff  }
0x4a3: {  	v25 =	vld.idx.msk [tilespmem:v10+s12+$0x0], $0xffff  }
0x4a4: {  	v27 =	vld.idx.msk [tilespmem:v7+s12+$0x0], $0xffff  }
0x4a5: {  	v28 =	vld.idx.msk [tilespmem:v0+s12+$0x0], $0xffff  }
0x4a6: {  	v29 =	vld.idx.msk [tilespmem:v6+s12+$0x0], $0xffff  }
0x4a7: {  	v30 =	vld.idx.msk [tilespmem:v4+s20+$0x0], $0xffff  }
0x4a8: {  	v33 =	vld.idx.msk [tilespmem:v5+s20+$0x0], $0xffff  }
0x4a9: {  	v31 =	vmov s12;
	v32 =	vld.idx.msk [tilespmem:v1+s20+$0x0], $0xffff  }
0x4aa: {  	v26 =	vld.idx.msk [tilespmem:v8+s12+$0x0], $0xffff;
	v31 =	vperm.xlane v19, v31;
	v20 =	vadd.f32 v20, v24  }
0x4ab: {  	v24 =	vld.idx.msk [tilespmem:v2+s20+$0x0], $0xffff;
	v21 =	vadd.f32 v22, v21;
	v29 =	vadd.f32 v16, v29  }
0x4ac: {  	v22 =	vld.idx.msk [tilespmem:v3+s20+$0x0], $0xffff;
	v23 =	vadd.f32 v30, v23;
	v20 =	vadd.f32 v20, v31  }
0x4ad: {  	v16 =	vld [tilespmem:s13+$0x12C70];
	s13 =	simm.s32 $0x18080;
	v27 =	vadd.f32 v33, v27;
	v21 =	vadd.f32 v21, v31  }
0x4ae: {  	v28 =	vadd.f32 v32, v28;
	v29 =	vadd.f32 v29, v31;
	[tilespmem:s13+$0x30] =	vst v20  }
0x4af: {  	v23 =	vadd.f32 v23, v31;
	v27 =	vadd.f32 v27, v31;
	[tilespmem:s13+$0x10] =	vst v21  }
0x4b0: {  	v20 =	vadd.s32 $0xC9, v14;
	v21 =	vadd.s32 $0xC9, v15;
	[tilespmem:s13+$0x20] =	vst v29;
	v24 =	vadd.f32 v24, v25  }
0x4b1: {  	[tilespmem:s13+$0xFFFFFFC0] =	vst v23;
	v25 =	vadd.f32 v28, v31;
	v26 =	vadd.f32 v22, v26;
	v28 =	vadd.s32 s12, v20  }
0x4b2: {  	v23 =	vadd.s32 $0xC9, v13;
	[tilespmem:s13+$0x0] =	vst v27;
	v29 =	vadd.s32 s12, v21;
	v24 =	vadd.f32 v24, v31  }
0x4b3: {  	v22 =	vadd.s32 $0x3E8, v11;
	v37 =	vadd.s32 s12, v23;
	v26 =	vadd.f32 v26, v31;
	[tilespmem:s13+$0xFFFFFFD0] =	vst v25  }
0x4b4: {  	v63 =	vadd.s32 s12, v22;
	[tilespmem:s13+$0xFFFFFFE0] =	vst v24;
	v24 =	vadd.s32 $0x3E8, v9  }
0x4b5: {  	v25 =	vadd.s32 $0x3E8, v12;
	[tilespmem:s13+$0xFFFFFFF0] =	vst v26;
	v41 =	vadd.s32 s12, v24  }
0x4b6: {  	v27 =	vadd.s32 $0x3E8, v10;
	v45 =	vadd.s32 s12, v25;
	v36 =	vld.idx.msk [tilespmem:v28+s20+$0x0], $0xffff  }
0x4b7: {  	v30 =	vadd.s32 $0x3E8, v8;
	v46 =	vadd.s32 s12, v27;
	v38 =	vld.idx.msk [tilespmem:v29+s20+$0x0], $0xffff  }
0x4b8: {  	v34 =	vadd.s32 $0x3E8, v7;
	v35 =	vadd.s32 $0x3E8, v6;
	v43 =	vadd.s32 s12, v30;
	v40 =	vld.idx.msk [tilespmem:v37+s20+$0x0], $0xffff  }
0x4b9: {  	v44 =	vadd.s32 s12, v34;
	v32 =	vadd.s32 $0xC9, v4;
	v26 =	vadd.s32 $0x3E8, v0;
	v39 =	vld.idx.msk [tilespmem:v63+s12+$0x0], $0xffff  }
0x4ba: {  	s15 =	simm.s32 $0x0;
	v33 =	vadd.s32 $0xC9, v1;
	v31 =	vadd.s32 $0xC9, v2;
	v42 =	vadd.s32 s12, v26;
	v37 =	vld.idx.msk [tilespmem:v41+s12+$0x0], $0xffff  }
0x4bb: {  	s14 =	simm.s32 $0x1;
	s17 =	simm.s32 $0x2;
	s18 =	simm.s32 $0x0;
	v28 =	vadd.s32 $0xC9, v3;
	v29 =	vadd.s32 $0xC9, v5;
	v41 =	vld.idx.msk [tilespmem:v45+s12+$0x0], $0xffff;
	v45 =	vadd.s32 s12, v35  }
.LBB2_27:
0x4bc: {  	p0 =	sne.s32 s17, $0xF;
	v46 =	vld.idx.msk [tilespmem:v46+s12+$0x0], $0xffff;
	v47 =	vadd.s32 s15, v32  }
0x4bd: {  	v48 =	vadd.s32 s15, v33;
	v43 =	vld.idx.msk [tilespmem:v43+s12+$0x0], $0xffff  }
0x4be: {  	v49 =	vadd.s32 s15, v31;
	v44 =	vld.idx.msk [tilespmem:v44+s12+$0x0], $0xffff  }
0x4bf: {  	v50 =	vadd.s32 s15, v28;
	v42 =	vld.idx.msk [tilespmem:v42+s12+$0x0], $0xffff  }
0x4c0: {  	v51 =	vmov s14;
	v52 =	vadd.s32 s15, v29;
	s14 =	smov.u32 s17;
	v45 =	vld.idx.msk [tilespmem:v45+s12+$0x0], $0xffff  }
0x4c1: {  	v51 =	vperm.xlane v19, v51;
	v38 =	vadd.f32 v38, v41;
	v47 =	vld.idx.msk [tilespmem:v47+s20+$0x0], $0xffff  }
0x4c2: {  	v39 =	vadd.f32 v40, v39;
	v41 =	vld.idx.msk [tilespmem:v48+s20+$0x0], $0xffff  }
0x4c3: {  	v38 =	vadd.f32 v38, v51;
	v40 =	vld.idx.msk [tilespmem:v49+s20+$0x0], $0xffff  }
0x4c4: {  	s13 =	sadd.s32 $0x80, s13;
	v39 =	vadd.f32 v39, v51;
	v48 =	vld.idx.msk [tilespmem:v50+s20+$0x0], $0xffff  }
0x4c5: {  	v49 =	vld.idx.msk [tilespmem:v52+s20+$0x0], $0xffff;
	[tilespmem:s13+$0x30] =	vst v38  }
0x4c6: {  	v36 =	vadd.f32 v36, v45;
	[tilespmem:s13+$0x10] =	vst v39  }
0x4c7: {  	v37 =	vadd.f32 v47, v37  }
0x4c8: {  	v38 =	vadd.f32 v41, v42;
	v36 =	vadd.f32 v36, v51  }
0x4c9: {  	v37 =	vadd.f32 v37, v51;
	v39 =	vadd.f32 v40, v46  }
0x4ca: {  	s15 =	sadd.s32 $0xC9, s15;
	v38 =	vadd.f32 v38, v51;
	v40 =	vadd.f32 v48, v43;
	[tilespmem:s13+$0x20] =	vst v36  }
0x4cb: {  	v36 =	vadd.s32 s15, v20;
	v39 =	vadd.f32 v39, v51;
	v41 =	vadd.f32 v49, v44;
	[tilespmem:s13+$0xFFFFFFC0] =	vst v37  }
0x4cc: {  	s18 =	sadd.s32 $0x3E8, s18;
	v37 =	vadd.s32 s15, v21;
	v40 =	vadd.f32 v40, v51;
	[tilespmem:s13+$0xFFFFFFD0] =	vst v38  }
0x4cd: {  	v42 =	vadd.s32 s18, v22;
	v38 =	vadd.f32 v41, v51;
	[tilespmem:s13+$0xFFFFFFE0] =	vst v39  }
0x4ce: {  	v41 =	vadd.s32 s15, v23;
	[tilespmem:s13+$0xFFFFFFF0] =	vst v40  }
0x4cf: {  	v45 =	vadd.s32 s18, v24;
	[tilespmem:s13+$0x0] =	vst v38  }
0x4d0: {  	v47 =	vadd.s32 s18, v25;
	v36 =	vld.idx.msk [tilespmem:v36+s20+$0x0], $0xffff  }
.Ltmp12:
0x4d1: {  	v46 =	vadd.s32 s18, v27;
	v38 =	vld.idx.msk [tilespmem:v37+s20+$0x0], $0xffff;
	(pc) =	sbr.rel @p0 .LBB2_27-.Ltmp12, $4  }
0x4d2: {  	v43 =	vadd.s32 s18, v30;
	v39 =	vld.idx.msk [tilespmem:v42+s12+$0x0], $0xffff  }
0x4d3: {  	v44 =	vadd.s32 s18, v34;
	v40 =	vld.idx.msk [tilespmem:v41+s20+$0x0], $0xffff  }
0x4d4: {  	v42 =	vadd.s32 s18, v26;
	v37 =	vld.idx.msk [tilespmem:v45+s12+$0x0], $0xffff  }
0x4d5: {  	s17 =	sadd.s32 $0x1, s17;
	v45 =	vadd.s32 s18, v35;
	v41 =	vld.idx.msk [tilespmem:v47+s12+$0x0], $0xffff  }
0x4d6: {  	_ =	sdelay $0x3  }
0x4d7: {  	v20 =	vld.idx.msk [tilespmem:v46+s12+$0x0], $0xffff;
	v21 =	vadd.s32 s15, v32  }
0x4d8: {  	v22 =	vld.idx.msk [tilespmem:v43+s12+$0x0], $0xffff;
	v23 =	vadd.s32 s15, v33  }
0x4d9: {  	v24 =	vld.idx.msk [tilespmem:v44+s12+$0x0], $0xffff;
	v25 =	vadd.s32 s15, v31  }
0x4da: {  	v26 =	vld.idx.msk [tilespmem:v42+s12+$0x0], $0xffff;
	v27 =	vadd.s32 s15, v28  }
0x4db: {  	v54 =	vld.idx.msk [tilespmem:v45+s12+$0x0], $0xffff;
	v29 =	vadd.s32 s15, v29  }
0x4dc: {  	v21 =	vld.idx.msk [tilespmem:v21+s20+$0x0], $0xffff  }
0x4dd: {  	v30 =	vmov s14;
	v23 =	vld.idx.msk [tilespmem:v23+s20+$0x0], $0xffff  }
0x4de: {  	v19 =	vperm.xlane v19, v30;
	v56 =	vadd.f32 v40, v39;
	v25 =	vld.idx.msk [tilespmem:v25+s20+$0x0], $0xffff  }
0x4df: {  	v55 =	vadd.f32 v38, v41;
	v27 =	vld.idx.msk [tilespmem:v27+s20+$0x0], $0xffff  }
0x4e0: {  	v31 =	vadd.f32 v56, v19;
	v29 =	vld.idx.msk [tilespmem:v29+s20+$0x0], $0xffff;
	v28 =	vadd.f32 v36, v54  }
0x4e1: {  	s13 =	sadd.s32 $0x80, s13;
	v30 =	vadd.f32 v55, v19;
	v21 =	vadd.f32 v21, v37  }
0x4e2: {  	[tilespmem:s13+$0x10] =	vst v31;
	v23 =	vadd.f32 v23, v26;
	v26 =	vadd.f32 v28, v19  }
0x4e3: {  	[tilespmem:s13+$0x30] =	vst v30;
	v20 =	vadd.f32 v25, v20;
	v21 =	vadd.f32 v21, v19  }
0x4e4: {  	s18 =	simm.s32 $0x3E80;
	v22 =	vadd.f32 v27, v22;
	v23 =	vadd.f32 v23, v19;
	[tilespmem:s13+$0x20] =	vst v26  }
0x4e5: {  	v24 =	vadd.f32 v29, v24;
	v25 =	vadd.s32 s18, v10;
	v20 =	vadd.f32 v20, v19;
	[tilespmem:s13+$0xFFFFFFC0] =	vst v21  }
0x4e6: {  	v27 =	vadd.s32 s18, v7;
	v22 =	vadd.f32 v22, v19;
	[tilespmem:s13+$0xFFFFFFD0] =	vst v23  }
0x4e7: {  	v57 =	vadd.s32 s18, v0;
	v19 =	vadd.f32 v24, v19;
	[tilespmem:s13+$0xFFFFFFE0] =	vst v20  }
0x4e8: {  	s17 =	simm.s32 $0xC90;
	v58 =	vadd.s32 s18, v6;
	[tilespmem:s13+$0xFFFFFFF0] =	vst v22  }
0x4e9: {  	v59 =	vadd.s32 s17, v4;
	[tilespmem:s13+$0x0] =	vst v19;
	s13 =	simm.s32 $0x0  }
0x4ea: {  	v24 =	vadd.s32 s18, v12;
	v25 =	vld.idx.msk [tilespmem:v25+s13+$0x0], $0xffff  }
0x4eb: {  	v23 =	vadd.s32 s17, v15;
	v27 =	vld.idx.msk [tilespmem:v27+s13+$0x0], $0xffff  }
0x4ec: {  	v20 =	vadd.s32 s18, v11;
	v28 =	vld.idx.msk [tilespmem:v57+s13+$0x0], $0xffff  }
0x4ed: {  	v22 =	vadd.s32 s17, v13;
	v29 =	vld.idx.msk [tilespmem:v58+s13+$0x0], $0xffff  }
0x4ee: {  	v60 =	vadd.s32 s17, v1;
	v30 =	vld.idx.msk [tilespmem:v59+s20+$0x0], $0xffff  }
0x4ef: {  	v21 =	vadd.s32 s17, v14;
	v24 =	vld.idx.msk [tilespmem:v24+s13+$0x0], $0xffff  }
0x4f0: {  	v19 =	vadd.s32 s18, v9;
	v23 =	vld.idx.msk [tilespmem:v23+s20+$0x0], $0xffff  }
0x4f1: {  	v61 =	vadd.s32 s17, v2;
	v20 =	vld.idx.msk [tilespmem:v20+s13+$0x0], $0xffff  }
0x4f2: {  	v34 =	vadd.s32 s17, v5;
	v22 =	vld.idx.msk [tilespmem:v22+s20+$0x0], $0xffff  }
0x4f3: {  	v26 =	vadd.s32 s18, v8;
	v31 =	vld.idx.msk [tilespmem:v60+s20+$0x0], $0xffff  }
0x4f4: {  	v62 =	vadd.s32 s17, v3;
	v21 =	vld.idx.msk [tilespmem:v21+s20+$0x0], $0xffff  }
0x4f5: {  	v19 =	vld.idx.msk [tilespmem:v19+s13+$0x0], $0xffff  }
0x4f6: {  	v35 =	vmov s12;
	v23 =	vadd.f32 v23, v24;
	v24 =	vld.idx.msk [tilespmem:v61+s20+$0x0], $0xffff  }
0x4f7: {  	v35 =	vperm.xlane v18, v35;
	v63 =	vld.idx.msk [tilespmem:v34+s20+$0x0], $0xffff;
	v20 =	vadd.f32 v22, v20  }
0x4f8: {  	v26 =	vld.idx.msk [tilespmem:v26+s13+$0x0], $0xffff  }
0x4f9: {  	v22 =	vld.idx.msk [tilespmem:v62+s20+$0x0], $0xffff;
	v21 =	vadd.f32 v21, v29;
	v20 =	vadd.f32 v20, v35  }
0x4fa: {  	s14 =	simm.s32 $0x188B0;
	v19 =	vadd.f32 v30, v19;
	v23 =	vadd.f32 v23, v35  }
0x4fb: {  	v21 =	vadd.f32 v21, v35;
	[tilespmem:s14+$0xFFFFFFE0] =	vst v20;
	v20 =	vadd.f32 v24, v25  }
0x4fc: {  	v19 =	vadd.f32 v19, v35;
	[tilespmem:s14+$0x0] =	vst v23;
	v23 =	vadd.f32 v31, v28  }
0x4fd: {  	s15 =	simm.s32 $0xD59;
	[tilespmem:s14+$0xFFFFFFF0] =	vst v21;
	v21 =	vadd.f32 v63, v27;
	v20 =	vadd.f32 v20, v35  }
0x4fe: {  	[tilespmem:s14+$0xFFFFFF90] =	vst v19;
	v22 =	vadd.f32 v22, v26;
	v25 =	vadd.s32 s15, v14;
	v23 =	vadd.f32 v23, v35  }
0x4ff: {  	s17 =	simm.s32 $0x4268;
	v21 =	vadd.f32 v21, v35;
	[tilespmem:s14+$0xFFFFFFB0] =	vst v20;
	v20 =	vadd.s32 s15, v15  }
0x500: {  	v19 =	vadd.f32 v22, v35;
	v22 =	vadd.s32 s17, v11;
	[tilespmem:s14+$0xFFFFFFA0] =	vst v23  }
0x501: {  	[tilespmem:s14+$0xFFFFFFD0] =	vst v21;
	v23 =	vadd.s32 s15, v13  }
0x502: {  	v24 =	vadd.s32 s17, v9;
	[tilespmem:s14+$0xFFFFFFC0] =	vst v19  }
0x503: {  	s18 =	simm.s32 $0xE22;
	v21 =	vadd.s32 s17, v12;
	v19 =	vld.idx.msk [tilespmem:v25+s20+$0x0], $0xffff  }
.LBB2_29:
0x504: {  	p0 =	sne.s32 s18, $0x1857;
	v25 =	vadd.s32 s17, v10;
	v20 =	vld.idx.msk [tilespmem:v20+s20+$0x0], $0xffff  }
0x505: {  	v26 =	vadd.s32 s17, v8;
	v22 =	vld.idx.msk [tilespmem:v22+s13+$0x0], $0xffff  }
0x506: {  	v27 =	vadd.s32 s17, v7;
	v23 =	vld.idx.msk [tilespmem:v23+s20+$0x0], $0xffff  }
0x507: {  	v28 =	vadd.s32 s17, v0;
	v24 =	vld.idx.msk [tilespmem:v24+s13+$0x0], $0xffff  }
0x508: {  	v29 =	vadd.s32 s17, v6;
	v21 =	vld.idx.msk [tilespmem:v21+s13+$0x0], $0xffff  }
0x509: {  	v30 =	vadd.s32 s15, v4;
	v25 =	vld.idx.msk [tilespmem:v25+s13+$0x0], $0xffff  }
0x50a: {  	v31 =	vadd.s32 s15, v1;
	v26 =	vld.idx.msk [tilespmem:v26+s13+$0x0], $0xffff  }
0x50b: {  	v32 =	vadd.s32 s15, v2;
	v27 =	vld.idx.msk [tilespmem:v27+s13+$0x0], $0xffff  }
0x50c: {  	v33 =	vadd.s32 s15, v3;
	s12 =	sadd.s32 $0x1, s12;
	v28 =	vld.idx.msk [tilespmem:v28+s13+$0x0], $0xffff  }
0x50d: {  	v35 =	vadd.s32 s15, v5;
	s15 =	smov.u32 s18;
	v34 =	vmov s12;
	v29 =	vld.idx.msk [tilespmem:v29+s13+$0x0], $0xffff  }
0x50e: {  	v34 =	vperm.xlane v18, v34;
	v20 =	vadd.f32 v20, v21;
	v30 =	vld.idx.msk [tilespmem:v30+s20+$0x0], $0xffff  }
0x50f: {  	v22 =	vadd.f32 v23, v22;
	v21 =	vld.idx.msk [tilespmem:v31+s20+$0x0], $0xffff  }
0x510: {  	v20 =	vadd.f32 v20, v34;
	v23 =	vld.idx.msk [tilespmem:v32+s20+$0x0], $0xffff  }
0x511: {  	s14 =	sadd.s32 $0x80, s14;
	v22 =	vadd.f32 v22, v34;
	v31 =	vld.idx.msk [tilespmem:v33+s20+$0x0], $0xffff  }
0x512: {  	v32 =	vld.idx.msk [tilespmem:v35+s20+$0x0], $0xffff;
	[tilespmem:s14+$0x0] =	vst v20  }
0x513: {  	v19 =	vadd.f32 v19, v29;
	[tilespmem:s14+$0xFFFFFFE0] =	vst v22  }
0x514: {  	v20 =	vadd.f32 v30, v24  }
0x515: {  	v21 =	vadd.f32 v21, v28;
	v19 =	vadd.f32 v19, v34  }
0x516: {  	v20 =	vadd.f32 v20, v34;
	v22 =	vadd.f32 v23, v25  }
0x517: {  	v21 =	vadd.f32 v21, v34;
	v23 =	vadd.f32 v31, v26;
	[tilespmem:s14+$0xFFFFFFF0] =	vst v19  }
0x518: {  	v19 =	vadd.s32 s18, v14;
	v24 =	vadd.f32 v22, v34;
	v25 =	vadd.f32 v32, v27;
	[tilespmem:s14+$0xFFFFFF90] =	vst v20  }
.Ltmp13:
0x519: {  	s17 =	sadd.s32 $0x3E8, s17;
	v20 =	vadd.s32 s18, v15;
	v26 =	vadd.f32 v23, v34;
	[tilespmem:s14+$0xFFFFFFA0] =	vst v21;
	(pc) =	sbr.rel @p0 .LBB2_29-.Ltmp13, $4  }
0x51a: {  	v22 =	vadd.s32 s17, v11;
	v21 =	vadd.f32 v25, v34;
	[tilespmem:s14+$0xFFFFFFB0] =	vst v24  }
0x51b: {  	v23 =	vadd.s32 s18, v13;
	[tilespmem:s14+$0xFFFFFFC0] =	vst v26  }
0x51c: {  	v24 =	vadd.s32 s17, v9;
	[tilespmem:s14+$0xFFFFFFD0] =	vst v21  }
0x51d: {  	s18 =	sadd.s32 $0xC9, s18;
	v21 =	vadd.s32 s17, v12;
	v19 =	vld.idx.msk [tilespmem:v19+s20+$0x0], $0xffff  }
0x51e: {  	_ =	sdelay $0x3  }
0x51f: {  	v25 =	vadd.s32 s17, v10;
	v20 =	vld.idx.msk [tilespmem:v20+s20+$0x0], $0xffff  }
0x520: {  	s13 =	simm.s32 $0x0;
	v26 =	vadd.s32 s17, v8;
	v23 =	vld.idx.msk [tilespmem:v23+s20+$0x0], $0xffff  }
0x521: {  	v28 =	vadd.s32 s17, v0;
	v22 =	vld.idx.msk [tilespmem:v22+s13+$0x0], $0xffff  }
0x522: {  	v29 =	vadd.s32 s17, v6;
	v24 =	vld.idx.msk [tilespmem:v24+s13+$0x0], $0xffff  }
0x523: {  	v30 =	vadd.s32 s15, v4;
	v21 =	vld.idx.msk [tilespmem:v21+s13+$0x0], $0xffff  }
0x524: {  	v31 =	vadd.s32 s15, v1;
	v25 =	vld.idx.msk [tilespmem:v25+s13+$0x0], $0xffff  }
0x525: {  	v33 =	vadd.s32 s15, v3;
	v26 =	vld.idx.msk [tilespmem:v26+s13+$0x0], $0xffff  }
0x526: {  	v32 =	vadd.s32 s15, v2;
	v28 =	vld.idx.msk [tilespmem:v28+s13+$0x0], $0xffff  }
0x527: {  	v27 =	vadd.s32 s17, v7;
	v29 =	vld.idx.msk [tilespmem:v29+s13+$0x0], $0xffff  }
0x528: {  	v34 =	vadd.s32 s15, v5;
	s12 =	sadd.s32 $0x1, s12;
	v30 =	vld.idx.msk [tilespmem:v30+s20+$0x0], $0xffff  }
0x529: {  	v35 =	vmov s12;
	v31 =	vld.idx.msk [tilespmem:v31+s20+$0x0], $0xffff  }
0x52a: {  	v18 =	vperm.xlane v18, v35;
	v20 =	vadd.f32 v20, v21;
	v22 =	vadd.f32 v23, v22;
	v23 =	vld.idx.msk [tilespmem:v33+s20+$0x0], $0xffff  }
0x52b: {  	v21 =	vld.idx.msk [tilespmem:v32+s20+$0x0], $0xffff  }
0x52c: {  	v27 =	vld.idx.msk [tilespmem:v27+s13+$0x0], $0xffff;
	v20 =	vadd.f32 v20, v18  }
0x52d: {  	s15 =	sadd.s32 $0x80, s14;
	v54 =	vld.idx.msk [tilespmem:v34+s20+$0x0], $0xffff;
	v22 =	vadd.f32 v22, v18;
	v19 =	vadd.f32 v19, v29  }
0x52e: {  	v24 =	vadd.f32 v30, v24;
	[tilespmem:s15+$0x0] =	vst v20;
	v20 =	vadd.f32 v31, v28  }
0x52f: {  	v23 =	vadd.f32 v23, v26;
	v19 =	vadd.f32 v19, v18  }
0x530: {  	[tilespmem:s15+$0xFFFFFFE0] =	vst v22;
	v21 =	vadd.f32 v21, v25;
	v22 =	vadd.f32 v24, v18  }
0x531: {  	s17 =	simm.s32 $0x1920;
	v20 =	vadd.f32 v20, v18;
	v23 =	vadd.f32 v23, v18;
	[tilespmem:s15+$0xFFFFFFF0] =	vst v19  }
0x532: {  	v19 =	vadd.f32 v21, v18;
	v21 =	vadd.f32 v54, v27;
	[tilespmem:s15+$0xFFFFFF90] =	vst v22;
	v22 =	vadd.s32 s17, v14  }
0x533: {  	s18 =	simm.s32 $0x7D00;
	[tilespmem:s15+$0xFFFFFFA0] =	vst v20;
	v20 =	vadd.s32 s17, v15  }
0x534: {  	v24 =	vadd.s32 s18, v10;
	[tilespmem:s15+$0xFFFFFFC0] =	vst v23;
	v18 =	vadd.f32 v21, v18  }
0x535: {  	v25 =	vadd.s32 s18, v8;
	[tilespmem:s15+$0xFFFFFFB0] =	vst v19  }
0x536: {  	v26 =	vadd.s32 s18, v7;
	[tilespmem:s15+$0xFFFFFFD0] =	vst v18  }
0x537: {  	v55 =	vadd.s32 s18, v6;
	v22 =	vld.idx.msk [tilespmem:v22+s20+$0x0], $0xffff  }
0x538: {  	v23 =	vadd.s32 s18, v12;
	v20 =	vld.idx.msk [tilespmem:v20+s20+$0x0], $0xffff  }
0x539: {  	v18 =	vadd.s32 s18, v9;
	v24 =	vld.idx.msk [tilespmem:v24+s13+$0x0], $0xffff  }
0x53a: {  	v19 =	vadd.s32 s18, v11;
	v25 =	vld.idx.msk [tilespmem:v25+s13+$0x0], $0xffff  }
0x53b: {  	v21 =	vadd.s32 s17, v13;
	v26 =	vld.idx.msk [tilespmem:v26+s13+$0x0], $0xffff  }
0x53c: {  	v56 =	vadd.s32 s17, v4;
	v28 =	vld.idx.msk [tilespmem:v55+s13+$0x0], $0xffff  }
0x53d: {  	v57 =	vadd.s32 s17, v1;
	v23 =	vld.idx.msk [tilespmem:v23+s13+$0x0], $0xffff  }
0x53e: {  	v27 =	vld.idx.msk [tilespmem:v18+s13+$0x0], $0xffff;
	v18 =	vadd.s32 s18, v0  }
0x53f: {  	v58 =	vadd.s32 s17, v2;
	v19 =	vld.idx.msk [tilespmem:v19+s13+$0x0], $0xffff  }
0x540: {  	v60 =	vadd.s32 s17, v3;
	v21 =	vld.idx.msk [tilespmem:v21+s20+$0x0], $0xffff  }
0x541: {  	v61 =	vadd.s32 s17, v5;
	v29 =	vld.idx.msk [tilespmem:v56+s20+$0x0], $0xffff  }
0x542: {  	v30 =	vld.idx.msk [tilespmem:v57+s20+$0x0], $0xffff  }
0x543: {  	v59 =	vld.idx.msk [tilespmem:v18+s13+$0x0], $0xffff;
	v18 =	vmov s13  }
0x544: {  	v20 =	vadd.f32 v20, v23;
	v23 =	vld.idx.msk [tilespmem:v58+s20+$0x0], $0xffff;
	v62 =	vperm.xlane v17, v18  }
0x545: {  	v19 =	vadd.f32 v21, v19;
	v21 =	vld.idx.msk [tilespmem:v60+s20+$0x0], $0xffff  }
0x546: {  	v63 =	vld.idx.msk [tilespmem:v61+s20+$0x0], $0xffff;
	v22 =	vadd.f32 v22, v28;
	v20 =	vadd.f32 v20, v62  }
0x547: {  	s12 =	simm.s32 $0x190B0;
	v27 =	vadd.f32 v29, v27;
	v19 =	vadd.f32 v19, v62  }
0x548: {  	v22 =	vadd.f32 v22, v62;
	[tilespmem:s12+$0x0] =	vst v20;
	v20 =	vadd.f32 v30, v59  }
0x549: {  	v23 =	vadd.f32 v23, v24;
	[tilespmem:s12+$0xFFFFFFE0] =	vst v19;
	v19 =	vadd.f32 v27, v62  }
0x54a: {  	s14 =	simm.s32 $0x19E9;
	v21 =	vadd.f32 v21, v25;
	[tilespmem:s12+$0xFFFFFFF0] =	vst v22;
	v20 =	vadd.f32 v20, v62  }
0x54b: {  	v25 =	vadd.s32 s14, v14;
	v22 =	vadd.f32 v23, v62;
	v23 =	vadd.f32 v63, v26;
	[tilespmem:s12+$0xFFFFFF90] =	vst v19  }
0x54c: {  	s17 =	simm.s32 $0x80E8;
	v19 =	vadd.f32 v21, v62;
	[tilespmem:s12+$0xFFFFFFA0] =	vst v20;
	v20 =	vadd.s32 s14, v15  }
0x54d: {  	v21 =	vadd.f32 v23, v62;
	[tilespmem:s12+$0xFFFFFFB0] =	vst v22;
	v22 =	vadd.s32 s17, v11  }
0x54e: {  	v23 =	vadd.s32 s14, v13;
	[tilespmem:s12+$0xFFFFFFC0] =	vst v19  }
0x54f: {  	v24 =	vadd.s32 s17, v9;
	[tilespmem:s12+$0xFFFFFFD0] =	vst v21  }
0x550: {  	s15 =	simm.s32 $0x0;
	s18 =	simm.s32 $0x1AB2;
	v21 =	vadd.s32 s17, v12;
	v19 =	vld.idx.msk [tilespmem:v25+s20+$0x0], $0xffff  }
.LBB2_31:
0x551: {  	p0 =	sne.s32 s18, $0x24E7;
	v25 =	vadd.s32 s17, v10;
	v20 =	vld.idx.msk [tilespmem:v20+s20+$0x0], $0xffff  }
0x552: {  	v26 =	vadd.s32 s17, v8;
	v22 =	vld.idx.msk [tilespmem:v22+s13+$0x0], $0xffff  }
0x553: {  	v27 =	vadd.s32 s17, v7;
	v23 =	vld.idx.msk [tilespmem:v23+s20+$0x0], $0xffff  }
0x554: {  	v28 =	vadd.s32 s17, v0;
	v24 =	vld.idx.msk [tilespmem:v24+s13+$0x0], $0xffff  }
0x555: {  	v29 =	vadd.s32 s17, v6;
	v21 =	vld.idx.msk [tilespmem:v21+s13+$0x0], $0xffff  }
0x556: {  	v30 =	vadd.s32 s14, v4;
	v25 =	vld.idx.msk [tilespmem:v25+s13+$0x0], $0xffff  }
0x557: {  	v31 =	vadd.s32 s14, v1;
	v26 =	vld.idx.msk [tilespmem:v26+s13+$0x0], $0xffff  }
0x558: {  	v32 =	vadd.s32 s14, v2;
	v27 =	vld.idx.msk [tilespmem:v27+s13+$0x0], $0xffff  }
0x559: {  	v33 =	vadd.s32 s14, v3;
	s15 =	sadd.s32 $0x1, s15;
	v28 =	vld.idx.msk [tilespmem:v28+s13+$0x0], $0xffff  }
0x55a: {  	v35 =	vadd.s32 s14, v5;
	s14 =	smov.u32 s18;
	v34 =	vmov s15;
	v29 =	vld.idx.msk [tilespmem:v29+s13+$0x0], $0xffff  }
0x55b: {  	v34 =	vperm.xlane v17, v34;
	v20 =	vadd.f32 v20, v21;
	v30 =	vld.idx.msk [tilespmem:v30+s20+$0x0], $0xffff  }
0x55c: {  	v22 =	vadd.f32 v23, v22;
	v21 =	vld.idx.msk [tilespmem:v31+s20+$0x0], $0xffff  }
0x55d: {  	v20 =	vadd.f32 v20, v34;
	v23 =	vld.idx.msk [tilespmem:v32+s20+$0x0], $0xffff  }
0x55e: {  	s12 =	sadd.s32 $0x80, s12;
	v22 =	vadd.f32 v22, v34;
	v31 =	vld.idx.msk [tilespmem:v33+s20+$0x0], $0xffff  }
0x55f: {  	v32 =	vld.idx.msk [tilespmem:v35+s20+$0x0], $0xffff;
	[tilespmem:s12+$0x0] =	vst v20  }
0x560: {  	v19 =	vadd.f32 v19, v29;
	[tilespmem:s12+$0xFFFFFFE0] =	vst v22  }
0x561: {  	v20 =	vadd.f32 v30, v24  }
0x562: {  	v21 =	vadd.f32 v21, v28;
	v19 =	vadd.f32 v19, v34  }
0x563: {  	v20 =	vadd.f32 v20, v34;
	v22 =	vadd.f32 v23, v25  }
0x564: {  	v21 =	vadd.f32 v21, v34;
	v23 =	vadd.f32 v31, v26;
	[tilespmem:s12+$0xFFFFFFF0] =	vst v19  }
0x565: {  	v19 =	vadd.s32 s18, v14;
	v24 =	vadd.f32 v22, v34;
	v25 =	vadd.f32 v32, v27;
	[tilespmem:s12+$0xFFFFFF90] =	vst v20  }
.Ltmp14:
0x566: {  	s17 =	sadd.s32 $0x3E8, s17;
	v20 =	vadd.s32 s18, v15;
	v26 =	vadd.f32 v23, v34;
	[tilespmem:s12+$0xFFFFFFA0] =	vst v21;
	(pc) =	sbr.rel @p0 .LBB2_31-.Ltmp14, $4  }
0x567: {  	v22 =	vadd.s32 s17, v11;
	v21 =	vadd.f32 v25, v34;
	[tilespmem:s12+$0xFFFFFFB0] =	vst v24  }
0x568: {  	v23 =	vadd.s32 s18, v13;
	[tilespmem:s12+$0xFFFFFFC0] =	vst v26  }
0x569: {  	v24 =	vadd.s32 s17, v9;
	[tilespmem:s12+$0xFFFFFFD0] =	vst v21  }
0x56a: {  	s18 =	sadd.s32 $0xC9, s18;
	v21 =	vadd.s32 s17, v12;
	v19 =	vld.idx.msk [tilespmem:v19+s20+$0x0], $0xffff  }
0x56b: {  	_ =	sdelay $0x3  }
0x56c: {  	v25 =	vadd.s32 s17, v10;
	v20 =	vld.idx.msk [tilespmem:v20+s20+$0x0], $0xffff  }
0x56d: {  	v26 =	vadd.s32 s17, v8;
	v22 =	vld.idx.msk [tilespmem:v22+s13+$0x0], $0xffff  }
0x56e: {  	v23 =	vld.idx.msk [tilespmem:v23+s20+$0x0], $0xffff;
	v28 =	vadd.s32 s17, v0  }
0x56f: {  	v24 =	vld.idx.msk [tilespmem:v24+s13+$0x0], $0xffff;
	v29 =	vadd.s32 s17, v6  }
0x570: {  	v21 =	vld.idx.msk [tilespmem:v21+s13+$0x0], $0xffff;
	v30 =	vadd.s32 s14, v4  }
0x571: {  	v31 =	vadd.s32 s14, v1;
	v25 =	vld.idx.msk [tilespmem:v25+s13+$0x0], $0xffff  }
0x572: {  	v33 =	vadd.s32 s14, v3;
	v26 =	vld.idx.msk [tilespmem:v26+s13+$0x0], $0xffff  }
0x573: {  	v32 =	vadd.s32 s14, v2;
	v28 =	vld.idx.msk [tilespmem:v28+s13+$0x0], $0xffff  }
0x574: {  	v27 =	vadd.s32 s17, v7;
	v29 =	vld.idx.msk [tilespmem:v29+s13+$0x0], $0xffff  }
0x575: {  	v34 =	vadd.s32 s14, v5;
	s15 =	sadd.s32 $0x1, s15;
	v30 =	vld.idx.msk [tilespmem:v30+s20+$0x0], $0xffff  }
0x576: {  	v35 =	vmov s15;
	v31 =	vld.idx.msk [tilespmem:v31+s20+$0x0], $0xffff  }
0x577: {  	v17 =	vperm.xlane v17, v35;
	v20 =	vadd.f32 v20, v21;
	v22 =	vadd.f32 v23, v22;
	v23 =	vld.idx.msk [tilespmem:v33+s20+$0x0], $0xffff  }
0x578: {  	v21 =	vld.idx.msk [tilespmem:v32+s20+$0x0], $0xffff  }
0x579: {  	v27 =	vld.idx.msk [tilespmem:v27+s13+$0x0], $0xffff;
	v20 =	vadd.f32 v20, v17  }
0x57a: {  	s12 =	sadd.s32 $0x80, s12;
	v52 =	vld.idx.msk [tilespmem:v34+s20+$0x0], $0xffff;
	v22 =	vadd.f32 v22, v17;
	v19 =	vadd.f32 v19, v29  }
0x57b: {  	[tilespmem:s12+$0x0] =	vst v20;
	v24 =	vadd.f32 v30, v24;
	v20 =	vadd.f32 v31, v28  }
0x57c: {  	v23 =	vadd.f32 v23, v26;
	v19 =	vadd.f32 v19, v17  }
0x57d: {  	[tilespmem:s12+$0xFFFFFFE0] =	vst v22;
	v21 =	vadd.f32 v21, v25;
	v22 =	vadd.f32 v24, v17  }
0x57e: {  	s17 =	simm.s32 $0x25B0;
	v20 =	vadd.f32 v20, v17;
	v23 =	vadd.f32 v23, v17;
	[tilespmem:s12+$0xFFFFFFF0] =	vst v19  }
0x57f: {  	v19 =	vadd.f32 v21, v17;
	v21 =	vadd.f32 v52, v27;
	[tilespmem:s12+$0xFFFFFF90] =	vst v22;
	v22 =	vadd.s32 s17, v14  }
0x580: {  	s18 =	simm.s32 $0xBB80;
	[tilespmem:s12+$0xFFFFFFA0] =	vst v20;
	v20 =	vadd.s32 s17, v15  }
0x581: {  	[tilespmem:s12+$0xFFFFFFC0] =	vst v23;
	v23 =	vadd.s32 s18, v12;
	v17 =	vadd.f32 v21, v17  }
0x582: {  	v53 =	vadd.s32 s18, v10;
	[tilespmem:s12+$0xFFFFFFB0] =	vst v19  }
0x583: {  	v54 =	vadd.s32 s18, v8;
	[tilespmem:s12+$0xFFFFFFD0] =	vst v17  }
0x584: {  	v55 =	vadd.s32 s18, v7;
	v22 =	vld.idx.msk [tilespmem:v22+s20+$0x0], $0xffff  }
0x585: {  	v56 =	vadd.s32 s18, v0;
	v20 =	vld.idx.msk [tilespmem:v20+s20+$0x0], $0xffff  }
0x586: {  	v57 =	vadd.s32 s18, v6;
	v23 =	vld.idx.msk [tilespmem:v23+s4+$0x0], $0xffff  }
0x587: {  	v58 =	vadd.s32 s17, v4;
	v24 =	vld.idx.msk [tilespmem:v53+s4+$0x0], $0xffff  }
0x588: {  	v19 =	vadd.s32 s18, v11;
	v25 =	vld.idx.msk [tilespmem:v54+s4+$0x0], $0xffff  }
0x589: {  	v21 =	vadd.s32 s17, v13;
	v26 =	vld.idx.msk [tilespmem:v55+s4+$0x0], $0xffff  }
0x58a: {  	v59 =	vadd.s32 s17, v1;
	v27 =	vld.idx.msk [tilespmem:v56+s4+$0x0], $0xffff  }
0x58b: {  	v17 =	vadd.s32 s18, v9;
	v28 =	vld.idx.msk [tilespmem:v57+s4+$0x0], $0xffff  }
0x58c: {  	v62 =	vadd.s32 s17, v5;
	v29 =	vld.idx.msk [tilespmem:v58+s20+$0x0], $0xffff  }
0x58d: {  	v60 =	vadd.s32 s17, v2;
	v19 =	vld.idx.msk [tilespmem:v19+s4+$0x0], $0xffff  }
0x58e: {  	v61 =	vadd.s32 s17, v3;
	v21 =	vld.idx.msk [tilespmem:v21+s20+$0x0], $0xffff  }
0x58f: {  	v30 =	vld.idx.msk [tilespmem:v59+s20+$0x0], $0xffff  }
0x590: {  	v17 =	vld.idx.msk [tilespmem:v17+s4+$0x0], $0xffff  }
0x591: {  	v18 =	vperm.xlane v16, v18;
	v63 =	vld.idx.msk [tilespmem:v62+s20+$0x0], $0xffff;
	v20 =	vadd.f32 v20, v23  }
0x592: {  	v23 =	vld.idx.msk [tilespmem:v60+s20+$0x0], $0xffff;
	v22 =	vadd.f32 v22, v28  }
0x593: {  	v19 =	vadd.f32 v21, v19;
	v21 =	vld.idx.msk [tilespmem:v61+s20+$0x0], $0xffff;
	v20 =	vadd.f32 v20, v18  }
0x594: {  	s12 =	simm.s32 $0x198B0;
	v22 =	vadd.f32 v22, v18  }
0x595: {  	v19 =	vadd.f32 v19, v18;
	v17 =	vadd.f32 v29, v17;
	[tilespmem:s12+$0x0] =	vst v20  }
0x596: {  	v20 =	vadd.f32 v30, v27;
	[tilespmem:s12+$0xFFFFFFF0] =	vst v22;
	v22 =	vadd.f32 v63, v26  }
0x597: {  	[tilespmem:s12+$0xFFFFFFE0] =	vst v19;
	v17 =	vadd.f32 v17, v18;
	v19 =	vadd.f32 v23, v24  }
0x598: {  	s14 =	simm.s32 $0x2679;
	v20 =	vadd.f32 v20, v18;
	v21 =	vadd.f32 v21, v25  }
0x599: {  	v23 =	vadd.s32 s14, v14;
	v19 =	vadd.f32 v19, v18;
	[tilespmem:s12+$0xFFFFFF90] =	vst v17  }
0x59a: {  	s15 =	simm.s32 $0xBF68;
	[tilespmem:s12+$0xFFFFFFA0] =	vst v20;
	v17 =	vadd.f32 v21, v18;
	v21 =	vadd.f32 v22, v18;
	v18 =	vadd.s32 s14, v15  }
0x59b: {  	v20 =	vadd.s32 s15, v11;
	[tilespmem:s12+$0xFFFFFFB0] =	vst v19  }
0x59c: {  	[tilespmem:s12+$0xFFFFFFD0] =	vst v21;
	v21 =	vadd.s32 s14, v13  }
0x59d: {  	v22 =	vadd.s32 s15, v9;
	[tilespmem:s12+$0xFFFFFFC0] =	vst v17  }
0x59e: {  	s17 =	simm.s32 $0x2742;
	v19 =	vadd.s32 s15, v12;
	v17 =	vld.idx.msk [tilespmem:v23+s20+$0x0], $0xffff  }
.LBB2_33:
0x59f: {  	p0 =	sne.s32 s17, $0x3177;
	v23 =	vadd.s32 s15, v10;
	v18 =	vld.idx.msk [tilespmem:v18+s20+$0x0], $0xffff  }
0x5a0: {  	v24 =	vadd.s32 s15, v8;
	v20 =	vld.idx.msk [tilespmem:v20+s4+$0x0], $0xffff  }
0x5a1: {  	v25 =	vadd.s32 s15, v7;
	v21 =	vld.idx.msk [tilespmem:v21+s20+$0x0], $0xffff  }
0x5a2: {  	v26 =	vadd.s32 s15, v0;
	v22 =	vld.idx.msk [tilespmem:v22+s4+$0x0], $0xffff  }
0x5a3: {  	v27 =	vadd.s32 s15, v6;
	v19 =	vld.idx.msk [tilespmem:v19+s4+$0x0], $0xffff  }
0x5a4: {  	v28 =	vadd.s32 s14, v4;
	v23 =	vld.idx.msk [tilespmem:v23+s4+$0x0], $0xffff  }
0x5a5: {  	v29 =	vadd.s32 s14, v1;
	v24 =	vld.idx.msk [tilespmem:v24+s4+$0x0], $0xffff  }
0x5a6: {  	v30 =	vadd.s32 s14, v2;
	v25 =	vld.idx.msk [tilespmem:v25+s4+$0x0], $0xffff  }
0x5a7: {  	v31 =	vadd.s32 s14, v3;
	s13 =	sadd.s32 $0x1, s13;
	v26 =	vld.idx.msk [tilespmem:v26+s4+$0x0], $0xffff  }
0x5a8: {  	v33 =	vadd.s32 s14, v5;
	s14 =	smov.u32 s17;
	v32 =	vmov s13;
	v27 =	vld.idx.msk [tilespmem:v27+s4+$0x0], $0xffff  }
0x5a9: {  	v32 =	vperm.xlane v16, v32;
	v18 =	vadd.f32 v18, v19;
	v28 =	vld.idx.msk [tilespmem:v28+s20+$0x0], $0xffff  }
0x5aa: {  	v20 =	vadd.f32 v21, v20;
	v19 =	vld.idx.msk [tilespmem:v29+s20+$0x0], $0xffff  }
0x5ab: {  	v18 =	vadd.f32 v18, v32;
	v21 =	vld.idx.msk [tilespmem:v30+s20+$0x0], $0xffff  }
0x5ac: {  	s12 =	sadd.s32 $0x80, s12;
	v20 =	vadd.f32 v20, v32;
	v29 =	vld.idx.msk [tilespmem:v31+s20+$0x0], $0xffff  }
0x5ad: {  	v30 =	vld.idx.msk [tilespmem:v33+s20+$0x0], $0xffff;
	[tilespmem:s12+$0x0] =	vst v18  }
0x5ae: {  	v17 =	vadd.f32 v17, v27;
	[tilespmem:s12+$0xFFFFFFE0] =	vst v20  }
0x5af: {  	v18 =	vadd.f32 v28, v22  }
0x5b0: {  	v19 =	vadd.f32 v19, v26;
	v17 =	vadd.f32 v17, v32  }
0x5b1: {  	v18 =	vadd.f32 v18, v32;
	v20 =	vadd.f32 v21, v23  }
0x5b2: {  	v19 =	vadd.f32 v19, v32;
	v21 =	vadd.f32 v29, v24;
	[tilespmem:s12+$0xFFFFFFF0] =	vst v17  }
0x5b3: {  	v17 =	vadd.s32 s17, v14;
	v22 =	vadd.f32 v20, v32;
	v23 =	vadd.f32 v30, v25;
	[tilespmem:s12+$0xFFFFFF90] =	vst v18  }
.Ltmp15:
0x5b4: {  	s15 =	sadd.s32 $0x3E8, s15;
	v18 =	vadd.s32 s17, v15;
	v24 =	vadd.f32 v21, v32;
	[tilespmem:s12+$0xFFFFFFA0] =	vst v19;
	(pc) =	sbr.rel @p0 .LBB2_33-.Ltmp15, $4  }
0x5b5: {  	v20 =	vadd.s32 s15, v11;
	v19 =	vadd.f32 v23, v32;
	[tilespmem:s12+$0xFFFFFFB0] =	vst v22  }
0x5b6: {  	v21 =	vadd.s32 s17, v13;
	[tilespmem:s12+$0xFFFFFFC0] =	vst v24  }
0x5b7: {  	v22 =	vadd.s32 s15, v9;
	[tilespmem:s12+$0xFFFFFFD0] =	vst v19  }
0x5b8: {  	s17 =	sadd.s32 $0xC9, s17;
	v19 =	vadd.s32 s15, v12;
	v17 =	vld.idx.msk [tilespmem:v17+s20+$0x0], $0xffff  }
0x5b9: {  	_ =	sdelay $0x3  }
0x5ba: {  	v9 =	vadd.s32 s15, v10;
	v59 =	vld.idx.msk [tilespmem:v18+s20+$0x0], $0xffff  }
0x5bb: {  	v8 =	vadd.s32 s15, v8;
	v11 =	vld.idx.msk [tilespmem:v20+s4+$0x0], $0xffff  }
0x5bc: {  	v7 =	vadd.s32 s15, v7;
	v12 =	vld.idx.msk [tilespmem:v21+s20+$0x0], $0xffff  }
0x5bd: {  	v13 =	vld.idx.msk [tilespmem:v22+s4+$0x0], $0xffff;
	v0 =	vadd.s32 s15, v0  }
0x5be: {  	v6 =	vadd.s32 s15, v6;
	v14 =	vld.idx.msk [tilespmem:v19+s4+$0x0], $0xffff  }
0x5bf: {  	v4 =	vadd.s32 s14, v4;
	v9 =	vld.idx.msk [tilespmem:v9+s4+$0x0], $0xffff  }
0x5c0: {  	v1 =	vadd.s32 s14, v1;
	v8 =	vld.idx.msk [tilespmem:v8+s4+$0x0], $0xffff  }
0x5c1: {  	v2 =	vadd.s32 s14, v2;
	v7 =	vld.idx.msk [tilespmem:v7+s4+$0x0], $0xffff  }
0x5c2: {  	v3 =	vadd.s32 s14, v3;
	v0 =	vld.idx.msk [tilespmem:v0+s4+$0x0], $0xffff  }
0x5c3: {  	v5 =	vadd.s32 s14, v5;
	v6 =	vld.idx.msk [tilespmem:v6+s4+$0x0], $0xffff  }
0x5c4: {  	s13 =	sadd.s32 $0x1, s13;
	v4 =	vld.idx.msk [tilespmem:v4+s20+$0x0], $0xffff  }
0x5c5: {  	v15 =	vmov s13;
	v1 =	vld.idx.msk [tilespmem:v1+s20+$0x0], $0xffff  }
0x5c6: {  	v15 =	vperm.xlane v16, v15;
	v10 =	vadd.f32 v59, v14;
	v2 =	vld.idx.msk [tilespmem:v2+s20+$0x0], $0xffff  }
0x5c7: {  	v11 =	vadd.f32 v12, v11;
	v3 =	vld.idx.msk [tilespmem:v3+s20+$0x0], $0xffff  }
0x5c8: {  	v5 =	vld.idx.msk [tilespmem:v5+s20+$0x0], $0xffff;
	v10 =	vadd.f32 v10, v15;
	v6 =	vadd.f32 v17, v6  }
0x5c9: {  	s12 =	sadd.s32 $0x80, s12;
	v11 =	vadd.f32 v11, v15;
	v4 =	vadd.f32 v4, v13  }
0x5ca: {  	[tilespmem:s12+$0x0] =	vst v10;
	v0 =	vadd.f32 v1, v0;
	v60 =	vadd.f32 v6, v15  }
0x5cb: {  	[tilespmem:s12+$0xFFFFFFE0] =	vst v11;
	v2 =	vadd.f32 v2, v9;
	v4 =	vadd.f32 v4, v15  }
0x5cc: {  	v3 =	vadd.f32 v3, v8;
	v0 =	vadd.f32 v0, v15;
	[tilespmem:s12+$0xFFFFFFF0] =	vst v60  }
0x5cd: {  	v62 =	vadd.f32 v5, v7;
	v61 =	vadd.f32 v2, v15;
	[tilespmem:s12+$0xFFFFFF90] =	vst v4  }
0x5ce: {  	v3 =	vadd.f32 v3, v15;
	[tilespmem:s12+$0xFFFFFFA0] =	vst v0  }
0x5cf: {  	s11 =	sshll.u32 s11, $0xF;
	v63 =	vadd.f32 v62, v15;
	[tilespmem:s12+$0xFFFFFFB0] =	vst v61  }
0x5d0: {  	s11 =	sor.u32 s9, s11;
	[tilespmem:s12+$0xFFFFFFC0] =	vst v3  }
0x5d1: {  	s15 =	simm.s32 $0x18040;
	s14 =	sadd.s32 s3, s11;
	[tilespmem:s12+$0xFFFFFFD0] =	vst v63  }
0x5d2: {  	[hbm4b:s14+s4] =	stream.linear.scatter [tilespmem:s15], [sflag:$0x4], $0x400, $0x38;
	[tilespmem:$0x1A040] =	vst v63  }
0x5d3: {  	s18 =	simm.s32 $0x18440;
	s17 =	sadd.s32 s11, s16  }
0x5d4: {  	[hbm4b:s17+s4] =	stream.linear.scatter [tilespmem:s18], [sflag:$0x4], $0x400, $0x38;
	[tilespmem:$0x1A040] =	vst v63  }
0x5d5: {  	s14 =	sadd.s32 s11, s19;
	s15 =	simm.s32 $0x18840  }
0x5d6: {  	[hbm4b:s14+s4] =	stream.linear.scatter [tilespmem:s15], [sflag:$0x4], $0x400, $0x38;
	[tilespmem:$0x1A040] =	vst v63  }
0x5d7: {  	s17 =	sadd.s32 s11, s21;
	s18 =	simm.s32 $0x18C40  }
0x5d8: {  	[hbm4b:s17+s4] =	stream.linear.scatter [tilespmem:s18], [sflag:$0x4], $0x400, $0x38;
	[tilespmem:$0x1A040] =	vst v63  }
0x5d9: {  	s10 =	sadd.s32 $0x1, s10;
	s13 =	sadd.s32 s11, s22;
	s14 =	simm.s32 $0x19040  }
0x5da: {  	[hbm4b:s13+s4] =	stream.linear.scatter [tilespmem:s14], [sflag:$0x4], $0x400, $0x38;
	[tilespmem:$0x1A040] =	vst v63  }
0x5db: {  	p0 =	sne.s32 s10, $0x64;
	s15 =	sadd.s32 s11, s29;
	s17 =	simm.s32 $0x19440  }
0x5dc: {  	[hbm4b:s15+s4] =	stream.linear.scatter [tilespmem:s17], [sflag:$0x4], $0x400, $0x38;
	[tilespmem:$0x1A040] =	vst v63  }
.Ltmp16:
0x5dd: {  	_ = 	snop;
	(pc) =	sbr.rel @p0 .LBB2_18-.Ltmp16, $4  }
0x5de: {  	s18 =	sadd.s32 s11, s30  }
0x5df: {  	[hbm4b:s18+s4] =	stream.linear.scatter [tilespmem:s28], [sflag:$0x4], $0x400, $0x38;
	[tilespmem:$0x1A040] =	vst v63  }
0x5e0: {  	s11 =	sadd.s32 s11, s31  }
0x5e1: {  	[hbm4b:s11+s4] =	stream.linear.scatter [tilespmem:s0], [sflag:$0x4], $0x400, $0x38;
	[tilespmem:$0x1A040] =	vst v63  }
0x5e2: {  	_ =	swait.ge [sflag:s6], $0x400  }
0x5e3: {  	[sflag:s6] =	ssyncset.done $0x0  }
0x5e4: {  	[sflag:s6] =	ssyncadd.s32 $0xFFFFFC00  }
0x5e5: {  	_ =	swait.ge [sflag:s6], $0x400  }
0x5e6: {  	[sflag:s6] =	ssyncset.done $0x0  }
0x5e7: {  	[sflag:s6] =	ssyncadd.s32 $0xFFFFFC00  }
0x5e8: {  	_ =	swait.ge [sflag:s6], $0x400  }
0x5e9: {  	[sflag:s6] =	ssyncset.done $0x0  }
0x5ea: {  	[sflag:s6] =	ssyncadd.s32 $0xFFFFFC00  }
0x5eb: {  	_ =	swait.ge [sflag:s6], $0x400  }
0x5ec: {  	[sflag:s6] =	ssyncset.done $0x0  }
0x5ed: {  	[sflag:s6] =	ssyncadd.s32 $0xFFFFFC00  }
0x5ee: {  	_ =	swait.ge [sflag:s6], $0x400  }
0x5ef: {  	[sflag:s6] =	ssyncset.done $0x0  }
0x5f0: {  	[sflag:s6] =	ssyncadd.s32 $0xFFFFFC00  }
0x5f1: {  	_ =	swait.ge [sflag:s6], $0x400  }
0x5f2: {  	[sflag:s6] =	ssyncset.done $0x0  }
0x5f3: {  	[sflag:s6] =	ssyncadd.s32 $0xFFFFFC00  }
0x5f4: {  	_ =	swait.ge [sflag:s6], $0x400  }
0x5f5: {  	[sflag:s6] =	ssyncset.done $0x0  }
0x5f6: {  	[sflag:s6] =	ssyncadd.s32 $0xFFFFFC00  }
0x5f7: {  	_ =	swait.ge [sflag:s6], $0x400  }
0x5f8: {  	[sflag:s6] =	ssyncset.done $0x0  }
0x5f9: {  	[sflag:s6] =	ssyncadd.s32 $0xFFFFFC00  }
0x5fa: {  	_ =	swait.ge [sflag:s8], $0x400  }
0x5fb: {  	[sflag:s8] =	ssyncset.done $0x0  }
0x5fc: {  	[sflag:s8] =	ssyncadd.s32 $0xFFFFFC00  }
0x5fd: {  	_ =	swait.ge [sflag:s8], $0x400  }
0x5fe: {  	[sflag:s8] =	ssyncset.done $0x0  }
0x5ff: {  	[sflag:s8] =	ssyncadd.s32 $0xFFFFFC00  }
0x600: {  	_ =	swait.ge [sflag:s8], $0x400  }
0x601: {  	[sflag:s8] =	ssyncset.done $0x0  }
0x602: {  	[sflag:s8] =	ssyncadd.s32 $0xFFFFFC00  }
0x603: {  	_ =	swait.ge [sflag:s8], $0x400  }
0x604: {  	[sflag:s8] =	ssyncset.done $0x0  }
0x605: {  	[sflag:s8] =	ssyncadd.s32 $0xFFFFFC00  }
0x606: {  	_ =	swait.ge [sflag:s8], $0x400  }
0x607: {  	[sflag:s8] =	ssyncset.done $0x0  }
0x608: {  	[sflag:s8] =	ssyncadd.s32 $0xFFFFFC00  }
0x609: {  	_ =	swait.ge [sflag:s8], $0x400  }
0x60a: {  	[sflag:s8] =	ssyncset.done $0x0  }
0x60b: {  	[sflag:s8] =	ssyncadd.s32 $0xFFFFFC00  }
0x60c: {  	_ =	swait.ge [sflag:s8], $0x400  }
0x60d: {  	[sflag:s8] =	ssyncset.done $0x0  }
0x60e: {  	[sflag:s8] =	ssyncadd.s32 $0xFFFFFC00  }
0x60f: {  	_ =	swait.ge [sflag:s8], $0x400  }
0x610: {  	[sflag:s8] =	ssyncset.done $0x0  }
0x611: {  	[sflag:s8] =	ssyncadd.s32 $0xFFFFFC00  }
0x612: {  	_ =	swait.ge [sflag:s5], $0x80  }
0x613: {  	[sflag:s5] =	ssyncset.done $0x0  }
0x614: {  	[sflag:s5] =	ssyncadd.s32 $0xFFFFFF80  }
0x615: {  	_ =	swait.ge [sflag:s5], $0x80  }
0x616: {  	[sflag:s5] =	ssyncset.done $0x0  }
0x617: {  	[sflag:s5] =	ssyncadd.s32 $0xFFFFFF80  }
0x618: {  	_ =	swait.ge [sflag:s7], $0x80  }
0x619: {  	[sflag:s7] =	ssyncset.done $0x0  }
0x61a: {  	[sflag:s7] =	ssyncadd.s32 $0xFFFFFF80  }
0x61b: {  	_ =	swait.ge [sflag:s7], $0x80  }
0x61c: {  	s11 =	sld [smem:$0x7FC];
	_ =	sdelay $0x2  }
0x61d: {  	s10 =	rddreg [dreg:$0x13];
	s11 =	sadd.s32 $0x1, s11  }
0x61e: {  	p0 =	sne.s32 s11, s10  }
.Ltmp17:
0x61f: {  	_ = 	snop;
	(pc) =	sbr.rel @p0 .LBB2_1-.Ltmp17, $3  }
0x620: {  	_ =	sdelay $0x1  }
0x621: {  	[sflag:s7] =	ssyncset.done $0x0  }
0x622: {  	[sflag:s7] =	ssyncadd.s32 $0xFFFFFF80  }
0x623: {  	_ =	sfence.sel $0x180000  }
0x624: {  	[bflag:$0x0] =	sbarrier.arrive $0xFFFF  }
0x625: {  	_ =	strace $0x90000047  }
0x626: {  	s0 =	stileid.u32;
	[bflag:$0x2] =	sbarrier.arrive $0xFFFF  }
0x627: {  	p0 =	sne.s32 s0, $0x0;
	s0 =	rddreg [dreg:$0x4]  }
0x628: {  	s0 =	sadd.s32 @!p0 $0x100000, s0  }
0x629: {  	[sflag:s0] =	ssyncadd.tile.s32 @!p0 $0x1;
	_ =	shalt  }
.Lfunc_end2:
_tile_overlayer_lowered:
.L_overlay_start_2:
0x62a: {  	(tag) =	ssettag $0x2  }
0x62b: {  	s0 =	rddreg [dreg:$0x0];
	s2 =	stileid.u32  }
0x62c: {  	s1 =	rddreg [dreg:$0x1];
	p0 =	sne.s32 s2, $0x0  }
0x62d: {  	s3 =	rddreg [dreg:$0x2];
	[bflag:$0x3] =	sbarrier.arrive $0xFFFF;
	s2 =	simm.s32 @!p0 $0x1C05  }
0x62e: {  	[timem:s3], [sflag:s2] =	dma.local @!p0 [hbm:s0], s1  }
0x62f: {  	s0 =	simm.s32 @!p0 $0x5  }
0x630: {  	_ =	swait.ge @!p0 [sflag:s0], s1  }
0x631: {  	s1 =	ssub.s32 @!p0 $0x0, s1;
	[sflag:s0] =	ssyncset.done @!p0 $0x0  }
0x632: {  	[sflag:s0] =	ssyncadd.s32 @!p0 s1  }
0x633: {  	[bflag:$0x3] =	sbarrier.arrive $0xFFFF  }
0x634: {  	_ =	shalt  }

</sc_bundles>
